<compile_context>
chip_gen: v7x
topology: tpu7x:2x2x1
jax: 0.10.2.dev20260603
libtpu: 0.0.44.dev20260713+nightly
codegen_flags: <defaults>
</compile_context>

<pallas_src>
import jax
import jax.numpy as jnp
import numpy as np
from jax import lax
from jax.experimental import pallas as pl
from jax.experimental.pallas import tpu as pltpu
from jax.experimental.pallas import tpu_sc as plsc

N_SRC = 10000
N_TGT = 10000
E = 320000
IN_DIM = 128
OUT_DIM = 16
N_HEAD = 8
HD = N_HEAD * OUT_DIM
EDGE_EMBED = 16
FFN_HID = 512

NC = 2
NS = 16
EB = 40
E_PER_TILE = E // NS
NBLK = E_PER_TILE // EB
N_ACC = 10240
ROWS_PER_TILE = N_ACC // NS

_r = np.arange(HD)
_r64 = np.arange(64)
_GI = np.zeros((NC, HD, HD), np.float32)
_GI[0, _r64, _r64] = 1.0
_GI[1, 64 + _r64, _r64] = 1.0
_GH = np.zeros((NC, HD, HD), np.float32)
for _c in range(NC):
    for _i in range(HD):
        _j = 64 + _i // OUT_DIM - 4 * _c
        if 64 <= _j < 68:
            _GH[_c, _i, _j] = 1.0
_AH = np.zeros((NC, HD, 16), np.float32)
for _c in range(NC):
    for _i in range(HD):
        _j = _i // OUT_DIM - 4 * _c
        if 0 <= _j < 4:
            _AH[_c, _i, _j] = 1.0
_P0 = np.zeros((HD, HD), np.float32)
_P0[_r64, _r64] = 1.0
_P1 = np.zeros((HD, HD), np.float32)
_P1[_r64, 64 + _r64] = 1.0
_Q0 = np.zeros((HD, HD), np.float32)
_Q0[64 + _r64 // OUT_DIM, _r64] = 1.0
_Q1 = np.zeros((HD, HD), np.float32)
_Q1[64 + _r64 // OUT_DIM, 64 + _r64] = 1.0


def _pre_node_body(x_ref, wfc_ref, a1_ref, gi_ref, gh_ref, zc_ref):
    z = jnp.dot(x_ref[...], wfc_ref[...], preferred_element_type=jnp.float32)
    zc_ref[...] = (
        jnp.dot(z, gi_ref[0], preferred_element_type=jnp.float32)
        + jnp.dot(z * a1_ref[...], gh_ref[0],
                  preferred_element_type=jnp.float32))


def _pre_node(src_h, W_fc, attn1row):
    blk = 1000
    grid = N_SRC // blk
    return pl.pallas_call(
        _pre_node_body,
        grid=(NC, grid),
        in_specs=[
            pl.BlockSpec((blk, IN_DIM), lambda c, i: (i, 0)),
            pl.BlockSpec((IN_DIM, HD), lambda c, i: (0, 0)),
            pl.BlockSpec((1, HD), lambda c, i: (0, 0)),
            pl.BlockSpec((1, HD, HD), lambda c, i: (c, 0, 0)),
            pl.BlockSpec((1, HD, HD), lambda c, i: (c, 0, 0)),
        ],
        out_specs=pl.BlockSpec((blk, HD), lambda c, i: (c * grid + i, 0)),
        out_shape=jax.ShapeDtypeStruct((NC * N_SRC, HD), jnp.float32),
    )(src_h, W_fc, attn1row, jnp.asarray(_GI), jnp.asarray(_GH))


def _pre_edge_body(ea_ref, wf_ref, a3_ref, ah_ref, ef_ref):
    w_e = jnp.dot(wf_ref[...] * a3_ref[...], ah_ref[0],
                  preferred_element_type=jnp.float32)
    ef_ref[...] = jnp.dot(ea_ref[...], w_e, preferred_element_type=jnp.float32)


def _pre_edge(edge_attr, W_feat, attn3row):
    blk = 8000
    grid = E // blk
    return pl.pallas_call(
        _pre_edge_body,
        grid=(NC, grid),
        in_specs=[
            pl.BlockSpec((blk, EDGE_EMBED), lambda c, i: (i, 0)),
            pl.BlockSpec((EDGE_EMBED, HD), lambda c, i: (0, 0)),
            pl.BlockSpec((1, HD), lambda c, i: (0, 0)),
            pl.BlockSpec((1, HD, 16), lambda c, i: (c, 0, 0)),
        ],
        out_specs=pl.BlockSpec((blk, 16), lambda c, i: (c * grid + i, 0)),
        out_shape=jax.ShapeDtypeStruct((NC * E, 16), jnp.float32),
    )(edge_attr, W_feat, attn3row, jnp.asarray(_AH))


def _sc_edge_body(zc_hbm, ef_hbm, src_hbm, dst_hbm, out_hbm,
                  shc, src_v, dst_v, zbuf, efbuf, wbuf, dstcur,
                  semz, semi, sems):
    c = lax.axis_index("c")
    s = lax.axis_index("s")

    zeros16 = jnp.zeros((16,), jnp.float32)
    lane = lax.iota(jnp.int32, 16)
    coff = c * N_SRC

    def _zrow_body(r, _):
        for j in range(HD // 16):
            zbuf[0][r, pl.ds(j * 16, 16)] = zeros16
        return 0

    lax.fori_loop(0, EB, _zrow_body, 0)
    for k in range(ROWS_PER_TILE // EB):
        pltpu.sync_copy(zbuf[0],
                        shc.at[pl.ds(s * ROWS_PER_TILE + k * EB, EB)])
    plsc.subcore_barrier()

    def idx_copies(g, sl):
        base = s * E_PER_TILE + g * EB
        return [
            pltpu.make_async_copy(src_hbm.at[pl.ds(base, EB)],
                                  src_v[sl], semi[sl]),
            pltpu.make_async_copy(dst_hbm.at[pl.ds(base, EB)],
                                  dst_v[sl], semi[sl]),
            pltpu.make_async_copy(ef_hbm.at[pl.ds(c * E + base, EB)],
                                  efbuf[sl], semi[sl]),
        ]

    def idx_start(g, sl):
        for cp in idx_copies(g, sl):
            cp.start()

    def idx_wait(g, sl):
        for cp in idx_copies(g, sl):
            cp.wait()

    def scat_wait(sl):
        pltpu.make_async_copy(zbuf[sl], shc.at[dstcur[sl]], sems[sl]).wait()

    def adjust_and_gather(sl):
        for off in (0, 16):
            src_v[sl][pl.ds(off, 16)] = src_v[sl][pl.ds(off, 16)] + coff
        src_v[sl][pl.ds(24, 16)] = src_v[sl][pl.ds(24, 16)] + jnp.where(
            lane >= 8, coff, 0)
        pltpu.async_copy(zc_hbm.at[src_v[sl]], zbuf[sl], semz[sl])

    idx_start(0, 0)
    idx_wait(0, 0)
    adjust_and_gather(0)
    idx_start(1, 1)

    def _pair_body(i, _):
        for par in range(2):
            g = 2 * i + par
            pltpu.make_async_copy(
                zc_hbm.at[src_v[par]], zbuf[par], semz[par]).wait()
            @pl.when(g + 1 < NBLK)
            def _():
                idx_wait(g + 1, 1 - par)

                def _w():
                    scat_wait(1 - par)

                if par == 0:
                    @pl.when(i >= 1)
                    def _():
                        _w()
                else:
                    _w()
                adjust_and_gather(1 - par)
            def _w_body(gg, _):
                i8 = gg * 8
                for k in range(8):
                    x = (zbuf[par][i8 + k, pl.ds(64, 16)]
                         + efbuf[par][i8 + k, pl.ds(0, 16)])
                    wbuf[i8 + k, pl.ds(0, 16)] = jnp.where(
                        lane < 4, jnp.exp(jnp.maximum(x, 0.01 * x)), 0.0)
                return 0

            lax.fori_loop(0, EB // 8, _w_body, 0)
            for off in (0, 16, 24):
                dstcur[par][pl.ds(off, 16)] = dst_v[par][pl.ds(off, 16)]
            @pl.when(g + 2 < NBLK)
            def _():
                idx_start(g + 2, par)

            def _msg_body(gg, _):
                for k in range(8):
                    ii = gg * 8 + k
                    w = wbuf[ii, pl.ds(0, 16)]
                    for h in range(4):
                        zbuf[par][ii, pl.ds(h * 16, 16)] = (
                            zbuf[par][ii, pl.ds(h * 16, 16)] * w[h])
                    zbuf[par][ii, pl.ds(64, 16)] = w
                return 0

            lax.fori_loop(0, EB // 8, _msg_body, 0)
            pltpu.async_copy(
                zbuf[par], shc.at[dstcur[par]], sems[par], add=True)
        return 0

    lax.fori_loop(0, NBLK // 2, _pair_body, 0)
    scat_wait(0)
    scat_wait(1)
    plsc.subcore_barrier()

    r0 = s * ROWS_PER_TILE
    pltpu.sync_copy(shc.at[pl.ds(r0, ROWS_PER_TILE)],
                    out_hbm.at[c, pl.ds(r0, ROWS_PER_TILE)])


def _sc_edge(zcat, efcat, src, dst):
    mesh = plsc.VectorSubcoreMesh(core_axis_name="c", subcore_axis_name="s")
    f32 = jnp.float32
    kern = pl.kernel(
        _sc_edge_body,
        out_type=jax.ShapeDtypeStruct((NC, N_ACC, HD), f32),
        mesh=mesh,
        scratch_types=[
            pltpu.VMEM_SHARED((N_ACC, HD), f32),
            [pltpu.VMEM((EB,), jnp.int32)] * 2,
            [pltpu.VMEM((EB,), jnp.int32)] * 2,
            [pltpu.VMEM((EB, HD), f32)] * 2,
            [pltpu.VMEM((EB, 16), f32)] * 2,
            pltpu.VMEM((EB, 16), f32),
            [pltpu.VMEM((EB,), jnp.int32)] * 2,
            [pltpu.SemaphoreType.DMA] * 2,
            [pltpu.SemaphoreType.DMA] * 2,
            [pltpu.SemaphoreType.DMA] * 2,
        ],
    )
    return kern(zcat, efcat, src, dst)


def _post_body(hc_ref, tgt_ref, p0_ref, p1_ref, q0_ref, q1_ref,
               w1_ref, b1_ref, w2_ref, b2_ref, g_ref, b_ref, y_ref):
    a = hc_ref[0]
    b = hc_ref[1]
    num = (jnp.dot(a, p0_ref[...], preferred_element_type=jnp.float32)
           + jnp.dot(b, p1_ref[...], preferred_element_type=jnp.float32))
    denb = (jnp.dot(a, q0_ref[...], preferred_element_type=jnp.float32)
            + jnp.dot(b, q1_ref[...], preferred_element_type=jnp.float32))
    denb = denb + (denb == 0.0).astype(jnp.float32)
    h = num / denb
    h = jnp.where(h > 0, h, jnp.exp(h) - 1.0) + tgt_ref[...]
    inner = jnp.maximum(
        jnp.dot(h, w1_ref[...], preferred_element_type=jnp.float32)
        + b1_ref[...], 0.0)
    out = (jnp.dot(inner, w2_ref[...], preferred_element_type=jnp.float32)
           + b2_ref[...] + h)
    mean = jnp.mean(out, axis=-1, keepdims=True)
    ctr = out - mean
    var = jnp.mean(ctr * ctr, axis=-1, keepdims=True)
    y_ref[...] = ctr * lax.rsqrt(var + 1e-5) * g_ref[...] + b_ref[...]


def _post(outc, tgt_h, P0, P1, Q0, Q1, W1, b1, W2, b2, ln_g, ln_b):
    blk = 1000
    grid = N_TGT // blk
    full = lambda i: (0, 0)
    return pl.pallas_call(
        _post_body,
        grid=(grid,),
        in_specs=[
            pl.BlockSpec((NC, blk, HD), lambda i: (0, i, 0)),
            pl.BlockSpec((blk, HD), lambda i: (i, 0)),
            pl.BlockSpec((HD, HD), full),
            pl.BlockSpec((HD, HD), full),
            pl.BlockSpec((HD, HD), full),
            pl.BlockSpec((HD, HD), full),
            pl.BlockSpec((HD, FFN_HID), full),
            pl.BlockSpec((1, FFN_HID), full),
            pl.BlockSpec((FFN_HID, HD), full),
            pl.BlockSpec((1, HD), full),
            pl.BlockSpec((1, HD), full),
            pl.BlockSpec((1, HD), full),
        ],
        out_specs=pl.BlockSpec((blk, HD), lambda i: (i, 0)),
        out_shape=jax.ShapeDtypeStruct((N_TGT, HD), jnp.float32),
    )(outc, tgt_h, P0, P1, Q0, Q1, W1, b1, W2, b2, ln_g, ln_b)


def kernel(src_h, tgt_h, edge_index, edge_attr, W_fc, W_feat, attn,
           W1, b1, W2, b2, ln_g, ln_b):
    f32 = jnp.float32
    ei = edge_index
    if ei.dtype != jnp.int32:
        ei = ei.astype(jnp.int32)
    src = ei[0]
    dst = ei[1]

    attn1row = attn[0, :, :OUT_DIM].reshape(1, HD).astype(f32)
    attn3row = attn[0, :, 2 * OUT_DIM:].reshape(1, HD).astype(f32)
    P0, P1, Q0, Q1 = (jnp.asarray(_P0), jnp.asarray(_P1),
                      jnp.asarray(_Q0), jnp.asarray(_Q1))

    zcat = _pre_node(src_h, W_fc, attn1row)
    efcat = _pre_edge(edge_attr, W_feat, attn3row)
    outc = _sc_edge(zcat, efcat, src, dst)
    return _post(outc, tgt_h,
                 P0, P1, Q0, Q1,
                 W1, b1.reshape(1, FFN_HID), W2, b2.reshape(1, HD),
                 ln_g.reshape(1, HD), ln_b.reshape(1, HD))

# --- scband reference (transcript-rebuilt; emitter-appended) ---
"""Pipeline reference for scband-multi-head-gatlayer-64338610094367 (READ-ONLY COPY).

The authoritative reference and input builder live on the scoring server;
editing this copy changes nothing except your own understanding.
"""

import jax, jax.numpy as jnp
import numpy as np

N_SRC = 10000
N_TGT = 10000
E = 320000
IN_DIM = 128
OUT_DIM = 16
N_HEAD = 8
EDGE_EMBED = 16
FFN_HID = 512


def setup_inputs(seed: int = 0) -> dict:
    key = jax.random.key(seed)
    ks = jax.random.split(key, 16)
    HD = N_HEAD * OUT_DIM
    src_h = jax.random.normal(ks[0], (N_SRC, IN_DIM), dtype=jnp.float32)
    tgt_h = jax.random.normal(ks[1], (N_TGT, HD), dtype=jnp.float32)
    edge_index = jax.random.randint(ks[2], (2, E), 0, N_SRC, dtype=jnp.int64)
    edge_attr = jax.random.normal(ks[3], (E, EDGE_EMBED), dtype=jnp.float32)
    # parameters (xavier-ish scaling)
    W_fc = jax.random.normal(ks[4], (IN_DIM, HD), dtype=jnp.float32) * (2.0 / (IN_DIM + HD)) ** 0.5
    W_feat = jax.random.normal(ks[5], (EDGE_EMBED, HD), dtype=jnp.float32) * (2.0 / (EDGE_EMBED + HD)) ** 0.5
    attn = jax.random.normal(ks[6], (1, N_HEAD, OUT_DIM * 3), dtype=jnp.float32) * 0.1
    W1 = jax.random.normal(ks[7], (HD, FFN_HID), dtype=jnp.float32) * (2.0 / (HD + FFN_HID)) ** 0.5
    b1 = jnp.zeros((FFN_HID,), dtype=jnp.float32)
    W2 = jax.random.normal(ks[8], (FFN_HID, HD), dtype=jnp.float32) * (2.0 / (HD + FFN_HID)) ** 0.5
    b2 = jnp.zeros((HD,), dtype=jnp.float32)
    ln_g = jnp.ones((HD,), dtype=jnp.float32)
    ln_b = jnp.zeros((HD,), dtype=jnp.float32)
    return {"src_h": src_h, "tgt_h": tgt_h, "edge_index": edge_index, "edge_attr": edge_attr,
            "W_fc": W_fc, "W_feat": W_feat, "attn": attn, "W1": W1, "b1": b1, "W2": W2, "b2": b2,
            "ln_g": ln_g, "ln_b": ln_b}


def reference(src_h, tgt_h, edge_index, edge_attr, W_fc, W_feat, attn, W1, b1, W2, b2, ln_g, ln_b):
    H, D = N_HEAD, OUT_DIM
    src = edge_index[0]
    dst = edge_index[1]
    # z on source nodes (dropout = identity at eval)
    z = (src_h @ W_fc).reshape(-1, H, D)  # [N_src, H, D]
    # DGL: only src nodes have 'z' set; dst nodes' z defaults to zeros
    z_dst = jnp.zeros((N_TGT, H, D), dtype=src_h.dtype)
    dfeat = (edge_attr @ W_feat).reshape(-1, H, D)  # [E, H, D]
    z2 = jnp.concatenate([z[src], z_dst[dst], dfeat], axis=-1)  # [E, H, 3D]
    e = jax.nn.leaky_relu(jnp.sum(attn * z2, axis=-1), negative_slope=0.01)  # [E, H]
    # per-dst-node softmax over incoming edges
    e_max = jax.ops.segment_max(e, dst, num_segments=N_TGT)  # [N_tgt, H]
    e_exp = jnp.exp(e - e_max[dst])
    denom = jax.ops.segment_sum(e_exp, dst, num_segments=N_TGT)
    alpha = e_exp / denom[dst]  # [E, H]
    msg = alpha[:, :, None] * z[src]  # [E, H, D]
    h = jax.ops.segment_sum(msg, dst, num_segments=N_TGT)  # [N_tgt, H, D]
    h = h.reshape(N_TGT, H * D)
    h = jax.nn.elu(h) + tgt_h
    # PositionwiseFeedForward (Conv1d kernel 1 == linear), residual + LayerNorm
    inner = jax.nn.relu(h @ W1 + b1)
    out = inner @ W2 + b2
    y = out + h
    mean = jnp.mean(y, axis=-1, keepdims=True)
    var = jnp.var(y, axis=-1, keepdims=True)
    y = (y - mean) / jnp.sqrt(var + 1e-5) * ln_g + ln_b
    return y

if __name__ == "__main__":
    import jax
    _d = setup_inputs()
    print(jax.jit(kernel)(*tuple(_d.values())))

</pallas_src>

<mosaic_0001>
#map = affine_map<(d0, d1) -> (0, 0)>
#map1 = affine_map<(d0, d1) -> (0)>
#map2 = affine_map<(d0, d1) -> (0, 0, 0)>
module attributes {stable_mosaic.version = 14 : i64} {
  func.func @_sc_edge_body(%arg0: i32, %arg1: i32, %arg2: memref<20000x128xf32, #tpu.memory_space<hbm>>, %arg3: memref<640000x16xf32, #tpu.memory_space<hbm>>, %arg4: memref<320000xi32, #tpu.memory_space<hbm>>, %arg5: memref<320000xi32, #tpu.memory_space<hbm>>, %arg6: memref<2x10240x128xf32, #tpu.memory_space<hbm>>, %arg7: memref<10240x128xf32, #tpu.memory_space<vmem_shared>>, %arg8: memref<40xi32, #tpu.memory_space<vmem>>, %arg9: memref<40xi32, #tpu.memory_space<vmem>>, %arg10: memref<40xi32, #tpu.memory_space<vmem>>, %arg11: memref<40xi32, #tpu.memory_space<vmem>>, %arg12: memref<40x128xf32, #tpu.memory_space<vmem>>, %arg13: memref<40x128xf32, #tpu.memory_space<vmem>>, %arg14: memref<40x16xf32, #tpu.memory_space<vmem>>, %arg15: memref<40x16xf32, #tpu.memory_space<vmem>>, %arg16: memref<40x16xf32, #tpu.memory_space<vmem>>, %arg17: memref<40xi32, #tpu.memory_space<vmem>>, %arg18: memref<40xi32, #tpu.memory_space<vmem>>, %arg19: memref<!tpu.dma_semaphore, #tpu.memory_space<semaphore_mem>>, %arg20: memref<!tpu.dma_semaphore, #tpu.memory_space<semaphore_mem>>, %arg21: memref<!tpu.dma_semaphore, #tpu.memory_space<semaphore_mem>>, %arg22: memref<!tpu.dma_semaphore, #tpu.memory_space<semaphore_mem>>, %arg23: memref<!tpu.dma_semaphore, #tpu.memory_space<semaphore_mem>>, %arg24: memref<!tpu.dma_semaphore, #tpu.memory_space<semaphore_mem>>) attributes {dimension_semantics = [#tpu.dimension_semantics<core_parallel>, #tpu.dimension_semantics<subcore_parallel>], iteration_bounds = array<i64: 2, 16>, scalar_prefetch = 0 : i64, scratch_operands = 18 : i64, tpu.core_type = #tpu.core_type<sc_vector_subcore>, window_params = [{transform_indices = #map}, {transform_indices = #map}, {transform_indices = #map1}, {transform_indices = #map1}, {transform_indices = #map2}]} {
    %broadcast_in_dim3A = arith.constant 0.000000e+00 : f32
    %broadcast_in_dim3A_0 = vector.broadcast %broadcast_in_dim3A : f32 to vector<16xf32>
    %iota3A = tpu.iota {dimensions = array<i32: 0>} : vector<16xi32>
    %mul3A = arith.constant 10000 : i32
    %mul3A_1 = arith.muli %arg0, %mul3A : i32
    %scan3A = arith.constant 0 : i32
    %scan3A_2 = arith.constant 0 : i32
    %scan3A_3 = arith.constant 40 : i32
    %scan3A_4 = arith.addi %scan3A_2, %scan3A_3 : i32
    %scan3A_5 = arith.constant 1 : i32
    %scan3A_6 = scf.for %scan3A_161 = %scan3A_2 to %scan3A_4 step %scan3A_5 iter_args(%scan3A_162 = %scan3A) -> (i32)  : i32 {
      %swap3A_163 = arith.index_cast %scan3A_161 : i32 to index
      %swap3A_164 = arith.constant 0 : index
      %swap3A_165 = tpu.vector_load %arg12[%swap3A_163, %swap3A_164] {strides = array<i32>} : memref<40x128xf32, #tpu.memory_space<vmem>>, vector<1x16xf32>,
      %swap3A_166 = vector.shape_cast %swap3A_165 : vector<1x16xf32> to vector<16xf32>
      %swap3A_167 = vector.shape_cast %broadcast_in_dim3A_0 : vector<16xf32> to vector<1x16xf32>
      tpu.vector_store %arg12[%swap3A_163, %swap3A_164], %swap3A_167 {strides = array<i32>} : memref<40x128xf32, #tpu.memory_space<vmem>>, vector<1x16xf32>,
      %swap3A_168 = arith.index_cast %scan3A_161 : i32 to index
      %swap3A_169 = arith.constant 16 : index
      %swap3A_170 = tpu.vector_load %arg12[%swap3A_168, %swap3A_169] {strides = array<i32>} : memref<40x128xf32, #tpu.memory_space<vmem>>, vector<1x16xf32>,
      %swap3A_171 = vector.shape_cast %swap3A_170 : vector<1x16xf32> to vector<16xf32>
      %swap3A_172 = vector.shape_cast %broadcast_in_dim3A_0 : vector<16xf32> to vector<1x16xf32>
      tpu.vector_store %arg12[%swap3A_168, %swap3A_169], %swap3A_172 {strides = array<i32>} : memref<40x128xf32, #tpu.memory_space<vmem>>, vector<1x16xf32>,
      %swap3A_173 = arith.index_cast %scan3A_161 : i32 to index
      %swap3A_174 = arith.constant 32 : index
      %swap3A_175 = tpu.vector_load %arg12[%swap3A_173, %swap3A_174] {strides = array<i32>} : memref<40x128xf32, #tpu.memory_space<vmem>>, vector<1x16xf32>,
      %swap3A_176 = vector.shape_cast %swap3A_175 : vector<1x16xf32> to vector<16xf32>
      %swap3A_177 = vector.shape_cast %broadcast_in_dim3A_0 : vector<16xf32> to vector<1x16xf32>
      tpu.vector_store %arg12[%swap3A_173, %swap3A_174], %swap3A_177 {strides = array<i32>} : memref<40x128xf32, #tpu.memory_space<vmem>>, vector<1x16xf32>,
      %swap3A_178 = arith.index_cast %scan3A_161 : i32 to index
      %swap3A_179 = arith.constant 48 : index
      %swap3A_180 = tpu.vector_load %arg12[%swap3A_178, %swap3A_179] {strides = array<i32>} : memref<40x128xf32, #tpu.memory_space<vmem>>, vector<1x16xf32>,
      %swap3A_181 = vector.shape_cast %swap3A_180 : vector<1x16xf32> to vector<16xf32>
      %swap3A_182 = vector.shape_cast %broadcast_in_dim3A_0 : vector<16xf32> to vector<1x16xf32>
      tpu.vector_store %arg12[%swap3A_178, %swap3A_179], %swap3A_182 {strides = array<i32>} : memref<40x128xf32, #tpu.memory_space<vmem>>, vector<1x16xf32>,
      %swap3A_183 = arith.index_cast %scan3A_161 : i32 to index
      %swap3A_184 = arith.constant 64 : index
      %swap3A_185 = tpu.vector_load %arg12[%swap3A_183, %swap3A_184] {strides = array<i32>} : memref<40x128xf32, #tpu.memory_space<vmem>>, vector<1x16xf32>,
      %swap3A_186 = vector.shape_cast %swap3A_185 : vector<1x16xf32> to vector<16xf32>
      %swap3A_187 = vector.shape_cast %broadcast_in_dim3A_0 : vector<16xf32> to vector<1x16xf32>
      tpu.vector_store %arg12[%swap3A_183, %swap3A_184], %swap3A_187 {strides = array<i32>} : memref<40x128xf32, #tpu.memory_space<vmem>>, vector<1x16xf32>,
      %swap3A_188 = arith.index_cast %scan3A_161 : i32 to index
      %swap3A_189 = arith.constant 80 : index
      %swap3A_190 = tpu.vector_load %arg12[%swap3A_188, %swap3A_189] {strides = array<i32>} : memref<40x128xf32, #tpu.memory_space<vmem>>, vector<1x16xf32>,
      %swap3A_191 = vector.shape_cast %swap3A_190 : vector<1x16xf32> to vector<16xf32>
      %swap3A_192 = vector.shape_cast %broadcast_in_dim3A_0 : vector<16xf32> to vector<1x16xf32>
      tpu.vector_store %arg12[%swap3A_188, %swap3A_189], %swap3A_192 {strides = array<i32>} : memref<40x128xf32, #tpu.memory_space<vmem>>, vector<1x16xf32>,
      %swap3A_193 = arith.index_cast %scan3A_161 : i32 to index
      %swap3A_194 = arith.constant 96 : index
      %swap3A_195 = tpu.vector_load %arg12[%swap3A_193, %swap3A_194] {strides = array<i32>} : memref<40x128xf32, #tpu.memory_space<vmem>>, vector<1x16xf32>,
      %swap3A_196 = vector.shape_cast %swap3A_195 : vector<1x16xf32> to vector<16xf32>
      %swap3A_197 = vector.shape_cast %broadcast_in_dim3A_0 : vector<16xf32> to vector<1x16xf32>
      tpu.vector_store %arg12[%swap3A_193, %swap3A_194], %swap3A_197 {strides = array<i32>} : memref<40x128xf32, #tpu.memory_space<vmem>>, vector<1x16xf32>,
      %swap3A_198 = arith.index_cast %scan3A_161 : i32 to index
      %swap3A_199 = arith.constant 112 : index
      %swap3A_200 = tpu.vector_load %arg12[%swap3A_198, %swap3A_199] {strides = array<i32>} : memref<40x128xf32, #tpu.memory_space<vmem>>, vector<1x16xf32>,
      %swap3A_201 = vector.shape_cast %swap3A_200 : vector<1x16xf32> to vector<16xf32>
      %swap3A_202 = vector.shape_cast %broadcast_in_dim3A_0 : vector<16xf32> to vector<1x16xf32>
      tpu.vector_store %arg12[%swap3A_198, %swap3A_199], %swap3A_202 {strides = array<i32>} : memref<40x128xf32, #tpu.memory_space<vmem>>, vector<1x16xf32>,
      %scan3A_203 = arith.constant 0 : i32
      scf.yield %scan3A_203 : i32
    }
    %scan3A_7 = arith.constant 40 : i32
    %mul3A_8 = arith.constant 640 : i32
    %mul3A_9 = arith.muli %arg1, %mul3A_8 : i32
    %add3A = arith.constant 0 : i32
    %add3A_10 = arith.addi %mul3A_9, %add3A : i32
    "tpu.region"() ({
      %run_scoped3A = tpu.sem_alloc : memref<!tpu.dma_semaphore, #tpu.memory_space<semaphore_mem>>
      %dma_start3A_161 = arith.constant 0 : i32
      %dma_start3A_162 = tpu.memref_slice %arg7[%add3A_10, %dma_start3A_161] : memref<10240x128xf32, #tpu.memory_space<vmem_shared>> -> memref<40x128xf32, #tpu.memory_space<vmem_shared>>
      %dma_start3A_163 = arith.constant 0 : i32
      %dma_start3A_164 = tpu.memref_slice %arg7[%add3A_10, %dma_start3A_163] : memref<10240x128xf32, #tpu.memory_space<vmem_shared>> -> memref<40x128xf32, #tpu.memory_space<vmem_shared>>
      tpu.enqueue_dma source(%arg12 : memref<40x128xf32, #tpu.memory_space<vmem>>) target(%dma_start3A_164 : memref<40x128xf32, #tpu.memory_space<vmem_shared>>) target_semaphore(%run_scoped3A : memref<!tpu.dma_semaphore, #tpu.memory_space<semaphore_mem>>)
      %dma_wait3A_165 = arith.constant 0 : i32
      %dma_wait3A_166 = tpu.memref_slice %arg7[%add3A_10, %dma_wait3A_165] : memref<10240x128xf32, #tpu.memory_space<vmem_shared>> -> memref<40x128xf32, #tpu.memory_space<vmem_shared>>
      %dma_wait3A_167 = arith.constant 0 : i32
      %dma_wait3A_168 = tpu.memref_slice %arg7[%add3A_10, %dma_wait3A_167] : memref<10240x128xf32, #tpu.memory_space<vmem_shared>> -> memref<40x128xf32, #tpu.memory_space<vmem_shared>>
      tpu.wait_dma2 semaphore(%run_scoped3A : memref<!tpu.dma_semaphore, #tpu.memory_space<semaphore_mem>>) src(%arg12 : memref<40x128xf32, #tpu.memory_space<vmem>>) dst(%dma_wait3A_168 : memref<40x128xf32, #tpu.memory_space<vmem_shared>>)
      tpu.yield
    }) : () -> ()
    %mul3A_11 = arith.constant 640 : i32
    %mul3A_12 = arith.muli %arg1, %mul3A_11 : i32
    %add3A_13 = arith.constant 40 : i32
    %add3A_14 = arith.addi %mul3A_12, %add3A_13 : i32
    "tpu.region"() ({
      %run_scoped3A = tpu.sem_alloc : memref<!tpu.dma_semaphore, #tpu.memory_space<semaphore_mem>>
      %dma_start3A_161 = arith.constant 0 : i32
      %dma_start3A_162 = tpu.memref_slice %arg7[%add3A_14, %dma_start3A_161] : memref<10240x128xf32, #tpu.memory_space<vmem_shared>> -> memref<40x128xf32, #tpu.memory_space<vmem_shared>>
      %dma_start3A_163 = arith.constant 0 : i32
      %dma_start3A_164 = tpu.memref_slice %arg7[%add3A_14, %dma_start3A_163] : memref<10240x128xf32, #tpu.memory_space<vmem_shared>> -> memref<40x128xf32, #tpu.memory_space<vmem_shared>>
      tpu.enqueue_dma source(%arg12 : memref<40x128xf32, #tpu.memory_space<vmem>>) target(%dma_start3A_164 : memref<40x128xf32, #tpu.memory_space<vmem_shared>>) target_semaphore(%run_scoped3A : memref<!tpu.dma_semaphore, #tpu.memory_space<semaphore_mem>>)
      %dma_wait3A_165 = arith.constant 0 : i32
      %dma_wait3A_166 = tpu.memref_slice %arg7[%add3A_14, %dma_wait3A_165] : memref<10240x128xf32, #tpu.memory_space<vmem_shared>> -> memref<40x128xf32, #tpu.memory_space<vmem_shared>>
      %dma_wait3A_167 = arith.constant 0 : i32
      %dma_wait3A_168 = tpu.memref_slice %arg7[%add3A_14, %dma_wait3A_167] : memref<10240x128xf32, #tpu.memory_space<vmem_shared>> -> memref<40x128xf32, #tpu.memory_space<vmem_shared>>
      tpu.wait_dma2 semaphore(%run_scoped3A : memref<!tpu.dma_semaphore, #tpu.memory_space<semaphore_mem>>) src(%arg12 : memref<40x128xf32, #tpu.memory_space<vmem>>) dst(%dma_wait3A_168 : memref<40x128xf32, #tpu.memory_space<vmem_shared>>)
      tpu.yield
    }) : () -> ()
    %mul3A_15 = arith.constant 640 : i32
    %mul3A_16 = arith.muli %arg1, %mul3A_15 : i32
    %add3A_17 = arith.constant 80 : i32
    %add3A_18 = arith.addi %mul3A_16, %add3A_17 : i32
    "tpu.region"() ({
      %run_scoped3A = tpu.sem_alloc : memref<!tpu.dma_semaphore, #tpu.memory_space<semaphore_mem>>
      %dma_start3A_161 = arith.constant 0 : i32
      %dma_start3A_162 = tpu.memref_slice %arg7[%add3A_18, %dma_start3A_161] : memref<10240x128xf32, #tpu.memory_space<vmem_shared>> -> memref<40x128xf32, #tpu.memory_space<vmem_shared>>
      %dma_start3A_163 = arith.constant 0 : i32
      %dma_start3A_164 = tpu.memref_slice %arg7[%add3A_18, %dma_start3A_163] : memref<10240x128xf32, #tpu.memory_space<vmem_shared>> -> memref<40x128xf32, #tpu.memory_space<vmem_shared>>
      tpu.enqueue_dma source(%arg12 : memref<40x128xf32, #tpu.memory_space<vmem>>) target(%dma_start3A_164 : memref<40x128xf32, #tpu.memory_space<vmem_shared>>) target_semaphore(%run_scoped3A : memref<!tpu.dma_semaphore, #tpu.memory_space<semaphore_mem>>)
      %dma_wait3A_165 = arith.constant 0 : i32
      %dma_wait3A_166 = tpu.memref_slice %arg7[%add3A_18, %dma_wait3A_165] : memref<10240x128xf32, #tpu.memory_space<vmem_shared>> -> memref<40x128xf32, #tpu.memory_space<vmem_shared>>
      %dma_wait3A_167 = arith.constant 0 : i32
      %dma_wait3A_168 = tpu.memref_slice %arg7[%add3A_18, %dma_wait3A_167] : memref<10240x128xf32, #tpu.memory_space<vmem_shared>> -> memref<40x128xf32, #tpu.memory_space<vmem_shared>>
      tpu.wait_dma2 semaphore(%run_scoped3A : memref<!tpu.dma_semaphore, #tpu.memory_space<semaphore_mem>>) src(%arg12 : memref<40x128xf32, #tpu.memory_space<vmem>>) dst(%dma_wait3A_168 : memref<40x128xf32, #tpu.memory_space<vmem_shared>>)
      tpu.yield
    }) : () -> ()
    %mul3A_19 = arith.constant 640 : i32
    %mul3A_20 = arith.muli %arg1, %mul3A_19 : i32
    %add3A_21 = arith.constant 120 : i32
    %add3A_22 = arith.addi %mul3A_20, %add3A_21 : i32
    "tpu.region"() ({
      %run_scoped3A = tpu.sem_alloc : memref<!tpu.dma_semaphore, #tpu.memory_space<semaphore_mem>>
      %dma_start3A_161 = arith.constant 0 : i32
      %dma_start3A_162 = tpu.memref_slice %arg7[%add3A_22, %dma_start3A_161] : memref<10240x128xf32, #tpu.memory_space<vmem_shared>> -> memref<40x128xf32, #tpu.memory_space<vmem_shared>>
      %dma_start3A_163 = arith.constant 0 : i32
      %dma_start3A_164 = tpu.memref_slice %arg7[%add3A_22, %dma_start3A_163] : memref<10240x128xf32, #tpu.memory_space<vmem_shared>> -> memref<40x128xf32, #tpu.memory_space<vmem_shared>>
      tpu.enqueue_dma source(%arg12 : memref<40x128xf32, #tpu.memory_space<vmem>>) target(%dma_start3A_164 : memref<40x128xf32, #tpu.memory_space<vmem_shared>>) target_semaphore(%run_scoped3A : memref<!tpu.dma_semaphore, #tpu.memory_space<semaphore_mem>>)
      %dma_wait3A_165 = arith.constant 0 : i32
      %dma_wait3A_166 = tpu.memref_slice %arg7[%add3A_22, %dma_wait3A_165] : memref<10240x128xf32, #tpu.memory_space<vmem_shared>> -> memref<40x128xf32, #tpu.memory_space<vmem_shared>>
      %dma_wait3A_167 = arith.constant 0 : i32
      %dma_wait3A_168 = tpu.memref_slice %arg7[%add3A_22, %dma_wait3A_167] : memref<10240x128xf32, #tpu.memory_space<vmem_shared>> -> memref<40x128xf32, #tpu.memory_space<vmem_shared>>
      tpu.wait_dma2 semaphore(%run_scoped3A : memref<!tpu.dma_semaphore, #tpu.memory_space<semaphore_mem>>) src(%arg12 : memref<40x128xf32, #tpu.memory_space<vmem>>) dst(%dma_wait3A_168 : memref<40x128xf32, #tpu.memory_space<vmem_shared>>)
      tpu.yield
    }) : () -> ()
    %mul3A_23 = arith.constant 640 : i32
    %mul3A_24 = arith.muli %arg1, %mul3A_23 : i32
    %add3A_25 = arith.constant 160 : i32
    %add3A_26 = arith.addi %mul3A_24, %add3A_25 : i32
    "tpu.region"() ({
      %run_scoped3A = tpu.sem_alloc : memref<!tpu.dma_semaphore, #tpu.memory_space<semaphore_mem>>
      %dma_start3A_161 = arith.constant 0 : i32
      %dma_start3A_162 = tpu.memref_slice %arg7[%add3A_26, %dma_start3A_161] : memref<10240x128xf32, #tpu.memory_space<vmem_shared>> -> memref<40x128xf32, #tpu.memory_space<vmem_shared>>
      %dma_start3A_163 = arith.constant 0 : i32
      %dma_start3A_164 = tpu.memref_slice %arg7[%add3A_26, %dma_start3A_163] : memref<10240x128xf32, #tpu.memory_space<vmem_shared>> -> memref<40x128xf32, #tpu.memory_space<vmem_shared>>
      tpu.enqueue_dma source(%arg12 : memref<40x128xf32, #tpu.memory_space<vmem>>) target(%dma_start3A_164 : memref<40x128xf32, #tpu.memory_space<vmem_shared>>) target_semaphore(%run_scoped3A : memref<!tpu.dma_semaphore, #tpu.memory_space<semaphore_mem>>)
      %dma_wait3A_165 = arith.constant 0 : i32
      %dma_wait3A_166 = tpu.memref_slice %arg7[%add3A_26, %dma_wait3A_165] : memref<10240x128xf32, #tpu.memory_space<vmem_shared>> -> memref<40x128xf32, #tpu.memory_space<vmem_shared>>
      %dma_wait3A_167 = arith.constant 0 : i32
      %dma_wait3A_168 = tpu.memref_slice %arg7[%add3A_26, %dma_wait3A_167] : memref<10240x128xf32, #tpu.memory_space<vmem_shared>> -> memref<40x128xf32, #tpu.memory_space<vmem_shared>>
      tpu.wait_dma2 semaphore(%run_scoped3A : memref<!tpu.dma_semaphore, #tpu.memory_space<semaphore_mem>>) src(%arg12 : memref<40x128xf32, #tpu.memory_space<vmem>>) dst(%dma_wait3A_168 : memref<40x128xf32, #tpu.memory_space<vmem_shared>>)
      tpu.yield
    }) : () -> ()
    %mul3A_27 = arith.constant 640 : i32
    %mul3A_28 = arith.muli %arg1, %mul3A_27 : i32
    %add3A_29 = arith.constant 200 : i32
    %add3A_30 = arith.addi %mul3A_28, %add3A_29 : i32
    "tpu.region"() ({
      %run_scoped3A = tpu.sem_alloc : memref<!tpu.dma_semaphore, #tpu.memory_space<semaphore_mem>>
      %dma_start3A_161 = arith.constant 0 : i32
      %dma_start3A_162 = tpu.memref_slice %arg7[%add3A_30, %dma_start3A_161] : memref<10240x128xf32, #tpu.memory_space<vmem_shared>> -> memref<40x128xf32, #tpu.memory_space<vmem_shared>>
      %dma_start3A_163 = arith.constant 0 : i32
      %dma_start3A_164 = tpu.memref_slice %arg7[%add3A_30, %dma_start3A_163] : memref<10240x128xf32, #tpu.memory_space<vmem_shared>> -> memref<40x128xf32, #tpu.memory_space<vmem_shared>>
      tpu.enqueue_dma source(%arg12 : memref<40x128xf32, #tpu.memory_space<vmem>>) target(%dma_start3A_164 : memref<40x128xf32, #tpu.memory_space<vmem_shared>>) target_semaphore(%run_scoped3A : memref<!tpu.dma_semaphore, #tpu.memory_space<semaphore_mem>>)
      %dma_wait3A_165 = arith.constant 0 : i32
      %dma_wait3A_166 = tpu.memref_slice %arg7[%add3A_30, %dma_wait3A_165] : memref<10240x128xf32, #tpu.memory_space<vmem_shared>> -> memref<40x128xf32, #tpu.memory_space<vmem_shared>>
      %dma_wait3A_167 = arith.constant 0 : i32
      %dma_wait3A_168 = tpu.memref_slice %arg7[%add3A_30, %dma_wait3A_167] : memref<10240x128xf32, #tpu.memory_space<vmem_shared>> -> memref<40x128xf32, #tpu.memory_space<vmem_shared>>
      tpu.wait_dma2 semaphore(%run_scoped3A : memref<!tpu.dma_semaphore, #tpu.memory_space<semaphore_mem>>) src(%arg12 : memref<40x128xf32, #tpu.memory_space<vmem>>) dst(%dma_wait3A_168 : memref<40x128xf32, #tpu.memory_space<vmem_shared>>)
      tpu.yield
    }) : () -> ()
    %mul3A_31 = arith.constant 640 : i32
    %mul3A_32 = arith.muli %arg1, %mul3A_31 : i32
    %add3A_33 = arith.constant 240 : i32
    %add3A_34 = arith.addi %mul3A_32, %add3A_33 : i32
    "tpu.region"() ({
      %run_scoped3A = tpu.sem_alloc : memref<!tpu.dma_semaphore, #tpu.memory_space<semaphore_mem>>
      %dma_start3A_161 = arith.constant 0 : i32
      %dma_start3A_162 = tpu.memref_slice %arg7[%add3A_34, %dma_start3A_161] : memref<10240x128xf32, #tpu.memory_space<vmem_shared>> -> memref<40x128xf32, #tpu.memory_space<vmem_shared>>
      %dma_start3A_163 = arith.constant 0 : i32
      %dma_start3A_164 = tpu.memref_slice %arg7[%add3A_34, %dma_start3A_163] : memref<10240x128xf32, #tpu.memory_space<vmem_shared>> -> memref<40x128xf32, #tpu.memory_space<vmem_shared>>
      tpu.enqueue_dma source(%arg12 : memref<40x128xf32, #tpu.memory_space<vmem>>) target(%dma_start3A_164 : memref<40x128xf32, #tpu.memory_space<vmem_shared>>) target_semaphore(%run_scoped3A : memref<!tpu.dma_semaphore, #tpu.memory_space<semaphore_mem>>)
      %dma_wait3A_165 = arith.constant 0 : i32
      %dma_wait3A_166 = tpu.memref_slice %arg7[%add3A_34, %dma_wait3A_165] : memref<10240x128xf32, #tpu.memory_space<vmem_shared>> -> memref<40x128xf32, #tpu.memory_space<vmem_shared>>
      %dma_wait3A_167 = arith.constant 0 : i32
      %dma_wait3A_168 = tpu.memref_slice %arg7[%add3A_34, %dma_wait3A_167] : memref<10240x128xf32, #tpu.memory_space<vmem_shared>> -> memref<40x128xf32, #tpu.memory_space<vmem_shared>>
      tpu.wait_dma2 semaphore(%run_scoped3A : memref<!tpu.dma_semaphore, #tpu.memory_space<semaphore_mem>>) src(%arg12 : memref<40x128xf32, #tpu.memory_space<vmem>>) dst(%dma_wait3A_168 : memref<40x128xf32, #tpu.memory_space<vmem_shared>>)
      tpu.yield
    }) : () -> ()
    %mul3A_35 = arith.constant 640 : i32
    %mul3A_36 = arith.muli %arg1, %mul3A_35 : i32
    %add3A_37 = arith.constant 280 : i32
    %add3A_38 = arith.addi %mul3A_36, %add3A_37 : i32
    "tpu.region"() ({
      %run_scoped3A = tpu.sem_alloc : memref<!tpu.dma_semaphore, #tpu.memory_space<semaphore_mem>>
      %dma_start3A_161 = arith.constant 0 : i32
      %dma_start3A_162 = tpu.memref_slice %arg7[%add3A_38, %dma_start3A_161] : memref<10240x128xf32, #tpu.memory_space<vmem_shared>> -> memref<40x128xf32, #tpu.memory_space<vmem_shared>>
      %dma_start3A_163 = arith.constant 0 : i32
      %dma_start3A_164 = tpu.memref_slice %arg7[%add3A_38, %dma_start3A_163] : memref<10240x128xf32, #tpu.memory_space<vmem_shared>> -> memref<40x128xf32, #tpu.memory_space<vmem_shared>>
      tpu.enqueue_dma source(%arg12 : memref<40x128xf32, #tpu.memory_space<vmem>>) target(%dma_start3A_164 : memref<40x128xf32, #tpu.memory_space<vmem_shared>>) target_semaphore(%run_scoped3A : memref<!tpu.dma_semaphore, #tpu.memory_space<semaphore_mem>>)
      %dma_wait3A_165 = arith.constant 0 : i32
      %dma_wait3A_166 = tpu.memref_slice %arg7[%add3A_38, %dma_wait3A_165] : memref<10240x128xf32, #tpu.memory_space<vmem_shared>> -> memref<40x128xf32, #tpu.memory_space<vmem_shared>>
      %dma_wait3A_167 = arith.constant 0 : i32
      %dma_wait3A_168 = tpu.memref_slice %arg7[%add3A_38, %dma_wait3A_167] : memref<10240x128xf32, #tpu.memory_space<vmem_shared>> -> memref<40x128xf32, #tpu.memory_space<vmem_shared>>
      tpu.wait_dma2 semaphore(%run_scoped3A : memref<!tpu.dma_semaphore, #tpu.memory_space<semaphore_mem>>) src(%arg12 : memref<40x128xf32, #tpu.memory_space<vmem>>) dst(%dma_wait3A_168 : memref<40x128xf32, #tpu.memory_space<vmem_shared>>)
      tpu.yield
    }) : () -> ()
    %mul3A_39 = arith.constant 640 : i32
    %mul3A_40 = arith.muli %arg1, %mul3A_39 : i32
    %add3A_41 = arith.constant 320 : i32
    %add3A_42 = arith.addi %mul3A_40, %add3A_41 : i32
    "tpu.region"() ({
      %run_scoped3A = tpu.sem_alloc : memref<!tpu.dma_semaphore, #tpu.memory_space<semaphore_mem>>
      %dma_start3A_161 = arith.constant 0 : i32
      %dma_start3A_162 = tpu.memref_slice %arg7[%add3A_42, %dma_start3A_161] : memref<10240x128xf32, #tpu.memory_space<vmem_shared>> -> memref<40x128xf32, #tpu.memory_space<vmem_shared>>
      %dma_start3A_163 = arith.constant 0 : i32
      %dma_start3A_164 = tpu.memref_slice %arg7[%add3A_42, %dma_start3A_163] : memref<10240x128xf32, #tpu.memory_space<vmem_shared>> -> memref<40x128xf32, #tpu.memory_space<vmem_shared>>
      tpu.enqueue_dma source(%arg12 : memref<40x128xf32, #tpu.memory_space<vmem>>) target(%dma_start3A_164 : memref<40x128xf32, #tpu.memory_space<vmem_shared>>) target_semaphore(%run_scoped3A : memref<!tpu.dma_semaphore, #tpu.memory_space<semaphore_mem>>)
      %dma_wait3A_165 = arith.constant 0 : i32
      %dma_wait3A_166 = tpu.memref_slice %arg7[%add3A_42, %dma_wait3A_165] : memref<10240x128xf32, #tpu.memory_space<vmem_shared>> -> memref<40x128xf32, #tpu.memory_space<vmem_shared>>
      %dma_wait3A_167 = arith.constant 0 : i32
      %dma_wait3A_168 = tpu.memref_slice %arg7[%add3A_42, %dma_wait3A_167] : memref<10240x128xf32, #tpu.memory_space<vmem_shared>> -> memref<40x128xf32, #tpu.memory_space<vmem_shared>>
      tpu.wait_dma2 semaphore(%run_scoped3A : memref<!tpu.dma_semaphore, #tpu.memory_space<semaphore_mem>>) src(%arg12 : memref<40x128xf32, #tpu.memory_space<vmem>>) dst(%dma_wait3A_168 : memref<40x128xf32, #tpu.memory_space<vmem_shared>>)
      tpu.yield
    }) : () -> ()
    %mul3A_43 = arith.constant 640 : i32
    %mul3A_44 = arith.muli %arg1, %mul3A_43 : i32
    %add3A_45 = arith.constant 360 : i32
    %add3A_46 = arith.addi %mul3A_44, %add3A_45 : i32
    "tpu.region"() ({
      %run_scoped3A = tpu.sem_alloc : memref<!tpu.dma_semaphore, #tpu.memory_space<semaphore_mem>>
      %dma_start3A_161 = arith.constant 0 : i32
      %dma_start3A_162 = tpu.memref_slice %arg7[%add3A_46, %dma_start3A_161] : memref<10240x128xf32, #tpu.memory_space<vmem_shared>> -> memref<40x128xf32, #tpu.memory_space<vmem_shared>>
      %dma_start3A_163 = arith.constant 0 : i32
      %dma_start3A_164 = tpu.memref_slice %arg7[%add3A_46, %dma_start3A_163] : memref<10240x128xf32, #tpu.memory_space<vmem_shared>> -> memref<40x128xf32, #tpu.memory_space<vmem_shared>>
      tpu.enqueue_dma source(%arg12 : memref<40x128xf32, #tpu.memory_space<vmem>>) target(%dma_start3A_164 : memref<40x128xf32, #tpu.memory_space<vmem_shared>>) target_semaphore(%run_scoped3A : memref<!tpu.dma_semaphore, #tpu.memory_space<semaphore_mem>>)
      %dma_wait3A_165 = arith.constant 0 : i32
      %dma_wait3A_166 = tpu.memref_slice %arg7[%add3A_46, %dma_wait3A_165] : memref<10240x128xf32, #tpu.memory_space<vmem_shared>> -> memref<40x128xf32, #tpu.memory_space<vmem_shared>>
      %dma_wait3A_167 = arith.constant 0 : i32
      %dma_wait3A_168 = tpu.memref_slice %arg7[%add3A_46, %dma_wait3A_167] : memref<10240x128xf32, #tpu.memory_space<vmem_shared>> -> memref<40x128xf32, #tpu.memory_space<vmem_shared>>
      tpu.wait_dma2 semaphore(%run_scoped3A : memref<!tpu.dma_semaphore, #tpu.memory_space<semaphore_mem>>) src(%arg12 : memref<40x128xf32, #tpu.memory_space<vmem>>) dst(%dma_wait3A_168 : memref<40x128xf32, #tpu.memory_space<vmem_shared>>)
      tpu.yield
    }) : () -> ()
    %mul3A_47 = arith.constant 640 : i32
    %mul3A_48 = arith.muli %arg1, %mul3A_47 : i32
    %add3A_49 = arith.constant 400 : i32
    %add3A_50 = arith.addi %mul3A_48, %add3A_49 : i32
    "tpu.region"() ({
      %run_scoped3A = tpu.sem_alloc : memref<!tpu.dma_semaphore, #tpu.memory_space<semaphore_mem>>
      %dma_start3A_161 = arith.constant 0 : i32
      %dma_start3A_162 = tpu.memref_slice %arg7[%add3A_50, %dma_start3A_161] : memref<10240x128xf32, #tpu.memory_space<vmem_shared>> -> memref<40x128xf32, #tpu.memory_space<vmem_shared>>
      %dma_start3A_163 = arith.constant 0 : i32
      %dma_start3A_164 = tpu.memref_slice %arg7[%add3A_50, %dma_start3A_163] : memref<10240x128xf32, #tpu.memory_space<vmem_shared>> -> memref<40x128xf32, #tpu.memory_space<vmem_shared>>
      tpu.enqueue_dma source(%arg12 : memref<40x128xf32, #tpu.memory_space<vmem>>) target(%dma_start3A_164 : memref<40x128xf32, #tpu.memory_space<vmem_shared>>) target_semaphore(%run_scoped3A : memref<!tpu.dma_semaphore, #tpu.memory_space<semaphore_mem>>)
      %dma_wait3A_165 = arith.constant 0 : i32
      %dma_wait3A_166 = tpu.memref_slice %arg7[%add3A_50, %dma_wait3A_165] : memref<10240x128xf32, #tpu.memory_space<vmem_shared>> -> memref<40x128xf32, #tpu.memory_space<vmem_shared>>
      %dma_wait3A_167 = arith.constant 0 : i32
      %dma_wait3A_168 = tpu.memref_slice %arg7[%add3A_50, %dma_wait3A_167] : memref<10240x128xf32, #tpu.memory_space<vmem_shared>> -> memref<40x128xf32, #tpu.memory_space<vmem_shared>>
      tpu.wait_dma2 semaphore(%run_scoped3A : memref<!tpu.dma_semaphore, #tpu.memory_space<semaphore_mem>>) src(%arg12 : memref<40x128xf32, #tpu.memory_space<vmem>>) dst(%dma_wait3A_168 : memref<40x128xf32, #tpu.memory_space<vmem_shared>>)
      tpu.yield
    }) : () -> ()
    %mul3A_51 = arith.constant 640 : i32
    %mul3A_52 = arith.muli %arg1, %mul3A_51 : i32
    %add3A_53 = arith.constant 440 : i32
    %add3A_54 = arith.addi %mul3A_52, %add3A_53 : i32
    "tpu.region"() ({
      %run_scoped3A = tpu.sem_alloc : memref<!tpu.dma_semaphore, #tpu.memory_space<semaphore_mem>>
      %dma_start3A_161 = arith.constant 0 : i32
      %dma_start3A_162 = tpu.memref_slice %arg7[%add3A_54, %dma_start3A_161] : memref<10240x128xf32, #tpu.memory_space<vmem_shared>> -> memref<40x128xf32, #tpu.memory_space<vmem_shared>>
      %dma_start3A_163 = arith.constant 0 : i32
      %dma_start3A_164 = tpu.memref_slice %arg7[%add3A_54, %dma_start3A_163] : memref<10240x128xf32, #tpu.memory_space<vmem_shared>> -> memref<40x128xf32, #tpu.memory_space<vmem_shared>>
      tpu.enqueue_dma source(%arg12 : memref<40x128xf32, #tpu.memory_space<vmem>>) target(%dma_start3A_164 : memref<40x128xf32, #tpu.memory_space<vmem_shared>>) target_semaphore(%run_scoped3A : memref<!tpu.dma_semaphore, #tpu.memory_space<semaphore_mem>>)
      %dma_wait3A_165 = arith.constant 0 : i32
      %dma_wait3A_166 = tpu.memref_slice %arg7[%add3A_54, %dma_wait3A_165] : memref<10240x128xf32, #tpu.memory_space<vmem_shared>> -> memref<40x128xf32, #tpu.memory_space<vmem_shared>>
      %dma_wait3A_167 = arith.constant 0 : i32
      %dma_wait3A_168 = tpu.memref_slice %arg7[%add3A_54, %dma_wait3A_167] : memref<10240x128xf32, #tpu.memory_space<vmem_shared>> -> memref<40x128xf32, #tpu.memory_space<vmem_shared>>
      tpu.wait_dma2 semaphore(%run_scoped3A : memref<!tpu.dma_semaphore, #tpu.memory_space<semaphore_mem>>) src(%arg12 : memref<40x128xf32, #tpu.memory_space<vmem>>) dst(%dma_wait3A_168 : memref<40x128xf32, #tpu.memory_space<vmem_shared>>)
      tpu.yield
    }) : () -> ()
    %mul3A_55 = arith.constant 640 : i32
    %mul3A_56 = arith.muli %arg1, %mul3A_55 : i32
    %add3A_57 = arith.constant 480 : i32
    %add3A_58 = arith.addi %mul3A_56, %add3A_57 : i32
    "tpu.region"() ({
      %run_scoped3A = tpu.sem_alloc : memref<!tpu.dma_semaphore, #tpu.memory_space<semaphore_mem>>
      %dma_start3A_161 = arith.constant 0 : i32
      %dma_start3A_162 = tpu.memref_slice %arg7[%add3A_58, %dma_start3A_161] : memref<10240x128xf32, #tpu.memory_space<vmem_shared>> -> memref<40x128xf32, #tpu.memory_space<vmem_shared>>
      %dma_start3A_163 = arith.constant 0 : i32
      %dma_start3A_164 = tpu.memref_slice %arg7[%add3A_58, %dma_start3A_163] : memref<10240x128xf32, #tpu.memory_space<vmem_shared>> -> memref<40x128xf32, #tpu.memory_space<vmem_shared>>
      tpu.enqueue_dma source(%arg12 : memref<40x128xf32, #tpu.memory_space<vmem>>) target(%dma_start3A_164 : memref<40x128xf32, #tpu.memory_space<vmem_shared>>) target_semaphore(%run_scoped3A : memref<!tpu.dma_semaphore, #tpu.memory_space<semaphore_mem>>)
      %dma_wait3A_165 = arith.constant 0 : i32
      %dma_wait3A_166 = tpu.memref_slice %arg7[%add3A_58, %dma_wait3A_165] : memref<10240x128xf32, #tpu.memory_space<vmem_shared>> -> memref<40x128xf32, #tpu.memory_space<vmem_shared>>
      %dma_wait3A_167 = arith.constant 0 : i32
      %dma_wait3A_168 = tpu.memref_slice %arg7[%add3A_58, %dma_wait3A_167] : memref<10240x128xf32, #tpu.memory_space<vmem_shared>> -> memref<40x128xf32, #tpu.memory_space<vmem_shared>>
      tpu.wait_dma2 semaphore(%run_scoped3A : memref<!tpu.dma_semaphore, #tpu.memory_space<semaphore_mem>>) src(%arg12 : memref<40x128xf32, #tpu.memory_space<vmem>>) dst(%dma_wait3A_168 : memref<40x128xf32, #tpu.memory_space<vmem_shared>>)
      tpu.yield
    }) : () -> ()
    %mul3A_59 = arith.constant 640 : i32
    %mul3A_60 = arith.muli %arg1, %mul3A_59 : i32
    %add3A_61 = arith.constant 520 : i32
    %add3A_62 = arith.addi %mul3A_60, %add3A_61 : i32
    "tpu.region"() ({
      %run_scoped3A = tpu.sem_alloc : memref<!tpu.dma_semaphore, #tpu.memory_space<semaphore_mem>>
      %dma_start3A_161 = arith.constant 0 : i32
      %dma_start3A_162 = tpu.memref_slice %arg7[%add3A_62, %dma_start3A_161] : memref<10240x128xf32, #tpu.memory_space<vmem_shared>> -> memref<40x128xf32, #tpu.memory_space<vmem_shared>>
      %dma_start3A_163 = arith.constant 0 : i32
      %dma_start3A_164 = tpu.memref_slice %arg7[%add3A_62, %dma_start3A_163] : memref<10240x128xf32, #tpu.memory_space<vmem_shared>> -> memref<40x128xf32, #tpu.memory_space<vmem_shared>>
      tpu.enqueue_dma source(%arg12 : memref<40x128xf32, #tpu.memory_space<vmem>>) target(%dma_start3A_164 : memref<40x128xf32, #tpu.memory_space<vmem_shared>>) target_semaphore(%run_scoped3A : memref<!tpu.dma_semaphore, #tpu.memory_space<semaphore_mem>>)
      %dma_wait3A_165 = arith.constant 0 : i32
      %dma_wait3A_166 = tpu.memref_slice %arg7[%add3A_62, %dma_wait3A_165] : memref<10240x128xf32, #tpu.memory_space<vmem_shared>> -> memref<40x128xf32, #tpu.memory_space<vmem_shared>>
      %dma_wait3A_167 = arith.constant 0 : i32
      %dma_wait3A_168 = tpu.memref_slice %arg7[%add3A_62, %dma_wait3A_167] : memref<10240x128xf32, #tpu.memory_space<vmem_shared>> -> memref<40x128xf32, #tpu.memory_space<vmem_shared>>
      tpu.wait_dma2 semaphore(%run_scoped3A : memref<!tpu.dma_semaphore, #tpu.memory_space<semaphore_mem>>) src(%arg12 : memref<40x128xf32, #tpu.memory_space<vmem>>) dst(%dma_wait3A_168 : memref<40x128xf32, #tpu.memory_space<vmem_shared>>)
      tpu.yield
    }) : () -> ()
    %mul3A_63 = arith.constant 640 : i32
    %mul3A_64 = arith.muli %arg1, %mul3A_63 : i32
    %add3A_65 = arith.constant 560 : i32
    %add3A_66 = arith.addi %mul3A_64, %add3A_65 : i32
    "tpu.region"() ({
      %run_scoped3A = tpu.sem_alloc : memref<!tpu.dma_semaphore, #tpu.memory_space<semaphore_mem>>
      %dma_start3A_161 = arith.constant 0 : i32
      %dma_start3A_162 = tpu.memref_slice %arg7[%add3A_66, %dma_start3A_161] : memref<10240x128xf32, #tpu.memory_space<vmem_shared>> -> memref<40x128xf32, #tpu.memory_space<vmem_shared>>
      %dma_start3A_163 = arith.constant 0 : i32
      %dma_start3A_164 = tpu.memref_slice %arg7[%add3A_66, %dma_start3A_163] : memref<10240x128xf32, #tpu.memory_space<vmem_shared>> -> memref<40x128xf32, #tpu.memory_space<vmem_shared>>
      tpu.enqueue_dma source(%arg12 : memref<40x128xf32, #tpu.memory_space<vmem>>) target(%dma_start3A_164 : memref<40x128xf32, #tpu.memory_space<vmem_shared>>) target_semaphore(%run_scoped3A : memref<!tpu.dma_semaphore, #tpu.memory_space<semaphore_mem>>)
      %dma_wait3A_165 = arith.constant 0 : i32
      %dma_wait3A_166 = tpu.memref_slice %arg7[%add3A_66, %dma_wait3A_165] : memref<10240x128xf32, #tpu.memory_space<vmem_shared>> -> memref<40x128xf32, #tpu.memory_space<vmem_shared>>
      %dma_wait3A_167 = arith.constant 0 : i32
      %dma_wait3A_168 = tpu.memref_slice %arg7[%add3A_66, %dma_wait3A_167] : memref<10240x128xf32, #tpu.memory_space<vmem_shared>> -> memref<40x128xf32, #tpu.memory_space<vmem_shared>>
      tpu.wait_dma2 semaphore(%run_scoped3A : memref<!tpu.dma_semaphore, #tpu.memory_space<semaphore_mem>>) src(%arg12 : memref<40x128xf32, #tpu.memory_space<vmem>>) dst(%dma_wait3A_168 : memref<40x128xf32, #tpu.memory_space<vmem_shared>>)
      tpu.yield
    }) : () -> ()
    %mul3A_67 = arith.constant 640 : i32
    %mul3A_68 = arith.muli %arg1, %mul3A_67 : i32
    %add3A_69 = arith.constant 600 : i32
    %add3A_70 = arith.addi %mul3A_68, %add3A_69 : i32
    "tpu.region"() ({
      %run_scoped3A = tpu.sem_alloc : memref<!tpu.dma_semaphore, #tpu.memory_space<semaphore_mem>>
      %dma_start3A_161 = arith.constant 0 : i32
      %dma_start3A_162 = tpu.memref_slice %arg7[%add3A_70, %dma_start3A_161] : memref<10240x128xf32, #tpu.memory_space<vmem_shared>> -> memref<40x128xf32, #tpu.memory_space<vmem_shared>>
      %dma_start3A_163 = arith.constant 0 : i32
      %dma_start3A_164 = tpu.memref_slice %arg7[%add3A_70, %dma_start3A_163] : memref<10240x128xf32, #tpu.memory_space<vmem_shared>> -> memref<40x128xf32, #tpu.memory_space<vmem_shared>>
      tpu.enqueue_dma source(%arg12 : memref<40x128xf32, #tpu.memory_space<vmem>>) target(%dma_start3A_164 : memref<40x128xf32, #tpu.memory_space<vmem_shared>>) target_semaphore(%run_scoped3A : memref<!tpu.dma_semaphore, #tpu.memory_space<semaphore_mem>>)
      %dma_wait3A_165 = arith.constant 0 : i32
      %dma_wait3A_166 = tpu.memref_slice %arg7[%add3A_70, %dma_wait3A_165] : memref<10240x128xf32, #tpu.memory_space<vmem_shared>> -> memref<40x128xf32, #tpu.memory_space<vmem_shared>>
      %dma_wait3A_167 = arith.constant 0 : i32
      %dma_wait3A_168 = tpu.memref_slice %arg7[%add3A_70, %dma_wait3A_167] : memref<10240x128xf32, #tpu.memory_space<vmem_shared>> -> memref<40x128xf32, #tpu.memory_space<vmem_shared>>
      tpu.wait_dma2 semaphore(%run_scoped3A : memref<!tpu.dma_semaphore, #tpu.memory_space<semaphore_mem>>) src(%arg12 : memref<40x128xf32, #tpu.memory_space<vmem>>) dst(%dma_wait3A_168 : memref<40x128xf32, #tpu.memory_space<vmem_shared>>)
      tpu.yield
    }) : () -> ()
    %barrier3A = arith.constant 0 : index
    tpu.barrier barrier_id(%barrier3A)
    %mul3A_71 = arith.constant 20000 : i32
    %mul3A_72 = arith.muli %arg1, %mul3A_71 : i32
    %add3A_73 = arith.constant 0 : i32
    %add3A_74 = arith.addi %mul3A_72, %add3A_73 : i32
    %mul3A_75 = arith.constant 320000 : i32
    %mul3A_76 = arith.muli %arg0, %mul3A_75 : i32
    %add3A_77 = arith.addi %mul3A_76, %add3A_74 : i32
    %dma_start3A = tpu.memref_slice %arg4[%add3A_74] : memref<320000xi32, #tpu.memory_space<hbm>> -> memref<40xi32, #tpu.memory_space<hbm>>
    %dma_start3A_78 = tpu.memref_slice %arg4[%add3A_74] : memref<320000xi32, #tpu.memory_space<hbm>> -> memref<40xi32, #tpu.memory_space<hbm>>
    tpu.enqueue_dma source(%dma_start3A_78 : memref<40xi32, #tpu.memory_space<hbm>>) target(%arg8 : memref<40xi32, #tpu.memory_space<vmem>>) target_semaphore(%arg21 : memref<!tpu.dma_semaphore, #tpu.memory_space<semaphore_mem>>)
    %dma_start3A_79 = tpu.memref_slice %arg5[%add3A_74] : memref<320000xi32, #tpu.memory_space<hbm>> -> memref<40xi32, #tpu.memory_space<hbm>>
    %dma_start3A_80 = tpu.memref_slice %arg5[%add3A_74] : memref<320000xi32, #tpu.memory_space<hbm>> -> memref<40xi32, #tpu.memory_space<hbm>>
    tpu.enqueue_dma source(%dma_start3A_80 : memref<40xi32, #tpu.memory_space<hbm>>) target(%arg10 : memref<40xi32, #tpu.memory_space<vmem>>) target_semaphore(%arg21 : memref<!tpu.dma_semaphore, #tpu.memory_space<semaphore_mem>>)
    %dma_start3A_81 = arith.constant 0 : i32
    %dma_start3A_82 = tpu.memref_slice %arg3[%add3A_77, %dma_start3A_81] : memref<640000x16xf32, #tpu.memory_space<hbm>> -> memref<40x16xf32, #tpu.memory_space<hbm>>
    %dma_start3A_83 = arith.constant 0 : i32
    %dma_start3A_84 = tpu.memref_slice %arg3[%add3A_77, %dma_start3A_83] : memref<640000x16xf32, #tpu.memory_space<hbm>> -> memref<40x16xf32, #tpu.memory_space<hbm>>
    tpu.enqueue_dma source(%dma_start3A_84 : memref<40x16xf32, #tpu.memory_space<hbm>>) target(%arg14 : memref<40x16xf32, #tpu.memory_space<vmem>>) target_semaphore(%arg21 : memref<!tpu.dma_semaphore, #tpu.memory_space<semaphore_mem>>)
    %mul3A_85 = arith.constant 20000 : i32
    %mul3A_86 = arith.muli %arg1, %mul3A_85 : i32
    %add3A_87 = arith.constant 0 : i32
    %add3A_88 = arith.addi %mul3A_86, %add3A_87 : i32
    %mul3A_89 = arith.constant 320000 : i32
    %mul3A_90 = arith.muli %arg0, %mul3A_89 : i32
    %add3A_91 = arith.addi %mul3A_90, %add3A_88 : i32
    %dma_wait3A = tpu.memref_slice %arg4[%add3A_88] : memref<320000xi32, #tpu.memory_space<hbm>> -> memref<40xi32, #tpu.memory_space<hbm>>
    %dma_wait3A_92 = tpu.memref_slice %arg4[%add3A_88] : memref<320000xi32, #tpu.memory_space<hbm>> -> memref<40xi32, #tpu.memory_space<hbm>>
    tpu.wait_dma2 semaphore(%arg21 : memref<!tpu.dma_semaphore, #tpu.memory_space<semaphore_mem>>) src(%dma_wait3A_92 : memref<40xi32, #tpu.memory_space<hbm>>) dst(%arg8 : memref<40xi32, #tpu.memory_space<vmem>>)
    %dma_wait3A_93 = tpu.memref_slice %arg5[%add3A_88] : memref<320000xi32, #tpu.memory_space<hbm>> -> memref<40xi32, #tpu.memory_space<hbm>>
    %dma_wait3A_94 = tpu.memref_slice %arg5[%add3A_88] : memref<320000xi32, #tpu.memory_space<hbm>> -> memref<40xi32, #tpu.memory_space<hbm>>
    tpu.wait_dma2 semaphore(%arg21 : memref<!tpu.dma_semaphore, #tpu.memory_space<semaphore_mem>>) src(%dma_wait3A_94 : memref<40xi32, #tpu.memory_space<hbm>>) dst(%arg10 : memref<40xi32, #tpu.memory_space<vmem>>)
    %dma_wait3A_95 = arith.constant 0 : i32
    %dma_wait3A_96 = tpu.memref_slice %arg3[%add3A_91, %dma_wait3A_95] : memref<640000x16xf32, #tpu.memory_space<hbm>> -> memref<40x16xf32, #tpu.memory_space<hbm>>
    %dma_wait3A_97 = arith.constant 0 : i32
    %dma_wait3A_98 = tpu.memref_slice %arg3[%add3A_91, %dma_wait3A_97] : memref<640000x16xf32, #tpu.memory_space<hbm>> -> memref<40x16xf32, #tpu.memory_space<hbm>>
    tpu.wait_dma2 semaphore(%arg21 : memref<!tpu.dma_semaphore, #tpu.memory_space<semaphore_mem>>) src(%dma_wait3A_98 : memref<40x16xf32, #tpu.memory_space<hbm>>) dst(%arg14 : memref<40x16xf32, #tpu.memory_space<vmem>>)
    %get3A = arith.constant 0 : index
    %get3A_99 = tpu.vector_load %arg8[%get3A] {strides = array<i32>} : memref<40xi32, #tpu.memory_space<vmem>>, vector<16xi32>,
    %get3A_100 = vector.shape_cast %get3A_99 : vector<16xi32> to vector<16xi32>
    %add3A_101 = vector.broadcast %mul3A_1 : i32 to vector<16xi32>
    %add3A_102 = arith.addi %get3A_100, %add3A_101 : vector<16xi32>
    %swap3A = arith.constant 0 : index
    %swap3A_103 = tpu.vector_load %arg8[%swap3A] {strides = array<i32>} : memref<40xi32, #tpu.memory_space<vmem>>, vector<16xi32>,
    %swap3A_104 = vector.shape_cast %swap3A_103 : vector<16xi32> to vector<16xi32>
    %swap3A_105 = vector.shape_cast %add3A_102 : vector<16xi32> to vector<16xi32>
    tpu.vector_store %arg8[%swap3A], %swap3A_105 {strides = array<i32>} : memref<40xi32, #tpu.memory_space<vmem>>, vector<16xi32>,
    %get3A_106 = arith.constant 16 : index
    %get3A_107 = tpu.vector_load %arg8[%get3A_106] {strides = array<i32>} : memref<40xi32, #tpu.memory_space<vmem>>, vector<16xi32>,
    %get3A_108 = vector.shape_cast %get3A_107 : vector<16xi32> to vector<16xi32>
    %add3A_109 = vector.broadcast %mul3A_1 : i32 to vector<16xi32>
    %add3A_110 = arith.addi %get3A_108, %add3A_109 : vector<16xi32>
    %swap3A_111 = arith.constant 16 : index
    %swap3A_112 = tpu.vector_load %arg8[%swap3A_111] {strides = array<i32>} : memref<40xi32, #tpu.memory_space<vmem>>, vector<16xi32>,
    %swap3A_113 = vector.shape_cast %swap3A_112 : vector<16xi32> to vector<16xi32>
    %swap3A_114 = vector.shape_cast %add3A_110 : vector<16xi32> to vector<16xi32>
    tpu.vector_store %arg8[%swap3A_111], %swap3A_114 {strides = array<i32>} : memref<40xi32, #tpu.memory_space<vmem>>, vector<16xi32>,
    %get3A_115 = arith.constant 24 : index
    %get3A_116 = tpu.vector_load %arg8[%get3A_115] {strides = array<i32>} : memref<40xi32, #tpu.memory_space<vmem>>, vector<16xi32>,
    %get3A_117 = vector.shape_cast %get3A_116 : vector<16xi32> to vector<16xi32>
    %ge3A = arith.constant 8 : i32
    %ge3A_118 = vector.broadcast %ge3A : i32 to vector<16xi32>
    %ge3A_119 = arith.cmpi sge, %iota3A, %ge3A_118 : vector<16xi32>
    %jit3A = arith.constant 0 : i32
    %broadcast_in_dim3A_120 = vector.broadcast %mul3A_1 : i32 to vector<16xi32>
    %broadcast_in_dim3A_121 = vector.broadcast %jit3A : i32 to vector<16xi32>
    %select_n3A = arith.select %ge3A_119, %broadcast_in_dim3A_120, %broadcast_in_dim3A_121 : vector<16xi1>, vector<16xi32>
    %add3A_122 = arith.addi %get3A_117, %select_n3A : vector<16xi32>
    %swap3A_123 = arith.constant 24 : index
    %swap3A_124 = tpu.vector_load %arg8[%swap3A_123] {strides = array<i32>} : memref<40xi32, #tpu.memory_space<vmem>>, vector<16xi32>,
    %swap3A_125 = vector.shape_cast %swap3A_124 : vector<16xi32> to vector<16xi32>
    %swap3A_126 = vector.shape_cast %add3A_122 : vector<16xi32> to vector<16xi32>
    tpu.vector_store %arg8[%swap3A_123], %swap3A_126 {strides = array<i32>} : memref<40xi32, #tpu.memory_space<vmem>>, vector<16xi32>,
    %dma_start3A_127 = arith.constant 0 : i32
    %dma_start3A_128 = arith.constant 0 : i32
    %dma_start3A_129 = tpu.memref_slice %arg2[%dma_start3A_127, %dma_start3A_128] : memref<20000x128xf32, #tpu.memory_space<hbm>> -> memref<20000x128xf32, #tpu.memory_space<hbm>>
    tpu.enqueue_indirect_dma source(%dma_start3A_129 : memref<20000x128xf32, #tpu.memory_space<hbm>>) target(%arg12 : memref<40x128xf32, #tpu.memory_space<vmem>>) offsets(%arg8 : memref<40xi32, #tpu.memory_space<vmem>>) semaphore(%arg19 : memref<!tpu.dma_semaphore, #tpu.memory_space<semaphore_mem>>)
    %mul3A_130 = arith.constant 20000 : i32
    %mul3A_131 = arith.muli %arg1, %mul3A_130 : i32
    %add3A_132 = arith.constant 40 : i32
    %add3A_133 = arith.addi %mul3A_131, %add3A_132 : i32
    %mul3A_134 = arith.constant 320000 : i32
    %mul3A_135 = arith.muli %arg0, %mul3A_134 : i32
    %add3A_136 = arith.addi %mul3A_135, %add3A_133 : i32
    %dma_start3A_137 = tpu.memref_slice %arg4[%add3A_133] : memref<320000xi32, #tpu.memory_space<hbm>> -> memref<40xi32, #tpu.memory_space<hbm>>
    %dma_start3A_138 = tpu.memref_slice %arg4[%add3A_133] : memref<320000xi32, #tpu.memory_space<hbm>> -> memref<40xi32, #tpu.memory_space<hbm>>
    tpu.enqueue_dma source(%dma_start3A_138 : memref<40xi32, #tpu.memory_space<hbm>>) target(%arg9 : memref<40xi32, #tpu.memory_space<vmem>>) target_semaphore(%arg22 : memref<!tpu.dma_semaphore, #tpu.memory_space<semaphore_mem>>)
    %dma_start3A_139 = tpu.memref_slice %arg5[%add3A_133] : memref<320000xi32, #tpu.memory_space<hbm>> -> memref<40xi32, #tpu.memory_space<hbm>>
    %dma_start3A_140 = tpu.memref_slice %arg5[%add3A_133] : memref<320000xi32, #tpu.memory_space<hbm>> -> memref<40xi32, #tpu.memory_space<hbm>>
    tpu.enqueue_dma source(%dma_start3A_140 : memref<40xi32, #tpu.memory_space<hbm>>) target(%arg11 : memref<40xi32, #tpu.memory_space<vmem>>) target_semaphore(%arg22 : memref<!tpu.dma_semaphore, #tpu.memory_space<semaphore_mem>>)
    %dma_start3A_141 = arith.constant 0 : i32
    %dma_start3A_142 = tpu.memref_slice %arg3[%add3A_136, %dma_start3A_141] : memref<640000x16xf32, #tpu.memory_space<hbm>> -> memref<40x16xf32, #tpu.memory_space<hbm>>
    %dma_start3A_143 = arith.constant 0 : i32
    %dma_start3A_144 = tpu.memref_slice %arg3[%add3A_136, %dma_start3A_143] : memref<640000x16xf32, #tpu.memory_space<hbm>> -> memref<40x16xf32, #tpu.memory_space<hbm>>
    tpu.enqueue_dma source(%dma_start3A_144 : memref<40x16xf32, #tpu.memory_space<hbm>>) target(%arg15 : memref<40x16xf32, #tpu.memory_space<vmem>>) target_semaphore(%arg22 : memref<!tpu.dma_semaphore, #tpu.memory_space<semaphore_mem>>)
    %scan3A_145 = arith.constant 0 : i32
    %scan3A_146 = arith.constant 0 : i32
    %scan3A_147 = arith.constant 250 : i32
    %scan3A_148 = arith.addi %scan3A_146, %scan3A_147 : i32
    %scan3A_149 = arith.constant 1 : i32
    %scan3A_150 = scf.for %scan3A_161 = %scan3A_146 to %scan3A_148 step %scan3A_149 iter_args(%scan3A_162 = %scan3A_145) -> (i32)  : i32 {
      %mul3A_163 = arith.constant 2 : i32
      %mul3A_164 = arith.muli %mul3A_163, %scan3A_161 : i32
      %add3A_165 = arith.constant 0 : i32
      %add3A_166 = arith.addi %mul3A_164, %add3A_165 : i32
      %dma_wait3A_167 = arith.constant 0 : i32
      %dma_wait3A_168 = arith.constant 0 : i32
      %dma_wait3A_169 = tpu.memref_slice %arg2[%dma_wait3A_167, %dma_wait3A_168] : memref<20000x128xf32, #tpu.memory_space<hbm>> -> memref<20000x128xf32, #tpu.memory_space<hbm>>
      tpu.wait_indirect_dma semaphore(%arg19 : memref<!tpu.dma_semaphore, #tpu.memory_space<semaphore_mem>>) src(%dma_wait3A_169 : memref<20000x128xf32, #tpu.memory_space<hbm>>) dst(%arg12 : memref<40x128xf32, #tpu.memory_space<vmem>>)
      %add3A_170 = arith.constant 1 : i32
      %add3A_171 = arith.addi %add3A_166, %add3A_170 : i32
      %lt3A = arith.constant 500 : i32
      %lt3A_172 = arith.cmpi slt, %add3A_171, %lt3A : i32
      %convert_element_type3A = arith.extui %lt3A_172 : i1 to i32
      %cond3A = arith.constant 0 : i32
      %cond3A_173 = arith.cmpi ne, %convert_element_type3A, %cond3A : i32
      scf.if %cond3A_173 {
        %add3A_279 = arith.constant 1 : i32
        %add3A_280 = arith.addi %add3A_166, %add3A_279 : i32
        %mul3A_281 = arith.constant 20000 : i32
        %mul3A_282 = arith.muli %arg1, %mul3A_281 : i32
        %mul3A_283 = arith.constant 40 : i32
        %mul3A_284 = arith.muli %add3A_280, %mul3A_283 : i32
        %add3A_285 = arith.addi %mul3A_282, %mul3A_284 : i32
        %mul3A_286 = arith.constant 320000 : i32
        %mul3A_287 = arith.muli %arg0, %mul3A_286 : i32
        %add3A_288 = arith.addi %mul3A_287, %add3A_285 : i32
        %dma_wait3A_289 = tpu.memref_slice %arg4[%add3A_285] : memref<320000xi32, #tpu.memory_space<hbm>> -> memref<40xi32, #tpu.memory_space<hbm>>
        %dma_wait3A_290 = tpu.memref_slice %arg4[%add3A_285] : memref<320000xi32, #tpu.memory_space<hbm>> -> memref<40xi32, #tpu.memory_space<hbm>>
        tpu.wait_dma2 semaphore(%arg22 : memref<!tpu.dma_semaphore, #tpu.memory_space<semaphore_mem>>) src(%dma_wait3A_290 : memref<40xi32, #tpu.memory_space<hbm>>) dst(%arg9 : memref<40xi32, #tpu.memory_space<vmem>>)
        %dma_wait3A_291 = tpu.memref_slice %arg5[%add3A_285] : memref<320000xi32, #tpu.memory_space<hbm>> -> memref<40xi32, #tpu.memory_space<hbm>>
        %dma_wait3A_292 = tpu.memref_slice %arg5[%add3A_285] : memref<320000xi32, #tpu.memory_space<hbm>> -> memref<40xi32, #tpu.memory_space<hbm>>
        tpu.wait_dma2 semaphore(%arg22 : memref<!tpu.dma_semaphore, #tpu.memory_space<semaphore_mem>>) src(%dma_wait3A_292 : memref<40xi32, #tpu.memory_space<hbm>>) dst(%arg11 : memref<40xi32, #tpu.memory_space<vmem>>)
        %dma_wait3A_293 = arith.constant 0 : i32
        %dma_wait3A_294 = tpu.memref_slice %arg3[%add3A_288, %dma_wait3A_293] : memref<640000x16xf32, #tpu.memory_space<hbm>> -> memref<40x16xf32, #tpu.memory_space<hbm>>
        %dma_wait3A_295 = arith.constant 0 : i32
        %dma_wait3A_296 = tpu.memref_slice %arg3[%add3A_288, %dma_wait3A_295] : memref<640000x16xf32, #tpu.memory_space<hbm>> -> memref<40x16xf32, #tpu.memory_space<hbm>>
        tpu.wait_dma2 semaphore(%arg22 : memref<!tpu.dma_semaphore, #tpu.memory_space<semaphore_mem>>) src(%dma_wait3A_296 : memref<40x16xf32, #tpu.memory_space<hbm>>) dst(%arg15 : memref<40x16xf32, #tpu.memory_space<vmem>>)
        %ge3A_297 = arith.constant 1 : i32
        %ge3A_298 = arith.cmpi sge, %scan3A_161, %ge3A_297 : i32
        %convert_element_type3A_299 = arith.extui %ge3A_298 : i1 to i32
        %cond3A_300 = arith.constant 0 : i32
        %cond3A_301 = arith.cmpi ne, %convert_element_type3A_299, %cond3A_300 : i32
        scf.if %cond3A_301 {
          %dma_wait3A_338 = arith.constant 0 : i32
          %dma_wait3A_339 = arith.constant 0 : i32
          %dma_wait3A_340 = tpu.memref_slice %arg7[%dma_wait3A_338, %dma_wait3A_339] : memref<10240x128xf32, #tpu.memory_space<vmem_shared>> -> memref<10240x128xf32, #tpu.memory_space<vmem_shared>>
          tpu.wait_indirect_dma semaphore(%arg24 : memref<!tpu.dma_semaphore, #tpu.memory_space<semaphore_mem>>) src(%arg13 : memref<40x128xf32, #tpu.memory_space<vmem>>) dst(%dma_wait3A_340 : memref<10240x128xf32, #tpu.memory_space<vmem_shared>>)
        } else {
        }
        %get3A_302 = arith.constant 0 : index
        %get3A_303 = tpu.vector_load %arg9[%get3A_302] {strides = array<i32>} : memref<40xi32, #tpu.memory_space<vmem>>, vector<16xi32>,
        %get3A_304 = vector.shape_cast %get3A_303 : vector<16xi32> to vector<16xi32>
        %add3A_305 = vector.broadcast %mul3A_1 : i32 to vector<16xi32>
        %add3A_306 = arith.addi %get3A_304, %add3A_305 : vector<16xi32>
        %swap3A_307 = arith.constant 0 : index
        %swap3A_308 = tpu.vector_load %arg9[%swap3A_307] {strides = array<i32>} : memref<40xi32, #tpu.memory_space<vmem>>, vector<16xi32>,
        %swap3A_309 = vector.shape_cast %swap3A_308 : vector<16xi32> to vector<16xi32>
        %swap3A_310 = vector.shape_cast %add3A_306 : vector<16xi32> to vector<16xi32>
        tpu.vector_store %arg9[%swap3A_307], %swap3A_310 {strides = array<i32>} : memref<40xi32, #tpu.memory_space<vmem>>, vector<16xi32>,
        %get3A_311 = arith.constant 16 : index
        %get3A_312 = tpu.vector_load %arg9[%get3A_311] {strides = array<i32>} : memref<40xi32, #tpu.memory_space<vmem>>, vector<16xi32>,
        %get3A_313 = vector.shape_cast %get3A_312 : vector<16xi32> to vector<16xi32>
        %add3A_314 = vector.broadcast %mul3A_1 : i32 to vector<16xi32>
        %add3A_315 = arith.addi %get3A_313, %add3A_314 : vector<16xi32>
        %swap3A_316 = arith.constant 16 : index
        %swap3A_317 = tpu.vector_load %arg9[%swap3A_316] {strides = array<i32>} : memref<40xi32, #tpu.memory_space<vmem>>, vector<16xi32>,
        %swap3A_318 = vector.shape_cast %swap3A_317 : vector<16xi32> to vector<16xi32>
        %swap3A_319 = vector.shape_cast %add3A_315 : vector<16xi32> to vector<16xi32>
        tpu.vector_store %arg9[%swap3A_316], %swap3A_319 {strides = array<i32>} : memref<40xi32, #tpu.memory_space<vmem>>, vector<16xi32>,
        %get3A_320 = arith.constant 24 : index
        %get3A_321 = tpu.vector_load %arg9[%get3A_320] {strides = array<i32>} : memref<40xi32, #tpu.memory_space<vmem>>, vector<16xi32>,
        %get3A_322 = vector.shape_cast %get3A_321 : vector<16xi32> to vector<16xi32>
        %ge3A_323 = arith.constant 8 : i32
        %ge3A_324 = vector.broadcast %ge3A_323 : i32 to vector<16xi32>
        %ge3A_325 = arith.cmpi sge, %iota3A, %ge3A_324 : vector<16xi32>
        %jit3A_326 = arith.constant 0 : i32
        %broadcast_in_dim3A_327 = vector.broadcast %mul3A_1 : i32 to vector<16xi32>
        %broadcast_in_dim3A_328 = vector.broadcast %jit3A_326 : i32 to vector<16xi32>
        %select_n3A_329 = arith.select %ge3A_325, %broadcast_in_dim3A_327, %broadcast_in_dim3A_328 : vector<16xi1>, vector<16xi32>
        %add3A_330 = arith.addi %get3A_322, %select_n3A_329 : vector<16xi32>
        %swap3A_331 = arith.constant 24 : index
        %swap3A_332 = tpu.vector_load %arg9[%swap3A_331] {strides = array<i32>} : memref<40xi32, #tpu.memory_space<vmem>>, vector<16xi32>,
        %swap3A_333 = vector.shape_cast %swap3A_332 : vector<16xi32> to vector<16xi32>
        %swap3A_334 = vector.shape_cast %add3A_330 : vector<16xi32> to vector<16xi32>
        tpu.vector_store %arg9[%swap3A_331], %swap3A_334 {strides = array<i32>} : memref<40xi32, #tpu.memory_space<vmem>>, vector<16xi32>,
        %dma_start3A_335 = arith.constant 0 : i32
        %dma_start3A_336 = arith.constant 0 : i32
        %dma_start3A_337 = tpu.memref_slice %arg2[%dma_start3A_335, %dma_start3A_336] : memref<20000x128xf32, #tpu.memory_space<hbm>> -> memref<20000x128xf32, #tpu.memory_space<hbm>>
        tpu.enqueue_indirect_dma source(%dma_start3A_337 : memref<20000x128xf32, #tpu.memory_space<hbm>>) target(%arg13 : memref<40x128xf32, #tpu.memory_space<vmem>>) offsets(%arg9 : memref<40xi32, #tpu.memory_space<vmem>>) semaphore(%arg20 : memref<!tpu.dma_semaphore, #tpu.memory_space<semaphore_mem>>)
      } else {
      }
      %scan3A_174 = arith.constant 0 : i32
      %scan3A_175 = arith.constant 0 : i32
      %scan3A_176 = arith.constant 5 : i32
      %scan3A_177 = arith.addi %scan3A_175, %scan3A_176 : i32
      %scan3A_178 = arith.constant 1 : i32
      %scan3A_179 = scf.for %scan3A_279 = %scan3A_175 to %scan3A_177 step %scan3A_178 iter_args(%scan3A_280 = %scan3A_174) -> (i32)  : i32 {
        %mul3A_281 = arith.constant 8 : i32
        %mul3A_282 = arith.muli %scan3A_279, %mul3A_281 : i32
        %add3A_283 = arith.constant 0 : i32
        %add3A_284 = arith.addi %mul3A_282, %add3A_283 : i32
        %get3A_285 = arith.index_cast %add3A_284 : i32 to index
        %get3A_286 = arith.constant 64 : index
        %get3A_287 = tpu.vector_load %arg12[%get3A_285, %get3A_286] {strides = array<i32>} : memref<40x128xf32, #tpu.memory_space<vmem>>, vector<1x16xf32>,
        %get3A_288 = vector.shape_cast %get3A_287 : vector<1x16xf32> to vector<16xf32>
        %add3A_289 = arith.constant 0 : i32
        %add3A_290 = arith.addi %mul3A_282, %add3A_289 : i32
        %get3A_291 = arith.index_cast %add3A_290 : i32 to index
        %get3A_292 = arith.constant 0 : index
        %get3A_293 = tpu.vector_load %arg14[%get3A_291, %get3A_292] {strides = array<i32>} : memref<40x16xf32, #tpu.memory_space<vmem>>, vector<1x16xf32>,
        %get3A_294 = vector.shape_cast %get3A_293 : vector<1x16xf32> to vector<16xf32>
        %add3A_295 = arith.addf %get3A_288, %get3A_294 : vector<16xf32>
        %lt3A_296 = arith.constant 4 : i32
        %lt3A_297 = vector.broadcast %lt3A_296 : i32 to vector<16xi32>
        %lt3A_298 = arith.cmpi slt, %iota3A, %lt3A_297 : vector<16xi32>
        %mul3A_299 = arith.constant 0.00999999977 : f32
        %mul3A_300 = vector.broadcast %mul3A_299 : f32 to vector<16xf32>
        %mul3A_301 = arith.mulf %mul3A_300, %add3A_295 : vector<16xf32>
        %max3A = arith.maximumf %add3A_295, %mul3A_301 : vector<16xf32>
        %exp3A = math.exp %max3A : vector<16xf32>
        %jit3A_302 = arith.constant 0.000000e+00 : f32
        %broadcast_in_dim3A_303 = vector.broadcast %jit3A_302 : f32 to vector<16xf32>
        %select_n3A_304 = arith.select %lt3A_298, %exp3A, %broadcast_in_dim3A_303 : vector<16xi1>, vector<16xf32>
        %add3A_305 = arith.constant 0 : i32
        %add3A_306 = arith.addi %mul3A_282, %add3A_305 : i32
        %swap3A_307 = arith.index_cast %add3A_306 : i32 to index
        %swap3A_308 = arith.constant 0 : index
        %swap3A_309 = tpu.vector_load %arg16[%swap3A_307, %swap3A_308] {strides = array<i32>} : memref<40x16xf32, #tpu.memory_space<vmem>>, vector<1x16xf32>,
        %swap3A_310 = vector.shape_cast %swap3A_309 : vector<1x16xf32> to vector<16xf32>
        %swap3A_311 = vector.shape_cast %select_n3A_304 : vector<16xf32> to vector<1x16xf32>
        tpu.vector_store %arg16[%swap3A_307, %swap3A_308], %swap3A_311 {strides = array<i32>} : memref<40x16xf32, #tpu.memory_space<vmem>>, vector<1x16xf32>,
        %add3A_312 = arith.constant 1 : i32
        %add3A_313 = arith.addi %mul3A_282, %add3A_312 : i32
        %get3A_314 = arith.index_cast %add3A_313 : i32 to index
        %get3A_315 = arith.constant 64 : index
        %get3A_316 = tpu.vector_load %arg12[%get3A_314, %get3A_315] {strides = array<i32>} : memref<40x128xf32, #tpu.memory_space<vmem>>, vector<1x16xf32>,
        %get3A_317 = vector.shape_cast %get3A_316 : vector<1x16xf32> to vector<16xf32>
        %add3A_318 = arith.constant 1 : i32
        %add3A_319 = arith.addi %mul3A_282, %add3A_318 : i32
        %get3A_320 = arith.index_cast %add3A_319 : i32 to index
        %get3A_321 = arith.constant 0 : index
        %get3A_322 = tpu.vector_load %arg14[%get3A_320, %get3A_321] {strides = array<i32>} : memref<40x16xf32, #tpu.memory_space<vmem>>, vector<1x16xf32>,
        %get3A_323 = vector.shape_cast %get3A_322 : vector<1x16xf32> to vector<16xf32>
        %add3A_324 = arith.addf %get3A_317, %get3A_323 : vector<16xf32>
        %lt3A_325 = arith.constant 4 : i32
        %lt3A_326 = vector.broadcast %lt3A_325 : i32 to vector<16xi32>
        %lt3A_327 = arith.cmpi slt, %iota3A, %lt3A_326 : vector<16xi32>
        %mul3A_328 = arith.constant 0.00999999977 : f32
        %mul3A_329 = vector.broadcast %mul3A_328 : f32 to vector<16xf32>
        %mul3A_330 = arith.mulf %mul3A_329, %add3A_324 : vector<16xf32>
        %max3A_331 = arith.maximumf %add3A_324, %mul3A_330 : vector<16xf32>
        %exp3A_332 = math.exp %max3A_331 : vector<16xf32>
        %jit3A_333 = arith.constant 0.000000e+00 : f32
        %broadcast_in_dim3A_334 = vector.broadcast %jit3A_333 : f32 to vector<16xf32>
        %select_n3A_335 = arith.select %lt3A_327, %exp3A_332, %broadcast_in_dim3A_334 : vector<16xi1>, vector<16xf32>
        %add3A_336 = arith.constant 1 : i32
        %add3A_337 = arith.addi %mul3A_282, %add3A_336 : i32
        %swap3A_338 = arith.index_cast %add3A_337 : i32 to index
        %swap3A_339 = arith.constant 0 : index
        %swap3A_340 = tpu.vector_load %arg16[%swap3A_338, %swap3A_339] {strides = array<i32>} : memref<40x16xf32, #tpu.memory_space<vmem>>, vector<1x16xf32>,
        %swap3A_341 = vector.shape_cast %swap3A_340 : vector<1x16xf32> to vector<16xf32>
        %swap3A_342 = vector.shape_cast %select_n3A_335 : vector<16xf32> to vector<1x16xf32>
        tpu.vector_store %arg16[%swap3A_338, %swap3A_339], %swap3A_342 {strides = array<i32>} : memref<40x16xf32, #tpu.memory_space<vmem>>, vector<1x16xf32>,
        %add3A_343 = arith.constant 2 : i32
        %add3A_344 = arith.addi %mul3A_282, %add3A_343 : i32
        %get3A_345 = arith.index_cast %add3A_344 : i32 to index
        %get3A_346 = arith.constant 64 : index
        %get3A_347 = tpu.vector_load %arg12[%get3A_345, %get3A_346] {strides = array<i32>} : memref<40x128xf32, #tpu.memory_space<vmem>>, vector<1x16xf32>,
        %get3A_348 = vector.shape_cast %get3A_347 : vector<1x16xf32> to vector<16xf32>
        %add3A_349 = arith.constant 2 : i32
        %add3A_350 = arith.addi %mul3A_282, %add3A_349 : i32
        %get3A_351 = arith.index_cast %add3A_350 : i32 to index
        %get3A_352 = arith.constant 0 : index
        %get3A_353 = tpu.vector_load %arg14[%get3A_351, %get3A_352] {strides = array<i32>} : memref<40x16xf32, #tpu.memory_space<vmem>>, vector<1x16xf32>,
        %get3A_354 = vector.shape_cast %get3A_353 : vector<1x16xf32> to vector<16xf32>
        %add3A_355 = arith.addf %get3A_348, %get3A_354 : vector<16xf32>
        %lt3A_356 = arith.constant 4 : i32
        %lt3A_357 = vector.broadcast %lt3A_356 : i32 to vector<16xi32>
        %lt3A_358 = arith.cmpi slt, %iota3A, %lt3A_357 : vector<16xi32>
        %mul3A_359 = arith.constant 0.00999999977 : f32
        %mul3A_360 = vector.broadcast %mul3A_359 : f32 to vector<16xf32>
        %mul3A_361 = arith.mulf %mul3A_360, %add3A_355 : vector<16xf32>
        %max3A_362 = arith.maximumf %add3A_355, %mul3A_361 : vector<16xf32>
        %exp3A_363 = math.exp %max3A_362 : vector<16xf32>
        %jit3A_364 = arith.constant 0.000000e+00 : f32
        %broadcast_in_dim3A_365 = vector.broadcast %jit3A_364 : f32 to vector<16xf32>
        %select_n3A_366 = arith.select %lt3A_358, %exp3A_363, %broadcast_in_dim3A_365 : vector<16xi1>, vector<16xf32>
        %add3A_367 = arith.constant 2 : i32
        %add3A_368 = arith.addi %mul3A_282, %add3A_367 : i32
        %swap3A_369 = arith.index_cast %add3A_368 : i32 to index
        %swap3A_370 = arith.constant 0 : index
        %swap3A_371 = tpu.vector_load %arg16[%swap3A_369, %swap3A_370] {strides = array<i32>} : memref<40x16xf32, #tpu.memory_space<vmem>>, vector<1x16xf32>,
        %swap3A_372 = vector.shape_cast %swap3A_371 : vector<1x16xf32> to vector<16xf32>
        %swap3A_373 = vector.shape_cast %select_n3A_366 : vector<16xf32> to vector<1x16xf32>
        tpu.vector_store %arg16[%swap3A_369, %swap3A_370], %swap3A_373 {strides = array<i32>} : memref<40x16xf32, #tpu.memory_space<vmem>>, vector<1x16xf32>,
        %add3A_374 = arith.constant 3 : i32
        %add3A_375 = arith.addi %mul3A_282, %add3A_374 : i32
        %get3A_376 = arith.index_cast %add3A_375 : i32 to index
        %get3A_377 = arith.constant 64 : index
        %get3A_378 = tpu.vector_load %arg12[%get3A_376, %get3A_377] {strides = array<i32>} : memref<40x128xf32, #tpu.memory_space<vmem>>, vector<1x16xf32>,
        %get3A_379 = vector.shape_cast %get3A_378 : vector<1x16xf32> to vector<16xf32>
        %add3A_380 = arith.constant 3 : i32
        %add3A_381 = arith.addi %mul3A_282, %add3A_380 : i32
        %get3A_382 = arith.index_cast %add3A_381 : i32 to index
        %get3A_383 = arith.constant 0 : index
        %get3A_384 = tpu.vector_load %arg14[%get3A_382, %get3A_383] {strides = array<i32>} : memref<40x16xf32, #tpu.memory_space<vmem>>, vector<1x16xf32>,
        %get3A_385 = vector.shape_cast %get3A_384 : vector<1x16xf32> to vector<16xf32>
        %add3A_386 = arith.addf %get3A_379, %get3A_385 : vector<16xf32>
        %lt3A_387 = arith.constant 4 : i32
        %lt3A_388 = vector.broadcast %lt3A_387 : i32 to vector<16xi32>
        %lt3A_389 = arith.cmpi slt, %iota3A, %lt3A_388 : vector<16xi32>
        %mul3A_390 = arith.constant 0.00999999977 : f32
        %mul3A_391 = vector.broadcast %mul3A_390 : f32 to vector<16xf32>
        %mul3A_392 = arith.mulf %mul3A_391, %add3A_386 : vector<16xf32>
        %max3A_393 = arith.maximumf %add3A_386, %mul3A_392 : vector<16xf32>
        %exp3A_394 = math.exp %max3A_393 : vector<16xf32>
        %jit3A_395 = arith.constant 0.000000e+00 : f32
        %broadcast_in_dim3A_396 = vector.broadcast %jit3A_395 : f32 to vector<16xf32>
        %select_n3A_397 = arith.select %lt3A_389, %exp3A_394, %broadcast_in_dim3A_396 : vector<16xi1>, vector<16xf32>
        %add3A_398 = arith.constant 3 : i32
        %add3A_399 = arith.addi %mul3A_282, %add3A_398 : i32
        %swap3A_400 = arith.index_cast %add3A_399 : i32 to index
        %swap3A_401 = arith.constant 0 : index
        %swap3A_402 = tpu.vector_load %arg16[%swap3A_400, %swap3A_401] {strides = array<i32>} : memref<40x16xf32, #tpu.memory_space<vmem>>, vector<1x16xf32>,
        %swap3A_403 = vector.shape_cast %swap3A_402 : vector<1x16xf32> to vector<16xf32>
        %swap3A_404 = vector.shape_cast %select_n3A_397 : vector<16xf32> to vector<1x16xf32>
        tpu.vector_store %arg16[%swap3A_400, %swap3A_401], %swap3A_404 {strides = array<i32>} : memref<40x16xf32, #tpu.memory_space<vmem>>, vector<1x16xf32>,
        %add3A_405 = arith.constant 4 : i32
        %add3A_406 = arith.addi %mul3A_282, %add3A_405 : i32
        %get3A_407 = arith.index_cast %add3A_406 : i32 to index
        %get3A_408 = arith.constant 64 : index
        %get3A_409 = tpu.vector_load %arg12[%get3A_407, %get3A_408] {strides = array<i32>} : memref<40x128xf32, #tpu.memory_space<vmem>>, vector<1x16xf32>,
        %get3A_410 = vector.shape_cast %get3A_409 : vector<1x16xf32> to vector<16xf32>
        %add3A_411 = arith.constant 4 : i32
        %add3A_412 = arith.addi %mul3A_282, %add3A_411 : i32
        %get3A_413 = arith.index_cast %add3A_412 : i32 to index
        %get3A_414 = arith.constant 0 : index
        %get3A_415 = tpu.vector_load %arg14[%get3A_413, %get3A_414] {strides = array<i32>} : memref<40x16xf32, #tpu.memory_space<vmem>>, vector<1x16xf32>,
        %get3A_416 = vector.shape_cast %get3A_415 : vector<1x16xf32> to vector<16xf32>
        %add3A_417 = arith.addf %get3A_410, %get3A_416 : vector<16xf32>
        %lt3A_418 = arith.constant 4 : i32
        %lt3A_419 = vector.broadcast %lt3A_418 : i32 to vector<16xi32>
        %lt3A_420 = arith.cmpi slt, %iota3A, %lt3A_419 : vector<16xi32>
        %mul3A_421 = arith.constant 0.00999999977 : f32
        %mul3A_422 = vector.broadcast %mul3A_421 : f32 to vector<16xf32>
        %mul3A_423 = arith.mulf %mul3A_422, %add3A_417 : vector<16xf32>
        %max3A_424 = arith.maximumf %add3A_417, %mul3A_423 : vector<16xf32>
        %exp3A_425 = math.exp %max3A_424 : vector<16xf32>
        %jit3A_426 = arith.constant 0.000000e+00 : f32
        %broadcast_in_dim3A_427 = vector.broadcast %jit3A_426 : f32 to vector<16xf32>
        %select_n3A_428 = arith.select %lt3A_420, %exp3A_425, %broadcast_in_dim3A_427 : vector<16xi1>, vector<16xf32>
        %add3A_429 = arith.constant 4 : i32
        %add3A_430 = arith.addi %mul3A_282, %add3A_429 : i32
        %swap3A_431 = arith.index_cast %add3A_430 : i32 to index
        %swap3A_432 = arith.constant 0 : index
        %swap3A_433 = tpu.vector_load %arg16[%swap3A_431, %swap3A_432] {strides = array<i32>} : memref<40x16xf32, #tpu.memory_space<vmem>>, vector<1x16xf32>,
        %swap3A_434 = vector.shape_cast %swap3A_433 : vector<1x16xf32> to vector<16xf32>
        %swap3A_435 = vector.shape_cast %select_n3A_428 : vector<16xf32> to vector<1x16xf32>
        tpu.vector_store %arg16[%swap3A_431, %swap3A_432], %swap3A_435 {strides = array<i32>} : memref<40x16xf32, #tpu.memory_space<vmem>>, vector<1x16xf32>,
        %add3A_436 = arith.constant 5 : i32
        %add3A_437 = arith.addi %mul3A_282, %add3A_436 : i32
        %get3A_438 = arith.index_cast %add3A_437 : i32 to index
        %get3A_439 = arith.constant 64 : index
        %get3A_440 = tpu.vector_load %arg12[%get3A_438, %get3A_439] {strides = array<i32>} : memref<40x128xf32, #tpu.memory_space<vmem>>, vector<1x16xf32>,
        %get3A_441 = vector.shape_cast %get3A_440 : vector<1x16xf32> to vector<16xf32>
        %add3A_442 = arith.constant 5 : i32
        %add3A_443 = arith.addi %mul3A_282, %add3A_442 : i32
        %get3A_444 = arith.index_cast %add3A_443 : i32 to index
        %get3A_445 = arith.constant 0 : index
        %get3A_446 = tpu.vector_load %arg14[%get3A_444, %get3A_445] {strides = array<i32>} : memref<40x16xf32, #tpu.memory_space<vmem>>, vector<1x16xf32>,
        %get3A_447 = vector.shape_cast %get3A_446 : vector<1x16xf32> to vector<16xf32>
        %add3A_448 = arith.addf %get3A_441, %get3A_447 : vector<16xf32>
        %lt3A_449 = arith.constant 4 : i32
        %lt3A_450 = vector.broadcast %lt3A_449 : i32 to vector<16xi32>
        %lt3A_451 = arith.cmpi slt, %iota3A, %lt3A_450 : vector<16xi32>
        %mul3A_452 = arith.constant 0.00999999977 : f32
        %mul3A_453 = vector.broadcast %mul3A_452 : f32 to vector<16xf32>
        %mul3A_454 = arith.mulf %mul3A_453, %add3A_448 : vector<16xf32>
        %max3A_455 = arith.maximumf %add3A_448, %mul3A_454 : vector<16xf32>
        %exp3A_456 = math.exp %max3A_455 : vector<16xf32>
        %jit3A_457 = arith.constant 0.000000e+00 : f32
        %broadcast_in_dim3A_458 = vector.broadcast %jit3A_457 : f32 to vector<16xf32>
        %select_n3A_459 = arith.select %lt3A_451, %exp3A_456, %broadcast_in_dim3A_458 : vector<16xi1>, vector<16xf32>
        %add3A_460 = arith.constant 5 : i32
        %add3A_461 = arith.addi %mul3A_282, %add3A_460 : i32
        %swap3A_462 = arith.index_cast %add3A_461 : i32 to index
        %swap3A_463 = arith.constant 0 : index
        %swap3A_464 = tpu.vector_load %arg16[%swap3A_462, %swap3A_463] {strides = array<i32>} : memref<40x16xf32, #tpu.memory_space<vmem>>, vector<1x16xf32>,
        %swap3A_465 = vector.shape_cast %swap3A_464 : vector<1x16xf32> to vector<16xf32>
        %swap3A_466 = vector.shape_cast %select_n3A_459 : vector<16xf32> to vector<1x16xf32>
        tpu.vector_store %arg16[%swap3A_462, %swap3A_463], %swap3A_466 {strides = array<i32>} : memref<40x16xf32, #tpu.memory_space<vmem>>, vector<1x16xf32>,
        %add3A_467 = arith.constant 6 : i32
        %add3A_468 = arith.addi %mul3A_282, %add3A_467 : i32
        %get3A_469 = arith.index_cast %add3A_468 : i32 to index
        %get3A_470 = arith.constant 64 : index
        %get3A_471 = tpu.vector_load %arg12[%get3A_469, %get3A_470] {strides = array<i32>} : memref<40x128xf32, #tpu.memory_space<vmem>>, vector<1x16xf32>,
        %get3A_472 = vector.shape_cast %get3A_471 : vector<1x16xf32> to vector<16xf32>
        %add3A_473 = arith.constant 6 : i32
        %add3A_474 = arith.addi %mul3A_282, %add3A_473 : i32
        %get3A_475 = arith.index_cast %add3A_474 : i32 to index
        %get3A_476 = arith.constant 0 : index
        %get3A_477 = tpu.vector_load %arg14[%get3A_475, %get3A_476] {strides = array<i32>} : memref<40x16xf32, #tpu.memory_space<vmem>>, vector<1x16xf32>,
        %get3A_478 = vector.shape_cast %get3A_477 : vector<1x16xf32> to vector<16xf32>
        %add3A_479 = arith.addf %get3A_472, %get3A_478 : vector<16xf32>
        %lt3A_480 = arith.constant 4 : i32
        %lt3A_481 = vector.broadcast %lt3A_480 : i32 to vector<16xi32>
        %lt3A_482 = arith.cmpi slt, %iota3A, %lt3A_481 : vector<16xi32>
        %mul3A_483 = arith.constant 0.00999999977 : f32
        %mul3A_484 = vector.broadcast %mul3A_483 : f32 to vector<16xf32>
        %mul3A_485 = arith.mulf %mul3A_484, %add3A_479 : vector<16xf32>
        %max3A_486 = arith.maximumf %add3A_479, %mul3A_485 : vector<16xf32>
        %exp3A_487 = math.exp %max3A_486 : vector<16xf32>
        %jit3A_488 = arith.constant 0.000000e+00 : f32
        %broadcast_in_dim3A_489 = vector.broadcast %jit3A_488 : f32 to vector<16xf32>
        %select_n3A_490 = arith.select %lt3A_482, %exp3A_487, %broadcast_in_dim3A_489 : vector<16xi1>, vector<16xf32>
        %add3A_491 = arith.constant 6 : i32
        %add3A_492 = arith.addi %mul3A_282, %add3A_491 : i32
        %swap3A_493 = arith.index_cast %add3A_492 : i32 to index
        %swap3A_494 = arith.constant 0 : index
        %swap3A_495 = tpu.vector_load %arg16[%swap3A_493, %swap3A_494] {strides = array<i32>} : memref<40x16xf32, #tpu.memory_space<vmem>>, vector<1x16xf32>,
        %swap3A_496 = vector.shape_cast %swap3A_495 : vector<1x16xf32> to vector<16xf32>
        %swap3A_497 = vector.shape_cast %select_n3A_490 : vector<16xf32> to vector<1x16xf32>
        tpu.vector_store %arg16[%swap3A_493, %swap3A_494], %swap3A_497 {strides = array<i32>} : memref<40x16xf32, #tpu.memory_space<vmem>>, vector<1x16xf32>,
        %add3A_498 = arith.constant 7 : i32
        %add3A_499 = arith.addi %mul3A_282, %add3A_498 : i32
        %get3A_500 = arith.index_cast %add3A_499 : i32 to index
        %get3A_501 = arith.constant 64 : index
        %get3A_502 = tpu.vector_load %arg12[%get3A_500, %get3A_501] {strides = array<i32>} : memref<40x128xf32, #tpu.memory_space<vmem>>, vector<1x16xf32>,
        %get3A_503 = vector.shape_cast %get3A_502 : vector<1x16xf32> to vector<16xf32>
        %add3A_504 = arith.constant 7 : i32
        %add3A_505 = arith.addi %mul3A_282, %add3A_504 : i32
        %get3A_506 = arith.index_cast %add3A_505 : i32 to index
        %get3A_507 = arith.constant 0 : index
        %get3A_508 = tpu.vector_load %arg14[%get3A_506, %get3A_507] {strides = array<i32>} : memref<40x16xf32, #tpu.memory_space<vmem>>, vector<1x16xf32>,
        %get3A_509 = vector.shape_cast %get3A_508 : vector<1x16xf32> to vector<16xf32>
        %add3A_510 = arith.addf %get3A_503, %get3A_509 : vector<16xf32>
        %lt3A_511 = arith.constant 4 : i32
        %lt3A_512 = vector.broadcast %lt3A_511 : i32 to vector<16xi32>
        %lt3A_513 = arith.cmpi slt, %iota3A, %lt3A_512 : vector<16xi32>
        %mul3A_514 = arith.constant 0.00999999977 : f32
        %mul3A_515 = vector.broadcast %mul3A_514 : f32 to vector<16xf32>
        %mul3A_516 = arith.mulf %mul3A_515, %add3A_510 : vector<16xf32>
        %max3A_517 = arith.maximumf %add3A_510, %mul3A_516 : vector<16xf32>
        %exp3A_518 = math.exp %max3A_517 : vector<16xf32>
        %jit3A_519 = arith.constant 0.000000e+00 : f32
        %broadcast_in_dim3A_520 = vector.broadcast %jit3A_519 : f32 to vector<16xf32>
        %select_n3A_521 = arith.select %lt3A_513, %exp3A_518, %broadcast_in_dim3A_520 : vector<16xi1>, vector<16xf32>
        %add3A_522 = arith.constant 7 : i32
        %add3A_523 = arith.addi %mul3A_282, %add3A_522 : i32
        %swap3A_524 = arith.index_cast %add3A_523 : i32 to index
        %swap3A_525 = arith.constant 0 : index
        %swap3A_526 = tpu.vector_load %arg16[%swap3A_524, %swap3A_525] {strides = array<i32>} : memref<40x16xf32, #tpu.memory_space<vmem>>, vector<1x16xf32>,
        %swap3A_527 = vector.shape_cast %swap3A_526 : vector<1x16xf32> to vector<16xf32>
        %swap3A_528 = vector.shape_cast %select_n3A_521 : vector<16xf32> to vector<1x16xf32>
        tpu.vector_store %arg16[%swap3A_524, %swap3A_525], %swap3A_528 {strides = array<i32>} : memref<40x16xf32, #tpu.memory_space<vmem>>, vector<1x16xf32>,
        %scan3A_529 = arith.constant 0 : i32
        scf.yield %scan3A_529 : i32
      }
      %scan3A_180 = arith.constant 5 : i32
      %get3A_181 = arith.constant 0 : index
      %get3A_182 = tpu.vector_load %arg10[%get3A_181] {strides = array<i32>} : memref<40xi32, #tpu.memory_space<vmem>>, vector<16xi32>,
      %get3A_183 = vector.shape_cast %get3A_182 : vector<16xi32> to vector<16xi32>
      %swap3A_184 = arith.constant 0 : index
      %swap3A_185 = tpu.vector_load %arg17[%swap3A_184] {strides = array<i32>} : memref<40xi32, #tpu.memory_space<vmem>>, vector<16xi32>,
      %swap3A_186 = vector.shape_cast %swap3A_185 : vector<16xi32> to vector<16xi32>
      %swap3A_187 = vector.shape_cast %get3A_183 : vector<16xi32> to vector<16xi32>
      tpu.vector_store %arg17[%swap3A_184], %swap3A_187 {strides = array<i32>} : memref<40xi32, #tpu.memory_space<vmem>>, vector<16xi32>,
      %get3A_188 = arith.constant 16 : index
      %get3A_189 = tpu.vector_load %arg10[%get3A_188] {strides = array<i32>} : memref<40xi32, #tpu.memory_space<vmem>>, vector<16xi32>,
      %get3A_190 = vector.shape_cast %get3A_189 : vector<16xi32> to vector<16xi32>
      %swap3A_191 = arith.constant 16 : index
      %swap3A_192 = tpu.vector_load %arg17[%swap3A_191] {strides = array<i32>} : memref<40xi32, #tpu.memory_space<vmem>>, vector<16xi32>,
      %swap3A_193 = vector.shape_cast %swap3A_192 : vector<16xi32> to vector<16xi32>
      %swap3A_194 = vector.shape_cast %get3A_190 : vector<16xi32> to vector<16xi32>
      tpu.vector_store %arg17[%swap3A_191], %swap3A_194 {strides = array<i32>} : memref<40xi32, #tpu.memory_space<vmem>>, vector<16xi32>,
      %get3A_195 = arith.constant 24 : index
      %get3A_196 = tpu.vector_load %arg10[%get3A_195] {strides = array<i32>} : memref<40xi32, #tpu.memory_space<vmem>>, vector<16xi32>,
      %get3A_197 = vector.shape_cast %get3A_196 : vector<16xi32> to vector<16xi32>
      %swap3A_198 = arith.constant 24 : index
      %swap3A_199 = tpu.vector_load %arg17[%swap3A_198] {strides = array<i32>} : memref<40xi32, #tpu.memory_space<vmem>>, vector<16xi32>,
      %swap3A_200 = vector.shape_cast %swap3A_199 : vector<16xi32> to vector<16xi32>
      %swap3A_201 = vector.shape_cast %get3A_197 : vector<16xi32> to vector<16xi32>
      tpu.vector_store %arg17[%swap3A_198], %swap3A_201 {strides = array<i32>} : memref<40xi32, #tpu.memory_space<vmem>>, vector<16xi32>,
      %add3A_202 = arith.constant 2 : i32
      %add3A_203 = arith.addi %add3A_166, %add3A_202 : i32
      %lt3A_204 = arith.constant 500 : i32
      %lt3A_205 = arith.cmpi slt, %add3A_203, %lt3A_204 : i32
      %convert_element_type3A_206 = arith.extui %lt3A_205 : i1 to i32
      %cond3A_207 = arith.constant 0 : i32
      %cond3A_208 = arith.cmpi ne, %convert_element_type3A_206, %cond3A_207 : i32
      scf.if %cond3A_208 {
        %add3A_279 = arith.constant 2 : i32
        %add3A_280 = arith.addi %add3A_166, %add3A_279 : i32
        %mul3A_281 = arith.constant 20000 : i32
        %mul3A_282 = arith.muli %arg1, %mul3A_281 : i32
        %mul3A_283 = arith.constant 40 : i32
        %mul3A_284 = arith.muli %add3A_280, %mul3A_283 : i32
        %add3A_285 = arith.addi %mul3A_282, %mul3A_284 : i32
        %mul3A_286 = arith.constant 320000 : i32
        %mul3A_287 = arith.muli %arg0, %mul3A_286 : i32
        %add3A_288 = arith.addi %mul3A_287, %add3A_285 : i32
        %dma_start3A_289 = tpu.memref_slice %arg4[%add3A_285] : memref<320000xi32, #tpu.memory_space<hbm>> -> memref<40xi32, #tpu.memory_space<hbm>>
        %dma_start3A_290 = tpu.memref_slice %arg4[%add3A_285] : memref<320000xi32, #tpu.memory_space<hbm>> -> memref<40xi32, #tpu.memory_space<hbm>>
        tpu.enqueue_dma source(%dma_start3A_290 : memref<40xi32, #tpu.memory_space<hbm>>) target(%arg8 : memref<40xi32, #tpu.memory_space<vmem>>) target_semaphore(%arg21 : memref<!tpu.dma_semaphore, #tpu.memory_space<semaphore_mem>>)
        %dma_start3A_291 = tpu.memref_slice %arg5[%add3A_285] : memref<320000xi32, #tpu.memory_space<hbm>> -> memref<40xi32, #tpu.memory_space<hbm>>
        %dma_start3A_292 = tpu.memref_slice %arg5[%add3A_285] : memref<320000xi32, #tpu.memory_space<hbm>> -> memref<40xi32, #tpu.memory_space<hbm>>
        tpu.enqueue_dma source(%dma_start3A_292 : memref<40xi32, #tpu.memory_space<hbm>>) target(%arg10 : memref<40xi32, #tpu.memory_space<vmem>>) target_semaphore(%arg21 : memref<!tpu.dma_semaphore, #tpu.memory_space<semaphore_mem>>)
        %dma_start3A_293 = arith.constant 0 : i32
        %dma_start3A_294 = tpu.memref_slice %arg3[%add3A_288, %dma_start3A_293] : memref<640000x16xf32, #tpu.memory_space<hbm>> -> memref<40x16xf32, #tpu.memory_space<hbm>>
        %dma_start3A_295 = arith.constant 0 : i32
        %dma_start3A_296 = tpu.memref_slice %arg3[%add3A_288, %dma_start3A_295] : memref<640000x16xf32, #tpu.memory_space<hbm>> -> memref<40x16xf32, #tpu.memory_space<hbm>>
        tpu.enqueue_dma source(%dma_start3A_296 : memref<40x16xf32, #tpu.memory_space<hbm>>) target(%arg14 : memref<40x16xf32, #tpu.memory_space<vmem>>) target_semaphore(%arg21 : memref<!tpu.dma_semaphore, #tpu.memory_space<semaphore_mem>>)
      } else {
      }
      %scan3A_209 = arith.constant 0 : i32
      %scan3A_210 = arith.constant 0 : i32
      %scan3A_211 = arith.constant 5 : i32
      %scan3A_212 = arith.addi %scan3A_210, %scan3A_211 : i32
      %scan3A_213 = arith.constant 1 : i32
      %scan3A_214 = scf.for %scan3A_279 = %scan3A_210 to %scan3A_212 step %scan3A_213 iter_args(%scan3A_280 = %scan3A_209) -> (i32)  : i32 {
        %mul3A_281 = arith.constant 8 : i32
        %mul3A_282 = arith.muli %scan3A_279, %mul3A_281 : i32
        %add3A_283 = arith.constant 0 : i32
        %add3A_284 = arith.addi %mul3A_282, %add3A_283 : i32
        %get3A_285 = arith.index_cast %add3A_284 : i32 to index
        %get3A_286 = arith.constant 0 : index
        %get3A_287 = tpu.vector_load %arg16[%get3A_285, %get3A_286] {strides = array<i32>} : memref<40x16xf32, #tpu.memory_space<vmem>>, vector<1x16xf32>,
        %get3A_288 = vector.shape_cast %get3A_287 : vector<1x16xf32> to vector<16xf32>
        %get3A_289 = arith.index_cast %add3A_284 : i32 to index
        %get3A_290 = arith.constant 0 : index
        %get3A_291 = tpu.vector_load %arg12[%get3A_289, %get3A_290] {strides = array<i32>} : memref<40x128xf32, #tpu.memory_space<vmem>>, vector<1x16xf32>,
        %get3A_292 = vector.shape_cast %get3A_291 : vector<1x16xf32> to vector<16xf32>
        %slice3A = vector.extract_strided_slice %get3A_288 {offsets = [0], sizes = [1], strides = [1]} : vector<16xf32> to vector<1xf32>
        %squeeze3A = vector.extract %slice3A[0] : f32 from vector<1xf32>
        %mul3A_293 = vector.broadcast %squeeze3A : f32 to vector<16xf32>
        %mul3A_294 = arith.mulf %get3A_292, %mul3A_293 : vector<16xf32>
        %swap3A_295 = arith.index_cast %add3A_284 : i32 to index
        %swap3A_296 = arith.constant 0 : index
        %swap3A_297 = tpu.vector_load %arg12[%swap3A_295, %swap3A_296] {strides = array<i32>} : memref<40x128xf32, #tpu.memory_space<vmem>>, vector<1x16xf32>,
        %swap3A_298 = vector.shape_cast %swap3A_297 : vector<1x16xf32> to vector<16xf32>
        %swap3A_299 = vector.shape_cast %mul3A_294 : vector<16xf32> to vector<1x16xf32>
        tpu.vector_store %arg12[%swap3A_295, %swap3A_296], %swap3A_299 {strides = array<i32>} : memref<40x128xf32, #tpu.memory_space<vmem>>, vector<1x16xf32>,
        %get3A_300 = arith.index_cast %add3A_284 : i32 to index
        %get3A_301 = arith.constant 16 : index
        %get3A_302 = tpu.vector_load %arg12[%get3A_300, %get3A_301] {strides = array<i32>} : memref<40x128xf32, #tpu.memory_space<vmem>>, vector<1x16xf32>,
        %get3A_303 = vector.shape_cast %get3A_302 : vector<1x16xf32> to vector<16xf32>
        %slice3A_304 = vector.extract_strided_slice %get3A_288 {offsets = [1], sizes = [1], strides = [1]} : vector<16xf32> to vector<1xf32>
        %squeeze3A_305 = vector.extract %slice3A_304[0] : f32 from vector<1xf32>
        %mul3A_306 = vector.broadcast %squeeze3A_305 : f32 to vector<16xf32>
        %mul3A_307 = arith.mulf %get3A_303, %mul3A_306 : vector<16xf32>
        %swap3A_308 = arith.index_cast %add3A_284 : i32 to index
        %swap3A_309 = arith.constant 16 : index
        %swap3A_310 = tpu.vector_load %arg12[%swap3A_308, %swap3A_309] {strides = array<i32>} : memref<40x128xf32, #tpu.memory_space<vmem>>, vector<1x16xf32>,
        %swap3A_311 = vector.shape_cast %swap3A_310 : vector<1x16xf32> to vector<16xf32>
        %swap3A_312 = vector.shape_cast %mul3A_307 : vector<16xf32> to vector<1x16xf32>
        tpu.vector_store %arg12[%swap3A_308, %swap3A_309], %swap3A_312 {strides = array<i32>} : memref<40x128xf32, #tpu.memory_space<vmem>>, vector<1x16xf32>,
        %get3A_313 = arith.index_cast %add3A_284 : i32 to index
        %get3A_314 = arith.constant 32 : index
        %get3A_315 = tpu.vector_load %arg12[%get3A_313, %get3A_314] {strides = array<i32>} : memref<40x128xf32, #tpu.memory_space<vmem>>, vector<1x16xf32>,
        %get3A_316 = vector.shape_cast %get3A_315 : vector<1x16xf32> to vector<16xf32>
        %slice3A_317 = vector.extract_strided_slice %get3A_288 {offsets = [2], sizes = [1], strides = [1]} : vector<16xf32> to vector<1xf32>
        %squeeze3A_318 = vector.extract %slice3A_317[0] : f32 from vector<1xf32>
        %mul3A_319 = vector.broadcast %squeeze3A_318 : f32 to vector<16xf32>
        %mul3A_320 = arith.mulf %get3A_316, %mul3A_319 : vector<16xf32>
        %swap3A_321 = arith.index_cast %add3A_284 : i32 to index
        %swap3A_322 = arith.constant 32 : index
        %swap3A_323 = tpu.vector_load %arg12[%swap3A_321, %swap3A_322] {strides = array<i32>} : memref<40x128xf32, #tpu.memory_space<vmem>>, vector<1x16xf32>,
        %swap3A_324 = vector.shape_cast %swap3A_323 : vector<1x16xf32> to vector<16xf32>
        %swap3A_325 = vector.shape_cast %mul3A_320 : vector<16xf32> to vector<1x16xf32>
        tpu.vector_store %arg12[%swap3A_321, %swap3A_322], %swap3A_325 {strides = array<i32>} : memref<40x128xf32, #tpu.memory_space<vmem>>, vector<1x16xf32>,
        %get3A_326 = arith.index_cast %add3A_284 : i32 to index
        %get3A_327 = arith.constant 48 : index
        %get3A_328 = tpu.vector_load %arg12[%get3A_326, %get3A_327] {strides = array<i32>} : memref<40x128xf32, #tpu.memory_space<vmem>>, vector<1x16xf32>,
        %get3A_329 = vector.shape_cast %get3A_328 : vector<1x16xf32> to vector<16xf32>
        %slice3A_330 = vector.extract_strided_slice %get3A_288 {offsets = [3], sizes = [1], strides = [1]} : vector<16xf32> to vector<1xf32>
        %squeeze3A_331 = vector.extract %slice3A_330[0] : f32 from vector<1xf32>
        %mul3A_332 = vector.broadcast %squeeze3A_331 : f32 to vector<16xf32>
        %mul3A_333 = arith.mulf %get3A_329, %mul3A_332 : vector<16xf32>
        %swap3A_334 = arith.index_cast %add3A_284 : i32 to index
        %swap3A_335 = arith.constant 48 : index
        %swap3A_336 = tpu.vector_load %arg12[%swap3A_334, %swap3A_335] {strides = array<i32>} : memref<40x128xf32, #tpu.memory_space<vmem>>, vector<1x16xf32>,
        %swap3A_337 = vector.shape_cast %swap3A_336 : vector<1x16xf32> to vector<16xf32>
        %swap3A_338 = vector.shape_cast %mul3A_333 : vector<16xf32> to vector<1x16xf32>
        tpu.vector_store %arg12[%swap3A_334, %swap3A_335], %swap3A_338 {strides = array<i32>} : memref<40x128xf32, #tpu.memory_space<vmem>>, vector<1x16xf32>,
        %swap3A_339 = arith.index_cast %add3A_284 : i32 to index
        %swap3A_340 = arith.constant 64 : index
        %swap3A_341 = tpu.vector_load %arg12[%swap3A_339, %swap3A_340] {strides = array<i32>} : memref<40x128xf32, #tpu.memory_space<vmem>>, vector<1x16xf32>,
        %swap3A_342 = vector.shape_cast %swap3A_341 : vector<1x16xf32> to vector<16xf32>
        %swap3A_343 = vector.shape_cast %get3A_288 : vector<16xf32> to vector<1x16xf32>
        tpu.vector_store %arg12[%swap3A_339, %swap3A_340], %swap3A_343 {strides = array<i32>} : memref<40x128xf32, #tpu.memory_space<vmem>>, vector<1x16xf32>,
        %mul3A_344 = arith.constant 8 : i32
        %mul3A_345 = arith.muli %scan3A_279, %mul3A_344 : i32
        %add3A_346 = arith.constant 1 : i32
        %add3A_347 = arith.addi %mul3A_345, %add3A_346 : i32
        %get3A_348 = arith.index_cast %add3A_347 : i32 to index
        %get3A_349 = arith.constant 0 : index
        %get3A_350 = tpu.vector_load %arg16[%get3A_348, %get3A_349] {strides = array<i32>} : memref<40x16xf32, #tpu.memory_space<vmem>>, vector<1x16xf32>,
        %get3A_351 = vector.shape_cast %get3A_350 : vector<1x16xf32> to vector<16xf32>
        %get3A_352 = arith.index_cast %add3A_347 : i32 to index
        %get3A_353 = arith.constant 0 : index
        %get3A_354 = tpu.vector_load %arg12[%get3A_352, %get3A_353] {strides = array<i32>} : memref<40x128xf32, #tpu.memory_space<vmem>>, vector<1x16xf32>,
        %get3A_355 = vector.shape_cast %get3A_354 : vector<1x16xf32> to vector<16xf32>
        %slice3A_356 = vector.extract_strided_slice %get3A_351 {offsets = [0], sizes = [1], strides = [1]} : vector<16xf32> to vector<1xf32>
        %squeeze3A_357 = vector.extract %slice3A_356[0] : f32 from vector<1xf32>
        %mul3A_358 = vector.broadcast %squeeze3A_357 : f32 to vector<16xf32>
        %mul3A_359 = arith.mulf %get3A_355, %mul3A_358 : vector<16xf32>
        %swap3A_360 = arith.index_cast %add3A_347 : i32 to index
        %swap3A_361 = arith.constant 0 : index
        %swap3A_362 = tpu.vector_load %arg12[%swap3A_360, %swap3A_361] {strides = array<i32>} : memref<40x128xf32, #tpu.memory_space<vmem>>, vector<1x16xf32>,
        %swap3A_363 = vector.shape_cast %swap3A_362 : vector<1x16xf32> to vector<16xf32>
        %swap3A_364 = vector.shape_cast %mul3A_359 : vector<16xf32> to vector<1x16xf32>
        tpu.vector_store %arg12[%swap3A_360, %swap3A_361], %swap3A_364 {strides = array<i32>} : memref<40x128xf32, #tpu.memory_space<vmem>>, vector<1x16xf32>,
        %get3A_365 = arith.index_cast %add3A_347 : i32 to index
        %get3A_366 = arith.constant 16 : index
        %get3A_367 = tpu.vector_load %arg12[%get3A_365, %get3A_366] {strides = array<i32>} : memref<40x128xf32, #tpu.memory_space<vmem>>, vector<1x16xf32>,
        %get3A_368 = vector.shape_cast %get3A_367 : vector<1x16xf32> to vector<16xf32>
        %slice3A_369 = vector.extract_strided_slice %get3A_351 {offsets = [1], sizes = [1], strides = [1]} : vector<16xf32> to vector<1xf32>
        %squeeze3A_370 = vector.extract %slice3A_369[0] : f32 from vector<1xf32>
        %mul3A_371 = vector.broadcast %squeeze3A_370 : f32 to vector<16xf32>
        %mul3A_372 = arith.mulf %get3A_368, %mul3A_371 : vector<16xf32>
        %swap3A_373 = arith.index_cast %add3A_347 : i32 to index
        %swap3A_374 = arith.constant 16 : index
        %swap3A_375 = tpu.vector_load %arg12[%swap3A_373, %swap3A_374] {strides = array<i32>} : memref<40x128xf32, #tpu.memory_space<vmem>>, vector<1x16xf32>,
        %swap3A_376 = vector.shape_cast %swap3A_375 : vector<1x16xf32> to vector<16xf32>
        %swap3A_377 = vector.shape_cast %mul3A_372 : vector<16xf32> to vector<1x16xf32>
        tpu.vector_store %arg12[%swap3A_373, %swap3A_374], %swap3A_377 {strides = array<i32>} : memref<40x128xf32, #tpu.memory_space<vmem>>, vector<1x16xf32>,
        %get3A_378 = arith.index_cast %add3A_347 : i32 to index
        %get3A_379 = arith.constant 32 : index
        %get3A_380 = tpu.vector_load %arg12[%get3A_378, %get3A_379] {strides = array<i32>} : memref<40x128xf32, #tpu.memory_space<vmem>>, vector<1x16xf32>,
        %get3A_381 = vector.shape_cast %get3A_380 : vector<1x16xf32> to vector<16xf32>
        %slice3A_382 = vector.extract_strided_slice %get3A_351 {offsets = [2], sizes = [1], strides = [1]} : vector<16xf32> to vector<1xf32>
        %squeeze3A_383 = vector.extract %slice3A_382[0] : f32 from vector<1xf32>
        %mul3A_384 = vector.broadcast %squeeze3A_383 : f32 to vector<16xf32>
        %mul3A_385 = arith.mulf %get3A_381, %mul3A_384 : vector<16xf32>
        %swap3A_386 = arith.index_cast %add3A_347 : i32 to index
        %swap3A_387 = arith.constant 32 : index
        %swap3A_388 = tpu.vector_load %arg12[%swap3A_386, %swap3A_387] {strides = array<i32>} : memref<40x128xf32, #tpu.memory_space<vmem>>, vector<1x16xf32>,
        %swap3A_389 = vector.shape_cast %swap3A_388 : vector<1x16xf32> to vector<16xf32>
        %swap3A_390 = vector.shape_cast %mul3A_385 : vector<16xf32> to vector<1x16xf32>
        tpu.vector_store %arg12[%swap3A_386, %swap3A_387], %swap3A_390 {strides = array<i32>} : memref<40x128xf32, #tpu.memory_space<vmem>>, vector<1x16xf32>,
        %get3A_391 = arith.index_cast %add3A_347 : i32 to index
        %get3A_392 = arith.constant 48 : index
        %get3A_393 = tpu.vector_load %arg12[%get3A_391, %get3A_392] {strides = array<i32>} : memref<40x128xf32, #tpu.memory_space<vmem>>, vector<1x16xf32>,
        %get3A_394 = vector.shape_cast %get3A_393 : vector<1x16xf32> to vector<16xf32>
        %slice3A_395 = vector.extract_strided_slice %get3A_351 {offsets = [3], sizes = [1], strides = [1]} : vector<16xf32> to vector<1xf32>
        %squeeze3A_396 = vector.extract %slice3A_395[0] : f32 from vector<1xf32>
        %mul3A_397 = vector.broadcast %squeeze3A_396 : f32 to vector<16xf32>
        %mul3A_398 = arith.mulf %get3A_394, %mul3A_397 : vector<16xf32>
        %swap3A_399 = arith.index_cast %add3A_347 : i32 to index
        %swap3A_400 = arith.constant 48 : index
        %swap3A_401 = tpu.vector_load %arg12[%swap3A_399, %swap3A_400] {strides = array<i32>} : memref<40x128xf32, #tpu.memory_space<vmem>>, vector<1x16xf32>,
        %swap3A_402 = vector.shape_cast %swap3A_401 : vector<1x16xf32> to vector<16xf32>
        %swap3A_403 = vector.shape_cast %mul3A_398 : vector<16xf32> to vector<1x16xf32>
        tpu.vector_store %arg12[%swap3A_399, %swap3A_400], %swap3A_403 {strides = array<i32>} : memref<40x128xf32, #tpu.memory_space<vmem>>, vector<1x16xf32>,
        %swap3A_404 = arith.index_cast %add3A_347 : i32 to index
        %swap3A_405 = arith.constant 64 : index
        %swap3A_406 = tpu.vector_load %arg12[%swap3A_404, %swap3A_405] {strides = array<i32>} : memref<40x128xf32, #tpu.memory_space<vmem>>, vector<1x16xf32>,
        %swap3A_407 = vector.shape_cast %swap3A_406 : vector<1x16xf32> to vector<16xf32>
        %swap3A_408 = vector.shape_cast %get3A_351 : vector<16xf32> to vector<1x16xf32>
        tpu.vector_store %arg12[%swap3A_404, %swap3A_405], %swap3A_408 {strides = array<i32>} : memref<40x128xf32, #tpu.memory_space<vmem>>, vector<1x16xf32>,
        %mul3A_409 = arith.constant 8 : i32
        %mul3A_410 = arith.muli %scan3A_279, %mul3A_409 : i32
        %add3A_411 = arith.constant 2 : i32
        %add3A_412 = arith.addi %mul3A_410, %add3A_411 : i32
        %get3A_413 = arith.index_cast %add3A_412 : i32 to index
        %get3A_414 = arith.constant 0 : index
        %get3A_415 = tpu.vector_load %arg16[%get3A_413, %get3A_414] {strides = array<i32>} : memref<40x16xf32, #tpu.memory_space<vmem>>, vector<1x16xf32>,
        %get3A_416 = vector.shape_cast %get3A_415 : vector<1x16xf32> to vector<16xf32>
        %get3A_417 = arith.index_cast %add3A_412 : i32 to index
        %get3A_418 = arith.constant 0 : index
        %get3A_419 = tpu.vector_load %arg12[%get3A_417, %get3A_418] {strides = array<i32>} : memref<40x128xf32, #tpu.memory_space<vmem>>, vector<1x16xf32>,
        %get3A_420 = vector.shape_cast %get3A_419 : vector<1x16xf32> to vector<16xf32>
        %slice3A_421 = vector.extract_strided_slice %get3A_416 {offsets = [0], sizes = [1], strides = [1]} : vector<16xf32> to vector<1xf32>
        %squeeze3A_422 = vector.extract %slice3A_421[0] : f32 from vector<1xf32>
        %mul3A_423 = vector.broadcast %squeeze3A_422 : f32 to vector<16xf32>
        %mul3A_424 = arith.mulf %get3A_420, %mul3A_423 : vector<16xf32>
        %swap3A_425 = arith.index_cast %add3A_412 : i32 to index
        %swap3A_426 = arith.constant 0 : index
        %swap3A_427 = tpu.vector_load %arg12[%swap3A_425, %swap3A_426] {strides = array<i32>} : memref<40x128xf32, #tpu.memory_space<vmem>>, vector<1x16xf32>,
        %swap3A_428 = vector.shape_cast %swap3A_427 : vector<1x16xf32> to vector<16xf32>
        %swap3A_429 = vector.shape_cast %mul3A_424 : vector<16xf32> to vector<1x16xf32>
        tpu.vector_store %arg12[%swap3A_425, %swap3A_426], %swap3A_429 {strides = array<i32>} : memref<40x128xf32, #tpu.memory_space<vmem>>, vector<1x16xf32>,
        %get3A_430 = arith.index_cast %add3A_412 : i32 to index
        %get3A_431 = arith.constant 16 : index
        %get3A_432 = tpu.vector_load %arg12[%get3A_430, %get3A_431] {strides = array<i32>} : memref<40x128xf32, #tpu.memory_space<vmem>>, vector<1x16xf32>,
        %get3A_433 = vector.shape_cast %get3A_432 : vector<1x16xf32> to vector<16xf32>
        %slice3A_434 = vector.extract_strided_slice %get3A_416 {offsets = [1], sizes = [1], strides = [1]} : vector<16xf32> to vector<1xf32>
        %squeeze3A_435 = vector.extract %slice3A_434[0] : f32 from vector<1xf32>
        %mul3A_436 = vector.broadcast %squeeze3A_435 : f32 to vector<16xf32>
        %mul3A_437 = arith.mulf %get3A_433, %mul3A_436 : vector<16xf32>
        %swap3A_438 = arith.index_cast %add3A_412 : i32 to index
        %swap3A_439 = arith.constant 16 : index
        %swap3A_440 = tpu.vector_load %arg12[%swap3A_438, %swap3A_439] {strides = array<i32>} : memref<40x128xf32, #tpu.memory_space<vmem>>, vector<1x16xf32>,
        %swap3A_441 = vector.shape_cast %swap3A_440 : vector<1x16xf32> to vector<16xf32>
        %swap3A_442 = vector.shape_cast %mul3A_437 : vector<16xf32> to vector<1x16xf32>
        tpu.vector_store %arg12[%swap3A_438, %swap3A_439], %swap3A_442 {strides = array<i32>} : memref<40x128xf32, #tpu.memory_space<vmem>>, vector<1x16xf32>,
        %get3A_443 = arith.index_cast %add3A_412 : i32 to index
        %get3A_444 = arith.constant 32 : index
        %get3A_445 = tpu.vector_load %arg12[%get3A_443, %get3A_444] {strides = array<i32>} : memref<40x128xf32, #tpu.memory_space<vmem>>, vector<1x16xf32>,
        %get3A_446 = vector.shape_cast %get3A_445 : vector<1x16xf32> to vector<16xf32>
        %slice3A_447 = vector.extract_strided_slice %get3A_416 {offsets = [2], sizes = [1], strides = [1]} : vector<16xf32> to vector<1xf32>
        %squeeze3A_448 = vector.extract %slice3A_447[0] : f32 from vector<1xf32>
        %mul3A_449 = vector.broadcast %squeeze3A_448 : f32 to vector<16xf32>
        %mul3A_450 = arith.mulf %get3A_446, %mul3A_449 : vector<16xf32>
        %swap3A_451 = arith.index_cast %add3A_412 : i32 to index
        %swap3A_452 = arith.constant 32 : index
        %swap3A_453 = tpu.vector_load %arg12[%swap3A_451, %swap3A_452] {strides = array<i32>} : memref<40x128xf32, #tpu.memory_space<vmem>>, vector<1x16xf32>,
        %swap3A_454 = vector.shape_cast %swap3A_453 : vector<1x16xf32> to vector<16xf32>
        %swap3A_455 = vector.shape_cast %mul3A_450 : vector<16xf32> to vector<1x16xf32>
        tpu.vector_store %arg12[%swap3A_451, %swap3A_452], %swap3A_455 {strides = array<i32>} : memref<40x128xf32, #tpu.memory_space<vmem>>, vector<1x16xf32>,
        %get3A_456 = arith.index_cast %add3A_412 : i32 to index
        %get3A_457 = arith.constant 48 : index
        %get3A_458 = tpu.vector_load %arg12[%get3A_456, %get3A_457] {strides = array<i32>} : memref<40x128xf32, #tpu.memory_space<vmem>>, vector<1x16xf32>,
        %get3A_459 = vector.shape_cast %get3A_458 : vector<1x16xf32> to vector<16xf32>
        %slice3A_460 = vector.extract_strided_slice %get3A_416 {offsets = [3], sizes = [1], strides = [1]} : vector<16xf32> to vector<1xf32>
        %squeeze3A_461 = vector.extract %slice3A_460[0] : f32 from vector<1xf32>
        %mul3A_462 = vector.broadcast %squeeze3A_461 : f32 to vector<16xf32>
        %mul3A_463 = arith.mulf %get3A_459, %mul3A_462 : vector<16xf32>
        %swap3A_464 = arith.index_cast %add3A_412 : i32 to index
        %swap3A_465 = arith.constant 48 : index
        %swap3A_466 = tpu.vector_load %arg12[%swap3A_464, %swap3A_465] {strides = array<i32>} : memref<40x128xf32, #tpu.memory_space<vmem>>, vector<1x16xf32>,
        %swap3A_467 = vector.shape_cast %swap3A_466 : vector<1x16xf32> to vector<16xf32>
        %swap3A_468 = vector.shape_cast %mul3A_463 : vector<16xf32> to vector<1x16xf32>
        tpu.vector_store %arg12[%swap3A_464, %swap3A_465], %swap3A_468 {strides = array<i32>} : memref<40x128xf32, #tpu.memory_space<vmem>>, vector<1x16xf32>,
        %swap3A_469 = arith.index_cast %add3A_412 : i32 to index
        %swap3A_470 = arith.constant 64 : index
        %swap3A_471 = tpu.vector_load %arg12[%swap3A_469, %swap3A_470] {strides = array<i32>} : memref<40x128xf32, #tpu.memory_space<vmem>>, vector<1x16xf32>,
        %swap3A_472 = vector.shape_cast %swap3A_471 : vector<1x16xf32> to vector<16xf32>
        %swap3A_473 = vector.shape_cast %get3A_416 : vector<16xf32> to vector<1x16xf32>
        tpu.vector_store %arg12[%swap3A_469, %swap3A_470], %swap3A_473 {strides = array<i32>} : memref<40x128xf32, #tpu.memory_space<vmem>>, vector<1x16xf32>,
        %mul3A_474 = arith.constant 8 : i32
        %mul3A_475 = arith.muli %scan3A_279, %mul3A_474 : i32
        %add3A_476 = arith.constant 3 : i32
        %add3A_477 = arith.addi %mul3A_475, %add3A_476 : i32
        %get3A_478 = arith.index_cast %add3A_477 : i32 to index
        %get3A_479 = arith.constant 0 : index
        %get3A_480 = tpu.vector_load %arg16[%get3A_478, %get3A_479] {strides = array<i32>} : memref<40x16xf32, #tpu.memory_space<vmem>>, vector<1x16xf32>,
        %get3A_481 = vector.shape_cast %get3A_480 : vector<1x16xf32> to vector<16xf32>
        %get3A_482 = arith.index_cast %add3A_477 : i32 to index
        %get3A_483 = arith.constant 0 : index
        %get3A_484 = tpu.vector_load %arg12[%get3A_482, %get3A_483] {strides = array<i32>} : memref<40x128xf32, #tpu.memory_space<vmem>>, vector<1x16xf32>,
        %get3A_485 = vector.shape_cast %get3A_484 : vector<1x16xf32> to vector<16xf32>
        %slice3A_486 = vector.extract_strided_slice %get3A_481 {offsets = [0], sizes = [1], strides = [1]} : vector<16xf32> to vector<1xf32>
        %squeeze3A_487 = vector.extract %slice3A_486[0] : f32 from vector<1xf32>
        %mul3A_488 = vector.broadcast %squeeze3A_487 : f32 to vector<16xf32>
        %mul3A_489 = arith.mulf %get3A_485, %mul3A_488 : vector<16xf32>
        %swap3A_490 = arith.index_cast %add3A_477 : i32 to index
        %swap3A_491 = arith.constant 0 : index
        %swap3A_492 = tpu.vector_load %arg12[%swap3A_490, %swap3A_491] {strides = array<i32>} : memref<40x128xf32, #tpu.memory_space<vmem>>, vector<1x16xf32>,
        %swap3A_493 = vector.shape_cast %swap3A_492 : vector<1x16xf32> to vector<16xf32>
        %swap3A_494 = vector.shape_cast %mul3A_489 : vector<16xf32> to vector<1x16xf32>
        tpu.vector_store %arg12[%swap3A_490, %swap3A_491], %swap3A_494 {strides = array<i32>} : memref<40x128xf32, #tpu.memory_space<vmem>>, vector<1x16xf32>,
        %get3A_495 = arith.index_cast %add3A_477 : i32 to index
        %get3A_496 = arith.constant 16 : index
        %get3A_497 = tpu.vector_load %arg12[%get3A_495, %get3A_496] {strides = array<i32>} : memref<40x128xf32, #tpu.memory_space<vmem>>, vector<1x16xf32>,
        %get3A_498 = vector.shape_cast %get3A_497 : vector<1x16xf32> to vector<16xf32>
        %slice3A_499 = vector.extract_strided_slice %get3A_481 {offsets = [1], sizes = [1], strides = [1]} : vector<16xf32> to vector<1xf32>
        %squeeze3A_500 = vector.extract %slice3A_499[0] : f32 from vector<1xf32>
        %mul3A_501 = vector.broadcast %squeeze3A_500 : f32 to vector<16xf32>
        %mul3A_502 = arith.mulf %get3A_498, %mul3A_501 : vector<16xf32>
        %swap3A_503 = arith.index_cast %add3A_477 : i32 to index
        %swap3A_504 = arith.constant 16 : index
        %swap3A_505 = tpu.vector_load %arg12[%swap3A_503, %swap3A_504] {strides = array<i32>} : memref<40x128xf32, #tpu.memory_space<vmem>>, vector<1x16xf32>,
        %swap3A_506 = vector.shape_cast %swap3A_505 : vector<1x16xf32> to vector<16xf32>
        %swap3A_507 = vector.shape_cast %mul3A_502 : vector<16xf32> to vector<1x16xf32>
        tpu.vector_store %arg12[%swap3A_503, %swap3A_504], %swap3A_507 {strides = array<i32>} : memref<40x128xf32, #tpu.memory_space<vmem>>, vector<1x16xf32>,
        %get3A_508 = arith.index_cast %add3A_477 : i32 to index
        %get3A_509 = arith.constant 32 : index
        %get3A_510 = tpu.vector_load %arg12[%get3A_508, %get3A_509] {strides = array<i32>} : memref<40x128xf32, #tpu.memory_space<vmem>>, vector<1x16xf32>,
        %get3A_511 = vector.shape_cast %get3A_510 : vector<1x16xf32> to vector<16xf32>
        %slice3A_512 = vector.extract_strided_slice %get3A_481 {offsets = [2], sizes = [1], strides = [1]} : vector<16xf32> to vector<1xf32>
        %squeeze3A_513 = vector.extract %slice3A_512[0] : f32 from vector<1xf32>
        %mul3A_514 = vector.broadcast %squeeze3A_513 : f32 to vector<16xf32>
        %mul3A_515 = arith.mulf %get3A_511, %mul3A_514 : vector<16xf32>
        %swap3A_516 = arith.index_cast %add3A_477 : i32 to index
        %swap3A_517 = arith.constant 32 : index
        %swap3A_518 = tpu.vector_load %arg12[%swap3A_516, %swap3A_517] {strides = array<i32>} : memref<40x128xf32, #tpu.memory_space<vmem>>, vector<1x16xf32>,
        %swap3A_519 = vector.shape_cast %swap3A_518 : vector<1x16xf32> to vector<16xf32>
        %swap3A_520 = vector.shape_cast %mul3A_515 : vector<16xf32> to vector<1x16xf32>
        tpu.vector_store %arg12[%swap3A_516, %swap3A_517], %swap3A_520 {strides = array<i32>} : memref<40x128xf32, #tpu.memory_space<vmem>>, vector<1x16xf32>,
        %get3A_521 = arith.index_cast %add3A_477 : i32 to index
        %get3A_522 = arith.constant 48 : index
        %get3A_523 = tpu.vector_load %arg12[%get3A_521, %get3A_522] {strides = array<i32>} : memref<40x128xf32, #tpu.memory_space<vmem>>, vector<1x16xf32>,
        %get3A_524 = vector.shape_cast %get3A_523 : vector<1x16xf32> to vector<16xf32>
        %slice3A_525 = vector.extract_strided_slice %get3A_481 {offsets = [3], sizes = [1], strides = [1]} : vector<16xf32> to vector<1xf32>
        %squeeze3A_526 = vector.extract %slice3A_525[0] : f32 from vector<1xf32>
        %mul3A_527 = vector.broadcast %squeeze3A_526 : f32 to vector<16xf32>
        %mul3A_528 = arith.mulf %get3A_524, %mul3A_527 : vector<16xf32>
        %swap3A_529 = arith.index_cast %add3A_477 : i32 to index
        %swap3A_530 = arith.constant 48 : index
        %swap3A_531 = tpu.vector_load %arg12[%swap3A_529, %swap3A_530] {strides = array<i32>} : memref<40x128xf32, #tpu.memory_space<vmem>>, vector<1x16xf32>,
        %swap3A_532 = vector.shape_cast %swap3A_531 : vector<1x16xf32> to vector<16xf32>
        %swap3A_533 = vector.shape_cast %mul3A_528 : vector<16xf32> to vector<1x16xf32>
        tpu.vector_store %arg12[%swap3A_529, %swap3A_530], %swap3A_533 {strides = array<i32>} : memref<40x128xf32, #tpu.memory_space<vmem>>, vector<1x16xf32>,
        %swap3A_534 = arith.index_cast %add3A_477 : i32 to index
        %swap3A_535 = arith.constant 64 : index
        %swap3A_536 = tpu.vector_load %arg12[%swap3A_534, %swap3A_535] {strides = array<i32>} : memref<40x128xf32, #tpu.memory_space<vmem>>, vector<1x16xf32>,
        %swap3A_537 = vector.shape_cast %swap3A_536 : vector<1x16xf32> to vector<16xf32>
        %swap3A_538 = vector.shape_cast %get3A_481 : vector<16xf32> to vector<1x16xf32>
        tpu.vector_store %arg12[%swap3A_534, %swap3A_535], %swap3A_538 {strides = array<i32>} : memref<40x128xf32, #tpu.memory_space<vmem>>, vector<1x16xf32>,
        %mul3A_539 = arith.constant 8 : i32
        %mul3A_540 = arith.muli %scan3A_279, %mul3A_539 : i32
        %add3A_541 = arith.constant 4 : i32
        %add3A_542 = arith.addi %mul3A_540, %add3A_541 : i32
        %get3A_543 = arith.index_cast %add3A_542 : i32 to index
        %get3A_544 = arith.constant 0 : index
        %get3A_545 = tpu.vector_load %arg16[%get3A_543, %get3A_544] {strides = array<i32>} : memref<40x16xf32, #tpu.memory_space<vmem>>, vector<1x16xf32>,
        %get3A_546 = vector.shape_cast %get3A_545 : vector<1x16xf32> to vector<16xf32>
        %get3A_547 = arith.index_cast %add3A_542 : i32 to index
        %get3A_548 = arith.constant 0 : index
        %get3A_549 = tpu.vector_load %arg12[%get3A_547, %get3A_548] {strides = array<i32>} : memref<40x128xf32, #tpu.memory_space<vmem>>, vector<1x16xf32>,
        %get3A_550 = vector.shape_cast %get3A_549 : vector<1x16xf32> to vector<16xf32>
        %slice3A_551 = vector.extract_strided_slice %get3A_546 {offsets = [0], sizes = [1], strides = [1]} : vector<16xf32> to vector<1xf32>
        %squeeze3A_552 = vector.extract %slice3A_551[0] : f32 from vector<1xf32>
        %mul3A_553 = vector.broadcast %squeeze3A_552 : f32 to vector<16xf32>
        %mul3A_554 = arith.mulf %get3A_550, %mul3A_553 : vector<16xf32>
        %swap3A_555 = arith.index_cast %add3A_542 : i32 to index
        %swap3A_556 = arith.constant 0 : index
        %swap3A_557 = tpu.vector_load %arg12[%swap3A_555, %swap3A_556] {strides = array<i32>} : memref<40x128xf32, #tpu.memory_space<vmem>>, vector<1x16xf32>,
        %swap3A_558 = vector.shape_cast %swap3A_557 : vector<1x16xf32> to vector<16xf32>
        %swap3A_559 = vector.shape_cast %mul3A_554 : vector<16xf32> to vector<1x16xf32>
        tpu.vector_store %arg12[%swap3A_555, %swap3A_556], %swap3A_559 {strides = array<i32>} : memref<40x128xf32, #tpu.memory_space<vmem>>, vector<1x16xf32>,
        %get3A_560 = arith.index_cast %add3A_542 : i32 to index
        %get3A_561 = arith.constant 16 : index
        %get3A_562 = tpu.vector_load %arg12[%get3A_560, %get3A_561] {strides = array<i32>} : memref<40x128xf32, #tpu.memory_space<vmem>>, vector<1x16xf32>,
        %get3A_563 = vector.shape_cast %get3A_562 : vector<1x16xf32> to vector<16xf32>
        %slice3A_564 = vector.extract_strided_slice %get3A_546 {offsets = [1], sizes = [1], strides = [1]} : vector<16xf32> to vector<1xf32>
        %squeeze3A_565 = vector.extract %slice3A_564[0] : f32 from vector<1xf32>
        %mul3A_566 = vector.broadcast %squeeze3A_565 : f32 to vector<16xf32>
        %mul3A_567 = arith.mulf %get3A_563, %mul3A_566 : vector<16xf32>
        %swap3A_568 = arith.index_cast %add3A_542 : i32 to index
        %swap3A_569 = arith.constant 16 : index
        %swap3A_570 = tpu.vector_load %arg12[%swap3A_568, %swap3A_569] {strides = array<i32>} : memref<40x128xf32, #tpu.memory_space<vmem>>, vector<1x16xf32>,
        %swap3A_571 = vector.shape_cast %swap3A_570 : vector<1x16xf32> to vector<16xf32>
        %swap3A_572 = vector.shape_cast %mul3A_567 : vector<16xf32> to vector<1x16xf32>
        tpu.vector_store %arg12[%swap3A_568, %swap3A_569], %swap3A_572 {strides = array<i32>} : memref<40x128xf32, #tpu.memory_space<vmem>>, vector<1x16xf32>,
        %get3A_573 = arith.index_cast %add3A_542 : i32 to index
        %get3A_574 = arith.constant 32 : index
        %get3A_575 = tpu.vector_load %arg12[%get3A_573, %get3A_574] {strides = array<i32>} : memref<40x128xf32, #tpu.memory_space<vmem>>, vector<1x16xf32>,
        %get3A_576 = vector.shape_cast %get3A_575 : vector<1x16xf32> to vector<16xf32>
        %slice3A_577 = vector.extract_strided_slice %get3A_546 {offsets = [2], sizes = [1], strides = [1]} : vector<16xf32> to vector<1xf32>
        %squeeze3A_578 = vector.extract %slice3A_577[0] : f32 from vector<1xf32>
        %mul3A_579 = vector.broadcast %squeeze3A_578 : f32 to vector<16xf32>
        %mul3A_580 = arith.mulf %get3A_576, %mul3A_579 : vector<16xf32>
        %swap3A_581 = arith.index_cast %add3A_542 : i32 to index
        %swap3A_582 = arith.constant 32 : index
        %swap3A_583 = tpu.vector_load %arg12[%swap3A_581, %swap3A_582] {strides = array<i32>} : memref<40x128xf32, #tpu.memory_space<vmem>>, vector<1x16xf32>,
        %swap3A_584 = vector.shape_cast %swap3A_583 : vector<1x16xf32> to vector<16xf32>
        %swap3A_585 = vector.shape_cast %mul3A_580 : vector<16xf32> to vector<1x16xf32>
        tpu.vector_store %arg12[%swap3A_581, %swap3A_582], %swap3A_585 {strides = array<i32>} : memref<40x128xf32, #tpu.memory_space<vmem>>, vector<1x16xf32>,
        %get3A_586 = arith.index_cast %add3A_542 : i32 to index
        %get3A_587 = arith.constant 48 : index
        %get3A_588 = tpu.vector_load %arg12[%get3A_586, %get3A_587] {strides = array<i32>} : memref<40x128xf32, #tpu.memory_space<vmem>>, vector<1x16xf32>,
        %get3A_589 = vector.shape_cast %get3A_588 : vector<1x16xf32> to vector<16xf32>
        %slice3A_590 = vector.extract_strided_slice %get3A_546 {offsets = [3], sizes = [1], strides = [1]} : vector<16xf32> to vector<1xf32>
        %squeeze3A_591 = vector.extract %slice3A_590[0] : f32 from vector<1xf32>
        %mul3A_592 = vector.broadcast %squeeze3A_591 : f32 to vector<16xf32>
        %mul3A_593 = arith.mulf %get3A_589, %mul3A_592 : vector<16xf32>
        %swap3A_594 = arith.index_cast %add3A_542 : i32 to index
        %swap3A_595 = arith.constant 48 : index
        %swap3A_596 = tpu.vector_load %arg12[%swap3A_594, %swap3A_595] {strides = array<i32>} : memref<40x128xf32, #tpu.memory_space<vmem>>, vector<1x16xf32>,
        %swap3A_597 = vector.shape_cast %swap3A_596 : vector<1x16xf32> to vector<16xf32>
        %swap3A_598 = vector.shape_cast %mul3A_593 : vector<16xf32> to vector<1x16xf32>
        tpu.vector_store %arg12[%swap3A_594, %swap3A_595], %swap3A_598 {strides = array<i32>} : memref<40x128xf32, #tpu.memory_space<vmem>>, vector<1x16xf32>,
        %swap3A_599 = arith.index_cast %add3A_542 : i32 to index
        %swap3A_600 = arith.constant 64 : index
        %swap3A_601 = tpu.vector_load %arg12[%swap3A_599, %swap3A_600] {strides = array<i32>} : memref<40x128xf32, #tpu.memory_space<vmem>>, vector<1x16xf32>,
        %swap3A_602 = vector.shape_cast %swap3A_601 : vector<1x16xf32> to vector<16xf32>
        %swap3A_603 = vector.shape_cast %get3A_546 : vector<16xf32> to vector<1x16xf32>
        tpu.vector_store %arg12[%swap3A_599, %swap3A_600], %swap3A_603 {strides = array<i32>} : memref<40x128xf32, #tpu.memory_space<vmem>>, vector<1x16xf32>,
        %mul3A_604 = arith.constant 8 : i32
        %mul3A_605 = arith.muli %scan3A_279, %mul3A_604 : i32
        %add3A_606 = arith.constant 5 : i32
        %add3A_607 = arith.addi %mul3A_605, %add3A_606 : i32
        %get3A_608 = arith.index_cast %add3A_607 : i32 to index
        %get3A_609 = arith.constant 0 : index
        %get3A_610 = tpu.vector_load %arg16[%get3A_608, %get3A_609] {strides = array<i32>} : memref<40x16xf32, #tpu.memory_space<vmem>>, vector<1x16xf32>,
        %get3A_611 = vector.shape_cast %get3A_610 : vector<1x16xf32> to vector<16xf32>
        %get3A_612 = arith.index_cast %add3A_607 : i32 to index
        %get3A_613 = arith.constant 0 : index
        %get3A_614 = tpu.vector_load %arg12[%get3A_612, %get3A_613] {strides = array<i32>} : memref<40x128xf32, #tpu.memory_space<vmem>>, vector<1x16xf32>,
        %get3A_615 = vector.shape_cast %get3A_614 : vector<1x16xf32> to vector<16xf32>
        %slice3A_616 = vector.extract_strided_slice %get3A_611 {offsets = [0], sizes = [1], strides = [1]} : vector<16xf32> to vector<1xf32>
        %squeeze3A_617 = vector.extract %slice3A_616[0] : f32 from vector<1xf32>
        %mul3A_618 = vector.broadcast %squeeze3A_617 : f32 to vector<16xf32>
        %mul3A_619 = arith.mulf %get3A_615, %mul3A_618 : vector<16xf32>
        %swap3A_620 = arith.index_cast %add3A_607 : i32 to index
        %swap3A_621 = arith.constant 0 : index
        %swap3A_622 = tpu.vector_load %arg12[%swap3A_620, %swap3A_621] {strides = array<i32>} : memref<40x128xf32, #tpu.memory_space<vmem>>, vector<1x16xf32>,
        %swap3A_623 = vector.shape_cast %swap3A_622 : vector<1x16xf32> to vector<16xf32>
        %swap3A_624 = vector.shape_cast %mul3A_619 : vector<16xf32> to vector<1x16xf32>
        tpu.vector_store %arg12[%swap3A_620, %swap3A_621], %swap3A_624 {strides = array<i32>} : memref<40x128xf32, #tpu.memory_space<vmem>>, vector<1x16xf32>,
        %get3A_625 = arith.index_cast %add3A_607 : i32 to index
        %get3A_626 = arith.constant 16 : index
        %get3A_627 = tpu.vector_load %arg12[%get3A_625, %get3A_626] {strides = array<i32>} : memref<40x128xf32, #tpu.memory_space<vmem>>, vector<1x16xf32>,
        %get3A_628 = vector.shape_cast %get3A_627 : vector<1x16xf32> to vector<16xf32>
        %slice3A_629 = vector.extract_strided_slice %get3A_611 {offsets = [1], sizes = [1], strides = [1]} : vector<16xf32> to vector<1xf32>
        %squeeze3A_630 = vector.extract %slice3A_629[0] : f32 from vector<1xf32>
        %mul3A_631 = vector.broadcast %squeeze3A_630 : f32 to vector<16xf32>
        %mul3A_632 = arith.mulf %get3A_628, %mul3A_631 : vector<16xf32>
        %swap3A_633 = arith.index_cast %add3A_607 : i32 to index
        %swap3A_634 = arith.constant 16 : index
        %swap3A_635 = tpu.vector_load %arg12[%swap3A_633, %swap3A_634] {strides = array<i32>} : memref<40x128xf32, #tpu.memory_space<vmem>>, vector<1x16xf32>,
        %swap3A_636 = vector.shape_cast %swap3A_635 : vector<1x16xf32> to vector<16xf32>
        %swap3A_637 = vector.shape_cast %mul3A_632 : vector<16xf32> to vector<1x16xf32>
        tpu.vector_store %arg12[%swap3A_633, %swap3A_634], %swap3A_637 {strides = array<i32>} : memref<40x128xf32, #tpu.memory_space<vmem>>, vector<1x16xf32>,
        %get3A_638 = arith.index_cast %add3A_607 : i32 to index
        %get3A_639 = arith.constant 32 : index
        %get3A_640 = tpu.vector_load %arg12[%get3A_638, %get3A_639] {strides = array<i32>} : memref<40x128xf32, #tpu.memory_space<vmem>>, vector<1x16xf32>,
        %get3A_641 = vector.shape_cast %get3A_640 : vector<1x16xf32> to vector<16xf32>
        %slice3A_642 = vector.extract_strided_slice %get3A_611 {offsets = [2], sizes = [1], strides = [1]} : vector<16xf32> to vector<1xf32>
        %squeeze3A_643 = vector.extract %slice3A_642[0] : f32 from vector<1xf32>
        %mul3A_644 = vector.broadcast %squeeze3A_643 : f32 to vector<16xf32>
        %mul3A_645 = arith.mulf %get3A_641, %mul3A_644 : vector<16xf32>
        %swap3A_646 = arith.index_cast %add3A_607 : i32 to index
        %swap3A_647 = arith.constant 32 : index
        %swap3A_648 = tpu.vector_load %arg12[%swap3A_646, %swap3A_647] {strides = array<i32>} : memref<40x128xf32, #tpu.memory_space<vmem>>, vector<1x16xf32>,
        %swap3A_649 = vector.shape_cast %swap3A_648 : vector<1x16xf32> to vector<16xf32>
        %swap3A_650 = vector.shape_cast %mul3A_645 : vector<16xf32> to vector<1x16xf32>
        tpu.vector_store %arg12[%swap3A_646, %swap3A_647], %swap3A_650 {strides = array<i32>} : memref<40x128xf32, #tpu.memory_space<vmem>>, vector<1x16xf32>,
        %get3A_651 = arith.index_cast %add3A_607 : i32 to index
        %get3A_652 = arith.constant 48 : index
        %get3A_653 = tpu.vector_load %arg12[%get3A_651, %get3A_652] {strides = array<i32>} : memref<40x128xf32, #tpu.memory_space<vmem>>, vector<1x16xf32>,
        %get3A_654 = vector.shape_cast %get3A_653 : vector<1x16xf32> to vector<16xf32>
        %slice3A_655 = vector.extract_strided_slice %get3A_611 {offsets = [3], sizes = [1], strides = [1]} : vector<16xf32> to vector<1xf32>
        %squeeze3A_656 = vector.extract %slice3A_655[0] : f32 from vector<1xf32>
        %mul3A_657 = vector.broadcast %squeeze3A_656 : f32 to vector<16xf32>
        %mul3A_658 = arith.mulf %get3A_654, %mul3A_657 : vector<16xf32>
        %swap3A_659 = arith.index_cast %add3A_607 : i32 to index
        %swap3A_660 = arith.constant 48 : index
        %swap3A_661 = tpu.vector_load %arg12[%swap3A_659, %swap3A_660] {strides = array<i32>} : memref<40x128xf32, #tpu.memory_space<vmem>>, vector<1x16xf32>,
        %swap3A_662 = vector.shape_cast %swap3A_661 : vector<1x16xf32> to vector<16xf32>
        %swap3A_663 = vector.shape_cast %mul3A_658 : vector<16xf32> to vector<1x16xf32>
        tpu.vector_store %arg12[%swap3A_659, %swap3A_660], %swap3A_663 {strides = array<i32>} : memref<40x128xf32, #tpu.memory_space<vmem>>, vector<1x16xf32>,
        %swap3A_664 = arith.index_cast %add3A_607 : i32 to index
        %swap3A_665 = arith.constant 64 : index
        %swap3A_666 = tpu.vector_load %arg12[%swap3A_664, %swap3A_665] {strides = array<i32>} : memref<40x128xf32, #tpu.memory_space<vmem>>, vector<1x16xf32>,
        %swap3A_667 = vector.shape_cast %swap3A_666 : vector<1x16xf32> to vector<16xf32>
        %swap3A_668 = vector.shape_cast %get3A_611 : vector<16xf32> to vector<1x16xf32>
        tpu.vector_store %arg12[%swap3A_664, %swap3A_665], %swap3A_668 {strides = array<i32>} : memref<40x128xf32, #tpu.memory_space<vmem>>, vector<1x16xf32>,
        %mul3A_669 = arith.constant 8 : i32
        %mul3A_670 = arith.muli %scan3A_279, %mul3A_669 : i32
        %add3A_671 = arith.constant 6 : i32
        %add3A_672 = arith.addi %mul3A_670, %add3A_671 : i32
        %get3A_673 = arith.index_cast %add3A_672 : i32 to index
        %get3A_674 = arith.constant 0 : index
        %get3A_675 = tpu.vector_load %arg16[%get3A_673, %get3A_674] {strides = array<i32>} : memref<40x16xf32, #tpu.memory_space<vmem>>, vector<1x16xf32>,
        %get3A_676 = vector.shape_cast %get3A_675 : vector<1x16xf32> to vector<16xf32>
        %get3A_677 = arith.index_cast %add3A_672 : i32 to index
        %get3A_678 = arith.constant 0 : index
        %get3A_679 = tpu.vector_load %arg12[%get3A_677, %get3A_678] {strides = array<i32>} : memref<40x128xf32, #tpu.memory_space<vmem>>, vector<1x16xf32>,
        %get3A_680 = vector.shape_cast %get3A_679 : vector<1x16xf32> to vector<16xf32>
        %slice3A_681 = vector.extract_strided_slice %get3A_676 {offsets = [0], sizes = [1], strides = [1]} : vector<16xf32> to vector<1xf32>
        %squeeze3A_682 = vector.extract %slice3A_681[0] : f32 from vector<1xf32>
        %mul3A_683 = vector.broadcast %squeeze3A_682 : f32 to vector<16xf32>
        %mul3A_684 = arith.mulf %get3A_680, %mul3A_683 : vector<16xf32>
        %swap3A_685 = arith.index_cast %add3A_672 : i32 to index
        %swap3A_686 = arith.constant 0 : index
        %swap3A_687 = tpu.vector_load %arg12[%swap3A_685, %swap3A_686] {strides = array<i32>} : memref<40x128xf32, #tpu.memory_space<vmem>>, vector<1x16xf32>,
        %swap3A_688 = vector.shape_cast %swap3A_687 : vector<1x16xf32> to vector<16xf32>
        %swap3A_689 = vector.shape_cast %mul3A_684 : vector<16xf32> to vector<1x16xf32>
        tpu.vector_store %arg12[%swap3A_685, %swap3A_686], %swap3A_689 {strides = array<i32>} : memref<40x128xf32, #tpu.memory_space<vmem>>, vector<1x16xf32>,
        %get3A_690 = arith.index_cast %add3A_672 : i32 to index
        %get3A_691 = arith.constant 16 : index
        %get3A_692 = tpu.vector_load %arg12[%get3A_690, %get3A_691] {strides = array<i32>} : memref<40x128xf32, #tpu.memory_space<vmem>>, vector<1x16xf32>,
        %get3A_693 = vector.shape_cast %get3A_692 : vector<1x16xf32> to vector<16xf32>
        %slice3A_694 = vector.extract_strided_slice %get3A_676 {offsets = [1], sizes = [1], strides = [1]} : vector<16xf32> to vector<1xf32>
        %squeeze3A_695 = vector.extract %slice3A_694[0] : f32 from vector<1xf32>
        %mul3A_696 = vector.broadcast %squeeze3A_695 : f32 to vector<16xf32>
        %mul3A_697 = arith.mulf %get3A_693, %mul3A_696 : vector<16xf32>
        %swap3A_698 = arith.index_cast %add3A_672 : i32 to index
        %swap3A_699 = arith.constant 16 : index
        %swap3A_700 = tpu.vector_load %arg12[%swap3A_698, %swap3A_699] {strides = array<i32>} : memref<40x128xf32, #tpu.memory_space<vmem>>, vector<1x16xf32>,
        %swap3A_701 = vector.shape_cast %swap3A_700 : vector<1x16xf32> to vector<16xf32>
        %swap3A_702 = vector.shape_cast %mul3A_697 : vector<16xf32> to vector<1x16xf32>
        tpu.vector_store %arg12[%swap3A_698, %swap3A_699], %swap3A_702 {strides = array<i32>} : memref<40x128xf32, #tpu.memory_space<vmem>>, vector<1x16xf32>,
        %get3A_703 = arith.index_cast %add3A_672 : i32 to index
        %get3A_704 = arith.constant 32 : index
        %get3A_705 = tpu.vector_load %arg12[%get3A_703, %get3A_704] {strides = array<i32>} : memref<40x128xf32, #tpu.memory_space<vmem>>, vector<1x16xf32>,
        %get3A_706 = vector.shape_cast %get3A_705 : vector<1x16xf32> to vector<16xf32>
        %slice3A_707 = vector.extract_strided_slice %get3A_676 {offsets = [2], sizes = [1], strides = [1]} : vector<16xf32> to vector<1xf32>
        %squeeze3A_708 = vector.extract %slice3A_707[0] : f32 from vector<1xf32>
        %mul3A_709 = vector.broadcast %squeeze3A_708 : f32 to vector<16xf32>
        %mul3A_710 = arith.mulf %get3A_706, %mul3A_709 : vector<16xf32>
        %swap3A_711 = arith.index_cast %add3A_672 : i32 to index
        %swap3A_712 = arith.constant 32 : index
        %swap3A_713 = tpu.vector_load %arg12[%swap3A_711, %swap3A_712] {strides = array<i32>} : memref<40x128xf32, #tpu.memory_space<vmem>>, vector<1x16xf32>,
        %swap3A_714 = vector.shape_cast %swap3A_713 : vector<1x16xf32> to vector<16xf32>
        %swap3A_715 = vector.shape_cast %mul3A_710 : vector<16xf32> to vector<1x16xf32>
        tpu.vector_store %arg12[%swap3A_711, %swap3A_712], %swap3A_715 {strides = array<i32>} : memref<40x128xf32, #tpu.memory_space<vmem>>, vector<1x16xf32>,
        %get3A_716 = arith.index_cast %add3A_672 : i32 to index
        %get3A_717 = arith.constant 48 : index
        %get3A_718 = tpu.vector_load %arg12[%get3A_716, %get3A_717] {strides = array<i32>} : memref<40x128xf32, #tpu.memory_space<vmem>>, vector<1x16xf32>,
        %get3A_719 = vector.shape_cast %get3A_718 : vector<1x16xf32> to vector<16xf32>
        %slice3A_720 = vector.extract_strided_slice %get3A_676 {offsets = [3], sizes = [1], strides = [1]} : vector<16xf32> to vector<1xf32>
        %squeeze3A_721 = vector.extract %slice3A_720[0] : f32 from vector<1xf32>
        %mul3A_722 = vector.broadcast %squeeze3A_721 : f32 to vector<16xf32>
        %mul3A_723 = arith.mulf %get3A_719, %mul3A_722 : vector<16xf32>
        %swap3A_724 = arith.index_cast %add3A_672 : i32 to index
        %swap3A_725 = arith.constant 48 : index
        %swap3A_726 = tpu.vector_load %arg12[%swap3A_724, %swap3A_725] {strides = array<i32>} : memref<40x128xf32, #tpu.memory_space<vmem>>, vector<1x16xf32>,
        %swap3A_727 = vector.shape_cast %swap3A_726 : vector<1x16xf32> to vector<16xf32>
        %swap3A_728 = vector.shape_cast %mul3A_723 : vector<16xf32> to vector<1x16xf32>
        tpu.vector_store %arg12[%swap3A_724, %swap3A_725], %swap3A_728 {strides = array<i32>} : memref<40x128xf32, #tpu.memory_space<vmem>>, vector<1x16xf32>,
        %swap3A_729 = arith.index_cast %add3A_672 : i32 to index
        %swap3A_730 = arith.constant 64 : index
        %swap3A_731 = tpu.vector_load %arg12[%swap3A_729, %swap3A_730] {strides = array<i32>} : memref<40x128xf32, #tpu.memory_space<vmem>>, vector<1x16xf32>,
        %swap3A_732 = vector.shape_cast %swap3A_731 : vector<1x16xf32> to vector<16xf32>
        %swap3A_733 = vector.shape_cast %get3A_676 : vector<16xf32> to vector<1x16xf32>
        tpu.vector_store %arg12[%swap3A_729, %swap3A_730], %swap3A_733 {strides = array<i32>} : memref<40x128xf32, #tpu.memory_space<vmem>>, vector<1x16xf32>,
        %mul3A_734 = arith.constant 8 : i32
        %mul3A_735 = arith.muli %scan3A_279, %mul3A_734 : i32
        %add3A_736 = arith.constant 7 : i32
        %add3A_737 = arith.addi %mul3A_735, %add3A_736 : i32
        %get3A_738 = arith.index_cast %add3A_737 : i32 to index
        %get3A_739 = arith.constant 0 : index
        %get3A_740 = tpu.vector_load %arg16[%get3A_738, %get3A_739] {strides = array<i32>} : memref<40x16xf32, #tpu.memory_space<vmem>>, vector<1x16xf32>,
        %get3A_741 = vector.shape_cast %get3A_740 : vector<1x16xf32> to vector<16xf32>
        %get3A_742 = arith.index_cast %add3A_737 : i32 to index
        %get3A_743 = arith.constant 0 : index
        %get3A_744 = tpu.vector_load %arg12[%get3A_742, %get3A_743] {strides = array<i32>} : memref<40x128xf32, #tpu.memory_space<vmem>>, vector<1x16xf32>,
        %get3A_745 = vector.shape_cast %get3A_744 : vector<1x16xf32> to vector<16xf32>
        %slice3A_746 = vector.extract_strided_slice %get3A_741 {offsets = [0], sizes = [1], strides = [1]} : vector<16xf32> to vector<1xf32>
        %squeeze3A_747 = vector.extract %slice3A_746[0] : f32 from vector<1xf32>
        %mul3A_748 = vector.broadcast %squeeze3A_747 : f32 to vector<16xf32>
        %mul3A_749 = arith.mulf %get3A_745, %mul3A_748 : vector<16xf32>
        %swap3A_750 = arith.index_cast %add3A_737 : i32 to index
        %swap3A_751 = arith.constant 0 : index
        %swap3A_752 = tpu.vector_load %arg12[%swap3A_750, %swap3A_751] {strides = array<i32>} : memref<40x128xf32, #tpu.memory_space<vmem>>, vector<1x16xf32>,
        %swap3A_753 = vector.shape_cast %swap3A_752 : vector<1x16xf32> to vector<16xf32>
        %swap3A_754 = vector.shape_cast %mul3A_749 : vector<16xf32> to vector<1x16xf32>
        tpu.vector_store %arg12[%swap3A_750, %swap3A_751], %swap3A_754 {strides = array<i32>} : memref<40x128xf32, #tpu.memory_space<vmem>>, vector<1x16xf32>,
        %get3A_755 = arith.index_cast %add3A_737 : i32 to index
        %get3A_756 = arith.constant 16 : index
        %get3A_757 = tpu.vector_load %arg12[%get3A_755, %get3A_756] {strides = array<i32>} : memref<40x128xf32, #tpu.memory_space<vmem>>, vector<1x16xf32>,
        %get3A_758 = vector.shape_cast %get3A_757 : vector<1x16xf32> to vector<16xf32>
        %slice3A_759 = vector.extract_strided_slice %get3A_741 {offsets = [1], sizes = [1], strides = [1]} : vector<16xf32> to vector<1xf32>
        %squeeze3A_760 = vector.extract %slice3A_759[0] : f32 from vector<1xf32>
        %mul3A_761 = vector.broadcast %squeeze3A_760 : f32 to vector<16xf32>
        %mul3A_762 = arith.mulf %get3A_758, %mul3A_761 : vector<16xf32>
        %swap3A_763 = arith.index_cast %add3A_737 : i32 to index
        %swap3A_764 = arith.constant 16 : index
        %swap3A_765 = tpu.vector_load %arg12[%swap3A_763, %swap3A_764] {strides = array<i32>} : memref<40x128xf32, #tpu.memory_space<vmem>>, vector<1x16xf32>,
        %swap3A_766 = vector.shape_cast %swap3A_765 : vector<1x16xf32> to vector<16xf32>
        %swap3A_767 = vector.shape_cast %mul3A_762 : vector<16xf32> to vector<1x16xf32>
        tpu.vector_store %arg12[%swap3A_763, %swap3A_764], %swap3A_767 {strides = array<i32>} : memref<40x128xf32, #tpu.memory_space<vmem>>, vector<1x16xf32>,
        %get3A_768 = arith.index_cast %add3A_737 : i32 to index
        %get3A_769 = arith.constant 32 : index
        %get3A_770 = tpu.vector_load %arg12[%get3A_768, %get3A_769] {strides = array<i32>} : memref<40x128xf32, #tpu.memory_space<vmem>>, vector<1x16xf32>,
        %get3A_771 = vector.shape_cast %get3A_770 : vector<1x16xf32> to vector<16xf32>
        %slice3A_772 = vector.extract_strided_slice %get3A_741 {offsets = [2], sizes = [1], strides = [1]} : vector<16xf32> to vector<1xf32>
        %squeeze3A_773 = vector.extract %slice3A_772[0] : f32 from vector<1xf32>
        %mul3A_774 = vector.broadcast %squeeze3A_773 : f32 to vector<16xf32>
        %mul3A_775 = arith.mulf %get3A_771, %mul3A_774 : vector<16xf32>
        %swap3A_776 = arith.index_cast %add3A_737 : i32 to index
        %swap3A_777 = arith.constant 32 : index
        %swap3A_778 = tpu.vector_load %arg12[%swap3A_776, %swap3A_777] {strides = array<i32>} : memref<40x128xf32, #tpu.memory_space<vmem>>, vector<1x16xf32>,
        %swap3A_779 = vector.shape_cast %swap3A_778 : vector<1x16xf32> to vector<16xf32>
        %swap3A_780 = vector.shape_cast %mul3A_775 : vector<16xf32> to vector<1x16xf32>
        tpu.vector_store %arg12[%swap3A_776, %swap3A_777], %swap3A_780 {strides = array<i32>} : memref<40x128xf32, #tpu.memory_space<vmem>>, vector<1x16xf32>,
        %get3A_781 = arith.index_cast %add3A_737 : i32 to index
        %get3A_782 = arith.constant 48 : index
        %get3A_783 = tpu.vector_load %arg12[%get3A_781, %get3A_782] {strides = array<i32>} : memref<40x128xf32, #tpu.memory_space<vmem>>, vector<1x16xf32>,
        %get3A_784 = vector.shape_cast %get3A_783 : vector<1x16xf32> to vector<16xf32>
        %slice3A_785 = vector.extract_strided_slice %get3A_741 {offsets = [3], sizes = [1], strides = [1]} : vector<16xf32> to vector<1xf32>
        %squeeze3A_786 = vector.extract %slice3A_785[0] : f32 from vector<1xf32>
        %mul3A_787 = vector.broadcast %squeeze3A_786 : f32 to vector<16xf32>
        %mul3A_788 = arith.mulf %get3A_784, %mul3A_787 : vector<16xf32>
        %swap3A_789 = arith.index_cast %add3A_737 : i32 to index
        %swap3A_790 = arith.constant 48 : index
        %swap3A_791 = tpu.vector_load %arg12[%swap3A_789, %swap3A_790] {strides = array<i32>} : memref<40x128xf32, #tpu.memory_space<vmem>>, vector<1x16xf32>,
        %swap3A_792 = vector.shape_cast %swap3A_791 : vector<1x16xf32> to vector<16xf32>
        %swap3A_793 = vector.shape_cast %mul3A_788 : vector<16xf32> to vector<1x16xf32>
        tpu.vector_store %arg12[%swap3A_789, %swap3A_790], %swap3A_793 {strides = array<i32>} : memref<40x128xf32, #tpu.memory_space<vmem>>, vector<1x16xf32>,
        %swap3A_794 = arith.index_cast %add3A_737 : i32 to index
        %swap3A_795 = arith.constant 64 : index
        %swap3A_796 = tpu.vector_load %arg12[%swap3A_794, %swap3A_795] {strides = array<i32>} : memref<40x128xf32, #tpu.memory_space<vmem>>, vector<1x16xf32>,
        %swap3A_797 = vector.shape_cast %swap3A_796 : vector<1x16xf32> to vector<16xf32>
        %swap3A_798 = vector.shape_cast %get3A_741 : vector<16xf32> to vector<1x16xf32>
        tpu.vector_store %arg12[%swap3A_794, %swap3A_795], %swap3A_798 {strides = array<i32>} : memref<40x128xf32, #tpu.memory_space<vmem>>, vector<1x16xf32>,
        %scan3A_799 = arith.constant 0 : i32
        scf.yield %scan3A_799 : i32
      }
      %scan3A_215 = arith.constant 5 : i32
      %dma_start3A_216 = arith.constant 0 : i32
      %dma_start3A_217 = arith.constant 0 : i32
      %dma_start3A_218 = tpu.memref_slice %arg7[%dma_start3A_216, %dma_start3A_217] : memref<10240x128xf32, #tpu.memory_space<vmem_shared>> -> memref<10240x128xf32, #tpu.memory_space<vmem_shared>>
      tpu.enqueue_indirect_dma source(%arg12 : memref<40x128xf32, #tpu.memory_space<vmem>>) target(%dma_start3A_218 : memref<10240x128xf32, #tpu.memory_space<vmem_shared>>) offsets(%arg17 : memref<40xi32, #tpu.memory_space<vmem>>) semaphore(%arg23 : memref<!tpu.dma_semaphore, #tpu.memory_space<semaphore_mem>>) {add = true}
      %mul3A_219 = arith.constant 2 : i32
      %mul3A_220 = arith.muli %mul3A_219, %scan3A_161 : i32
      %add3A_221 = arith.constant 1 : i32
      %add3A_222 = arith.addi %mul3A_220, %add3A_221 : i32
      %dma_wait3A_223 = arith.constant 0 : i32
      %dma_wait3A_224 = arith.constant 0 : i32
      %dma_wait3A_225 = tpu.memref_slice %arg2[%dma_wait3A_223, %dma_wait3A_224] : memref<20000x128xf32, #tpu.memory_space<hbm>> -> memref<20000x128xf32, #tpu.memory_space<hbm>>
      tpu.wait_indirect_dma semaphore(%arg20 : memref<!tpu.dma_semaphore, #tpu.memory_space<semaphore_mem>>) src(%dma_wait3A_225 : memref<20000x128xf32, #tpu.memory_space<hbm>>) dst(%arg13 : memref<40x128xf32, #tpu.memory_space<vmem>>)
      %add3A_226 = arith.constant 1 : i32
      %add3A_227 = arith.addi %add3A_222, %add3A_226 : i32
      %lt3A_228 = arith.constant 500 : i32
      %lt3A_229 = arith.cmpi slt, %add3A_227, %lt3A_228 : i32
      %convert_element_type3A_230 = arith.extui %lt3A_229 : i1 to i32
      %cond3A_231 = arith.constant 0 : i32
      %cond3A_232 = arith.cmpi ne, %convert_element_type3A_230, %cond3A_231 : i32
      scf.if %cond3A_232 {
        %add3A_279 = arith.constant 1 : i32
        %add3A_280 = arith.addi %add3A_222, %add3A_279 : i32
        %mul3A_281 = arith.constant 20000 : i32
        %mul3A_282 = arith.muli %arg1, %mul3A_281 : i32
        %mul3A_283 = arith.constant 40 : i32
        %mul3A_284 = arith.muli %add3A_280, %mul3A_283 : i32
        %add3A_285 = arith.addi %mul3A_282, %mul3A_284 : i32
        %mul3A_286 = arith.constant 320000 : i32
        %mul3A_287 = arith.muli %arg0, %mul3A_286 : i32
        %add3A_288 = arith.addi %mul3A_287, %add3A_285 : i32
        %dma_wait3A_289 = tpu.memref_slice %arg4[%add3A_285] : memref<320000xi32, #tpu.memory_space<hbm>> -> memref<40xi32, #tpu.memory_space<hbm>>
        %dma_wait3A_290 = tpu.memref_slice %arg4[%add3A_285] : memref<320000xi32, #tpu.memory_space<hbm>> -> memref<40xi32, #tpu.memory_space<hbm>>
        tpu.wait_dma2 semaphore(%arg21 : memref<!tpu.dma_semaphore, #tpu.memory_space<semaphore_mem>>) src(%dma_wait3A_290 : memref<40xi32, #tpu.memory_space<hbm>>) dst(%arg8 : memref<40xi32, #tpu.memory_space<vmem>>)
        %dma_wait3A_291 = tpu.memref_slice %arg5[%add3A_285] : memref<320000xi32, #tpu.memory_space<hbm>> -> memref<40xi32, #tpu.memory_space<hbm>>
        %dma_wait3A_292 = tpu.memref_slice %arg5[%add3A_285] : memref<320000xi32, #tpu.memory_space<hbm>> -> memref<40xi32, #tpu.memory_space<hbm>>
        tpu.wait_dma2 semaphore(%arg21 : memref<!tpu.dma_semaphore, #tpu.memory_space<semaphore_mem>>) src(%dma_wait3A_292 : memref<40xi32, #tpu.memory_space<hbm>>) dst(%arg10 : memref<40xi32, #tpu.memory_space<vmem>>)
        %dma_wait3A_293 = arith.constant 0 : i32
        %dma_wait3A_294 = tpu.memref_slice %arg3[%add3A_288, %dma_wait3A_293] : memref<640000x16xf32, #tpu.memory_space<hbm>> -> memref<40x16xf32, #tpu.memory_space<hbm>>
        %dma_wait3A_295 = arith.constant 0 : i32
        %dma_wait3A_296 = tpu.memref_slice %arg3[%add3A_288, %dma_wait3A_295] : memref<640000x16xf32, #tpu.memory_space<hbm>> -> memref<40x16xf32, #tpu.memory_space<hbm>>
        tpu.wait_dma2 semaphore(%arg21 : memref<!tpu.dma_semaphore, #tpu.memory_space<semaphore_mem>>) src(%dma_wait3A_296 : memref<40x16xf32, #tpu.memory_space<hbm>>) dst(%arg14 : memref<40x16xf32, #tpu.memory_space<vmem>>)
        %dma_wait3A_297 = arith.constant 0 : i32
        %dma_wait3A_298 = arith.constant 0 : i32
        %dma_wait3A_299 = tpu.memref_slice %arg7[%dma_wait3A_297, %dma_wait3A_298] : memref<10240x128xf32, #tpu.memory_space<vmem_shared>> -> memref<10240x128xf32, #tpu.memory_space<vmem_shared>>
        tpu.wait_indirect_dma semaphore(%arg23 : memref<!tpu.dma_semaphore, #tpu.memory_space<semaphore_mem>>) src(%arg12 : memref<40x128xf32, #tpu.memory_space<vmem>>) dst(%dma_wait3A_299 : memref<10240x128xf32, #tpu.memory_space<vmem_shared>>)
        %get3A_300 = arith.constant 0 : index
        %get3A_301 = tpu.vector_load %arg8[%get3A_300] {strides = array<i32>} : memref<40xi32, #tpu.memory_space<vmem>>, vector<16xi32>,
        %get3A_302 = vector.shape_cast %get3A_301 : vector<16xi32> to vector<16xi32>
        %add3A_303 = vector.broadcast %mul3A_1 : i32 to vector<16xi32>
        %add3A_304 = arith.addi %get3A_302, %add3A_303 : vector<16xi32>
        %swap3A_305 = arith.constant 0 : index
        %swap3A_306 = tpu.vector_load %arg8[%swap3A_305] {strides = array<i32>} : memref<40xi32, #tpu.memory_space<vmem>>, vector<16xi32>,
        %swap3A_307 = vector.shape_cast %swap3A_306 : vector<16xi32> to vector<16xi32>
        %swap3A_308 = vector.shape_cast %add3A_304 : vector<16xi32> to vector<16xi32>
        tpu.vector_store %arg8[%swap3A_305], %swap3A_308 {strides = array<i32>} : memref<40xi32, #tpu.memory_space<vmem>>, vector<16xi32>,
        %get3A_309 = arith.constant 16 : index
        %get3A_310 = tpu.vector_load %arg8[%get3A_309] {strides = array<i32>} : memref<40xi32, #tpu.memory_space<vmem>>, vector<16xi32>,
        %get3A_311 = vector.shape_cast %get3A_310 : vector<16xi32> to vector<16xi32>
        %add3A_312 = vector.broadcast %mul3A_1 : i32 to vector<16xi32>
        %add3A_313 = arith.addi %get3A_311, %add3A_312 : vector<16xi32>
        %swap3A_314 = arith.constant 16 : index
        %swap3A_315 = tpu.vector_load %arg8[%swap3A_314] {strides = array<i32>} : memref<40xi32, #tpu.memory_space<vmem>>, vector<16xi32>,
        %swap3A_316 = vector.shape_cast %swap3A_315 : vector<16xi32> to vector<16xi32>
        %swap3A_317 = vector.shape_cast %add3A_313 : vector<16xi32> to vector<16xi32>
        tpu.vector_store %arg8[%swap3A_314], %swap3A_317 {strides = array<i32>} : memref<40xi32, #tpu.memory_space<vmem>>, vector<16xi32>,
        %get3A_318 = arith.constant 24 : index
        %get3A_319 = tpu.vector_load %arg8[%get3A_318] {strides = array<i32>} : memref<40xi32, #tpu.memory_space<vmem>>, vector<16xi32>,
        %get3A_320 = vector.shape_cast %get3A_319 : vector<16xi32> to vector<16xi32>
        %ge3A_321 = arith.constant 8 : i32
        %ge3A_322 = vector.broadcast %ge3A_321 : i32 to vector<16xi32>
        %ge3A_323 = arith.cmpi sge, %iota3A, %ge3A_322 : vector<16xi32>
        %jit3A_324 = arith.constant 0 : i32
        %broadcast_in_dim3A_325 = vector.broadcast %mul3A_1 : i32 to vector<16xi32>
        %broadcast_in_dim3A_326 = vector.broadcast %jit3A_324 : i32 to vector<16xi32>
        %select_n3A_327 = arith.select %ge3A_323, %broadcast_in_dim3A_325, %broadcast_in_dim3A_326 : vector<16xi1>, vector<16xi32>
        %add3A_328 = arith.addi %get3A_320, %select_n3A_327 : vector<16xi32>
        %swap3A_329 = arith.constant 24 : index
        %swap3A_330 = tpu.vector_load %arg8[%swap3A_329] {strides = array<i32>} : memref<40xi32, #tpu.memory_space<vmem>>, vector<16xi32>,
        %swap3A_331 = vector.shape_cast %swap3A_330 : vector<16xi32> to vector<16xi32>
        %swap3A_332 = vector.shape_cast %add3A_328 : vector<16xi32> to vector<16xi32>
        tpu.vector_store %arg8[%swap3A_329], %swap3A_332 {strides = array<i32>} : memref<40xi32, #tpu.memory_space<vmem>>, vector<16xi32>,
        %dma_start3A_333 = arith.constant 0 : i32
        %dma_start3A_334 = arith.constant 0 : i32
        %dma_start3A_335 = tpu.memref_slice %arg2[%dma_start3A_333, %dma_start3A_334] : memref<20000x128xf32, #tpu.memory_space<hbm>> -> memref<20000x128xf32, #tpu.memory_space<hbm>>
        tpu.enqueue_indirect_dma source(%dma_start3A_335 : memref<20000x128xf32, #tpu.memory_space<hbm>>) target(%arg12 : memref<40x128xf32, #tpu.memory_space<vmem>>) offsets(%arg8 : memref<40xi32, #tpu.memory_space<vmem>>) semaphore(%arg19 : memref<!tpu.dma_semaphore, #tpu.memory_space<semaphore_mem>>)
      } else {
      }
      %scan3A_233 = arith.constant 0 : i32
      %scan3A_234 = arith.constant 0 : i32
      %scan3A_235 = arith.constant 5 : i32
      %scan3A_236 = arith.addi %scan3A_234, %scan3A_235 : i32
      %scan3A_237 = arith.constant 1 : i32
      %scan3A_238 = scf.for %scan3A_279 = %scan3A_234 to %scan3A_236 step %scan3A_237 iter_args(%scan3A_280 = %scan3A_233) -> (i32)  : i32 {
        %mul3A_281 = arith.constant 8 : i32
        %mul3A_282 = arith.muli %scan3A_279, %mul3A_281 : i32
        %add3A_283 = arith.constant 0 : i32
        %add3A_284 = arith.addi %mul3A_282, %add3A_283 : i32
        %get3A_285 = arith.index_cast %add3A_284 : i32 to index
        %get3A_286 = arith.constant 64 : index
        %get3A_287 = tpu.vector_load %arg13[%get3A_285, %get3A_286] {strides = array<i32>} : memref<40x128xf32, #tpu.memory_space<vmem>>, vector<1x16xf32>,
        %get3A_288 = vector.shape_cast %get3A_287 : vector<1x16xf32> to vector<16xf32>
        %add3A_289 = arith.constant 0 : i32
        %add3A_290 = arith.addi %mul3A_282, %add3A_289 : i32
        %get3A_291 = arith.index_cast %add3A_290 : i32 to index
        %get3A_292 = arith.constant 0 : index
        %get3A_293 = tpu.vector_load %arg15[%get3A_291, %get3A_292] {strides = array<i32>} : memref<40x16xf32, #tpu.memory_space<vmem>>, vector<1x16xf32>,
        %get3A_294 = vector.shape_cast %get3A_293 : vector<1x16xf32> to vector<16xf32>
        %add3A_295 = arith.addf %get3A_288, %get3A_294 : vector<16xf32>
        %lt3A_296 = arith.constant 4 : i32
        %lt3A_297 = vector.broadcast %lt3A_296 : i32 to vector<16xi32>
        %lt3A_298 = arith.cmpi slt, %iota3A, %lt3A_297 : vector<16xi32>
        %mul3A_299 = arith.constant 0.00999999977 : f32
        %mul3A_300 = vector.broadcast %mul3A_299 : f32 to vector<16xf32>
        %mul3A_301 = arith.mulf %mul3A_300, %add3A_295 : vector<16xf32>
        %max3A = arith.maximumf %add3A_295, %mul3A_301 : vector<16xf32>
        %exp3A = math.exp %max3A : vector<16xf32>
        %jit3A_302 = arith.constant 0.000000e+00 : f32
        %broadcast_in_dim3A_303 = vector.broadcast %jit3A_302 : f32 to vector<16xf32>
        %select_n3A_304 = arith.select %lt3A_298, %exp3A, %broadcast_in_dim3A_303 : vector<16xi1>, vector<16xf32>
        %add3A_305 = arith.constant 0 : i32
        %add3A_306 = arith.addi %mul3A_282, %add3A_305 : i32
        %swap3A_307 = arith.index_cast %add3A_306 : i32 to index
        %swap3A_308 = arith.constant 0 : index
        %swap3A_309 = tpu.vector_load %arg16[%swap3A_307, %swap3A_308] {strides = array<i32>} : memref<40x16xf32, #tpu.memory_space<vmem>>, vector<1x16xf32>,
        %swap3A_310 = vector.shape_cast %swap3A_309 : vector<1x16xf32> to vector<16xf32>
        %swap3A_311 = vector.shape_cast %select_n3A_304 : vector<16xf32> to vector<1x16xf32>
        tpu.vector_store %arg16[%swap3A_307, %swap3A_308], %swap3A_311 {strides = array<i32>} : memref<40x16xf32, #tpu.memory_space<vmem>>, vector<1x16xf32>,
        %add3A_312 = arith.constant 1 : i32
        %add3A_313 = arith.addi %mul3A_282, %add3A_312 : i32
        %get3A_314 = arith.index_cast %add3A_313 : i32 to index
        %get3A_315 = arith.constant 64 : index
        %get3A_316 = tpu.vector_load %arg13[%get3A_314, %get3A_315] {strides = array<i32>} : memref<40x128xf32, #tpu.memory_space<vmem>>, vector<1x16xf32>,
        %get3A_317 = vector.shape_cast %get3A_316 : vector<1x16xf32> to vector<16xf32>
        %add3A_318 = arith.constant 1 : i32
        %add3A_319 = arith.addi %mul3A_282, %add3A_318 : i32
        %get3A_320 = arith.index_cast %add3A_319 : i32 to index
        %get3A_321 = arith.constant 0 : index
        %get3A_322 = tpu.vector_load %arg15[%get3A_320, %get3A_321] {strides = array<i32>} : memref<40x16xf32, #tpu.memory_space<vmem>>, vector<1x16xf32>,
        %get3A_323 = vector.shape_cast %get3A_322 : vector<1x16xf32> to vector<16xf32>
        %add3A_324 = arith.addf %get3A_317, %get3A_323 : vector<16xf32>
        %lt3A_325 = arith.constant 4 : i32
        %lt3A_326 = vector.broadcast %lt3A_325 : i32 to vector<16xi32>
        %lt3A_327 = arith.cmpi slt, %iota3A, %lt3A_326 : vector<16xi32>
        %mul3A_328 = arith.constant 0.00999999977 : f32
        %mul3A_329 = vector.broadcast %mul3A_328 : f32 to vector<16xf32>
        %mul3A_330 = arith.mulf %mul3A_329, %add3A_324 : vector<16xf32>
        %max3A_331 = arith.maximumf %add3A_324, %mul3A_330 : vector<16xf32>
        %exp3A_332 = math.exp %max3A_331 : vector<16xf32>
        %jit3A_333 = arith.constant 0.000000e+00 : f32
        %broadcast_in_dim3A_334 = vector.broadcast %jit3A_333 : f32 to vector<16xf32>
        %select_n3A_335 = arith.select %lt3A_327, %exp3A_332, %broadcast_in_dim3A_334 : vector<16xi1>, vector<16xf32>
        %add3A_336 = arith.constant 1 : i32
        %add3A_337 = arith.addi %mul3A_282, %add3A_336 : i32
        %swap3A_338 = arith.index_cast %add3A_337 : i32 to index
        %swap3A_339 = arith.constant 0 : index
        %swap3A_340 = tpu.vector_load %arg16[%swap3A_338, %swap3A_339] {strides = array<i32>} : memref<40x16xf32, #tpu.memory_space<vmem>>, vector<1x16xf32>,
        %swap3A_341 = vector.shape_cast %swap3A_340 : vector<1x16xf32> to vector<16xf32>
        %swap3A_342 = vector.shape_cast %select_n3A_335 : vector<16xf32> to vector<1x16xf32>
        tpu.vector_store %arg16[%swap3A_338, %swap3A_339], %swap3A_342 {strides = array<i32>} : memref<40x16xf32, #tpu.memory_space<vmem>>, vector<1x16xf32>,
        %add3A_343 = arith.constant 2 : i32
        %add3A_344 = arith.addi %mul3A_282, %add3A_343 : i32
        %get3A_345 = arith.index_cast %add3A_344 : i32 to index
        %get3A_346 = arith.constant 64 : index
        %get3A_347 = tpu.vector_load %arg13[%get3A_345, %get3A_346] {strides = array<i32>} : memref<40x128xf32, #tpu.memory_space<vmem>>, vector<1x16xf32>,
        %get3A_348 = vector.shape_cast %get3A_347 : vector<1x16xf32> to vector<16xf32>
        %add3A_349 = arith.constant 2 : i32
        %add3A_350 = arith.addi %mul3A_282, %add3A_349 : i32
        %get3A_351 = arith.index_cast %add3A_350 : i32 to index
        %get3A_352 = arith.constant 0 : index
        %get3A_353 = tpu.vector_load %arg15[%get3A_351, %get3A_352] {strides = array<i32>} : memref<40x16xf32, #tpu.memory_space<vmem>>, vector<1x16xf32>,
        %get3A_354 = vector.shape_cast %get3A_353 : vector<1x16xf32> to vector<16xf32>
        %add3A_355 = arith.addf %get3A_348, %get3A_354 : vector<16xf32>
        %lt3A_356 = arith.constant 4 : i32
        %lt3A_357 = vector.broadcast %lt3A_356 : i32 to vector<16xi32>
        %lt3A_358 = arith.cmpi slt, %iota3A, %lt3A_357 : vector<16xi32>
        %mul3A_359 = arith.constant 0.00999999977 : f32
        %mul3A_360 = vector.broadcast %mul3A_359 : f32 to vector<16xf32>
        %mul3A_361 = arith.mulf %mul3A_360, %add3A_355 : vector<16xf32>
        %max3A_362 = arith.maximumf %add3A_355, %mul3A_361 : vector<16xf32>
        %exp3A_363 = math.exp %max3A_362 : vector<16xf32>
        %jit3A_364 = arith.constant 0.000000e+00 : f32
        %broadcast_in_dim3A_365 = vector.broadcast %jit3A_364 : f32 to vector<16xf32>
        %select_n3A_366 = arith.select %lt3A_358, %exp3A_363, %broadcast_in_dim3A_365 : vector<16xi1>, vector<16xf32>
        %add3A_367 = arith.constant 2 : i32
        %add3A_368 = arith.addi %mul3A_282, %add3A_367 : i32
        %swap3A_369 = arith.index_cast %add3A_368 : i32 to index
        %swap3A_370 = arith.constant 0 : index
        %swap3A_371 = tpu.vector_load %arg16[%swap3A_369, %swap3A_370] {strides = array<i32>} : memref<40x16xf32, #tpu.memory_space<vmem>>, vector<1x16xf32>,
        %swap3A_372 = vector.shape_cast %swap3A_371 : vector<1x16xf32> to vector<16xf32>
        %swap3A_373 = vector.shape_cast %select_n3A_366 : vector<16xf32> to vector<1x16xf32>
        tpu.vector_store %arg16[%swap3A_369, %swap3A_370], %swap3A_373 {strides = array<i32>} : memref<40x16xf32, #tpu.memory_space<vmem>>, vector<1x16xf32>,
        %add3A_374 = arith.constant 3 : i32
        %add3A_375 = arith.addi %mul3A_282, %add3A_374 : i32
        %get3A_376 = arith.index_cast %add3A_375 : i32 to index
        %get3A_377 = arith.constant 64 : index
        %get3A_378 = tpu.vector_load %arg13[%get3A_376, %get3A_377] {strides = array<i32>} : memref<40x128xf32, #tpu.memory_space<vmem>>, vector<1x16xf32>,
        %get3A_379 = vector.shape_cast %get3A_378 : vector<1x16xf32> to vector<16xf32>
        %add3A_380 = arith.constant 3 : i32
        %add3A_381 = arith.addi %mul3A_282, %add3A_380 : i32
        %get3A_382 = arith.index_cast %add3A_381 : i32 to index
        %get3A_383 = arith.constant 0 : index
        %get3A_384 = tpu.vector_load %arg15[%get3A_382, %get3A_383] {strides = array<i32>} : memref<40x16xf32, #tpu.memory_space<vmem>>, vector<1x16xf32>,
        %get3A_385 = vector.shape_cast %get3A_384 : vector<1x16xf32> to vector<16xf32>
        %add3A_386 = arith.addf %get3A_379, %get3A_385 : vector<16xf32>
        %lt3A_387 = arith.constant 4 : i32
        %lt3A_388 = vector.broadcast %lt3A_387 : i32 to vector<16xi32>
        %lt3A_389 = arith.cmpi slt, %iota3A, %lt3A_388 : vector<16xi32>
        %mul3A_390 = arith.constant 0.00999999977 : f32
        %mul3A_391 = vector.broadcast %mul3A_390 : f32 to vector<16xf32>
        %mul3A_392 = arith.mulf %mul3A_391, %add3A_386 : vector<16xf32>
        %max3A_393 = arith.maximumf %add3A_386, %mul3A_392 : vector<16xf32>
        %exp3A_394 = math.exp %max3A_393 : vector<16xf32>
        %jit3A_395 = arith.constant 0.000000e+00 : f32
        %broadcast_in_dim3A_396 = vector.broadcast %jit3A_395 : f32 to vector<16xf32>
        %select_n3A_397 = arith.select %lt3A_389, %exp3A_394, %broadcast_in_dim3A_396 : vector<16xi1>, vector<16xf32>
        %add3A_398 = arith.constant 3 : i32
        %add3A_399 = arith.addi %mul3A_282, %add3A_398 : i32
        %swap3A_400 = arith.index_cast %add3A_399 : i32 to index
        %swap3A_401 = arith.constant 0 : index
        %swap3A_402 = tpu.vector_load %arg16[%swap3A_400, %swap3A_401] {strides = array<i32>} : memref<40x16xf32, #tpu.memory_space<vmem>>, vector<1x16xf32>,
        %swap3A_403 = vector.shape_cast %swap3A_402 : vector<1x16xf32> to vector<16xf32>
        %swap3A_404 = vector.shape_cast %select_n3A_397 : vector<16xf32> to vector<1x16xf32>
        tpu.vector_store %arg16[%swap3A_400, %swap3A_401], %swap3A_404 {strides = array<i32>} : memref<40x16xf32, #tpu.memory_space<vmem>>, vector<1x16xf32>,
        %add3A_405 = arith.constant 4 : i32
        %add3A_406 = arith.addi %mul3A_282, %add3A_405 : i32
        %get3A_407 = arith.index_cast %add3A_406 : i32 to index
        %get3A_408 = arith.constant 64 : index
        %get3A_409 = tpu.vector_load %arg13[%get3A_407, %get3A_408] {strides = array<i32>} : memref<40x128xf32, #tpu.memory_space<vmem>>, vector<1x16xf32>,
        %get3A_410 = vector.shape_cast %get3A_409 : vector<1x16xf32> to vector<16xf32>
        %add3A_411 = arith.constant 4 : i32
        %add3A_412 = arith.addi %mul3A_282, %add3A_411 : i32
        %get3A_413 = arith.index_cast %add3A_412 : i32 to index
        %get3A_414 = arith.constant 0 : index
        %get3A_415 = tpu.vector_load %arg15[%get3A_413, %get3A_414] {strides = array<i32>} : memref<40x16xf32, #tpu.memory_space<vmem>>, vector<1x16xf32>,
        %get3A_416 = vector.shape_cast %get3A_415 : vector<1x16xf32> to vector<16xf32>
        %add3A_417 = arith.addf %get3A_410, %get3A_416 : vector<16xf32>
        %lt3A_418 = arith.constant 4 : i32
        %lt3A_419 = vector.broadcast %lt3A_418 : i32 to vector<16xi32>
        %lt3A_420 = arith.cmpi slt, %iota3A, %lt3A_419 : vector<16xi32>
        %mul3A_421 = arith.constant 0.00999999977 : f32
        %mul3A_422 = vector.broadcast %mul3A_421 : f32 to vector<16xf32>
        %mul3A_423 = arith.mulf %mul3A_422, %add3A_417 : vector<16xf32>
        %max3A_424 = arith.maximumf %add3A_417, %mul3A_423 : vector<16xf32>
        %exp3A_425 = math.exp %max3A_424 : vector<16xf32>
        %jit3A_426 = arith.constant 0.000000e+00 : f32
        %broadcast_in_dim3A_427 = vector.broadcast %jit3A_426 : f32 to vector<16xf32>
        %select_n3A_428 = arith.select %lt3A_420, %exp3A_425, %broadcast_in_dim3A_427 : vector<16xi1>, vector<16xf32>
        %add3A_429 = arith.constant 4 : i32
        %add3A_430 = arith.addi %mul3A_282, %add3A_429 : i32
        %swap3A_431 = arith.index_cast %add3A_430 : i32 to index
        %swap3A_432 = arith.constant 0 : index
        %swap3A_433 = tpu.vector_load %arg16[%swap3A_431, %swap3A_432] {strides = array<i32>} : memref<40x16xf32, #tpu.memory_space<vmem>>, vector<1x16xf32>,
        %swap3A_434 = vector.shape_cast %swap3A_433 : vector<1x16xf32> to vector<16xf32>
        %swap3A_435 = vector.shape_cast %select_n3A_428 : vector<16xf32> to vector<1x16xf32>
        tpu.vector_store %arg16[%swap3A_431, %swap3A_432], %swap3A_435 {strides = array<i32>} : memref<40x16xf32, #tpu.memory_space<vmem>>, vector<1x16xf32>,
        %add3A_436 = arith.constant 5 : i32
        %add3A_437 = arith.addi %mul3A_282, %add3A_436 : i32
        %get3A_438 = arith.index_cast %add3A_437 : i32 to index
        %get3A_439 = arith.constant 64 : index
        %get3A_440 = tpu.vector_load %arg13[%get3A_438, %get3A_439] {strides = array<i32>} : memref<40x128xf32, #tpu.memory_space<vmem>>, vector<1x16xf32>,
        %get3A_441 = vector.shape_cast %get3A_440 : vector<1x16xf32> to vector<16xf32>
        %add3A_442 = arith.constant 5 : i32
        %add3A_443 = arith.addi %mul3A_282, %add3A_442 : i32
        %get3A_444 = arith.index_cast %add3A_443 : i32 to index
        %get3A_445 = arith.constant 0 : index
        %get3A_446 = tpu.vector_load %arg15[%get3A_444, %get3A_445] {strides = array<i32>} : memref<40x16xf32, #tpu.memory_space<vmem>>, vector<1x16xf32>,
        %get3A_447 = vector.shape_cast %get3A_446 : vector<1x16xf32> to vector<16xf32>
        %add3A_448 = arith.addf %get3A_441, %get3A_447 : vector<16xf32>
        %lt3A_449 = arith.constant 4 : i32
        %lt3A_450 = vector.broadcast %lt3A_449 : i32 to vector<16xi32>
        %lt3A_451 = arith.cmpi slt, %iota3A, %lt3A_450 : vector<16xi32>
        %mul3A_452 = arith.constant 0.00999999977 : f32
        %mul3A_453 = vector.broadcast %mul3A_452 : f32 to vector<16xf32>
        %mul3A_454 = arith.mulf %mul3A_453, %add3A_448 : vector<16xf32>
        %max3A_455 = arith.maximumf %add3A_448, %mul3A_454 : vector<16xf32>
        %exp3A_456 = math.exp %max3A_455 : vector<16xf32>
        %jit3A_457 = arith.constant 0.000000e+00 : f32
        %broadcast_in_dim3A_458 = vector.broadcast %jit3A_457 : f32 to vector<16xf32>
        %select_n3A_459 = arith.select %lt3A_451, %exp3A_456, %broadcast_in_dim3A_458 : vector<16xi1>, vector<16xf32>
        %add3A_460 = arith.constant 5 : i32
        %add3A_461 = arith.addi %mul3A_282, %add3A_460 : i32
        %swap3A_462 = arith.index_cast %add3A_461 : i32 to index
        %swap3A_463 = arith.constant 0 : index
        %swap3A_464 = tpu.vector_load %arg16[%swap3A_462, %swap3A_463] {strides = array<i32>} : memref<40x16xf32, #tpu.memory_space<vmem>>, vector<1x16xf32>,
        %swap3A_465 = vector.shape_cast %swap3A_464 : vector<1x16xf32> to vector<16xf32>
        %swap3A_466 = vector.shape_cast %select_n3A_459 : vector<16xf32> to vector<1x16xf32>
        tpu.vector_store %arg16[%swap3A_462, %swap3A_463], %swap3A_466 {strides = array<i32>} : memref<40x16xf32, #tpu.memory_space<vmem>>, vector<1x16xf32>,
        %add3A_467 = arith.constant 6 : i32
        %add3A_468 = arith.addi %mul3A_282, %add3A_467 : i32
        %get3A_469 = arith.index_cast %add3A_468 : i32 to index
        %get3A_470 = arith.constant 64 : index
        %get3A_471 = tpu.vector_load %arg13[%get3A_469, %get3A_470] {strides = array<i32>} : memref<40x128xf32, #tpu.memory_space<vmem>>, vector<1x16xf32>,
        %get3A_472 = vector.shape_cast %get3A_471 : vector<1x16xf32> to vector<16xf32>
        %add3A_473 = arith.constant 6 : i32
        %add3A_474 = arith.addi %mul3A_282, %add3A_473 : i32
        %get3A_475 = arith.index_cast %add3A_474 : i32 to index
        %get3A_476 = arith.constant 0 : index
        %get3A_477 = tpu.vector_load %arg15[%get3A_475, %get3A_476] {strides = array<i32>} : memref<40x16xf32, #tpu.memory_space<vmem>>, vector<1x16xf32>,
        %get3A_478 = vector.shape_cast %get3A_477 : vector<1x16xf32> to vector<16xf32>
        %add3A_479 = arith.addf %get3A_472, %get3A_478 : vector<16xf32>
        %lt3A_480 = arith.constant 4 : i32
        %lt3A_481 = vector.broadcast %lt3A_480 : i32 to vector<16xi32>
        %lt3A_482 = arith.cmpi slt, %iota3A, %lt3A_481 : vector<16xi32>
        %mul3A_483 = arith.constant 0.00999999977 : f32
        %mul3A_484 = vector.broadcast %mul3A_483 : f32 to vector<16xf32>
        %mul3A_485 = arith.mulf %mul3A_484, %add3A_479 : vector<16xf32>
        %max3A_486 = arith.maximumf %add3A_479, %mul3A_485 : vector<16xf32>
        %exp3A_487 = math.exp %max3A_486 : vector<16xf32>
        %jit3A_488 = arith.constant 0.000000e+00 : f32
        %broadcast_in_dim3A_489 = vector.broadcast %jit3A_488 : f32 to vector<16xf32>
        %select_n3A_490 = arith.select %lt3A_482, %exp3A_487, %broadcast_in_dim3A_489 : vector<16xi1>, vector<16xf32>
        %add3A_491 = arith.constant 6 : i32
        %add3A_492 = arith.addi %mul3A_282, %add3A_491 : i32
        %swap3A_493 = arith.index_cast %add3A_492 : i32 to index
        %swap3A_494 = arith.constant 0 : index
        %swap3A_495 = tpu.vector_load %arg16[%swap3A_493, %swap3A_494] {strides = array<i32>} : memref<40x16xf32, #tpu.memory_space<vmem>>, vector<1x16xf32>,
        %swap3A_496 = vector.shape_cast %swap3A_495 : vector<1x16xf32> to vector<16xf32>
        %swap3A_497 = vector.shape_cast %select_n3A_490 : vector<16xf32> to vector<1x16xf32>
        tpu.vector_store %arg16[%swap3A_493, %swap3A_494], %swap3A_497 {strides = array<i32>} : memref<40x16xf32, #tpu.memory_space<vmem>>, vector<1x16xf32>,
        %add3A_498 = arith.constant 7 : i32
        %add3A_499 = arith.addi %mul3A_282, %add3A_498 : i32
        %get3A_500 = arith.index_cast %add3A_499 : i32 to index
        %get3A_501 = arith.constant 64 : index
        %get3A_502 = tpu.vector_load %arg13[%get3A_500, %get3A_501] {strides = array<i32>} : memref<40x128xf32, #tpu.memory_space<vmem>>, vector<1x16xf32>,
        %get3A_503 = vector.shape_cast %get3A_502 : vector<1x16xf32> to vector<16xf32>
        %add3A_504 = arith.constant 7 : i32
        %add3A_505 = arith.addi %mul3A_282, %add3A_504 : i32
        %get3A_506 = arith.index_cast %add3A_505 : i32 to index
        %get3A_507 = arith.constant 0 : index
        %get3A_508 = tpu.vector_load %arg15[%get3A_506, %get3A_507] {strides = array<i32>} : memref<40x16xf32, #tpu.memory_space<vmem>>, vector<1x16xf32>,
        %get3A_509 = vector.shape_cast %get3A_508 : vector<1x16xf32> to vector<16xf32>
        %add3A_510 = arith.addf %get3A_503, %get3A_509 : vector<16xf32>
        %lt3A_511 = arith.constant 4 : i32
        %lt3A_512 = vector.broadcast %lt3A_511 : i32 to vector<16xi32>
        %lt3A_513 = arith.cmpi slt, %iota3A, %lt3A_512 : vector<16xi32>
        %mul3A_514 = arith.constant 0.00999999977 : f32
        %mul3A_515 = vector.broadcast %mul3A_514 : f32 to vector<16xf32>
        %mul3A_516 = arith.mulf %mul3A_515, %add3A_510 : vector<16xf32>
        %max3A_517 = arith.maximumf %add3A_510, %mul3A_516 : vector<16xf32>
        %exp3A_518 = math.exp %max3A_517 : vector<16xf32>
        %jit3A_519 = arith.constant 0.000000e+00 : f32
        %broadcast_in_dim3A_520 = vector.broadcast %jit3A_519 : f32 to vector<16xf32>
        %select_n3A_521 = arith.select %lt3A_513, %exp3A_518, %broadcast_in_dim3A_520 : vector<16xi1>, vector<16xf32>
        %add3A_522 = arith.constant 7 : i32
        %add3A_523 = arith.addi %mul3A_282, %add3A_522 : i32
        %swap3A_524 = arith.index_cast %add3A_523 : i32 to index
        %swap3A_525 = arith.constant 0 : index
        %swap3A_526 = tpu.vector_load %arg16[%swap3A_524, %swap3A_525] {strides = array<i32>} : memref<40x16xf32, #tpu.memory_space<vmem>>, vector<1x16xf32>,
        %swap3A_527 = vector.shape_cast %swap3A_526 : vector<1x16xf32> to vector<16xf32>
        %swap3A_528 = vector.shape_cast %select_n3A_521 : vector<16xf32> to vector<1x16xf32>
        tpu.vector_store %arg16[%swap3A_524, %swap3A_525], %swap3A_528 {strides = array<i32>} : memref<40x16xf32, #tpu.memory_space<vmem>>, vector<1x16xf32>,
        %scan3A_529 = arith.constant 0 : i32
        scf.yield %scan3A_529 : i32
      }
      %scan3A_239 = arith.constant 5 : i32
      %get3A_240 = arith.constant 0 : index
      %get3A_241 = tpu.vector_load %arg11[%get3A_240] {strides = array<i32>} : memref<40xi32, #tpu.memory_space<vmem>>, vector<16xi32>,
      %get3A_242 = vector.shape_cast %get3A_241 : vector<16xi32> to vector<16xi32>
      %swap3A_243 = arith.constant 0 : index
      %swap3A_244 = tpu.vector_load %arg18[%swap3A_243] {strides = array<i32>} : memref<40xi32, #tpu.memory_space<vmem>>, vector<16xi32>,
      %swap3A_245 = vector.shape_cast %swap3A_244 : vector<16xi32> to vector<16xi32>
      %swap3A_246 = vector.shape_cast %get3A_242 : vector<16xi32> to vector<16xi32>
      tpu.vector_store %arg18[%swap3A_243], %swap3A_246 {strides = array<i32>} : memref<40xi32, #tpu.memory_space<vmem>>, vector<16xi32>,
      %get3A_247 = arith.constant 16 : index
      %get3A_248 = tpu.vector_load %arg11[%get3A_247] {strides = array<i32>} : memref<40xi32, #tpu.memory_space<vmem>>, vector<16xi32>,
      %get3A_249 = vector.shape_cast %get3A_248 : vector<16xi32> to vector<16xi32>
      %swap3A_250 = arith.constant 16 : index
      %swap3A_251 = tpu.vector_load %arg18[%swap3A_250] {strides = array<i32>} : memref<40xi32, #tpu.memory_space<vmem>>, vector<16xi32>,
      %swap3A_252 = vector.shape_cast %swap3A_251 : vector<16xi32> to vector<16xi32>
      %swap3A_253 = vector.shape_cast %get3A_249 : vector<16xi32> to vector<16xi32>
      tpu.vector_store %arg18[%swap3A_250], %swap3A_253 {strides = array<i32>} : memref<40xi32, #tpu.memory_space<vmem>>, vector<16xi32>,
      %get3A_254 = arith.constant 24 : index
      %get3A_255 = tpu.vector_load %arg11[%get3A_254] {strides = array<i32>} : memref<40xi32, #tpu.memory_space<vmem>>, vector<16xi32>,
      %get3A_256 = vector.shape_cast %get3A_255 : vector<16xi32> to vector<16xi32>
      %swap3A_257 = arith.constant 24 : index
      %swap3A_258 = tpu.vector_load %arg18[%swap3A_257] {strides = array<i32>} : memref<40xi32, #tpu.memory_space<vmem>>, vector<16xi32>,
      %swap3A_259 = vector.shape_cast %swap3A_258 : vector<16xi32> to vector<16xi32>
      %swap3A_260 = vector.shape_cast %get3A_256 : vector<16xi32> to vector<16xi32>
      tpu.vector_store %arg18[%swap3A_257], %swap3A_260 {strides = array<i32>} : memref<40xi32, #tpu.memory_space<vmem>>, vector<16xi32>,
      %add3A_261 = arith.constant 2 : i32
      %add3A_262 = arith.addi %add3A_222, %add3A_261 : i32
      %lt3A_263 = arith.constant 500 : i32
      %lt3A_264 = arith.cmpi slt, %add3A_262, %lt3A_263 : i32
      %convert_element_type3A_265 = arith.extui %lt3A_264 : i1 to i32
      %cond3A_266 = arith.constant 0 : i32
      %cond3A_267 = arith.cmpi ne, %convert_element_type3A_265, %cond3A_266 : i32
      scf.if %cond3A_267 {
        %add3A_279 = arith.constant 2 : i32
        %add3A_280 = arith.addi %add3A_222, %add3A_279 : i32
        %mul3A_281 = arith.constant 20000 : i32
        %mul3A_282 = arith.muli %arg1, %mul3A_281 : i32
        %mul3A_283 = arith.constant 40 : i32
        %mul3A_284 = arith.muli %add3A_280, %mul3A_283 : i32
        %add3A_285 = arith.addi %mul3A_282, %mul3A_284 : i32
        %mul3A_286 = arith.constant 320000 : i32
        %mul3A_287 = arith.muli %arg0, %mul3A_286 : i32
        %add3A_288 = arith.addi %mul3A_287, %add3A_285 : i32
        %dma_start3A_289 = tpu.memref_slice %arg4[%add3A_285] : memref<320000xi32, #tpu.memory_space<hbm>> -> memref<40xi32, #tpu.memory_space<hbm>>
        %dma_start3A_290 = tpu.memref_slice %arg4[%add3A_285] : memref<320000xi32, #tpu.memory_space<hbm>> -> memref<40xi32, #tpu.memory_space<hbm>>
        tpu.enqueue_dma source(%dma_start3A_290 : memref<40xi32, #tpu.memory_space<hbm>>) target(%arg9 : memref<40xi32, #tpu.memory_space<vmem>>) target_semaphore(%arg22 : memref<!tpu.dma_semaphore, #tpu.memory_space<semaphore_mem>>)
        %dma_start3A_291 = tpu.memref_slice %arg5[%add3A_285] : memref<320000xi32, #tpu.memory_space<hbm>> -> memref<40xi32, #tpu.memory_space<hbm>>
        %dma_start3A_292 = tpu.memref_slice %arg5[%add3A_285] : memref<320000xi32, #tpu.memory_space<hbm>> -> memref<40xi32, #tpu.memory_space<hbm>>
        tpu.enqueue_dma source(%dma_start3A_292 : memref<40xi32, #tpu.memory_space<hbm>>) target(%arg11 : memref<40xi32, #tpu.memory_space<vmem>>) target_semaphore(%arg22 : memref<!tpu.dma_semaphore, #tpu.memory_space<semaphore_mem>>)
        %dma_start3A_293 = arith.constant 0 : i32
        %dma_start3A_294 = tpu.memref_slice %arg3[%add3A_288, %dma_start3A_293] : memref<640000x16xf32, #tpu.memory_space<hbm>> -> memref<40x16xf32, #tpu.memory_space<hbm>>
        %dma_start3A_295 = arith.constant 0 : i32
        %dma_start3A_296 = tpu.memref_slice %arg3[%add3A_288, %dma_start3A_295] : memref<640000x16xf32, #tpu.memory_space<hbm>> -> memref<40x16xf32, #tpu.memory_space<hbm>>
        tpu.enqueue_dma source(%dma_start3A_296 : memref<40x16xf32, #tpu.memory_space<hbm>>) target(%arg15 : memref<40x16xf32, #tpu.memory_space<vmem>>) target_semaphore(%arg22 : memref<!tpu.dma_semaphore, #tpu.memory_space<semaphore_mem>>)
      } else {
      }
      %scan3A_268 = arith.constant 0 : i32
      %scan3A_269 = arith.constant 0 : i32
      %scan3A_270 = arith.constant 5 : i32
      %scan3A_271 = arith.addi %scan3A_269, %scan3A_270 : i32
      %scan3A_272 = arith.constant 1 : i32
      %scan3A_273 = scf.for %scan3A_279 = %scan3A_269 to %scan3A_271 step %scan3A_272 iter_args(%scan3A_280 = %scan3A_268) -> (i32)  : i32 {
        %mul3A_281 = arith.constant 8 : i32
        %mul3A_282 = arith.muli %scan3A_279, %mul3A_281 : i32
        %add3A_283 = arith.constant 0 : i32
        %add3A_284 = arith.addi %mul3A_282, %add3A_283 : i32
        %get3A_285 = arith.index_cast %add3A_284 : i32 to index
        %get3A_286 = arith.constant 0 : index
        %get3A_287 = tpu.vector_load %arg16[%get3A_285, %get3A_286] {strides = array<i32>} : memref<40x16xf32, #tpu.memory_space<vmem>>, vector<1x16xf32>,
        %get3A_288 = vector.shape_cast %get3A_287 : vector<1x16xf32> to vector<16xf32>
        %get3A_289 = arith.index_cast %add3A_284 : i32 to index
        %get3A_290 = arith.constant 0 : index
        %get3A_291 = tpu.vector_load %arg13[%get3A_289, %get3A_290] {strides = array<i32>} : memref<40x128xf32, #tpu.memory_space<vmem>>, vector<1x16xf32>,
        %get3A_292 = vector.shape_cast %get3A_291 : vector<1x16xf32> to vector<16xf32>
        %slice3A = vector.extract_strided_slice %get3A_288 {offsets = [0], sizes = [1], strides = [1]} : vector<16xf32> to vector<1xf32>
        %squeeze3A = vector.extract %slice3A[0] : f32 from vector<1xf32>
        %mul3A_293 = vector.broadcast %squeeze3A : f32 to vector<16xf32>
        %mul3A_294 = arith.mulf %get3A_292, %mul3A_293 : vector<16xf32>
        %swap3A_295 = arith.index_cast %add3A_284 : i32 to index
        %swap3A_296 = arith.constant 0 : index
        %swap3A_297 = tpu.vector_load %arg13[%swap3A_295, %swap3A_296] {strides = array<i32>} : memref<40x128xf32, #tpu.memory_space<vmem>>, vector<1x16xf32>,
        %swap3A_298 = vector.shape_cast %swap3A_297 : vector<1x16xf32> to vector<16xf32>
        %swap3A_299 = vector.shape_cast %mul3A_294 : vector<16xf32> to vector<1x16xf32>
        tpu.vector_store %arg13[%swap3A_295, %swap3A_296], %swap3A_299 {strides = array<i32>} : memref<40x128xf32, #tpu.memory_space<vmem>>, vector<1x16xf32>,
        %get3A_300 = arith.index_cast %add3A_284 : i32 to index
        %get3A_301 = arith.constant 16 : index
        %get3A_302 = tpu.vector_load %arg13[%get3A_300, %get3A_301] {strides = array<i32>} : memref<40x128xf32, #tpu.memory_space<vmem>>, vector<1x16xf32>,
        %get3A_303 = vector.shape_cast %get3A_302 : vector<1x16xf32> to vector<16xf32>
        %slice3A_304 = vector.extract_strided_slice %get3A_288 {offsets = [1], sizes = [1], strides = [1]} : vector<16xf32> to vector<1xf32>
        %squeeze3A_305 = vector.extract %slice3A_304[0] : f32 from vector<1xf32>
        %mul3A_306 = vector.broadcast %squeeze3A_305 : f32 to vector<16xf32>
        %mul3A_307 = arith.mulf %get3A_303, %mul3A_306 : vector<16xf32>
        %swap3A_308 = arith.index_cast %add3A_284 : i32 to index
        %swap3A_309 = arith.constant 16 : index
        %swap3A_310 = tpu.vector_load %arg13[%swap3A_308, %swap3A_309] {strides = array<i32>} : memref<40x128xf32, #tpu.memory_space<vmem>>, vector<1x16xf32>,
        %swap3A_311 = vector.shape_cast %swap3A_310 : vector<1x16xf32> to vector<16xf32>
        %swap3A_312 = vector.shape_cast %mul3A_307 : vector<16xf32> to vector<1x16xf32>
        tpu.vector_store %arg13[%swap3A_308, %swap3A_309], %swap3A_312 {strides = array<i32>} : memref<40x128xf32, #tpu.memory_space<vmem>>, vector<1x16xf32>,
        %get3A_313 = arith.index_cast %add3A_284 : i32 to index
        %get3A_314 = arith.constant 32 : index
        %get3A_315 = tpu.vector_load %arg13[%get3A_313, %get3A_314] {strides = array<i32>} : memref<40x128xf32, #tpu.memory_space<vmem>>, vector<1x16xf32>,
        %get3A_316 = vector.shape_cast %get3A_315 : vector<1x16xf32> to vector<16xf32>
        %slice3A_317 = vector.extract_strided_slice %get3A_288 {offsets = [2], sizes = [1], strides = [1]} : vector<16xf32> to vector<1xf32>
        %squeeze3A_318 = vector.extract %slice3A_317[0] : f32 from vector<1xf32>
        %mul3A_319 = vector.broadcast %squeeze3A_318 : f32 to vector<16xf32>
        %mul3A_320 = arith.mulf %get3A_316, %mul3A_319 : vector<16xf32>
        %swap3A_321 = arith.index_cast %add3A_284 : i32 to index
        %swap3A_322 = arith.constant 32 : index
        %swap3A_323 = tpu.vector_load %arg13[%swap3A_321, %swap3A_322] {strides = array<i32>} : memref<40x128xf32, #tpu.memory_space<vmem>>, vector<1x16xf32>,
        %swap3A_324 = vector.shape_cast %swap3A_323 : vector<1x16xf32> to vector<16xf32>
        %swap3A_325 = vector.shape_cast %mul3A_320 : vector<16xf32> to vector<1x16xf32>
        tpu.vector_store %arg13[%swap3A_321, %swap3A_322], %swap3A_325 {strides = array<i32>} : memref<40x128xf32, #tpu.memory_space<vmem>>, vector<1x16xf32>,
        %get3A_326 = arith.index_cast %add3A_284 : i32 to index
        %get3A_327 = arith.constant 48 : index
        %get3A_328 = tpu.vector_load %arg13[%get3A_326, %get3A_327] {strides = array<i32>} : memref<40x128xf32, #tpu.memory_space<vmem>>, vector<1x16xf32>,
        %get3A_329 = vector.shape_cast %get3A_328 : vector<1x16xf32> to vector<16xf32>
        %slice3A_330 = vector.extract_strided_slice %get3A_288 {offsets = [3], sizes = [1], strides = [1]} : vector<16xf32> to vector<1xf32>
        %squeeze3A_331 = vector.extract %slice3A_330[0] : f32 from vector<1xf32>
        %mul3A_332 = vector.broadcast %squeeze3A_331 : f32 to vector<16xf32>
        %mul3A_333 = arith.mulf %get3A_329, %mul3A_332 : vector<16xf32>
        %swap3A_334 = arith.index_cast %add3A_284 : i32 to index
        %swap3A_335 = arith.constant 48 : index
        %swap3A_336 = tpu.vector_load %arg13[%swap3A_334, %swap3A_335] {strides = array<i32>} : memref<40x128xf32, #tpu.memory_space<vmem>>, vector<1x16xf32>,
        %swap3A_337 = vector.shape_cast %swap3A_336 : vector<1x16xf32> to vector<16xf32>
        %swap3A_338 = vector.shape_cast %mul3A_333 : vector<16xf32> to vector<1x16xf32>
        tpu.vector_store %arg13[%swap3A_334, %swap3A_335], %swap3A_338 {strides = array<i32>} : memref<40x128xf32, #tpu.memory_space<vmem>>, vector<1x16xf32>,
        %swap3A_339 = arith.index_cast %add3A_284 : i32 to index
        %swap3A_340 = arith.constant 64 : index
        %swap3A_341 = tpu.vector_load %arg13[%swap3A_339, %swap3A_340] {strides = array<i32>} : memref<40x128xf32, #tpu.memory_space<vmem>>, vector<1x16xf32>,
        %swap3A_342 = vector.shape_cast %swap3A_341 : vector<1x16xf32> to vector<16xf32>
        %swap3A_343 = vector.shape_cast %get3A_288 : vector<16xf32> to vector<1x16xf32>
        tpu.vector_store %arg13[%swap3A_339, %swap3A_340], %swap3A_343 {strides = array<i32>} : memref<40x128xf32, #tpu.memory_space<vmem>>, vector<1x16xf32>,
        %mul3A_344 = arith.constant 8 : i32
        %mul3A_345 = arith.muli %scan3A_279, %mul3A_344 : i32
        %add3A_346 = arith.constant 1 : i32
        %add3A_347 = arith.addi %mul3A_345, %add3A_346 : i32
        %get3A_348 = arith.index_cast %add3A_347 : i32 to index
        %get3A_349 = arith.constant 0 : index
        %get3A_350 = tpu.vector_load %arg16[%get3A_348, %get3A_349] {strides = array<i32>} : memref<40x16xf32, #tpu.memory_space<vmem>>, vector<1x16xf32>,
        %get3A_351 = vector.shape_cast %get3A_350 : vector<1x16xf32> to vector<16xf32>
        %get3A_352 = arith.index_cast %add3A_347 : i32 to index
        %get3A_353 = arith.constant 0 : index
        %get3A_354 = tpu.vector_load %arg13[%get3A_352, %get3A_353] {strides = array<i32>} : memref<40x128xf32, #tpu.memory_space<vmem>>, vector<1x16xf32>,
        %get3A_355 = vector.shape_cast %get3A_354 : vector<1x16xf32> to vector<16xf32>
        %slice3A_356 = vector.extract_strided_slice %get3A_351 {offsets = [0], sizes = [1], strides = [1]} : vector<16xf32> to vector<1xf32>
        %squeeze3A_357 = vector.extract %slice3A_356[0] : f32 from vector<1xf32>
        %mul3A_358 = vector.broadcast %squeeze3A_357 : f32 to vector<16xf32>
        %mul3A_359 = arith.mulf %get3A_355, %mul3A_358 : vector<16xf32>
        %swap3A_360 = arith.index_cast %add3A_347 : i32 to index
        %swap3A_361 = arith.constant 0 : index
        %swap3A_362 = tpu.vector_load %arg13[%swap3A_360, %swap3A_361] {strides = array<i32>} : memref<40x128xf32, #tpu.memory_space<vmem>>, vector<1x16xf32>,
        %swap3A_363 = vector.shape_cast %swap3A_362 : vector<1x16xf32> to vector<16xf32>
        %swap3A_364 = vector.shape_cast %mul3A_359 : vector<16xf32> to vector<1x16xf32>
        tpu.vector_store %arg13[%swap3A_360, %swap3A_361], %swap3A_364 {strides = array<i32>} : memref<40x128xf32, #tpu.memory_space<vmem>>, vector<1x16xf32>,
        %get3A_365 = arith.index_cast %add3A_347 : i32 to index
        %get3A_366 = arith.constant 16 : index
        %get3A_367 = tpu.vector_load %arg13[%get3A_365, %get3A_366] {strides = array<i32>} : memref<40x128xf32, #tpu.memory_space<vmem>>, vector<1x16xf32>,
        %get3A_368 = vector.shape_cast %get3A_367 : vector<1x16xf32> to vector<16xf32>
        %slice3A_369 = vector.extract_strided_slice %get3A_351 {offsets = [1], sizes = [1], strides = [1]} : vector<16xf32> to vector<1xf32>
        %squeeze3A_370 = vector.extract %slice3A_369[0] : f32 from vector<1xf32>
        %mul3A_371 = vector.broadcast %squeeze3A_370 : f32 to vector<16xf32>
        %mul3A_372 = arith.mulf %get3A_368, %mul3A_371 : vector<16xf32>
        %swap3A_373 = arith.index_cast %add3A_347 : i32 to index
        %swap3A_374 = arith.constant 16 : index
        %swap3A_375 = tpu.vector_load %arg13[%swap3A_373, %swap3A_374] {strides = array<i32>} : memref<40x128xf32, #tpu.memory_space<vmem>>, vector<1x16xf32>,
        %swap3A_376 = vector.shape_cast %swap3A_375 : vector<1x16xf32> to vector<16xf32>
        %swap3A_377 = vector.shape_cast %mul3A_372 : vector<16xf32> to vector<1x16xf32>
        tpu.vector_store %arg13[%swap3A_373, %swap3A_374], %swap3A_377 {strides = array<i32>} : memref<40x128xf32, #tpu.memory_space<vmem>>, vector<1x16xf32>,
        %get3A_378 = arith.index_cast %add3A_347 : i32 to index
        %get3A_379 = arith.constant 32 : index
        %get3A_380 = tpu.vector_load %arg13[%get3A_378, %get3A_379] {strides = array<i32>} : memref<40x128xf32, #tpu.memory_space<vmem>>, vector<1x16xf32>,
        %get3A_381 = vector.shape_cast %get3A_380 : vector<1x16xf32> to vector<16xf32>
        %slice3A_382 = vector.extract_strided_slice %get3A_351 {offsets = [2], sizes = [1], strides = [1]} : vector<16xf32> to vector<1xf32>
        %squeeze3A_383 = vector.extract %slice3A_382[0] : f32 from vector<1xf32>
        %mul3A_384 = vector.broadcast %squeeze3A_383 : f32 to vector<16xf32>
        %mul3A_385 = arith.mulf %get3A_381, %mul3A_384 : vector<16xf32>
        %swap3A_386 = arith.index_cast %add3A_347 : i32 to index
        %swap3A_387 = arith.constant 32 : index
        %swap3A_388 = tpu.vector_load %arg13[%swap3A_386, %swap3A_387] {strides = array<i32>} : memref<40x128xf32, #tpu.memory_space<vmem>>, vector<1x16xf32>,
        %swap3A_389 = vector.shape_cast %swap3A_388 : vector<1x16xf32> to vector<16xf32>
        %swap3A_390 = vector.shape_cast %mul3A_385 : vector<16xf32> to vector<1x16xf32>
        tpu.vector_store %arg13[%swap3A_386, %swap3A_387], %swap3A_390 {strides = array<i32>} : memref<40x128xf32, #tpu.memory_space<vmem>>, vector<1x16xf32>,
        %get3A_391 = arith.index_cast %add3A_347 : i32 to index
        %get3A_392 = arith.constant 48 : index
        %get3A_393 = tpu.vector_load %arg13[%get3A_391, %get3A_392] {strides = array<i32>} : memref<40x128xf32, #tpu.memory_space<vmem>>, vector<1x16xf32>,
        %get3A_394 = vector.shape_cast %get3A_393 : vector<1x16xf32> to vector<16xf32>
        %slice3A_395 = vector.extract_strided_slice %get3A_351 {offsets = [3], sizes = [1], strides = [1]} : vector<16xf32> to vector<1xf32>
        %squeeze3A_396 = vector.extract %slice3A_395[0] : f32 from vector<1xf32>
        %mul3A_397 = vector.broadcast %squeeze3A_396 : f32 to vector<16xf32>
        %mul3A_398 = arith.mulf %get3A_394, %mul3A_397 : vector<16xf32>
        %swap3A_399 = arith.index_cast %add3A_347 : i32 to index
        %swap3A_400 = arith.constant 48 : index
        %swap3A_401 = tpu.vector_load %arg13[%swap3A_399, %swap3A_400] {strides = array<i32>} : memref<40x128xf32, #tpu.memory_space<vmem>>, vector<1x16xf32>,
        %swap3A_402 = vector.shape_cast %swap3A_401 : vector<1x16xf32> to vector<16xf32>
        %swap3A_403 = vector.shape_cast %mul3A_398 : vector<16xf32> to vector<1x16xf32>
        tpu.vector_store %arg13[%swap3A_399, %swap3A_400], %swap3A_403 {strides = array<i32>} : memref<40x128xf32, #tpu.memory_space<vmem>>, vector<1x16xf32>,
        %swap3A_404 = arith.index_cast %add3A_347 : i32 to index
        %swap3A_405 = arith.constant 64 : index
        %swap3A_406 = tpu.vector_load %arg13[%swap3A_404, %swap3A_405] {strides = array<i32>} : memref<40x128xf32, #tpu.memory_space<vmem>>, vector<1x16xf32>,
        %swap3A_407 = vector.shape_cast %swap3A_406 : vector<1x16xf32> to vector<16xf32>
        %swap3A_408 = vector.shape_cast %get3A_351 : vector<16xf32> to vector<1x16xf32>
        tpu.vector_store %arg13[%swap3A_404, %swap3A_405], %swap3A_408 {strides = array<i32>} : memref<40x128xf32, #tpu.memory_space<vmem>>, vector<1x16xf32>,
        %mul3A_409 = arith.constant 8 : i32
        %mul3A_410 = arith.muli %scan3A_279, %mul3A_409 : i32
        %add3A_411 = arith.constant 2 : i32
        %add3A_412 = arith.addi %mul3A_410, %add3A_411 : i32
        %get3A_413 = arith.index_cast %add3A_412 : i32 to index
        %get3A_414 = arith.constant 0 : index
        %get3A_415 = tpu.vector_load %arg16[%get3A_413, %get3A_414] {strides = array<i32>} : memref<40x16xf32, #tpu.memory_space<vmem>>, vector<1x16xf32>,
        %get3A_416 = vector.shape_cast %get3A_415 : vector<1x16xf32> to vector<16xf32>
        %get3A_417 = arith.index_cast %add3A_412 : i32 to index
        %get3A_418 = arith.constant 0 : index
        %get3A_419 = tpu.vector_load %arg13[%get3A_417, %get3A_418] {strides = array<i32>} : memref<40x128xf32, #tpu.memory_space<vmem>>, vector<1x16xf32>,
        %get3A_420 = vector.shape_cast %get3A_419 : vector<1x16xf32> to vector<16xf32>
        %slice3A_421 = vector.extract_strided_slice %get3A_416 {offsets = [0], sizes = [1], strides = [1]} : vector<16xf32> to vector<1xf32>
        %squeeze3A_422 = vector.extract %slice3A_421[0] : f32 from vector<1xf32>
        %mul3A_423 = vector.broadcast %squeeze3A_422 : f32 to vector<16xf32>
        %mul3A_424 = arith.mulf %get3A_420, %mul3A_423 : vector<16xf32>
        %swap3A_425 = arith.index_cast %add3A_412 : i32 to index
        %swap3A_426 = arith.constant 0 : index
        %swap3A_427 = tpu.vector_load %arg13[%swap3A_425, %swap3A_426] {strides = array<i32>} : memref<40x128xf32, #tpu.memory_space<vmem>>, vector<1x16xf32>,
        %swap3A_428 = vector.shape_cast %swap3A_427 : vector<1x16xf32> to vector<16xf32>
        %swap3A_429 = vector.shape_cast %mul3A_424 : vector<16xf32> to vector<1x16xf32>
        tpu.vector_store %arg13[%swap3A_425, %swap3A_426], %swap3A_429 {strides = array<i32>} : memref<40x128xf32, #tpu.memory_space<vmem>>, vector<1x16xf32>,
        %get3A_430 = arith.index_cast %add3A_412 : i32 to index
        %get3A_431 = arith.constant 16 : index
        %get3A_432 = tpu.vector_load %arg13[%get3A_430, %get3A_431] {strides = array<i32>} : memref<40x128xf32, #tpu.memory_space<vmem>>, vector<1x16xf32>,
        %get3A_433 = vector.shape_cast %get3A_432 : vector<1x16xf32> to vector<16xf32>
        %slice3A_434 = vector.extract_strided_slice %get3A_416 {offsets = [1], sizes = [1], strides = [1]} : vector<16xf32> to vector<1xf32>
        %squeeze3A_435 = vector.extract %slice3A_434[0] : f32 from vector<1xf32>
        %mul3A_436 = vector.broadcast %squeeze3A_435 : f32 to vector<16xf32>
        %mul3A_437 = arith.mulf %get3A_433, %mul3A_436 : vector<16xf32>
        %swap3A_438 = arith.index_cast %add3A_412 : i32 to index
        %swap3A_439 = arith.constant 16 : index
        %swap3A_440 = tpu.vector_load %arg13[%swap3A_438, %swap3A_439] {strides = array<i32>} : memref<40x128xf32, #tpu.memory_space<vmem>>, vector<1x16xf32>,
        %swap3A_441 = vector.shape_cast %swap3A_440 : vector<1x16xf32> to vector<16xf32>
        %swap3A_442 = vector.shape_cast %mul3A_437 : vector<16xf32> to vector<1x16xf32>
        tpu.vector_store %arg13[%swap3A_438, %swap3A_439], %swap3A_442 {strides = array<i32>} : memref<40x128xf32, #tpu.memory_space<vmem>>, vector<1x16xf32>,
        %get3A_443 = arith.index_cast %add3A_412 : i32 to index
        %get3A_444 = arith.constant 32 : index
        %get3A_445 = tpu.vector_load %arg13[%get3A_443, %get3A_444] {strides = array<i32>} : memref<40x128xf32, #tpu.memory_space<vmem>>, vector<1x16xf32>,
        %get3A_446 = vector.shape_cast %get3A_445 : vector<1x16xf32> to vector<16xf32>
        %slice3A_447 = vector.extract_strided_slice %get3A_416 {offsets = [2], sizes = [1], strides = [1]} : vector<16xf32> to vector<1xf32>
        %squeeze3A_448 = vector.extract %slice3A_447[0] : f32 from vector<1xf32>
        %mul3A_449 = vector.broadcast %squeeze3A_448 : f32 to vector<16xf32>
        %mul3A_450 = arith.mulf %get3A_446, %mul3A_449 : vector<16xf32>
        %swap3A_451 = arith.index_cast %add3A_412 : i32 to index
        %swap3A_452 = arith.constant 32 : index
        %swap3A_453 = tpu.vector_load %arg13[%swap3A_451, %swap3A_452] {strides = array<i32>} : memref<40x128xf32, #tpu.memory_space<vmem>>, vector<1x16xf32>,
        %swap3A_454 = vector.shape_cast %swap3A_453 : vector<1x16xf32> to vector<16xf32>
        %swap3A_455 = vector.shape_cast %mul3A_450 : vector<16xf32> to vector<1x16xf32>
        tpu.vector_store %arg13[%swap3A_451, %swap3A_452], %swap3A_455 {strides = array<i32>} : memref<40x128xf32, #tpu.memory_space<vmem>>, vector<1x16xf32>,
        %get3A_456 = arith.index_cast %add3A_412 : i32 to index
        %get3A_457 = arith.constant 48 : index
        %get3A_458 = tpu.vector_load %arg13[%get3A_456, %get3A_457] {strides = array<i32>} : memref<40x128xf32, #tpu.memory_space<vmem>>, vector<1x16xf32>,
        %get3A_459 = vector.shape_cast %get3A_458 : vector<1x16xf32> to vector<16xf32>
        %slice3A_460 = vector.extract_strided_slice %get3A_416 {offsets = [3], sizes = [1], strides = [1]} : vector<16xf32> to vector<1xf32>
        %squeeze3A_461 = vector.extract %slice3A_460[0] : f32 from vector<1xf32>
        %mul3A_462 = vector.broadcast %squeeze3A_461 : f32 to vector<16xf32>
        %mul3A_463 = arith.mulf %get3A_459, %mul3A_462 : vector<16xf32>
        %swap3A_464 = arith.index_cast %add3A_412 : i32 to index
        %swap3A_465 = arith.constant 48 : index
        %swap3A_466 = tpu.vector_load %arg13[%swap3A_464, %swap3A_465] {strides = array<i32>} : memref<40x128xf32, #tpu.memory_space<vmem>>, vector<1x16xf32>,
        %swap3A_467 = vector.shape_cast %swap3A_466 : vector<1x16xf32> to vector<16xf32>
        %swap3A_468 = vector.shape_cast %mul3A_463 : vector<16xf32> to vector<1x16xf32>
        tpu.vector_store %arg13[%swap3A_464, %swap3A_465], %swap3A_468 {strides = array<i32>} : memref<40x128xf32, #tpu.memory_space<vmem>>, vector<1x16xf32>,
        %swap3A_469 = arith.index_cast %add3A_412 : i32 to index
        %swap3A_470 = arith.constant 64 : index
        %swap3A_471 = tpu.vector_load %arg13[%swap3A_469, %swap3A_470] {strides = array<i32>} : memref<40x128xf32, #tpu.memory_space<vmem>>, vector<1x16xf32>,
        %swap3A_472 = vector.shape_cast %swap3A_471 : vector<1x16xf32> to vector<16xf32>
        %swap3A_473 = vector.shape_cast %get3A_416 : vector<16xf32> to vector<1x16xf32>
        tpu.vector_store %arg13[%swap3A_469, %swap3A_470], %swap3A_473 {strides = array<i32>} : memref<40x128xf32, #tpu.memory_space<vmem>>, vector<1x16xf32>,
        %mul3A_474 = arith.constant 8 : i32
        %mul3A_475 = arith.muli %scan3A_279, %mul3A_474 : i32
        %add3A_476 = arith.constant 3 : i32
        %add3A_477 = arith.addi %mul3A_475, %add3A_476 : i32
        %get3A_478 = arith.index_cast %add3A_477 : i32 to index
        %get3A_479 = arith.constant 0 : index
        %get3A_480 = tpu.vector_load %arg16[%get3A_478, %get3A_479] {strides = array<i32>} : memref<40x16xf32, #tpu.memory_space<vmem>>, vector<1x16xf32>,
        %get3A_481 = vector.shape_cast %get3A_480 : vector<1x16xf32> to vector<16xf32>
        %get3A_482 = arith.index_cast %add3A_477 : i32 to index
        %get3A_483 = arith.constant 0 : index
        %get3A_484 = tpu.vector_load %arg13[%get3A_482, %get3A_483] {strides = array<i32>} : memref<40x128xf32, #tpu.memory_space<vmem>>, vector<1x16xf32>,
        %get3A_485 = vector.shape_cast %get3A_484 : vector<1x16xf32> to vector<16xf32>
        %slice3A_486 = vector.extract_strided_slice %get3A_481 {offsets = [0], sizes = [1], strides = [1]} : vector<16xf32> to vector<1xf32>
        %squeeze3A_487 = vector.extract %slice3A_486[0] : f32 from vector<1xf32>
        %mul3A_488 = vector.broadcast %squeeze3A_487 : f32 to vector<16xf32>
        %mul3A_489 = arith.mulf %get3A_485, %mul3A_488 : vector<16xf32>
        %swap3A_490 = arith.index_cast %add3A_477 : i32 to index
        %swap3A_491 = arith.constant 0 : index
        %swap3A_492 = tpu.vector_load %arg13[%swap3A_490, %swap3A_491] {strides = array<i32>} : memref<40x128xf32, #tpu.memory_space<vmem>>, vector<1x16xf32>,
        %swap3A_493 = vector.shape_cast %swap3A_492 : vector<1x16xf32> to vector<16xf32>
        %swap3A_494 = vector.shape_cast %mul3A_489 : vector<16xf32> to vector<1x16xf32>
        tpu.vector_store %arg13[%swap3A_490, %swap3A_491], %swap3A_494 {strides = array<i32>} : memref<40x128xf32, #tpu.memory_space<vmem>>, vector<1x16xf32>,
        %get3A_495 = arith.index_cast %add3A_477 : i32 to index
        %get3A_496 = arith.constant 16 : index
        %get3A_497 = tpu.vector_load %arg13[%get3A_495, %get3A_496] {strides = array<i32>} : memref<40x128xf32, #tpu.memory_space<vmem>>, vector<1x16xf32>,
        %get3A_498 = vector.shape_cast %get3A_497 : vector<1x16xf32> to vector<16xf32>
        %slice3A_499 = vector.extract_strided_slice %get3A_481 {offsets = [1], sizes = [1], strides = [1]} : vector<16xf32> to vector<1xf32>
        %squeeze3A_500 = vector.extract %slice3A_499[0] : f32 from vector<1xf32>
        %mul3A_501 = vector.broadcast %squeeze3A_500 : f32 to vector<16xf32>
        %mul3A_502 = arith.mulf %get3A_498, %mul3A_501 : vector<16xf32>
        %swap3A_503 = arith.index_cast %add3A_477 : i32 to index
        %swap3A_504 = arith.constant 16 : index
        %swap3A_505 = tpu.vector_load %arg13[%swap3A_503, %swap3A_504] {strides = array<i32>} : memref<40x128xf32, #tpu.memory_space<vmem>>, vector<1x16xf32>,
        %swap3A_506 = vector.shape_cast %swap3A_505 : vector<1x16xf32> to vector<16xf32>
        %swap3A_507 = vector.shape_cast %mul3A_502 : vector<16xf32> to vector<1x16xf32>
        tpu.vector_store %arg13[%swap3A_503, %swap3A_504], %swap3A_507 {strides = array<i32>} : memref<40x128xf32, #tpu.memory_space<vmem>>, vector<1x16xf32>,
        %get3A_508 = arith.index_cast %add3A_477 : i32 to index
        %get3A_509 = arith.constant 32 : index
        %get3A_510 = tpu.vector_load %arg13[%get3A_508, %get3A_509] {strides = array<i32>} : memref<40x128xf32, #tpu.memory_space<vmem>>, vector<1x16xf32>,
        %get3A_511 = vector.shape_cast %get3A_510 : vector<1x16xf32> to vector<16xf32>
        %slice3A_512 = vector.extract_strided_slice %get3A_481 {offsets = [2], sizes = [1], strides = [1]} : vector<16xf32> to vector<1xf32>
        %squeeze3A_513 = vector.extract %slice3A_512[0] : f32 from vector<1xf32>
        %mul3A_514 = vector.broadcast %squeeze3A_513 : f32 to vector<16xf32>
        %mul3A_515 = arith.mulf %get3A_511, %mul3A_514 : vector<16xf32>
        %swap3A_516 = arith.index_cast %add3A_477 : i32 to index
        %swap3A_517 = arith.constant 32 : index
        %swap3A_518 = tpu.vector_load %arg13[%swap3A_516, %swap3A_517] {strides = array<i32>} : memref<40x128xf32, #tpu.memory_space<vmem>>, vector<1x16xf32>,
        %swap3A_519 = vector.shape_cast %swap3A_518 : vector<1x16xf32> to vector<16xf32>
        %swap3A_520 = vector.shape_cast %mul3A_515 : vector<16xf32> to vector<1x16xf32>
        tpu.vector_store %arg13[%swap3A_516, %swap3A_517], %swap3A_520 {strides = array<i32>} : memref<40x128xf32, #tpu.memory_space<vmem>>, vector<1x16xf32>,
        %get3A_521 = arith.index_cast %add3A_477 : i32 to index
        %get3A_522 = arith.constant 48 : index
        %get3A_523 = tpu.vector_load %arg13[%get3A_521, %get3A_522] {strides = array<i32>} : memref<40x128xf32, #tpu.memory_space<vmem>>, vector<1x16xf32>,
        %get3A_524 = vector.shape_cast %get3A_523 : vector<1x16xf32> to vector<16xf32>
        %slice3A_525 = vector.extract_strided_slice %get3A_481 {offsets = [3], sizes = [1], strides = [1]} : vector<16xf32> to vector<1xf32>
        %squeeze3A_526 = vector.extract %slice3A_525[0] : f32 from vector<1xf32>
        %mul3A_527 = vector.broadcast %squeeze3A_526 : f32 to vector<16xf32>
        %mul3A_528 = arith.mulf %get3A_524, %mul3A_527 : vector<16xf32>
        %swap3A_529 = arith.index_cast %add3A_477 : i32 to index
        %swap3A_530 = arith.constant 48 : index
        %swap3A_531 = tpu.vector_load %arg13[%swap3A_529, %swap3A_530] {strides = array<i32>} : memref<40x128xf32, #tpu.memory_space<vmem>>, vector<1x16xf32>,
        %swap3A_532 = vector.shape_cast %swap3A_531 : vector<1x16xf32> to vector<16xf32>
        %swap3A_533 = vector.shape_cast %mul3A_528 : vector<16xf32> to vector<1x16xf32>
        tpu.vector_store %arg13[%swap3A_529, %swap3A_530], %swap3A_533 {strides = array<i32>} : memref<40x128xf32, #tpu.memory_space<vmem>>, vector<1x16xf32>,
        %swap3A_534 = arith.index_cast %add3A_477 : i32 to index
        %swap3A_535 = arith.constant 64 : index
        %swap3A_536 = tpu.vector_load %arg13[%swap3A_534, %swap3A_535] {strides = array<i32>} : memref<40x128xf32, #tpu.memory_space<vmem>>, vector<1x16xf32>,
        %swap3A_537 = vector.shape_cast %swap3A_536 : vector<1x16xf32> to vector<16xf32>
        %swap3A_538 = vector.shape_cast %get3A_481 : vector<16xf32> to vector<1x16xf32>
        tpu.vector_store %arg13[%swap3A_534, %swap3A_535], %swap3A_538 {strides = array<i32>} : memref<40x128xf32, #tpu.memory_space<vmem>>, vector<1x16xf32>,
        %mul3A_539 = arith.constant 8 : i32
        %mul3A_540 = arith.muli %scan3A_279, %mul3A_539 : i32
        %add3A_541 = arith.constant 4 : i32
        %add3A_542 = arith.addi %mul3A_540, %add3A_541 : i32
        %get3A_543 = arith.index_cast %add3A_542 : i32 to index
        %get3A_544 = arith.constant 0 : index
        %get3A_545 = tpu.vector_load %arg16[%get3A_543, %get3A_544] {strides = array<i32>} : memref<40x16xf32, #tpu.memory_space<vmem>>, vector<1x16xf32>,
        %get3A_546 = vector.shape_cast %get3A_545 : vector<1x16xf32> to vector<16xf32>
        %get3A_547 = arith.index_cast %add3A_542 : i32 to index
        %get3A_548 = arith.constant 0 : index
        %get3A_549 = tpu.vector_load %arg13[%get3A_547, %get3A_548] {strides = array<i32>} : memref<40x128xf32, #tpu.memory_space<vmem>>, vector<1x16xf32>,
        %get3A_550 = vector.shape_cast %get3A_549 : vector<1x16xf32> to vector<16xf32>
        %slice3A_551 = vector.extract_strided_slice %get3A_546 {offsets = [0], sizes = [1], strides = [1]} : vector<16xf32> to vector<1xf32>
        %squeeze3A_552 = vector.extract %slice3A_551[0] : f32 from vector<1xf32>
        %mul3A_553 = vector.broadcast %squeeze3A_552 : f32 to vector<16xf32>
        %mul3A_554 = arith.mulf %get3A_550, %mul3A_553 : vector<16xf32>
        %swap3A_555 = arith.index_cast %add3A_542 : i32 to index
        %swap3A_556 = arith.constant 0 : index
        %swap3A_557 = tpu.vector_load %arg13[%swap3A_555, %swap3A_556] {strides = array<i32>} : memref<40x128xf32, #tpu.memory_space<vmem>>, vector<1x16xf32>,
        %swap3A_558 = vector.shape_cast %swap3A_557 : vector<1x16xf32> to vector<16xf32>
        %swap3A_559 = vector.shape_cast %mul3A_554 : vector<16xf32> to vector<1x16xf32>
        tpu.vector_store %arg13[%swap3A_555, %swap3A_556], %swap3A_559 {strides = array<i32>} : memref<40x128xf32, #tpu.memory_space<vmem>>, vector<1x16xf32>,
        %get3A_560 = arith.index_cast %add3A_542 : i32 to index
        %get3A_561 = arith.constant 16 : index
        %get3A_562 = tpu.vector_load %arg13[%get3A_560, %get3A_561] {strides = array<i32>} : memref<40x128xf32, #tpu.memory_space<vmem>>, vector<1x16xf32>,
        %get3A_563 = vector.shape_cast %get3A_562 : vector<1x16xf32> to vector<16xf32>
        %slice3A_564 = vector.extract_strided_slice %get3A_546 {offsets = [1], sizes = [1], strides = [1]} : vector<16xf32> to vector<1xf32>
        %squeeze3A_565 = vector.extract %slice3A_564[0] : f32 from vector<1xf32>
        %mul3A_566 = vector.broadcast %squeeze3A_565 : f32 to vector<16xf32>
        %mul3A_567 = arith.mulf %get3A_563, %mul3A_566 : vector<16xf32>
        %swap3A_568 = arith.index_cast %add3A_542 : i32 to index
        %swap3A_569 = arith.constant 16 : index
        %swap3A_570 = tpu.vector_load %arg13[%swap3A_568, %swap3A_569] {strides = array<i32>} : memref<40x128xf32, #tpu.memory_space<vmem>>, vector<1x16xf32>,
        %swap3A_571 = vector.shape_cast %swap3A_570 : vector<1x16xf32> to vector<16xf32>
        %swap3A_572 = vector.shape_cast %mul3A_567 : vector<16xf32> to vector<1x16xf32>
        tpu.vector_store %arg13[%swap3A_568, %swap3A_569], %swap3A_572 {strides = array<i32>} : memref<40x128xf32, #tpu.memory_space<vmem>>, vector<1x16xf32>,
        %get3A_573 = arith.index_cast %add3A_542 : i32 to index
        %get3A_574 = arith.constant 32 : index
        %get3A_575 = tpu.vector_load %arg13[%get3A_573, %get3A_574] {strides = array<i32>} : memref<40x128xf32, #tpu.memory_space<vmem>>, vector<1x16xf32>,
        %get3A_576 = vector.shape_cast %get3A_575 : vector<1x16xf32> to vector<16xf32>
        %slice3A_577 = vector.extract_strided_slice %get3A_546 {offsets = [2], sizes = [1], strides = [1]} : vector<16xf32> to vector<1xf32>
        %squeeze3A_578 = vector.extract %slice3A_577[0] : f32 from vector<1xf32>
        %mul3A_579 = vector.broadcast %squeeze3A_578 : f32 to vector<16xf32>
        %mul3A_580 = arith.mulf %get3A_576, %mul3A_579 : vector<16xf32>
        %swap3A_581 = arith.index_cast %add3A_542 : i32 to index
        %swap3A_582 = arith.constant 32 : index
        %swap3A_583 = tpu.vector_load %arg13[%swap3A_581, %swap3A_582] {strides = array<i32>} : memref<40x128xf32, #tpu.memory_space<vmem>>, vector<1x16xf32>,
        %swap3A_584 = vector.shape_cast %swap3A_583 : vector<1x16xf32> to vector<16xf32>
        %swap3A_585 = vector.shape_cast %mul3A_580 : vector<16xf32> to vector<1x16xf32>
        tpu.vector_store %arg13[%swap3A_581, %swap3A_582], %swap3A_585 {strides = array<i32>} : memref<40x128xf32, #tpu.memory_space<vmem>>, vector<1x16xf32>,
        %get3A_586 = arith.index_cast %add3A_542 : i32 to index
        %get3A_587 = arith.constant 48 : index
        %get3A_588 = tpu.vector_load %arg13[%get3A_586, %get3A_587] {strides = array<i32>} : memref<40x128xf32, #tpu.memory_space<vmem>>, vector<1x16xf32>,
        %get3A_589 = vector.shape_cast %get3A_588 : vector<1x16xf32> to vector<16xf32>
        %slice3A_590 = vector.extract_strided_slice %get3A_546 {offsets = [3], sizes = [1], strides = [1]} : vector<16xf32> to vector<1xf32>
        %squeeze3A_591 = vector.extract %slice3A_590[0] : f32 from vector<1xf32>
        %mul3A_592 = vector.broadcast %squeeze3A_591 : f32 to vector<16xf32>
        %mul3A_593 = arith.mulf %get3A_589, %mul3A_592 : vector<16xf32>
        %swap3A_594 = arith.index_cast %add3A_542 : i32 to index
        %swap3A_595 = arith.constant 48 : index
        %swap3A_596 = tpu.vector_load %arg13[%swap3A_594, %swap3A_595] {strides = array<i32>} : memref<40x128xf32, #tpu.memory_space<vmem>>, vector<1x16xf32>,
        %swap3A_597 = vector.shape_cast %swap3A_596 : vector<1x16xf32> to vector<16xf32>
        %swap3A_598 = vector.shape_cast %mul3A_593 : vector<16xf32> to vector<1x16xf32>
        tpu.vector_store %arg13[%swap3A_594, %swap3A_595], %swap3A_598 {strides = array<i32>} : memref<40x128xf32, #tpu.memory_space<vmem>>, vector<1x16xf32>,
        %swap3A_599 = arith.index_cast %add3A_542 : i32 to index
        %swap3A_600 = arith.constant 64 : index
        %swap3A_601 = tpu.vector_load %arg13[%swap3A_599, %swap3A_600] {strides = array<i32>} : memref<40x128xf32, #tpu.memory_space<vmem>>, vector<1x16xf32>,
        %swap3A_602 = vector.shape_cast %swap3A_601 : vector<1x16xf32> to vector<16xf32>
        %swap3A_603 = vector.shape_cast %get3A_546 : vector<16xf32> to vector<1x16xf32>
        tpu.vector_store %arg13[%swap3A_599, %swap3A_600], %swap3A_603 {strides = array<i32>} : memref<40x128xf32, #tpu.memory_space<vmem>>, vector<1x16xf32>,
        %mul3A_604 = arith.constant 8 : i32
        %mul3A_605 = arith.muli %scan3A_279, %mul3A_604 : i32
        %add3A_606 = arith.constant 5 : i32
        %add3A_607 = arith.addi %mul3A_605, %add3A_606 : i32
        %get3A_608 = arith.index_cast %add3A_607 : i32 to index
        %get3A_609 = arith.constant 0 : index
        %get3A_610 = tpu.vector_load %arg16[%get3A_608, %get3A_609] {strides = array<i32>} : memref<40x16xf32, #tpu.memory_space<vmem>>, vector<1x16xf32>,
        %get3A_611 = vector.shape_cast %get3A_610 : vector<1x16xf32> to vector<16xf32>
        %get3A_612 = arith.index_cast %add3A_607 : i32 to index
        %get3A_613 = arith.constant 0 : index
        %get3A_614 = tpu.vector_load %arg13[%get3A_612, %get3A_613] {strides = array<i32>} : memref<40x128xf32, #tpu.memory_space<vmem>>, vector<1x16xf32>,
        %get3A_615 = vector.shape_cast %get3A_614 : vector<1x16xf32> to vector<16xf32>
        %slice3A_616 = vector.extract_strided_slice %get3A_611 {offsets = [0], sizes = [1], strides = [1]} : vector<16xf32> to vector<1xf32>
        %squeeze3A_617 = vector.extract %slice3A_616[0] : f32 from vector<1xf32>
        %mul3A_618 = vector.broadcast %squeeze3A_617 : f32 to vector<16xf32>
        %mul3A_619 = arith.mulf %get3A_615, %mul3A_618 : vector<16xf32>
        %swap3A_620 = arith.index_cast %add3A_607 : i32 to index
        %swap3A_621 = arith.constant 0 : index
        %swap3A_622 = tpu.vector_load %arg13[%swap3A_620, %swap3A_621] {strides = array<i32>} : memref<40x128xf32, #tpu.memory_space<vmem>>, vector<1x16xf32>,
        %swap3A_623 = vector.shape_cast %swap3A_622 : vector<1x16xf32> to vector<16xf32>
        %swap3A_624 = vector.shape_cast %mul3A_619 : vector<16xf32> to vector<1x16xf32>
        tpu.vector_store %arg13[%swap3A_620, %swap3A_621], %swap3A_624 {strides = array<i32>} : memref<40x128xf32, #tpu.memory_space<vmem>>, vector<1x16xf32>,
        %get3A_625 = arith.index_cast %add3A_607 : i32 to index
        %get3A_626 = arith.constant 16 : index
        %get3A_627 = tpu.vector_load %arg13[%get3A_625, %get3A_626] {strides = array<i32>} : memref<40x128xf32, #tpu.memory_space<vmem>>, vector<1x16xf32>,
        %get3A_628 = vector.shape_cast %get3A_627 : vector<1x16xf32> to vector<16xf32>
        %slice3A_629 = vector.extract_strided_slice %get3A_611 {offsets = [1], sizes = [1], strides = [1]} : vector<16xf32> to vector<1xf32>
        %squeeze3A_630 = vector.extract %slice3A_629[0] : f32 from vector<1xf32>
        %mul3A_631 = vector.broadcast %squeeze3A_630 : f32 to vector<16xf32>
        %mul3A_632 = arith.mulf %get3A_628, %mul3A_631 : vector<16xf32>
        %swap3A_633 = arith.index_cast %add3A_607 : i32 to index
        %swap3A_634 = arith.constant 16 : index
        %swap3A_635 = tpu.vector_load %arg13[%swap3A_633, %swap3A_634] {strides = array<i32>} : memref<40x128xf32, #tpu.memory_space<vmem>>, vector<1x16xf32>,
        %swap3A_636 = vector.shape_cast %swap3A_635 : vector<1x16xf32> to vector<16xf32>
        %swap3A_637 = vector.shape_cast %mul3A_632 : vector<16xf32> to vector<1x16xf32>
        tpu.vector_store %arg13[%swap3A_633, %swap3A_634], %swap3A_637 {strides = array<i32>} : memref<40x128xf32, #tpu.memory_space<vmem>>, vector<1x16xf32>,
        %get3A_638 = arith.index_cast %add3A_607 : i32 to index
        %get3A_639 = arith.constant 32 : index
        %get3A_640 = tpu.vector_load %arg13[%get3A_638, %get3A_639] {strides = array<i32>} : memref<40x128xf32, #tpu.memory_space<vmem>>, vector<1x16xf32>,
        %get3A_641 = vector.shape_cast %get3A_640 : vector<1x16xf32> to vector<16xf32>
        %slice3A_642 = vector.extract_strided_slice %get3A_611 {offsets = [2], sizes = [1], strides = [1]} : vector<16xf32> to vector<1xf32>
        %squeeze3A_643 = vector.extract %slice3A_642[0] : f32 from vector<1xf32>
        %mul3A_644 = vector.broadcast %squeeze3A_643 : f32 to vector<16xf32>
        %mul3A_645 = arith.mulf %get3A_641, %mul3A_644 : vector<16xf32>
        %swap3A_646 = arith.index_cast %add3A_607 : i32 to index
        %swap3A_647 = arith.constant 32 : index
        %swap3A_648 = tpu.vector_load %arg13[%swap3A_646, %swap3A_647] {strides = array<i32>} : memref<40x128xf32, #tpu.memory_space<vmem>>, vector<1x16xf32>,
        %swap3A_649 = vector.shape_cast %swap3A_648 : vector<1x16xf32> to vector<16xf32>
        %swap3A_650 = vector.shape_cast %mul3A_645 : vector<16xf32> to vector<1x16xf32>
        tpu.vector_store %arg13[%swap3A_646, %swap3A_647], %swap3A_650 {strides = array<i32>} : memref<40x128xf32, #tpu.memory_space<vmem>>, vector<1x16xf32>,
        %get3A_651 = arith.index_cast %add3A_607 : i32 to index
        %get3A_652 = arith.constant 48 : index
        %get3A_653 = tpu.vector_load %arg13[%get3A_651, %get3A_652] {strides = array<i32>} : memref<40x128xf32, #tpu.memory_space<vmem>>, vector<1x16xf32>,
        %get3A_654 = vector.shape_cast %get3A_653 : vector<1x16xf32> to vector<16xf32>
        %slice3A_655 = vector.extract_strided_slice %get3A_611 {offsets = [3], sizes = [1], strides = [1]} : vector<16xf32> to vector<1xf32>
        %squeeze3A_656 = vector.extract %slice3A_655[0] : f32 from vector<1xf32>
        %mul3A_657 = vector.broadcast %squeeze3A_656 : f32 to vector<16xf32>
        %mul3A_658 = arith.mulf %get3A_654, %mul3A_657 : vector<16xf32>
        %swap3A_659 = arith.index_cast %add3A_607 : i32 to index
        %swap3A_660 = arith.constant 48 : index
        %swap3A_661 = tpu.vector_load %arg13[%swap3A_659, %swap3A_660] {strides = array<i32>} : memref<40x128xf32, #tpu.memory_space<vmem>>, vector<1x16xf32>,
        %swap3A_662 = vector.shape_cast %swap3A_661 : vector<1x16xf32> to vector<16xf32>
        %swap3A_663 = vector.shape_cast %mul3A_658 : vector<16xf32> to vector<1x16xf32>
        tpu.vector_store %arg13[%swap3A_659, %swap3A_660], %swap3A_663 {strides = array<i32>} : memref<40x128xf32, #tpu.memory_space<vmem>>, vector<1x16xf32>,
        %swap3A_664 = arith.index_cast %add3A_607 : i32 to index
        %swap3A_665 = arith.constant 64 : index
        %swap3A_666 = tpu.vector_load %arg13[%swap3A_664, %swap3A_665] {strides = array<i32>} : memref<40x128xf32, #tpu.memory_space<vmem>>, vector<1x16xf32>,
        %swap3A_667 = vector.shape_cast %swap3A_666 : vector<1x16xf32> to vector<16xf32>
        %swap3A_668 = vector.shape_cast %get3A_611 : vector<16xf32> to vector<1x16xf32>
        tpu.vector_store %arg13[%swap3A_664, %swap3A_665], %swap3A_668 {strides = array<i32>} : memref<40x128xf32, #tpu.memory_space<vmem>>, vector<1x16xf32>,
        %mul3A_669 = arith.constant 8 : i32
        %mul3A_670 = arith.muli %scan3A_279, %mul3A_669 : i32
        %add3A_671 = arith.constant 6 : i32
        %add3A_672 = arith.addi %mul3A_670, %add3A_671 : i32
        %get3A_673 = arith.index_cast %add3A_672 : i32 to index
        %get3A_674 = arith.constant 0 : index
        %get3A_675 = tpu.vector_load %arg16[%get3A_673, %get3A_674] {strides = array<i32>} : memref<40x16xf32, #tpu.memory_space<vmem>>, vector<1x16xf32>,
        %get3A_676 = vector.shape_cast %get3A_675 : vector<1x16xf32> to vector<16xf32>
        %get3A_677 = arith.index_cast %add3A_672 : i32 to index
        %get3A_678 = arith.constant 0 : index
        %get3A_679 = tpu.vector_load %arg13[%get3A_677, %get3A_678] {strides = array<i32>} : memref<40x128xf32, #tpu.memory_space<vmem>>, vector<1x16xf32>,
        %get3A_680 = vector.shape_cast %get3A_679 : vector<1x16xf32> to vector<16xf32>
        %slice3A_681 = vector.extract_strided_slice %get3A_676 {offsets = [0], sizes = [1], strides = [1]} : vector<16xf32> to vector<1xf32>
        %squeeze3A_682 = vector.extract %slice3A_681[0] : f32 from vector<1xf32>
        %mul3A_683 = vector.broadcast %squeeze3A_682 : f32 to vector<16xf32>
        %mul3A_684 = arith.mulf %get3A_680, %mul3A_683 : vector<16xf32>
        %swap3A_685 = arith.index_cast %add3A_672 : i32 to index
        %swap3A_686 = arith.constant 0 : index
        %swap3A_687 = tpu.vector_load %arg13[%swap3A_685, %swap3A_686] {strides = array<i32>} : memref<40x128xf32, #tpu.memory_space<vmem>>, vector<1x16xf32>,
        %swap3A_688 = vector.shape_cast %swap3A_687 : vector<1x16xf32> to vector<16xf32>
        %swap3A_689 = vector.shape_cast %mul3A_684 : vector<16xf32> to vector<1x16xf32>
        tpu.vector_store %arg13[%swap3A_685, %swap3A_686], %swap3A_689 {strides = array<i32>} : memref<40x128xf32, #tpu.memory_space<vmem>>, vector<1x16xf32>,
        %get3A_690 = arith.index_cast %add3A_672 : i32 to index
        %get3A_691 = arith.constant 16 : index
        %get3A_692 = tpu.vector_load %arg13[%get3A_690, %get3A_691] {strides = array<i32>} : memref<40x128xf32, #tpu.memory_space<vmem>>, vector<1x16xf32>,
        %get3A_693 = vector.shape_cast %get3A_692 : vector<1x16xf32> to vector<16xf32>
        %slice3A_694 = vector.extract_strided_slice %get3A_676 {offsets = [1], sizes = [1], strides = [1]} : vector<16xf32> to vector<1xf32>
        %squeeze3A_695 = vector.extract %slice3A_694[0] : f32 from vector<1xf32>
        %mul3A_696 = vector.broadcast %squeeze3A_695 : f32 to vector<16xf32>
        %mul3A_697 = arith.mulf %get3A_693, %mul3A_696 : vector<16xf32>
        %swap3A_698 = arith.index_cast %add3A_672 : i32 to index
        %swap3A_699 = arith.constant 16 : index
        %swap3A_700 = tpu.vector_load %arg13[%swap3A_698, %swap3A_699] {strides = array<i32>} : memref<40x128xf32, #tpu.memory_space<vmem>>, vector<1x16xf32>,
        %swap3A_701 = vector.shape_cast %swap3A_700 : vector<1x16xf32> to vector<16xf32>
        %swap3A_702 = vector.shape_cast %mul3A_697 : vector<16xf32> to vector<1x16xf32>
        tpu.vector_store %arg13[%swap3A_698, %swap3A_699], %swap3A_702 {strides = array<i32>} : memref<40x128xf32, #tpu.memory_space<vmem>>, vector<1x16xf32>,
        %get3A_703 = arith.index_cast %add3A_672 : i32 to index
        %get3A_704 = arith.constant 32 : index
        %get3A_705 = tpu.vector_load %arg13[%get3A_703, %get3A_704] {strides = array<i32>} : memref<40x128xf32, #tpu.memory_space<vmem>>, vector<1x16xf32>,
        %get3A_706 = vector.shape_cast %get3A_705 : vector<1x16xf32> to vector<16xf32>
        %slice3A_707 = vector.extract_strided_slice %get3A_676 {offsets = [2], sizes = [1], strides = [1]} : vector<16xf32> to vector<1xf32>
        %squeeze3A_708 = vector.extract %slice3A_707[0] : f32 from vector<1xf32>
        %mul3A_709 = vector.broadcast %squeeze3A_708 : f32 to vector<16xf32>
        %mul3A_710 = arith.mulf %get3A_706, %mul3A_709 : vector<16xf32>
        %swap3A_711 = arith.index_cast %add3A_672 : i32 to index
        %swap3A_712 = arith.constant 32 : index
        %swap3A_713 = tpu.vector_load %arg13[%swap3A_711, %swap3A_712] {strides = array<i32>} : memref<40x128xf32, #tpu.memory_space<vmem>>, vector<1x16xf32>,
        %swap3A_714 = vector.shape_cast %swap3A_713 : vector<1x16xf32> to vector<16xf32>
        %swap3A_715 = vector.shape_cast %mul3A_710 : vector<16xf32> to vector<1x16xf32>
        tpu.vector_store %arg13[%swap3A_711, %swap3A_712], %swap3A_715 {strides = array<i32>} : memref<40x128xf32, #tpu.memory_space<vmem>>, vector<1x16xf32>,
        %get3A_716 = arith.index_cast %add3A_672 : i32 to index
        %get3A_717 = arith.constant 48 : index
        %get3A_718 = tpu.vector_load %arg13[%get3A_716, %get3A_717] {strides = array<i32>} : memref<40x128xf32, #tpu.memory_space<vmem>>, vector<1x16xf32>,
        %get3A_719 = vector.shape_cast %get3A_718 : vector<1x16xf32> to vector<16xf32>
        %slice3A_720 = vector.extract_strided_slice %get3A_676 {offsets = [3], sizes = [1], strides = [1]} : vector<16xf32> to vector<1xf32>
        %squeeze3A_721 = vector.extract %slice3A_720[0] : f32 from vector<1xf32>
        %mul3A_722 = vector.broadcast %squeeze3A_721 : f32 to vector<16xf32>
        %mul3A_723 = arith.mulf %get3A_719, %mul3A_722 : vector<16xf32>
        %swap3A_724 = arith.index_cast %add3A_672 : i32 to index
        %swap3A_725 = arith.constant 48 : index
        %swap3A_726 = tpu.vector_load %arg13[%swap3A_724, %swap3A_725] {strides = array<i32>} : memref<40x128xf32, #tpu.memory_space<vmem>>, vector<1x16xf32>,
        %swap3A_727 = vector.shape_cast %swap3A_726 : vector<1x16xf32> to vector<16xf32>
        %swap3A_728 = vector.shape_cast %mul3A_723 : vector<16xf32> to vector<1x16xf32>
        tpu.vector_store %arg13[%swap3A_724, %swap3A_725], %swap3A_728 {strides = array<i32>} : memref<40x128xf32, #tpu.memory_space<vmem>>, vector<1x16xf32>,
        %swap3A_729 = arith.index_cast %add3A_672 : i32 to index
        %swap3A_730 = arith.constant 64 : index
        %swap3A_731 = tpu.vector_load %arg13[%swap3A_729, %swap3A_730] {strides = array<i32>} : memref<40x128xf32, #tpu.memory_space<vmem>>, vector<1x16xf32>,
        %swap3A_732 = vector.shape_cast %swap3A_731 : vector<1x16xf32> to vector<16xf32>
        %swap3A_733 = vector.shape_cast %get3A_676 : vector<16xf32> to vector<1x16xf32>
        tpu.vector_store %arg13[%swap3A_729, %swap3A_730], %swap3A_733 {strides = array<i32>} : memref<40x128xf32, #tpu.memory_space<vmem>>, vector<1x16xf32>,
        %mul3A_734 = arith.constant 8 : i32
        %mul3A_735 = arith.muli %scan3A_279, %mul3A_734 : i32
        %add3A_736 = arith.constant 7 : i32
        %add3A_737 = arith.addi %mul3A_735, %add3A_736 : i32
        %get3A_738 = arith.index_cast %add3A_737 : i32 to index
        %get3A_739 = arith.constant 0 : index
        %get3A_740 = tpu.vector_load %arg16[%get3A_738, %get3A_739] {strides = array<i32>} : memref<40x16xf32, #tpu.memory_space<vmem>>, vector<1x16xf32>,
        %get3A_741 = vector.shape_cast %get3A_740 : vector<1x16xf32> to vector<16xf32>
        %get3A_742 = arith.index_cast %add3A_737 : i32 to index
        %get3A_743 = arith.constant 0 : index
        %get3A_744 = tpu.vector_load %arg13[%get3A_742, %get3A_743] {strides = array<i32>} : memref<40x128xf32, #tpu.memory_space<vmem>>, vector<1x16xf32>,
        %get3A_745 = vector.shape_cast %get3A_744 : vector<1x16xf32> to vector<16xf32>
        %slice3A_746 = vector.extract_strided_slice %get3A_741 {offsets = [0], sizes = [1], strides = [1]} : vector<16xf32> to vector<1xf32>
        %squeeze3A_747 = vector.extract %slice3A_746[0] : f32 from vector<1xf32>
        %mul3A_748 = vector.broadcast %squeeze3A_747 : f32 to vector<16xf32>
        %mul3A_749 = arith.mulf %get3A_745, %mul3A_748 : vector<16xf32>
        %swap3A_750 = arith.index_cast %add3A_737 : i32 to index
        %swap3A_751 = arith.constant 0 : index
        %swap3A_752 = tpu.vector_load %arg13[%swap3A_750, %swap3A_751] {strides = array<i32>} : memref<40x128xf32, #tpu.memory_space<vmem>>, vector<1x16xf32>,
        %swap3A_753 = vector.shape_cast %swap3A_752 : vector<1x16xf32> to vector<16xf32>
        %swap3A_754 = vector.shape_cast %mul3A_749 : vector<16xf32> to vector<1x16xf32>
        tpu.vector_store %arg13[%swap3A_750, %swap3A_751], %swap3A_754 {strides = array<i32>} : memref<40x128xf32, #tpu.memory_space<vmem>>, vector<1x16xf32>,
        %get3A_755 = arith.index_cast %add3A_737 : i32 to index
        %get3A_756 = arith.constant 16 : index
        %get3A_757 = tpu.vector_load %arg13[%get3A_755, %get3A_756] {strides = array<i32>} : memref<40x128xf32, #tpu.memory_space<vmem>>, vector<1x16xf32>,
        %get3A_758 = vector.shape_cast %get3A_757 : vector<1x16xf32> to vector<16xf32>
        %slice3A_759 = vector.extract_strided_slice %get3A_741 {offsets = [1], sizes = [1], strides = [1]} : vector<16xf32> to vector<1xf32>
        %squeeze3A_760 = vector.extract %slice3A_759[0] : f32 from vector<1xf32>
        %mul3A_761 = vector.broadcast %squeeze3A_760 : f32 to vector<16xf32>
        %mul3A_762 = arith.mulf %get3A_758, %mul3A_761 : vector<16xf32>
        %swap3A_763 = arith.index_cast %add3A_737 : i32 to index
        %swap3A_764 = arith.constant 16 : index
        %swap3A_765 = tpu.vector_load %arg13[%swap3A_763, %swap3A_764] {strides = array<i32>} : memref<40x128xf32, #tpu.memory_space<vmem>>, vector<1x16xf32>,
        %swap3A_766 = vector.shape_cast %swap3A_765 : vector<1x16xf32> to vector<16xf32>
        %swap3A_767 = vector.shape_cast %mul3A_762 : vector<16xf32> to vector<1x16xf32>
        tpu.vector_store %arg13[%swap3A_763, %swap3A_764], %swap3A_767 {strides = array<i32>} : memref<40x128xf32, #tpu.memory_space<vmem>>, vector<1x16xf32>,
        %get3A_768 = arith.index_cast %add3A_737 : i32 to index
        %get3A_769 = arith.constant 32 : index
        %get3A_770 = tpu.vector_load %arg13[%get3A_768, %get3A_769] {strides = array<i32>} : memref<40x128xf32, #tpu.memory_space<vmem>>, vector<1x16xf32>,
        %get3A_771 = vector.shape_cast %get3A_770 : vector<1x16xf32> to vector<16xf32>
        %slice3A_772 = vector.extract_strided_slice %get3A_741 {offsets = [2], sizes = [1], strides = [1]} : vector<16xf32> to vector<1xf32>
        %squeeze3A_773 = vector.extract %slice3A_772[0] : f32 from vector<1xf32>
        %mul3A_774 = vector.broadcast %squeeze3A_773 : f32 to vector<16xf32>
        %mul3A_775 = arith.mulf %get3A_771, %mul3A_774 : vector<16xf32>
        %swap3A_776 = arith.index_cast %add3A_737 : i32 to index
        %swap3A_777 = arith.constant 32 : index
        %swap3A_778 = tpu.vector_load %arg13[%swap3A_776, %swap3A_777] {strides = array<i32>} : memref<40x128xf32, #tpu.memory_space<vmem>>, vector<1x16xf32>,
        %swap3A_779 = vector.shape_cast %swap3A_778 : vector<1x16xf32> to vector<16xf32>
        %swap3A_780 = vector.shape_cast %mul3A_775 : vector<16xf32> to vector<1x16xf32>
        tpu.vector_store %arg13[%swap3A_776, %swap3A_777], %swap3A_780 {strides = array<i32>} : memref<40x128xf32, #tpu.memory_space<vmem>>, vector<1x16xf32>,
        %get3A_781 = arith.index_cast %add3A_737 : i32 to index
        %get3A_782 = arith.constant 48 : index
        %get3A_783 = tpu.vector_load %arg13[%get3A_781, %get3A_782] {strides = array<i32>} : memref<40x128xf32, #tpu.memory_space<vmem>>, vector<1x16xf32>,
        %get3A_784 = vector.shape_cast %get3A_783 : vector<1x16xf32> to vector<16xf32>
        %slice3A_785 = vector.extract_strided_slice %get3A_741 {offsets = [3], sizes = [1], strides = [1]} : vector<16xf32> to vector<1xf32>
        %squeeze3A_786 = vector.extract %slice3A_785[0] : f32 from vector<1xf32>
        %mul3A_787 = vector.broadcast %squeeze3A_786 : f32 to vector<16xf32>
        %mul3A_788 = arith.mulf %get3A_784, %mul3A_787 : vector<16xf32>
        %swap3A_789 = arith.index_cast %add3A_737 : i32 to index
        %swap3A_790 = arith.constant 48 : index
        %swap3A_791 = tpu.vector_load %arg13[%swap3A_789, %swap3A_790] {strides = array<i32>} : memref<40x128xf32, #tpu.memory_space<vmem>>, vector<1x16xf32>,
        %swap3A_792 = vector.shape_cast %swap3A_791 : vector<1x16xf32> to vector<16xf32>
        %swap3A_793 = vector.shape_cast %mul3A_788 : vector<16xf32> to vector<1x16xf32>
        tpu.vector_store %arg13[%swap3A_789, %swap3A_790], %swap3A_793 {strides = array<i32>} : memref<40x128xf32, #tpu.memory_space<vmem>>, vector<1x16xf32>,
        %swap3A_794 = arith.index_cast %add3A_737 : i32 to index
        %swap3A_795 = arith.constant 64 : index
        %swap3A_796 = tpu.vector_load %arg13[%swap3A_794, %swap3A_795] {strides = array<i32>} : memref<40x128xf32, #tpu.memory_space<vmem>>, vector<1x16xf32>,
        %swap3A_797 = vector.shape_cast %swap3A_796 : vector<1x16xf32> to vector<16xf32>
        %swap3A_798 = vector.shape_cast %get3A_741 : vector<16xf32> to vector<1x16xf32>
        tpu.vector_store %arg13[%swap3A_794, %swap3A_795], %swap3A_798 {strides = array<i32>} : memref<40x128xf32, #tpu.memory_space<vmem>>, vector<1x16xf32>,
        %scan3A_799 = arith.constant 0 : i32
        scf.yield %scan3A_799 : i32
      }
      %scan3A_274 = arith.constant 5 : i32
      %dma_start3A_275 = arith.constant 0 : i32
      %dma_start3A_276 = arith.constant 0 : i32
      %dma_start3A_277 = tpu.memref_slice %arg7[%dma_start3A_275, %dma_start3A_276] : memref<10240x128xf32, #tpu.memory_space<vmem_shared>> -> memref<10240x128xf32, #tpu.memory_space<vmem_shared>>
      tpu.enqueue_indirect_dma source(%arg13 : memref<40x128xf32, #tpu.memory_space<vmem>>) target(%dma_start3A_277 : memref<10240x128xf32, #tpu.memory_space<vmem_shared>>) offsets(%arg18 : memref<40xi32, #tpu.memory_space<vmem>>) semaphore(%arg24 : memref<!tpu.dma_semaphore, #tpu.memory_space<semaphore_mem>>) {add = true}
      %scan3A_278 = arith.constant 0 : i32
      scf.yield %scan3A_278 : i32
    }
    %scan3A_151 = arith.constant 250 : i32
    %dma_wait3A_152 = arith.constant 0 : i32
    %dma_wait3A_153 = arith.constant 0 : i32
    %dma_wait3A_154 = tpu.memref_slice %arg7[%dma_wait3A_152, %dma_wait3A_153] : memref<10240x128xf32, #tpu.memory_space<vmem_shared>> -> memref<10240x128xf32, #tpu.memory_space<vmem_shared>>
    tpu.wait_indirect_dma semaphore(%arg23 : memref<!tpu.dma_semaphore, #tpu.memory_space<semaphore_mem>>) src(%arg12 : memref<40x128xf32, #tpu.memory_space<vmem>>) dst(%dma_wait3A_154 : memref<10240x128xf32, #tpu.memory_space<vmem_shared>>)
    %dma_wait3A_155 = arith.constant 0 : i32
    %dma_wait3A_156 = arith.constant 0 : i32
    %dma_wait3A_157 = tpu.memref_slice %arg7[%dma_wait3A_155, %dma_wait3A_156] : memref<10240x128xf32, #tpu.memory_space<vmem_shared>> -> memref<10240x128xf32, #tpu.memory_space<vmem_shared>>
    tpu.wait_indirect_dma semaphore(%arg24 : memref<!tpu.dma_semaphore, #tpu.memory_space<semaphore_mem>>) src(%arg13 : memref<40x128xf32, #tpu.memory_space<vmem>>) dst(%dma_wait3A_157 : memref<10240x128xf32, #tpu.memory_space<vmem_shared>>)
    %barrier3A_158 = arith.constant 0 : index
    tpu.barrier barrier_id(%barrier3A_158)
    %mul3A_159 = arith.constant 640 : i32
    %mul3A_160 = arith.muli %arg1, %mul3A_159 : i32
    "tpu.region"() ({
      %run_scoped3A = tpu.sem_alloc : memref<!tpu.dma_semaphore, #tpu.memory_space<semaphore_mem>>
      %dma_start3A_161 = arith.constant 0 : i32
      %dma_start3A_162 = tpu.memref_slice %arg6[%arg0, %mul3A_160, %dma_start3A_161] : memref<2x10240x128xf32, #tpu.memory_space<hbm>> -> memref<1x640x128xf32, #tpu.memory_space<hbm>>
      %dma_start3A_163 = tpu.memref_squeeze %dma_start3A_162 : memref<1x640x128xf32, #tpu.memory_space<hbm>> -> memref<640x128xf32, #tpu.memory_space<hbm>>
      %dma_start3A_164 = arith.constant 0 : i32
      %dma_start3A_165 = tpu.memref_slice %arg7[%mul3A_160, %dma_start3A_164] : memref<10240x128xf32, #tpu.memory_space<vmem_shared>> -> memref<640x128xf32, #tpu.memory_space<vmem_shared>>
      tpu.enqueue_dma source(%dma_start3A_165 : memref<640x128xf32, #tpu.memory_space<vmem_shared>>) target(%dma_start3A_163 : memref<640x128xf32, #tpu.memory_space<hbm>>) target_semaphore(%run_scoped3A : memref<!tpu.dma_semaphore, #tpu.memory_space<semaphore_mem>>)
      %dma_wait3A_166 = arith.constant 0 : i32
      %dma_wait3A_167 = tpu.memref_slice %arg6[%arg0, %mul3A_160, %dma_wait3A_166] : memref<2x10240x128xf32, #tpu.memory_space<hbm>> -> memref<1x640x128xf32, #tpu.memory_space<hbm>>
      %dma_wait3A_168 = tpu.memref_squeeze %dma_wait3A_167 : memref<1x640x128xf32, #tpu.memory_space<hbm>> -> memref<640x128xf32, #tpu.memory_space<hbm>>
      %dma_wait3A_169 = arith.constant 0 : i32
      %dma_wait3A_170 = tpu.memref_slice %arg7[%mul3A_160, %dma_wait3A_169] : memref<10240x128xf32, #tpu.memory_space<vmem_shared>> -> memref<640x128xf32, #tpu.memory_space<vmem_shared>>
      tpu.wait_dma2 semaphore(%run_scoped3A : memref<!tpu.dma_semaphore, #tpu.memory_space<semaphore_mem>>) src(%dma_wait3A_170 : memref<640x128xf32, #tpu.memory_space<vmem_shared>>) dst(%dma_wait3A_168 : memref<640x128xf32, #tpu.memory_space<hbm>>)
      tpu.yield
    }) : () -> ()
    return
  }
}

module attributes {stable_mosaic.version = 14 : i64} {
  func.func @_pre_edge_body(%arg0: i32, %arg1: i32, %arg2: memref<8000x16xf32, #tpu.memory_space<vmem>>, %arg3: memref<16x128xf32, #tpu.memory_space<vmem>>, %arg4: memref<1x128xf32, #tpu.memory_space<vmem>>, %arg5: memref<1x128x16xf32, #tpu.memory_space<vmem>>, %arg6: memref<8000x16xf32, #tpu.memory_space<vmem>>) attributes {dimension_semantics = [#tpu.dimension_semantics<arbitrary>, #tpu.dimension_semantics<arbitrary>], iteration_bounds = array<i64: 2, 40>, scalar_prefetch = 0 : i64, scratch_operands = 0 : i64, tpu.core_type = #tpu.core_type<tc>, window_params = [{transform_indices = @transform_0, window_bounds = array<i64: 8000, 16>}, {pipeline_mode = #tpu.pipeline_mode<synchronous>, transform_indices = @transform_1, window_bounds = array<i64: 16, 128>}, {pipeline_mode = #tpu.pipeline_mode<synchronous>, transform_indices = @transform_2, window_bounds = array<i64: 1, 128>}, {transform_indices = @transform_3, window_bounds = array<i64: 1, 128, 16>}, {transform_indices = @transform_4, window_bounds = array<i64: 8000, 16>}]} {
    %get3A = arith.constant 0 : index
    %get3A_0 = arith.constant 0 : index
    %get3A_1 = vector.load %arg3[%get3A, %get3A_0] : memref<16x128xf32, #tpu.memory_space<vmem>>, vector<16x128xf32>
    %get3A_2 = arith.constant 0 : index
    %get3A_3 = arith.constant 0 : index
    %get3A_4 = vector.load %arg4[%get3A_2, %get3A_3] : memref<1x128xf32, #tpu.memory_space<vmem>>, vector<1x128xf32>
    %mul3A = vector.broadcast %get3A_4 : vector<1x128xf32> to vector<16x128xf32>
    %mul3A_5 = arith.mulf %get3A_1, %mul3A : vector<16x128xf32>
    %get3A_6 = arith.constant 0 : index
    %get3A_7 = arith.constant 0 : index
    %get3A_8 = arith.constant 0 : index
    %get3A_9 = vector.load %arg5[%get3A_6, %get3A_7, %get3A_8] : memref<1x128x16xf32, #tpu.memory_space<vmem>>, vector<1x128x16xf32>
    %get3A_10 = vector.shape_cast %get3A_9 : vector<1x128x16xf32> to vector<128x16xf32>
    %dot_general3A = arith.constant dense<0.000000e+00> : vector<16x16xf32>
    %dot_general3A_11 = tpu.matmul %mul3A_5, %get3A_10, %dot_general3A {dimension_numbers = #tpu.dot_dimension_numbers<[1], [0], [0], [1], [0, 0, 1, 1], [], []>, transpose_lhs_hint = false} : vector<16x128xf32>, vector<128x16xf32>, vector<16x16xf32> -> vector<16x16xf32>
    %get3A_12 = arith.constant 0 : index
    %get3A_13 = arith.constant 0 : index
    %get3A_14 = vector.load %arg2[%get3A_12, %get3A_13] : memref<8000x16xf32, #tpu.memory_space<vmem>>, vector<8000x16xf32>
    %dot_general3A_15 = arith.constant dense<0.000000e+00> : vector<8000x16xf32>
    %dot_general3A_16 = tpu.matmul %get3A_14, %dot_general3A_11, %dot_general3A_15 {dimension_numbers = #tpu.dot_dimension_numbers<[1], [0], [0], [1], [0, 0, 1, 1], [], []>, transpose_lhs_hint = false} : vector<8000x16xf32>, vector<16x16xf32>, vector<8000x16xf32> -> vector<8000x16xf32>
    %swap3A = arith.constant 0 : index
    %swap3A_17 = arith.constant 0 : index
    %swap3A_18 = vector.load %arg6[%swap3A, %swap3A_17] : memref<8000x16xf32, #tpu.memory_space<vmem>>, vector<8000x16xf32>
    tpu.vector_store %arg6[%swap3A, %swap3A_17], %dot_general3A_16 {strides = array<i32>} : memref<8000x16xf32, #tpu.memory_space<vmem>>, vector<8000x16xf32>,
    return
  }
  func.func @transform_0(%arg0: i32, %arg1: i32) -> (i32, i32) {
    %c0_i32 = arith.constant 0 : i32
    %c0_i32_0 = arith.constant 0 : i32
    return %arg1, %c0_i32 : i32, i32
  }
  func.func @transform_1(%arg0: i32, %arg1: i32) -> (i32, i32) {
    %c0_i32 = arith.constant 0 : i32
    %c0_i32_0 = arith.constant 0 : i32
    %c0_i32_1 = arith.constant 0 : i32
    return %c0_i32, %c0_i32_0 : i32, i32
  }
  func.func @transform_2(%arg0: i32, %arg1: i32) -> (i32, i32) {
    %c0_i32 = arith.constant 0 : i32
    %c0_i32_0 = arith.constant 0 : i32
    %c0_i32_1 = arith.constant 0 : i32
    return %c0_i32, %c0_i32_0 : i32, i32
  }
  func.func @transform_3(%arg0: i32, %arg1: i32) -> (i32, i32, i32) {
    %c0_i32 = arith.constant 0 : i32
    %c0_i32_0 = arith.constant 0 : i32
    %c0_i32_1 = arith.constant 0 : i32
    return %arg0, %c0_i32, %c0_i32_0 : i32, i32, i32
  }
  func.func @transform_4(%arg0: i32, %arg1: i32) -> (i32, i32) {
    %mul3A = arith.constant 40 : i32
    %mul3A_0 = arith.muli %arg0, %mul3A : i32
    %add3A = arith.addi %mul3A_0, %arg1 : i32
    %c0_i32 = arith.constant 0 : i32
    %c0_i32_1 = arith.constant 0 : i32
    return %add3A, %c0_i32 : i32, i32
  }
}

module attributes {stable_mosaic.version = 14 : i64} {
  func.func @_pre_node_body(%arg0: i32, %arg1: i32, %arg2: memref<1000x128xf32, #tpu.memory_space<vmem>>, %arg3: memref<128x128xf32, #tpu.memory_space<vmem>>, %arg4: memref<1x128xf32, #tpu.memory_space<vmem>>, %arg5: memref<1x128x128xf32, #tpu.memory_space<vmem>>, %arg6: memref<1x128x128xf32, #tpu.memory_space<vmem>>, %arg7: memref<1000x128xf32, #tpu.memory_space<vmem>>) attributes {dimension_semantics = [#tpu.dimension_semantics<arbitrary>, #tpu.dimension_semantics<arbitrary>], iteration_bounds = array<i64: 2, 10>, scalar_prefetch = 0 : i64, scratch_operands = 0 : i64, tpu.core_type = #tpu.core_type<tc>, window_params = [{transform_indices = @transform_0, window_bounds = array<i64: 1000, 128>}, {pipeline_mode = #tpu.pipeline_mode<synchronous>, transform_indices = @transform_1, window_bounds = array<i64: 128, 128>}, {pipeline_mode = #tpu.pipeline_mode<synchronous>, transform_indices = @transform_2, window_bounds = array<i64: 1, 128>}, {transform_indices = @transform_3, window_bounds = array<i64: 1, 128, 128>}, {transform_indices = @transform_4, window_bounds = array<i64: 1, 128, 128>}, {transform_indices = @transform_5, window_bounds = array<i64: 1000, 128>}]} {
    %get3A = arith.constant 0 : index
    %get3A_0 = arith.constant 0 : index
    %get3A_1 = vector.load %arg2[%get3A, %get3A_0] : memref<1000x128xf32, #tpu.memory_space<vmem>>, vector<1000x128xf32>
    %get3A_2 = arith.constant 0 : index
    %get3A_3 = arith.constant 0 : index
    %get3A_4 = vector.load %arg3[%get3A_2, %get3A_3] : memref<128x128xf32, #tpu.memory_space<vmem>>, vector<128x128xf32>
    %dot_general3A = arith.constant dense<0.000000e+00> : vector<1000x128xf32>
    %dot_general3A_5 = tpu.matmul %get3A_1, %get3A_4, %dot_general3A {dimension_numbers = #tpu.dot_dimension_numbers<[1], [0], [0], [1], [0, 0, 1, 1], [], []>, transpose_lhs_hint = false} : vector<1000x128xf32>, vector<128x128xf32>, vector<1000x128xf32> -> vector<1000x128xf32>
    %get3A_6 = arith.constant 0 : index
    %get3A_7 = arith.constant 0 : index
    %get3A_8 = arith.constant 0 : index
    %get3A_9 = vector.load %arg5[%get3A_6, %get3A_7, %get3A_8] : memref<1x128x128xf32, #tpu.memory_space<vmem>>, vector<1x128x128xf32>
    %get3A_10 = vector.shape_cast %get3A_9 : vector<1x128x128xf32> to vector<128x128xf32>
    %dot_general3A_11 = arith.constant dense<0.000000e+00> : vector<1000x128xf32>
    %dot_general3A_12 = tpu.matmul %dot_general3A_5, %get3A_10, %dot_general3A_11 {dimension_numbers = #tpu.dot_dimension_numbers<[1], [0], [0], [1], [0, 0, 1, 1], [], []>, transpose_lhs_hint = false} : vector<1000x128xf32>, vector<128x128xf32>, vector<1000x128xf32> -> vector<1000x128xf32>
    %get3A_13 = arith.constant 0 : index
    %get3A_14 = arith.constant 0 : index
    %get3A_15 = vector.load %arg4[%get3A_13, %get3A_14] : memref<1x128xf32, #tpu.memory_space<vmem>>, vector<1x128xf32>
    %mul3A = vector.broadcast %get3A_15 : vector<1x128xf32> to vector<1000x128xf32>
    %mul3A_16 = arith.mulf %dot_general3A_5, %mul3A : vector<1000x128xf32>
    %get3A_17 = arith.constant 0 : index
    %get3A_18 = arith.constant 0 : index
    %get3A_19 = arith.constant 0 : index
    %get3A_20 = vector.load %arg6[%get3A_17, %get3A_18, %get3A_19] : memref<1x128x128xf32, #tpu.memory_space<vmem>>, vector<1x128x128xf32>
    %get3A_21 = vector.shape_cast %get3A_20 : vector<1x128x128xf32> to vector<128x128xf32>
    %dot_general3A_22 = arith.constant dense<0.000000e+00> : vector<1000x128xf32>
    %dot_general3A_23 = tpu.matmul %mul3A_16, %get3A_21, %dot_general3A_22 {dimension_numbers = #tpu.dot_dimension_numbers<[1], [0], [0], [1], [0, 0, 1, 1], [], []>, transpose_lhs_hint = false} : vector<1000x128xf32>, vector<128x128xf32>, vector<1000x128xf32> -> vector<1000x128xf32>
    %add3A = arith.addf %dot_general3A_12, %dot_general3A_23 : vector<1000x128xf32>
    %swap3A = arith.constant 0 : index
    %swap3A_24 = arith.constant 0 : index
    %swap3A_25 = vector.load %arg7[%swap3A, %swap3A_24] : memref<1000x128xf32, #tpu.memory_space<vmem>>, vector<1000x128xf32>
    tpu.vector_store %arg7[%swap3A, %swap3A_24], %add3A {strides = array<i32>} : memref<1000x128xf32, #tpu.memory_space<vmem>>, vector<1000x128xf32>,
    return
  }
  func.func @transform_0(%arg0: i32, %arg1: i32) -> (i32, i32) {
    %c0_i32 = arith.constant 0 : i32
    %c0_i32_0 = arith.constant 0 : i32
    return %arg1, %c0_i32 : i32, i32
  }
  func.func @transform_1(%arg0: i32, %arg1: i32) -> (i32, i32) {
    %c0_i32 = arith.constant 0 : i32
    %c0_i32_0 = arith.constant 0 : i32
    %c0_i32_1 = arith.constant 0 : i32
    return %c0_i32, %c0_i32_0 : i32, i32
  }
  func.func @transform_2(%arg0: i32, %arg1: i32) -> (i32, i32) {
    %c0_i32 = arith.constant 0 : i32
    %c0_i32_0 = arith.constant 0 : i32
    %c0_i32_1 = arith.constant 0 : i32
    return %c0_i32, %c0_i32_0 : i32, i32
  }
  func.func @transform_3(%arg0: i32, %arg1: i32) -> (i32, i32, i32) {
    %c0_i32 = arith.constant 0 : i32
    %c0_i32_0 = arith.constant 0 : i32
    %c0_i32_1 = arith.constant 0 : i32
    return %arg0, %c0_i32, %c0_i32_0 : i32, i32, i32
  }
  func.func @transform_4(%arg0: i32, %arg1: i32) -> (i32, i32, i32) {
    %c0_i32 = arith.constant 0 : i32
    %c0_i32_0 = arith.constant 0 : i32
    %c0_i32_1 = arith.constant 0 : i32
    return %arg0, %c0_i32, %c0_i32_0 : i32, i32, i32
  }
  func.func @transform_5(%arg0: i32, %arg1: i32) -> (i32, i32) {
    %mul3A = arith.constant 10 : i32
    %mul3A_0 = arith.muli %arg0, %mul3A : i32
    %add3A = arith.addi %mul3A_0, %arg1 : i32
    %c0_i32 = arith.constant 0 : i32
    %c0_i32_1 = arith.constant 0 : i32
    return %add3A, %c0_i32 : i32, i32
  }
}

module attributes {stable_mosaic.version = 14 : i64} {
  func.func @_post_body(%arg0: i32, %arg1: memref<2x1000x128xf32, #tpu.memory_space<vmem>>, %arg2: memref<1000x128xf32, #tpu.memory_space<vmem>>, %arg3: memref<128x128xf32, #tpu.memory_space<vmem>>, %arg4: memref<128x128xf32, #tpu.memory_space<vmem>>, %arg5: memref<128x128xf32, #tpu.memory_space<vmem>>, %arg6: memref<128x128xf32, #tpu.memory_space<vmem>>, %arg7: memref<128x512xf32, #tpu.memory_space<vmem>>, %arg8: memref<1x512xf32, #tpu.memory_space<vmem>>, %arg9: memref<512x128xf32, #tpu.memory_space<vmem>>, %arg10: memref<1x128xf32, #tpu.memory_space<vmem>>, %arg11: memref<1x128xf32, #tpu.memory_space<vmem>>, %arg12: memref<1x128xf32, #tpu.memory_space<vmem>>, %arg13: memref<1000x128xf32, #tpu.memory_space<vmem>>) attributes {dimension_semantics = [#tpu.dimension_semantics<arbitrary>], iteration_bounds = array<i64: 10>, scalar_prefetch = 0 : i64, scratch_operands = 0 : i64, tpu.core_type = #tpu.core_type<tc>, window_params = [{transform_indices = @transform_0, window_bounds = array<i64: 2, 1000, 128>}, {transform_indices = @transform_1, window_bounds = array<i64: 1000, 128>}, {pipeline_mode = #tpu.pipeline_mode<synchronous>, transform_indices = @transform_2, window_bounds = array<i64: 128, 128>}, {pipeline_mode = #tpu.pipeline_mode<synchronous>, transform_indices = @transform_3, window_bounds = array<i64: 128, 128>}, {pipeline_mode = #tpu.pipeline_mode<synchronous>, transform_indices = @transform_4, window_bounds = array<i64: 128, 128>}, {pipeline_mode = #tpu.pipeline_mode<synchronous>, transform_indices = @transform_5, window_bounds = array<i64: 128, 128>}, {pipeline_mode = #tpu.pipeline_mode<synchronous>, transform_indices = @transform_6, window_bounds = array<i64: 128, 512>}, {pipeline_mode = #tpu.pipeline_mode<synchronous>, transform_indices = @transform_7, window_bounds = array<i64: 1, 512>}, {pipeline_mode = #tpu.pipeline_mode<synchronous>, transform_indices = @transform_8, window_bounds = array<i64: 512, 128>}, {pipeline_mode = #tpu.pipeline_mode<synchronous>, transform_indices = @transform_9, window_bounds = array<i64: 1, 128>}, {pipeline_mode = #tpu.pipeline_mode<synchronous>, transform_indices = @transform_10, window_bounds = array<i64: 1, 128>}, {pipeline_mode = #tpu.pipeline_mode<synchronous>, transform_indices = @transform_11, window_bounds = array<i64: 1, 128>}, {transform_indices = @transform_12, window_bounds = array<i64: 1000, 128>}]} {
    %get3A = arith.constant 0 : index
    %get3A_0 = arith.constant 0 : index
    %get3A_1 = arith.constant 0 : index
    %get3A_2 = vector.load %arg1[%get3A, %get3A_0, %get3A_1] : memref<2x1000x128xf32, #tpu.memory_space<vmem>>, vector<1x1000x128xf32>
    %get3A_3 = vector.shape_cast %get3A_2 : vector<1x1000x128xf32> to vector<1000x128xf32>
    %get3A_4 = arith.constant 1 : index
    %get3A_5 = arith.constant 0 : index
    %get3A_6 = arith.constant 0 : index
    %get3A_7 = vector.load %arg1[%get3A_4, %get3A_5, %get3A_6] : memref<2x1000x128xf32, #tpu.memory_space<vmem>>, vector<1x1000x128xf32>
    %get3A_8 = vector.shape_cast %get3A_7 : vector<1x1000x128xf32> to vector<1000x128xf32>
    %get3A_9 = arith.constant 0 : index
    %get3A_10 = arith.constant 0 : index
    %get3A_11 = vector.load %arg3[%get3A_9, %get3A_10] : memref<128x128xf32, #tpu.memory_space<vmem>>, vector<128x128xf32>
    %dot_general3A = arith.constant dense<0.000000e+00> : vector<1000x128xf32>
    %dot_general3A_12 = tpu.matmul %get3A_3, %get3A_11, %dot_general3A {dimension_numbers = #tpu.dot_dimension_numbers<[1], [0], [0], [1], [0, 0, 1, 1], [], []>, transpose_lhs_hint = false} : vector<1000x128xf32>, vector<128x128xf32>, vector<1000x128xf32> -> vector<1000x128xf32>
    %get3A_13 = arith.constant 0 : index
    %get3A_14 = arith.constant 0 : index
    %get3A_15 = vector.load %arg4[%get3A_13, %get3A_14] : memref<128x128xf32, #tpu.memory_space<vmem>>, vector<128x128xf32>
    %dot_general3A_16 = arith.constant dense<0.000000e+00> : vector<1000x128xf32>
    %dot_general3A_17 = tpu.matmul %get3A_8, %get3A_15, %dot_general3A_16 {dimension_numbers = #tpu.dot_dimension_numbers<[1], [0], [0], [1], [0, 0, 1, 1], [], []>, transpose_lhs_hint = false} : vector<1000x128xf32>, vector<128x128xf32>, vector<1000x128xf32> -> vector<1000x128xf32>
    %add3A = arith.addf %dot_general3A_12, %dot_general3A_17 : vector<1000x128xf32>
    %get3A_18 = arith.constant 0 : index
    %get3A_19 = arith.constant 0 : index
    %get3A_20 = vector.load %arg5[%get3A_18, %get3A_19] : memref<128x128xf32, #tpu.memory_space<vmem>>, vector<128x128xf32>
    %dot_general3A_21 = arith.constant dense<0.000000e+00> : vector<1000x128xf32>
    %dot_general3A_22 = tpu.matmul %get3A_3, %get3A_20, %dot_general3A_21 {dimension_numbers = #tpu.dot_dimension_numbers<[1], [0], [0], [1], [0, 0, 1, 1], [], []>, transpose_lhs_hint = false} : vector<1000x128xf32>, vector<128x128xf32>, vector<1000x128xf32> -> vector<1000x128xf32>
    %get3A_23 = arith.constant 0 : index
    %get3A_24 = arith.constant 0 : index
    %get3A_25 = vector.load %arg6[%get3A_23, %get3A_24] : memref<128x128xf32, #tpu.memory_space<vmem>>, vector<128x128xf32>
    %dot_general3A_26 = arith.constant dense<0.000000e+00> : vector<1000x128xf32>
    %dot_general3A_27 = tpu.matmul %get3A_8, %get3A_25, %dot_general3A_26 {dimension_numbers = #tpu.dot_dimension_numbers<[1], [0], [0], [1], [0, 0, 1, 1], [], []>, transpose_lhs_hint = false} : vector<1000x128xf32>, vector<128x128xf32>, vector<1000x128xf32> -> vector<1000x128xf32>
    %add3A_28 = arith.addf %dot_general3A_22, %dot_general3A_27 : vector<1000x128xf32>
    %eq3A = arith.constant 0.000000e+00 : f32
    %eq3A_29 = vector.broadcast %eq3A : f32 to vector<1000x128xf32>
    %eq3A_30 = arith.cmpf oeq, %add3A_28, %eq3A_29 : vector<1000x128xf32>
    %convert_element_type3A = arith.extui %eq3A_30 : vector<1000x128xi1> to vector<1000x128xi32>
    %convert_element_type3A_31 = arith.sitofp %convert_element_type3A : vector<1000x128xi32> to vector<1000x128xf32>
    %add3A_32 = arith.addf %add3A_28, %convert_element_type3A_31 : vector<1000x128xf32>
    %div3A = arith.divf %add3A, %add3A_32 : vector<1000x128xf32>
    %gt3A = arith.constant 0.000000e+00 : f32
    %gt3A_33 = vector.broadcast %gt3A : f32 to vector<1000x128xf32>
    %gt3A_34 = arith.cmpf ogt, %div3A, %gt3A_33 : vector<1000x128xf32>
    %exp3A = math.exp %div3A : vector<1000x128xf32>
    %sub3A = arith.constant 1.000000e+00 : f32
    %sub3A_35 = vector.broadcast %sub3A : f32 to vector<1000x128xf32>
    %sub3A_36 = arith.subf %exp3A, %sub3A_35 : vector<1000x128xf32>
    %select_n3A = arith.select %gt3A_34, %div3A, %sub3A_36 : vector<1000x128xi1>, vector<1000x128xf32>
    %get3A_37 = arith.constant 0 : index
    %get3A_38 = arith.constant 0 : index
    %get3A_39 = vector.load %arg2[%get3A_37, %get3A_38] : memref<1000x128xf32, #tpu.memory_space<vmem>>, vector<1000x128xf32>
    %add3A_40 = arith.addf %select_n3A, %get3A_39 : vector<1000x128xf32>
    %get3A_41 = arith.constant 0 : index
    %get3A_42 = arith.constant 0 : index
    %get3A_43 = vector.load %arg7[%get3A_41, %get3A_42] : memref<128x512xf32, #tpu.memory_space<vmem>>, vector<128x512xf32>
    %dot_general3A_44 = arith.constant dense<0.000000e+00> : vector<1000x512xf32>
    %dot_general3A_45 = tpu.matmul %add3A_40, %get3A_43, %dot_general3A_44 {dimension_numbers = #tpu.dot_dimension_numbers<[1], [0], [0], [1], [0, 0, 1, 1], [], []>, transpose_lhs_hint = false} : vector<1000x128xf32>, vector<128x512xf32>, vector<1000x512xf32> -> vector<1000x512xf32>
    %get3A_46 = arith.constant 0 : index
    %get3A_47 = arith.constant 0 : index
    %get3A_48 = vector.load %arg8[%get3A_46, %get3A_47] : memref<1x512xf32, #tpu.memory_space<vmem>>, vector<1x512xf32>
    %add3A_49 = vector.broadcast %get3A_48 : vector<1x512xf32> to vector<1000x512xf32>
    %add3A_50 = arith.addf %dot_general3A_45, %add3A_49 : vector<1000x512xf32>
    %max3A = arith.constant 0.000000e+00 : f32
    %max3A_51 = vector.broadcast %max3A : f32 to vector<1000x512xf32>
    %max3A_52 = arith.maximumf %add3A_50, %max3A_51 : vector<1000x512xf32>
    %get3A_53 = arith.constant 0 : index
    %get3A_54 = arith.constant 0 : index
    %get3A_55 = vector.load %arg9[%get3A_53, %get3A_54] : memref<512x128xf32, #tpu.memory_space<vmem>>, vector<512x128xf32>
    %dot_general3A_56 = arith.constant dense<0.000000e+00> : vector<1000x128xf32>
    %dot_general3A_57 = tpu.matmul %max3A_52, %get3A_55, %dot_general3A_56 {dimension_numbers = #tpu.dot_dimension_numbers<[1], [0], [0], [1], [0, 0, 1, 1], [], []>, transpose_lhs_hint = false} : vector<1000x512xf32>, vector<512x128xf32>, vector<1000x128xf32> -> vector<1000x128xf32>
    %get3A_58 = arith.constant 0 : index
    %get3A_59 = arith.constant 0 : index
    %get3A_60 = vector.load %arg10[%get3A_58, %get3A_59] : memref<1x128xf32, #tpu.memory_space<vmem>>, vector<1x128xf32>
    %add3A_61 = vector.broadcast %get3A_60 : vector<1x128xf32> to vector<1000x128xf32>
    %add3A_62 = arith.addf %dot_general3A_57, %add3A_61 : vector<1000x128xf32>
    %add3A_63 = arith.addf %add3A_62, %add3A_40 : vector<1000x128xf32>
    %reduce_sum3A = arith.constant dense<0.000000e+00> : vector<1000xf32>
    %reduce_sum3A_64 = vector.multi_reduction <add>, %add3A_63, %reduce_sum3A [1] : vector<1000x128xf32> to vector<1000xf32>
    %broadcast_in_dim3A = vector.shape_cast %reduce_sum3A_64 : vector<1000xf32> to vector<1000x1xf32>
    %div3A_65 = arith.constant 1.280000e+02 : f32
    %div3A_66 = vector.broadcast %div3A_65 : f32 to vector<1000x1xf32>
    %div3A_67 = arith.divf %broadcast_in_dim3A, %div3A_66 : vector<1000x1xf32>
    %sub3A_68 = vector.broadcast %div3A_67 : vector<1000x1xf32> to vector<1000x128xf32>
    %sub3A_69 = arith.subf %add3A_63, %sub3A_68 : vector<1000x128xf32>
    %mul3A = arith.mulf %sub3A_69, %sub3A_69 : vector<1000x128xf32>
    %reduce_sum3A_70 = arith.constant dense<0.000000e+00> : vector<1000xf32>
    %reduce_sum3A_71 = vector.multi_reduction <add>, %mul3A, %reduce_sum3A_70 [1] : vector<1000x128xf32> to vector<1000xf32>
    %broadcast_in_dim3A_72 = vector.shape_cast %reduce_sum3A_71 : vector<1000xf32> to vector<1000x1xf32>
    %div3A_73 = arith.constant 1.280000e+02 : f32
    %div3A_74 = vector.broadcast %div3A_73 : f32 to vector<1000x1xf32>
    %div3A_75 = arith.divf %broadcast_in_dim3A_72, %div3A_74 : vector<1000x1xf32>
    %add3A_76 = arith.constant 9.99999974E-6 : f32
    %add3A_77 = vector.broadcast %add3A_76 : f32 to vector<1000x1xf32>
    %add3A_78 = arith.addf %div3A_75, %add3A_77 : vector<1000x1xf32>
    %rsqrt3A = math.rsqrt %add3A_78 : vector<1000x1xf32>
    %mul3A_79 = vector.broadcast %rsqrt3A : vector<1000x1xf32> to vector<1000x128xf32>
    %mul3A_80 = arith.mulf %sub3A_69, %mul3A_79 : vector<1000x128xf32>
    %get3A_81 = arith.constant 0 : index
    %get3A_82 = arith.constant 0 : index
    %get3A_83 = vector.load %arg11[%get3A_81, %get3A_82] : memref<1x128xf32, #tpu.memory_space<vmem>>, vector<1x128xf32>
    %mul3A_84 = vector.broadcast %get3A_83 : vector<1x128xf32> to vector<1000x128xf32>
    %mul3A_85 = arith.mulf %mul3A_80, %mul3A_84 : vector<1000x128xf32>
    %get3A_86 = arith.constant 0 : index
    %get3A_87 = arith.constant 0 : index
    %get3A_88 = vector.load %arg12[%get3A_86, %get3A_87] : memref<1x128xf32, #tpu.memory_space<vmem>>, vector<1x128xf32>
    %add3A_89 = vector.broadcast %get3A_88 : vector<1x128xf32> to vector<1000x128xf32>
    %add3A_90 = arith.addf %mul3A_85, %add3A_89 : vector<1000x128xf32>
    %swap3A = arith.constant 0 : index
    %swap3A_91 = arith.constant 0 : index
    %swap3A_92 = vector.load %arg13[%swap3A, %swap3A_91] : memref<1000x128xf32, #tpu.memory_space<vmem>>, vector<1000x128xf32>
    tpu.vector_store %arg13[%swap3A, %swap3A_91], %add3A_90 {strides = array<i32>} : memref<1000x128xf32, #tpu.memory_space<vmem>>, vector<1000x128xf32>,
    return
  }
  func.func @transform_0(%arg0: i32) -> (i32, i32, i32) {
    %c0_i32 = arith.constant 0 : i32
    %c0_i32_0 = arith.constant 0 : i32
    %c0_i32_1 = arith.constant 0 : i32
    return %c0_i32, %arg0, %c0_i32_0 : i32, i32, i32
  }
  func.func @transform_1(%arg0: i32) -> (i32, i32) {
    %c0_i32 = arith.constant 0 : i32
    %c0_i32_0 = arith.constant 0 : i32
    return %arg0, %c0_i32 : i32, i32
  }
  func.func @transform_2(%arg0: i32) -> (i32, i32) {
    %c0_i32 = arith.constant 0 : i32
    %c0_i32_0 = arith.constant 0 : i32
    %c0_i32_1 = arith.constant 0 : i32
    return %c0_i32, %c0_i32_0 : i32, i32
  }
  func.func @transform_3(%arg0: i32) -> (i32, i32) {
    %c0_i32 = arith.constant 0 : i32
    %c0_i32_0 = arith.constant 0 : i32
    %c0_i32_1 = arith.constant 0 : i32
    return %c0_i32, %c0_i32_0 : i32, i32
  }
  func.func @transform_4(%arg0: i32) -> (i32, i32) {
    %c0_i32 = arith.constant 0 : i32
    %c0_i32_0 = arith.constant 0 : i32
    %c0_i32_1 = arith.constant 0 : i32
    return %c0_i32, %c0_i32_0 : i32, i32
  }
  func.func @transform_5(%arg0: i32) -> (i32, i32) {
    %c0_i32 = arith.constant 0 : i32
    %c0_i32_0 = arith.constant 0 : i32
    %c0_i32_1 = arith.constant 0 : i32
    return %c0_i32, %c0_i32_0 : i32, i32
  }
  func.func @transform_6(%arg0: i32) -> (i32, i32) {
    %c0_i32 = arith.constant 0 : i32
    %c0_i32_0 = arith.constant 0 : i32
    %c0_i32_1 = arith.constant 0 : i32
    return %c0_i32, %c0_i32_0 : i32, i32
  }
  func.func @transform_7(%arg0: i32) -> (i32, i32) {
    %c0_i32 = arith.constant 0 : i32
    %c0_i32_0 = arith.constant 0 : i32
    %c0_i32_1 = arith.constant 0 : i32
    return %c0_i32, %c0_i32_0 : i32, i32
  }
  func.func @transform_8(%arg0: i32) -> (i32, i32) {
    %c0_i32 = arith.constant 0 : i32
    %c0_i32_0 = arith.constant 0 : i32
    %c0_i32_1 = arith.constant 0 : i32
    return %c0_i32, %c0_i32_0 : i32, i32
  }
  func.func @transform_9(%arg0: i32) -> (i32, i32) {
    %c0_i32 = arith.constant 0 : i32
    %c0_i32_0 = arith.constant 0 : i32
    %c0_i32_1 = arith.constant 0 : i32
    return %c0_i32, %c0_i32_0 : i32, i32
  }
  func.func @transform_10(%arg0: i32) -> (i32, i32) {
    %c0_i32 = arith.constant 0 : i32
    %c0_i32_0 = arith.constant 0 : i32
    %c0_i32_1 = arith.constant 0 : i32
    return %c0_i32, %c0_i32_0 : i32, i32
  }
  func.func @transform_11(%arg0: i32) -> (i32, i32) {
    %c0_i32 = arith.constant 0 : i32
    %c0_i32_0 = arith.constant 0 : i32
    %c0_i32_1 = arith.constant 0 : i32
    return %c0_i32, %c0_i32_0 : i32, i32
  }
  func.func @transform_12(%arg0: i32) -> (i32, i32) {
    %c0_i32 = arith.constant 0 : i32
    %c0_i32_0 = arith.constant 0 : i32
    return %arg0, %c0_i32 : i32, i32
  }
}

</mosaic_0001>

<sc_bundles>
// kernel: kernel.6.cloned.1.call-start
scs
__scs_entry_jumppad:
0x0: {  	(pc) =	sbr.rel $0x88, $3  }
0x1: {  	(tag) =	ssettag $0x0;
	lr =	simm.s32 $0x1  }
0x2: {  	[smem:$0x3F94] =	sst lr;
	_ =	strace $0xD0000000  }
0x3: {  	_ = 	snop  }
0x4: {  	_ = 	snop  }
0x5: {  	_ = 	snop  }
0x6: {  	_ = 	snop  }
0x7: {  	_ = 	snop  }
__scs_overlays_trampoline_lowered:
0x8: {  	[smem:$0x3FA3] =	sst s0  }
0x9: {  	[smem:$0x3FA4] =	sst s1  }
0xa: {  	[smem:$0x3FA5] =	sst s2  }
0xb: {  	[smem:$0x3FA6] =	sst s3  }
0xc: {  	[smem:$0x3FA7] =	sst s4  }
0xd: {  	[smem:$0x3FA8] =	sst s5  }
0xe: {  	[smem:$0x3FA9] =	sst s6  }
0xf: {  	[smem:$0x3FAA] =	sst s7  }
0x10: {  	[smem:$0x3FAB] =	sst s8  }
0x11: {  	[smem:$0x3FAC] =	sst s9;
	s0 =	simm.s32 @!p0 $0x0  }
0x12: {  	s1 =	sld [smem:$0x3F92];
	s0 =	simm.s32 @p0 $0x1  }
0x13: {  	[smem:$0x3FAD] =	sst s0;
	s0 =	simm.s32 @!p1 $0x0  }
0x14: {  	s2 =	sld [smem:$0x3F91];
	s0 =	simm.s32 @p1 $0x1  }
0x15: {  	[smem:$0x3FAE] =	sst s0;
	s0 =	simm.s32 @!p2 $0x0  }
0x16: {  	s3 =	sld [smem:$0x3FDB];
	s0 =	simm.s32 @p2 $0x1  }
0x17: {  	s4 =	simm.s32 $0x1BF5;
	[smem:$0x3FB0] =	sst s0  }
0x18: {  	s0 =	sld [smem:$0x3F93];
	_ =	swait.ge [sflag:s4], $0x0  }
0x19: {  	s7 =	sld [smem:$0x3F94]  }
0x1a: {  	s8 =	sadd.s32 $0xFFFFE003, lr  }
0x1b: {  	s9 =	sadd.s32 $0xFFFFFEF7, lr;
	s5 =	simm.s32 $0xFFFFFFFF;
	p2 =	slt.u32 s8, $0xFFFFF086  }
0x1c: {  	p1 =	slt.u32 s9, $0xF7A;
	s5 =	simm.s32 @!p2 $0x0  }
0x1d: {  	s5 =	simm.s32 @p1 $0x1;
	p0 =	seq.s32 s7, s2  }
0x1e: {  	s7 =	smul.u32 @!p0 $0xF7A, s2;
	p2 =	seq.s32 @!p0 s5, $0x0  }
0x1f: {  	s9 =	smul.u32 $0xF7A, s1;
	s8 =	simm.s32 @!p0 $0x1BF5;
	p2 =	por !p2, p0  }
0x20: {  	[sflag:s8] =	ssyncset.s32 @!p0 $0xFFFFF086;
	s6 =	sadd.s32 @!p0 s3, s7;
	s7 =	simm.s32 @!p0 $0x108  }
0x21: {  	s3 =	sadd.s32 s3, s9;
	s6 =	sadd.s32 @!p0 $0x88, s6;
	s7 =	simm.s32 @p2 $0x1082  }
0x22: {  	[simem:s7], [sflag:s8] =	dma.local @!p0 [hbm:s6], $0xF7A  }
0x23: {  	s9 =	sor.u32 $0xD0000000, s2;
	s6 =	simm.s32 $0x108;
	_ =	swait.ge @!p0 [sflag:s8], $0x0  }
0x24: {  	s3 =	sadd.s32 $0x88, s3;
	s6 =	simm.s32 @!p1 $0x1082;
	[sflag:s4] =	ssyncset.s32 $0xFFFFF086  }
0x25: {  	[simem:s6], [sflag:s4] =	dma.local [hbm:s3], $0xF7A  }
0x26: {  	[smem:$0x3F94] =	sst s1;
	(tag) =	ssettag s2;
	_ =	strace s9  }
0x27: {  	s1 =	sld [smem:$0x3FA4]  }
0x28: {  	s2 =	sld [smem:$0x3FA5]  }
0x29: {  	s4 =	sld [smem:$0x3FA7]  }
0x2a: {  	p0 =	seq.s32 s5, $0x0;
	s5 =	sld [smem:$0x3FA8]  }
0x2b: {  	s6 =	sld [smem:$0x3FA9]  }
0x2c: {  	s7 =	sld [smem:$0x3FAA]  }
0x2d: {  	s3 =	simm.s32 $0x108;
	s8 =	sld [smem:$0x3FAB]  }
0x2e: {  	s3 =	simm.s32 @!p0 $0x1082;
	s9 =	sld [smem:$0x3FAC]  }
0x2f: {  	lr =	sadd.s32 s0, s3;
	s0 =	sld [smem:$0x3FA3]  }
0x30: {  	s3 =	sld [smem:$0x3FA6]  }
0x31: {  	[smem:$0x3FAF] =	sst s10  }
0x32: {  	s10 =	sld [smem:$0x3FAD];
	_ =	sdelay $0x3  }
0x33: {  	p0 =	seq.s32 s10, $0x1;
	s10 =	sld [smem:$0x3FAF];
	_ =	sdelay $0x3  }
0x34: {  	[smem:$0x3FAF] =	sst s10  }
0x35: {  	s10 =	sld [smem:$0x3FAE];
	_ =	sdelay $0x3  }
0x36: {  	p1 =	seq.s32 s10, $0x1;
	s10 =	sld [smem:$0x3FAF];
	_ =	sdelay $0x3  }
0x37: {  	[smem:$0x3FAF] =	sst s10  }
0x38: {  	s10 =	sld [smem:$0x3FB0]  }
0x39: {  	_ = 	snop;
	(pc) =	sbr.ind lr, $3  }
0x3a: {  	_ = 	snop  }
0x3b: {  	_ = 	snop  }
0x3c: {  	p2 =	seq.s32 s10, $0x1;
	s10 =	sld [smem:$0x3FAF]  }
0x3d: {  	_ =	shalt  }
0x3e: {  	_ =	shalt  }
0x3f: {  	_ =	shalt  }
0x40: {  	_ =	shalt  }
0x41: {  	_ =	shalt  }
0x42: {  	_ =	shalt  }
0x43: {  	_ =	shalt  }
0x44: {  	_ =	shalt  }
0x45: {  	_ =	shalt  }
0x46: {  	_ =	shalt  }
0x47: {  	_ =	shalt  }
0x48: {  	_ =	shalt  }
0x49: {  	_ =	shalt  }
0x4a: {  	_ =	shalt  }
0x4b: {  	_ =	shalt  }
0x4c: {  	_ =	shalt  }
0x4d: {  	_ =	shalt  }
0x4e: {  	_ =	shalt  }
0x4f: {  	_ =	shalt  }
0x50: {  	_ =	shalt  }
0x51: {  	_ =	shalt  }
0x52: {  	_ =	shalt  }
0x53: {  	_ =	shalt  }
0x54: {  	_ =	shalt  }
0x55: {  	_ =	shalt  }
0x56: {  	_ =	shalt  }
0x57: {  	_ =	shalt  }
0x58: {  	_ =	shalt  }
0x59: {  	_ =	shalt  }
0x5a: {  	_ =	shalt  }
0x5b: {  	_ =	shalt  }
0x5c: {  	_ =	shalt  }
0x5d: {  	_ =	shalt  }
0x5e: {  	_ =	shalt  }
0x5f: {  	_ =	shalt  }
0x60: {  	_ =	shalt  }
0x61: {  	_ =	shalt  }
0x62: {  	_ =	shalt  }
0x63: {  	_ =	shalt  }
0x64: {  	_ =	shalt  }
0x65: {  	_ =	shalt  }
0x66: {  	_ =	shalt  }
0x67: {  	_ =	shalt  }
0x68: {  	_ =	shalt  }
0x69: {  	_ =	shalt  }
0x6a: {  	_ =	shalt  }
0x6b: {  	_ =	shalt  }
0x6c: {  	_ =	shalt  }
0x6d: {  	_ =	shalt  }
0x6e: {  	_ =	shalt  }
0x6f: {  	_ =	shalt  }
0x70: {  	_ =	shalt  }
0x71: {  	_ =	shalt  }
0x72: {  	_ =	shalt  }
0x73: {  	_ =	shalt  }
0x74: {  	_ =	shalt  }
0x75: {  	_ =	shalt  }
0x76: {  	_ =	shalt  }
0x77: {  	_ =	shalt  }
0x78: {  	_ =	shalt  }
0x79: {  	_ =	shalt  }
0x7a: {  	_ =	shalt  }
0x7b: {  	_ =	shalt  }
0x7c: {  	_ =	shalt  }
0x7d: {  	_ =	shalt  }
0x7e: {  	_ =	shalt  }
0x7f: {  	_ =	shalt  }
0x80: {  	_ =	shalt  }
0x81: {  	_ =	shalt  }
0x82: {  	_ =	shalt  }
0x83: {  	_ =	shalt  }
0x84: {  	_ =	shalt  }
0x85: {  	_ =	shalt  }
0x86: {  	_ =	shalt  }
0x87: {  	_ =	shalt  }
.Lfunc_end0:
.L_simem_size_0:
called_computation_lowered:
.L_overlay_start_0:
0x88: {  	s2 =	sld [smem:$0x3FD9]  }
0x89: {  	s3 =	sld [smem:$0x3FFE];
	_ =	sdelay $0x1  }
0x8a: {  	s1 =	srdreg.scid  }
0x8b: {  	s0 =	sand.u32 $0x1, s1  }
0x8c: {  	s17 =	sshll.u32 s0, $0xA;
	s2 =	sadd.s32 s3, s2  }
0x8d: {  	s2 =	sadd.s32 s2, s17  }
0x8e: {  	[smem:$0x3FBB] =	sst s2  }
0x8f: {  	_ = 	snop  }
0x90: {  	s2 =	sld [smem:$0x3FD0];
	(tm) =	ssettm $0x1  }
0x91: {  	s18 =	sld [smem:$0x3FFB];
	_ =	sdelay $0x3  }
0x92: {  	_ =	strace s18  }
0x93: {  	s3 =	sld [smem:$0x3FFC];
	_ =	sdelay $0x3  }
0x94: {  	_ =	strace s3  }
0x95: {  	s3 =	sld [smem:$0x3FFD];
	_ =	sdelay $0x3  }
0x96: {  	_ =	strace s3  }
0x97: {  	_ =	strace $0x8FFFFFFF  }
0x98: {  	s19 =	sld [smem:$0x3FDB];
	_ =	sdelay $0x1  }
0x99: {  	s4 =	simm.s32 $_scs_section_size  }
0x9a: {  	s5 =	simm.s32 $_size__tile_overlayer_lowered;
	s6 =	simm.s32 $_tile_overlayer_lowered  }
0x9b: {  	s22 =	simm.s32 $0x1BFF;
	s21 =	sshll.u32 s6, $0x1;
	s3 =	sadd.s32 s4, s19  }
0x9c: {  	s7 =	simm.s32 $0x0;
	s20 =	sshll.u32 s5, $0x1;
	s5 =	sadd.s32 s21, s3  }
0x9d: {  	[timem:s7], [sflag:s22] =	dma.local [hbm:s5], s20  }
0x9e: {  	_ =	swait.ge [sflag:s22], s20  }
0x9f: {  	s4 =	ssub.s32 $0x0, s20;
	[sflag:s22] =	ssyncset.done $0x0  }
0xa0: {  	[sflag:s22] =	ssyncadd.s32 s4;
	_ =	sdelay $0x1  }
0xa1: {  	s23 =	simm.s32 $0x1B8B  }
0xa2: {  	_ =	swait.ge [sflag:s23], $0x1  }
0xa3: {  	[sflag:s23] =	ssyncset.done $0x0  }
0xa4: {  	s25 =	simm.s32 $0x1B8E;
	s24 =	sld [smem:$0x3FFE];
	[sflag:s23] =	ssyncadd.s32 $0xFFFFFFFF  }
0xa5: {  	s26 =	simm.s32 $execute0_lowered;
	[smem:$0x3FD2] =	sst s25  }
0xa6: {  	s5 =	sshll.u32 s26, $0x1;
	_ =	strace $0x80000046;
	[dreg:$0x1] =	wrdreg $0xFFFFFFFF  }
0xa7: {  	s28 =	simm.s32 $_size_execute0_lowered;
	s3 =	sadd.s32 s3, s5;
	[dreg:$0x0] =	wrdreg $0x0  }
0xa8: {  	s5 =	sshll.u32 s28, $0x1;
	[dreg:$0x2] =	wrdreg s3  }
0xa9: {  	[dreg:$0x3] =	wrdreg s5  }
0xaa: {  	[dreg:$0x4] =	wrdreg $0xC0  }
0xab: {  	_ =	task [dreg:s7], $0x5FFFF  }
0xac: {  	[dreg:$0x1] =	wrdreg $0xFFFFFFFF  }
0xad: {  	[dreg:$0x0] =	wrdreg $0x60  }
0xae: {  	[dreg:$0x2] =	wrdreg s24  }
0xaf: {  	[dreg:$0x3] =	wrdreg s2  }
0xb0: {  	[dreg:$0x4] =	wrdreg $0x0  }
0xb1: {  	[dreg:$0x5] =	wrdreg $0x9  }
0xb2: {  	_ =	task.clear_ibuf [dreg:s7], $0x6FFFF;
	_ =	strace $0x90000046  }
0xb3: {  	s29 =	simm.s32 $0x9;
	_ =	strace $0x80000048  }
0xb4: {  	_ =	swait.ge [sflag:s29], $0x1  }
0xb5: {  	[sflag:s29] =	ssyncadd.s32 $0xFFFFFFFF  }
0xb6: {  	_ =	strace $0x90000048  }
0xb7: {  	_ =	sfence  }
0xb8: {  	s30 =	sld [smem:$0x0];
	_ =	sdelay $0x2  }
0xb9: {  	s31 =	sshll.u32 s1, $0xD;
	s1 =	sshrl.u32 s1, $0x2  }
0xba: {  	s3 =	sand.u32 $0x4000, s31;
	s1 =	sadd.s32 s1, s30  }
0xbb: {  	s0 =	sor.u32 s3, s0;
	s1 =	sshll.u32 s1, $0x11  }
0xbc: {  	s0 =	sor.u32 s1, s0  }
0xbd: {  	s0 =	sadd.s32 $0x8F2B, s0  }
0xbe: {  	[sflag:s0] =	ssyncadd.remote.s32 $0x1  }
0xbf: {  	_ =	sfence.sel $0xFFFF  }
0xc0: {  	[dreg:$0x0] =	wrdreg $0xFFFFFFFF;
	(pc) =	sbr.abs _section_cstart, $3  }
0xc1: {  	[dreg:$0x1] =	wrdreg $0xFFFFFFFF  }
0xc2: {  	_ =	task.clear_ibuf [dreg:s7], $0x2FFFF;
	_ =	strace $0x9FFFFFFF  }
0xc3: {  	(tm) =	ssettm $0x7FFFFFFF  }
tec
execute0_lowered:
.L_overlay_start_1:
0x0: {  	(tag) =	ssettag $0x1  }
0x1: {  	s0 =	rddreg [dreg:$0x0]  }
0x2: {  	s2 =	rddreg [dreg:$0x1];
	s11 =	stileid.u32  }
0x3: {  	s1 =	srdreg.scid;
	s7 =	smul.u32 $0x14000, s11  }
0x4: {  	s3 =	rddreg [dreg:$0x2];
	s9 =	smul.u32 $0x50000, s11  }
0x5: {  	s4 =	simm.s32 $0x0;
	s1 =	sand.u32 $0x1, s1;
	s24 =	smul.u32 $0x4E20, s11  }
0x6: {  	[smem:$0x7FF] =	sst s4;
	s6 =	smul.u32 $0x140000, s1  }
0x7: {  	s5 =	sadd.s32 $0x2C00, s0;
	s23 =	ssub.s32 $0x2, s1;
	s19 =	smul.u32 $0x2710, s1  }
0x8: {  	_ =	strace $0x80000047;
	s11 =	smul.u32 $0x4E200, s1;
	s10 =	sshrl.u32 s23, $0x1  }
0x9: {  	s9 =	sshrl.u32 s9, $0x2;
	s30 =	sshrl.u32 s24, $0x3;
	s7 =	sadd.s32 s7, s6  }
0xa: {  	s6 =	sadd.s32 $0x4EEA00, s0;
	s10 =	ssub.s32 s23, s10;
	s31 =	sadd.s32 s24, s11  }
0xb: {  	s1 =	sadd.s32 s2, s30;
	s8 =	sshrl.u32 s7, $0x3;
	s7 =	sadd.s32 $0x4E4C00, s0  }
0xc: {  	[dreg:$0xa] =	wrdreg s1;
	s14 =	sshll.u32 s31, $0x4;
	s18 =	smax.u32 s10, $0x1  }
0xd: {  	s0 =	sadd.s32 s8, s0;
	s13 =	sadd.s32 s7, s30;
	[dreg:$0x10] =	wrdreg s18  }
0xe: {  	s8 =	sadd.s32 s9, s3;
	s1 =	sadd.s32 s6, s14;
	[dreg:$0x9] =	wrdreg s13  }
0xf: {  	s15 =	sadd.s32 $0x28, s24;
	s25 =	sadd.s32 $0x1400, s8;
	[dreg:$0xb] =	wrdreg s1  }
0x10: {  	s21 =	sadd.s32 $0x50, s24;
	s26 =	sadd.s32 $0x2800, s8;
	[dreg:$0x4] =	wrdreg s25  }
0x11: {  	s22 =	sadd.s32 $0x78, s24;
	s28 =	sadd.s32 $0x3C00, s8;
	[dreg:$0x5] =	wrdreg s26  }
0x12: {  	s16 =	sadd.s32 s11, s15;
	s29 =	sadd.s32 $0x5000, s8;
	[dreg:$0x6] =	wrdreg s28  }
0x13: {  	v0 =	vmov s19;
	s19 =	simm.s32 $0x15600;
	s12 =	sadd.s32 $0x6400, s8;
	[dreg:$0x7] =	wrdreg s29  }
0x14: {  	s14 =	simm.s32 $0x14080;
	s0 =	sadd.s32 $0x50E00, s0;
	[dreg:$0x8] =	wrdreg s12  }
0x15: {  	s18 =	simm.s32 $0x4;
	s20 =	sadd.s32 $0x7800, s8;
	[dreg:$0xf] =	wrdreg s0  }
0x16: {  	s1 =	sshll.u32 s16, $0x4;
	s23 =	sadd.s32 $0x8C00, s8;
	[dreg:$0x11] =	wrdreg s20  }
0x17: {  	s24 =	sadd.s32 $0xA000, s8;
	s30 =	sadd.s32 $0x10400, s8;
	[dreg:$0x12] =	wrdreg s23  }
0x18: {  	s31 =	sadd.s32 $0x11800, s8;
	s10 =	sadd.s32 $0x12C00, s8;
	[dreg:$0x13] =	wrdreg s24  }
0x19: {  	s13 =	simm.s32 $0x7;
	s16 =	simm.s32 $0x28;
	[dreg:$0x18] =	wrdreg s30  }
0x1a: {  	s12 =	sshrl.u32 s15, $0x3;
	s1 =	sadd.s32 s6, s1;
	[dreg:$0x19] =	wrdreg s31  }
0x1b: {  	s25 =	sadd.s32 $0xB400, s8;
	s26 =	sadd.s32 $0xC800, s8;
	[dreg:$0xe] =	wrdreg s1  }
0x1c: {  	s28 =	sadd.s32 $0xDC00, s8;
	s29 =	sadd.s32 $0xF000, s8;
	[dreg:$0x14] =	wrdreg s25  }
0x1d: {  	s15 =	simm.s32 $0x3;
	s20 =	simm.s32 $0x1A600;
	[dreg:$0x15] =	wrdreg s26  }
0x1e: {  	s23 =	simm.s32 $0x2;
	s24 =	simm.s32 $0x1A680;
	[dreg:$0x16] =	wrdreg s28  }
0x1f: {  	s17 =	sadd.s32 s7, s12;
	s12 =	sadd.s32 s2, s12;
	[dreg:$0x17] =	wrdreg s29  }
0x20: {  	vm0 =	vcmask $0x3F20;
	s25 =	simm.s32 $0x5;
	s26 =	simm.s32 $0x6;
	[dreg:$0xc] =	wrdreg s17  }
0x21: {  	v2 =	vimm.f32 $0.0e+00;
	v1 =	vnsel vm0, $0x0, v0;
	vm0 =	vmmov $0xf;
	[dreg:$0xd] =	wrdreg s12;
	s12 =	simm.s32 $0x14200;
	s17 =	simm.s32 $0x1  }
.LBB2_1:
0x22: {  	s0 =	simm.s32 $0x0;
	s1 =	simm.s32 $0x200  }
.LBB2_2:
0x23: {  	p0 =	sne.s32 s1, $0x4E00;
	[tilespmem:s0+$0x14270] =	vst v2  }
0x24: {  	[tilespmem:s0+$0x14200] =	vst v2  }
0x25: {  	[tilespmem:s0+$0x14210] =	vst v2  }
.Ltmp0:
0x26: {  	[tilespmem:s0+$0x14220] =	vst v2;
	(pc) =	sbr.rel @p0 .LBB2_2-.Ltmp0, $4  }
0x27: {  	[tilespmem:s0+$0x14230] =	vst v2  }
0x28: {  	[tilespmem:s0+$0x14240] =	vst v2  }
0x29: {  	[tilespmem:s0+$0x14250] =	vst v2  }
0x2a: {  	[tilespmem:s0+$0x14260] =	vst v2;
	s0 =	sshra.s32 s1, $0x2;
	s1 =	sadd.s32 $0x200, s1  }
0x2b: {  	[tilespmem:s0+$0x14270] =	vst v2  }
0x2c: {  	[tilespmem:s0+$0x14200] =	vst v2  }
0x2d: {  	[tilespmem:s0+$0x14210] =	vst v2  }
0x2e: {  	[tilespmem:s0+$0x14220] =	vst v2  }
0x2f: {  	[tilespmem:s0+$0x14230] =	vst v2  }
0x30: {  	[tilespmem:s0+$0x14240] =	vst v2  }
0x31: {  	[tilespmem:s0+$0x14250] =	vst v2  }
0x32: {  	[tilespmem:s0+$0x14260] =	vst v2  }
0x33: {  	[spmem:s8] =	stream.linear.scatter [tilespmem:s12], [sflag:$0x7], $0x1400, $0x38;
	[tilespmem:$0x1A700] =	vst v63  }
0x34: {  	_ =	swait.ge [sflag:s13], $0x1400  }
0x35: {  	[sflag:s13] =	ssyncset.done $0x0  }
0x36: {  	s29 =	rddreg [dreg:$0x4];
	[sflag:s13] =	ssyncadd.s32 $0xFFFFEC00  }
0x37: {  	[spmem:s29] =	stream.linear.scatter [tilespmem:s12], [sflag:$0x7], $0x1400, $0x38;
	[tilespmem:$0x1A700] =	vst v63  }
0x38: {  	_ =	swait.ge [sflag:s13], $0x1400  }
0x39: {  	[sflag:s13] =	ssyncset.done $0x0  }
0x3a: {  	s30 =	rddreg [dreg:$0x5];
	[sflag:s13] =	ssyncadd.s32 $0xFFFFEC00  }
0x3b: {  	[spmem:s30] =	stream.linear.scatter [tilespmem:s12], [sflag:$0x7], $0x1400, $0x38;
	[tilespmem:$0x1A700] =	vst v63  }
0x3c: {  	_ =	swait.ge [sflag:s13], $0x1400  }
0x3d: {  	[sflag:s13] =	ssyncset.done $0x0  }
0x3e: {  	s31 =	rddreg [dreg:$0x6];
	[sflag:s13] =	ssyncadd.s32 $0xFFFFEC00  }
0x3f: {  	[spmem:s31] =	stream.linear.scatter [tilespmem:s12], [sflag:$0x7], $0x1400, $0x38;
	[tilespmem:$0x1A700] =	vst v63  }
0x40: {  	_ =	swait.ge [sflag:s13], $0x1400  }
0x41: {  	[sflag:s13] =	ssyncset.done $0x0  }
0x42: {  	s1 =	rddreg [dreg:$0x7];
	[sflag:s13] =	ssyncadd.s32 $0xFFFFEC00  }
0x43: {  	[spmem:s1] =	stream.linear.scatter [tilespmem:s12], [sflag:$0x7], $0x1400, $0x38;
	[tilespmem:$0x1A700] =	vst v63  }
0x44: {  	_ =	swait.ge [sflag:s13], $0x1400  }
0x45: {  	[sflag:s13] =	ssyncset.done $0x0  }
0x46: {  	s9 =	rddreg [dreg:$0x8];
	[sflag:s13] =	ssyncadd.s32 $0xFFFFEC00  }
0x47: {  	[spmem:s9] =	stream.linear.scatter [tilespmem:s12], [sflag:$0x7], $0x1400, $0x38;
	[tilespmem:$0x1A700] =	vst v63  }
0x48: {  	_ =	swait.ge [sflag:s13], $0x1400  }
0x49: {  	[sflag:s13] =	ssyncset.done $0x0  }
0x4a: {  	s29 =	rddreg [dreg:$0x11];
	[sflag:s13] =	ssyncadd.s32 $0xFFFFEC00  }
0x4b: {  	[spmem:s29] =	stream.linear.scatter [tilespmem:s12], [sflag:$0x7], $0x1400, $0x38;
	[tilespmem:$0x1A700] =	vst v63  }
0x4c: {  	_ =	swait.ge [sflag:s13], $0x1400  }
0x4d: {  	[sflag:s13] =	ssyncset.done $0x0  }
0x4e: {  	s30 =	rddreg [dreg:$0x12];
	[sflag:s13] =	ssyncadd.s32 $0xFFFFEC00  }
0x4f: {  	[spmem:s30] =	stream.linear.scatter [tilespmem:s12], [sflag:$0x7], $0x1400, $0x38;
	[tilespmem:$0x1A700] =	vst v63  }
0x50: {  	_ =	swait.ge [sflag:s13], $0x1400  }
0x51: {  	[sflag:s13] =	ssyncset.done $0x0  }
0x52: {  	s31 =	rddreg [dreg:$0x13];
	[sflag:s13] =	ssyncadd.s32 $0xFFFFEC00  }
0x53: {  	[spmem:s31] =	stream.linear.scatter [tilespmem:s12], [sflag:$0x7], $0x1400, $0x38;
	[tilespmem:$0x1A700] =	vst v63  }
0x54: {  	_ =	swait.ge [sflag:s13], $0x1400  }
0x55: {  	[sflag:s13] =	ssyncset.done $0x0  }
0x56: {  	s1 =	rddreg [dreg:$0x14];
	[sflag:s13] =	ssyncadd.s32 $0xFFFFEC00  }
0x57: {  	[spmem:s1] =	stream.linear.scatter [tilespmem:s12], [sflag:$0x7], $0x1400, $0x38;
	[tilespmem:$0x1A700] =	vst v63  }
0x58: {  	_ =	swait.ge [sflag:s13], $0x1400  }
0x59: {  	[sflag:s13] =	ssyncset.done $0x0  }
0x5a: {  	s9 =	rddreg [dreg:$0x15];
	[sflag:s13] =	ssyncadd.s32 $0xFFFFEC00  }
0x5b: {  	[spmem:s9] =	stream.linear.scatter [tilespmem:s12], [sflag:$0x7], $0x1400, $0x38;
	[tilespmem:$0x1A700] =	vst v63  }
0x5c: {  	_ =	swait.ge [sflag:s13], $0x1400  }
0x5d: {  	[sflag:s13] =	ssyncset.done $0x0  }
0x5e: {  	s29 =	rddreg [dreg:$0x16];
	[sflag:s13] =	ssyncadd.s32 $0xFFFFEC00  }
0x5f: {  	[spmem:s29] =	stream.linear.scatter [tilespmem:s12], [sflag:$0x7], $0x1400, $0x38;
	[tilespmem:$0x1A700] =	vst v63  }
0x60: {  	_ =	swait.ge [sflag:s13], $0x1400  }
0x61: {  	[sflag:s13] =	ssyncset.done $0x0  }
0x62: {  	s30 =	rddreg [dreg:$0x17];
	[sflag:s13] =	ssyncadd.s32 $0xFFFFEC00  }
0x63: {  	[spmem:s30] =	stream.linear.scatter [tilespmem:s12], [sflag:$0x7], $0x1400, $0x38;
	[tilespmem:$0x1A700] =	vst v63  }
0x64: {  	_ =	swait.ge [sflag:s13], $0x1400  }
0x65: {  	[sflag:s13] =	ssyncset.done $0x0  }
0x66: {  	s31 =	rddreg [dreg:$0x18];
	[sflag:s13] =	ssyncadd.s32 $0xFFFFEC00  }
0x67: {  	[spmem:s31] =	stream.linear.scatter [tilespmem:s12], [sflag:$0x7], $0x1400, $0x38;
	[tilespmem:$0x1A700] =	vst v63  }
0x68: {  	_ =	swait.ge [sflag:s13], $0x1400  }
0x69: {  	[sflag:s13] =	ssyncset.done $0x0  }
0x6a: {  	s1 =	rddreg [dreg:$0x19];
	[sflag:s13] =	ssyncadd.s32 $0xFFFFEC00  }
0x6b: {  	[spmem:s1] =	stream.linear.scatter [tilespmem:s12], [sflag:$0x7], $0x1400, $0x38;
	[tilespmem:$0x1A700] =	vst v63  }
0x6c: {  	_ =	swait.ge [sflag:s13], $0x1400  }
0x6d: {  	[sflag:s13] =	ssyncset.done $0x0  }
0x6e: {  	[sflag:s13] =	ssyncadd.s32 $0xFFFFEC00  }
0x6f: {  	[spmem:s10] =	stream.linear.scatter [tilespmem:s12], [sflag:$0x7], $0x1400, $0x38;
	[tilespmem:$0x1A700] =	vst v63  }
0x70: {  	_ =	swait.ge [sflag:s13], $0x1400  }
0x71: {  	[sflag:s13] =	ssyncset.done $0x0  }
0x72: {  	[sflag:s13] =	ssyncadd.s32 $0xFFFFEC00  }
0x73: {  	[bflag:$0x0] =	sbarrier.arrive $0xFFFF  }
0x74: {  	s28 =	simm.s32 $0x0;
	s1 =	simm.s32 $0x14000;
	s9 =	rddreg [dreg:$0x9]  }
0x75: {  	[tilespmem:s1], [sflag:$0x3] =	stream.linear.gather [hbm4b:s9+s28], $0x28, $0x38;
	[tilespmem:$0x1A700] =	vst v63  }
0x76: {  	s29 =	rddreg [dreg:$0xa];
	s9 =	simm.s32 $0x14100  }
0x77: {  	[tilespmem:s9], [sflag:$0x3] =	stream.linear.gather [hbm4b:s29+s28], $0x28, $0x38;
	[tilespmem:$0x1A700] =	vst v63  }
0x78: {  	s31 =	simm.s32 $0x16A00;
	s30 =	rddreg [dreg:$0xb]  }
0x79: {  	[tilespmem:s31], [sflag:$0x3] =	stream.linear.gather [hbm4b:s30+s28], $0x1400, $0x38;
	[tilespmem:$0x1A700] =	vst v63  }
0x7a: {  	_ =	swait.ge [sflag:s15], $0x28  }
0x7b: {  	[sflag:s15] =	ssyncset.done $0x0  }
0x7c: {  	[sflag:s15] =	ssyncadd.s32 $0xFFFFFFD8  }
0x7d: {  	_ =	swait.ge [sflag:s15], $0x28  }
0x7e: {  	[sflag:s15] =	ssyncset.done $0x0  }
0x7f: {  	[sflag:s15] =	ssyncadd.s32 $0xFFFFFFD8  }
0x80: {  	_ =	swait.ge [sflag:s15], $0x1400  }
0x81: {  	[sflag:s15] =	ssyncset.done $0x0  }
0x82: {  	[sflag:s15] =	ssyncadd.s32 $0xFFFFEC00  }
0x83: {  	v3 =	vld [tilespmem:$0x14010];
	_ =	sdelay $0x4  }
0x84: {  	v3 =	vadd.s32 v0, v3  }
0x85: {  	v4 =	vld [tilespmem:$0x14000];
	[tilespmem:$0x14010] =	vst v3  }
0x86: {  	v3 =	vld [tilespmem:$0x14018];
	_ =	sdelay $0x3  }
0x87: {  	v4 =	vadd.s32 v0, v4  }
0x88: {  	[tilespmem:$0x14000] =	vst v4;
	v3 =	vadd.s32 v1, v3  }
0x89: {  	[tilespmem:$0x14018] =	vst v3  }
0x8a: {  	[tilespmem:s12], [sflag:$0x1] =	stream.indirect.gather [hbm4b:s5+s16], $0x80, s1, s16, $0xb8;
	[tilespmem:$0x1A700] =	vst v63  }
0x8b: {  	s1 =	rddreg [dreg:$0xc]  }
0x8c: {  	[tilespmem:s14], [sflag:$0x4] =	stream.linear.gather [hbm4b:s1+s28], $0x28, $0x38;
	[tilespmem:$0x1A700] =	vst v63  }
0x8d: {  	s29 =	simm.s32 $0x14180;
	s9 =	rddreg [dreg:$0xd]  }
0x8e: {  	[tilespmem:s29], [sflag:$0x4] =	stream.linear.gather [hbm4b:s9+s28], $0x28, $0x38;
	[tilespmem:$0x1A700] =	vst v63  }
0x8f: {  	s31 =	simm.s32 $0x17E00;
	s30 =	rddreg [dreg:$0xe]  }
0x90: {  	[tilespmem:s31], [sflag:$0x4] =	stream.linear.gather [hbm4b:s30+s28], $0x1400, $0x38;
	[tilespmem:$0x1A700] =	vst v63  }
.LBB2_4:
0x91: {  	_ =	swait.ge [sflag:s17], $0x1400  }
0x92: {  	[sflag:s17] =	ssyncset.done $0x0  }
0x93: {  	[sflag:s17] =	ssyncadd.s32 $0xFFFFEC00  }
0x94: {  	_ =	swait.ge [sflag:s18], $0x28  }
0x95: {  	[sflag:s18] =	ssyncset.done $0x0  }
0x96: {  	[sflag:s18] =	ssyncadd.s32 $0xFFFFFFD8  }
0x97: {  	_ =	swait.ge [sflag:s18], $0x28  }
0x98: {  	[sflag:s18] =	ssyncset.done $0x0  }
0x99: {  	[sflag:s18] =	ssyncadd.s32 $0xFFFFFFD8  }
0x9a: {  	_ =	swait.ge [sflag:s18], $0x1400  }
0x9b: {  	p0 =	seq.s32 s28, $0x0;
	[sflag:s18] =	ssyncset.done $0x0  }
0x9c: {  	s0 =	simm.s32 @!p0 $0x6;
	[sflag:s18] =	ssyncadd.s32 $0xFFFFEC00  }
0x9d: {  	_ =	swait.ge @!p0 [sflag:s0], $0x1400  }
0x9e: {  	[sflag:s0] =	ssyncset.done @!p0 $0x0  }
0x9f: {  	[sflag:s0] =	ssyncadd.s32 @!p0 $0xFFFFEC00  }
0xa0: {  	v3 =	vld [tilespmem:$0x14090];
	_ =	sdelay $0x4  }
0xa1: {  	v3 =	vadd.s32 v0, v3  }
0xa2: {  	v4 =	vld [tilespmem:$0x14080];
	[tilespmem:$0x14090] =	vst v3  }
0xa3: {  	v3 =	vld [tilespmem:$0x14098];
	_ =	sdelay $0x3  }
0xa4: {  	v4 =	vadd.s32 v0, v4  }
0xa5: {  	[tilespmem:$0x14080] =	vst v4;
	v3 =	vadd.s32 v1, v3  }
0xa6: {  	s30 =	simm.s32 $0x0;
	[tilespmem:$0x14098] =	vst v3  }
0xa7: {  	[tilespmem:s19], [sflag:$0x2] =	stream.indirect.gather [hbm4b:s5+s16], $0x80, s14, s16, $0xb8;
	[tilespmem:$0x1A700] =	vst v63  }
0xa8: {  	v3 =	vld [tilespmem:s30+$0x145C0]  }
0xa9: {  	v4 =	vld [tilespmem:s30+$0x16D80]  }
0xaa: {  	v5 =	vld [tilespmem:s30+$0x14240]  }
0xab: {  	v6 =	vld [tilespmem:s30+$0x16A00]  }
0xac: {  	v7 =	vld [tilespmem:s30+$0x142C0]  }
0xad: {  	v8 =	vld [tilespmem:s30+$0x16A80]  }
0xae: {  	v9 =	vld [tilespmem:s30+$0x14340];
	v3 =	vadd.f32 v4, v3  }
0xaf: {  	v10 =	vld [tilespmem:s30+$0x143C0]  }
0xb0: {  	v4 =	vld [tilespmem:s30+$0x16B00];
	v5 =	vadd.f32 v6, v5;
	v11 =	vmul.f32 $9.999999770e-03, v3  }
0xb1: {  	v12 =	vld [tilespmem:s30+$0x16B80]  }
0xb2: {  	v14 =	vld [tilespmem:s30+$0x16C80];
	v7 =	vadd.f32 v8, v7;
	v13 =	vmul.f32 $9.999999770e-03, v5;
	v3 =	vmax.f32 v3, v11  }
0xb3: {  	v6 =	vld [tilespmem:s30+$0x14440];
	v3 =	vmul.f32 $1.442695020e+00, v3  }
0xb4: {  	v11 =	vld [tilespmem:s30+$0x16C00];
	v5 =	vmax.f32 v5, v13;
	v13 =	vmul.f32 $9.999999770e-03, v7  }
0xb5: {  	s29 =	simm.s32 $0x400;
	v15 =	vld [tilespmem:s30+$0x16D00];
	v5 =	vmul.f32 $1.442695020e+00, v5;
	v4 =	vadd.f32 v4, v9;
	(erf) = vpow2.f32 v3  }
0xb6: {  	v16 =	vld [tilespmem:s29+$0x16A00];
	v10 =	vadd.f32 v12, v10  }
0xb7: {  	v8 =	vld [tilespmem:s30+$0x144C0];
	v7 =	vmax.f32 v7, v13;
	v13 =	vmul.f32 $9.999999770e-03, v4;
	(erf) = vpow2.f32 v5  }
0xb8: {  	v3 =	vld [tilespmem:s30+$0x14540];
	v7 =	vmul.f32 $1.442695020e+00, v7  }
0xb9: {  	v9 =	vld [tilespmem:s29+$0x145C0];
	v4 =	vmax.f32 v4, v13;
	v13 =	vmul.f32 $9.999999770e-03, v10;
	v6 =	vadd.f32 v11, v6  }
0xba: {  	v5 =	vld [tilespmem:s29+$0x16D80];
	v4 =	vmul.f32 $1.442695020e+00, v4  }
0xbb: {  	v18 =	vld [tilespmem:s29+$0x143C0];
	(erf) = vpow2.f32 v7;
	v10 =	vmax.f32 v10, v13;
	v17 =	vmul.f32 $9.999999770e-03, v6  }
0xbc: {  	v12 =	vld [tilespmem:s29+$0x14240];
	v8 =	vadd.f32 v14, v8;
	v10 =	vmul.f32 $1.442695020e+00, v10  }
0xbd: {  	v14 =	vld [tilespmem:s29+$0x16B00];
	(erf) = vpow2.f32 v4;
	v3 =	vadd.f32 v15, v3;
	v6 =	vmax.f32 v6, v17  }
0xbe: {  	v61 =	vmul.f32 $9.999999770e-03, v8;
	v7 =	vld [tilespmem:s29+$0x142C0];
	v4 =	vpop (erf);
	(erf) = vpow2.f32 v10  }
0xbf: {  	v11 =	vld [tilespmem:s29+$0x16A80];
	v5 =	vadd.f32 v5, v9;
	v9 =	vmul.f32 $9.999999770e-03, v3;
	v4 =	vnsel vm0, $0x0, v4  }
0xc0: {  	v13 =	vld [tilespmem:s29+$0x14340];
	[tilespmem:s30+$0x19580] =	vst v4;
	v4 =	vmul.f32 $1.442695020e+00, v6;
	v6 =	vpop (erf)  }
0xc1: {  	v8 =	vmax.f32 v8, v61;
	v3 =	vmax.f32 v3, v9;
	v10 =	vld [tilespmem:s29+$0x16B80];
	v6 =	vnsel vm0, $0x0, v6  }
0xc2: {  	v15 =	vld [tilespmem:s29+$0x14440];
	(erf) = vpow2.f32 v4;
	v4 =	vadd.f32 v16, v12;
	[tilespmem:s30+$0x19200] =	vst v6;
	v6 =	vmul.f32 $1.442695020e+00, v8  }
0xc3: {  	v8 =	vmul.f32 $9.999999770e-03, v5;
	v12 =	vmul.f32 $1.442695020e+00, v3  }
0xc4: {  	v9 =	vpop (erf);
	v63 =	vmul.f32 $9.999999770e-03, v4;
	(erf) = vpow2.f32 v6  }
0xc5: {  	v7 =	vadd.f32 v11, v7;
	v9 =	vnsel vm0, $0x0, v9;
	v5 =	vmax.f32 v5, v8  }
0xc6: {  	v62 =	vld [tilespmem:s29+$0x16C00];
	v5 =	vmul.f32 $1.442695020e+00, v5;
	(erf) = vpow2.f32 v12;
	v8 =	vmax.f32 v4, v63;
	v4 =	vpop (erf)  }
0xc7: {  	v11 =	vadd.f32 v14, v13;
	v3 =	vld [tilespmem:s29+$0x144C0];
	[tilespmem:s30+$0x19280] =	vst v9;
	v9 =	vmul.f32 $9.999999770e-03, v7;
	v12 =	vnsel vm0, $0x0, v4;
	v13 =	vpop (erf)  }
0xc8: {  	v6 =	vld [tilespmem:s29+$0x16C80];
	(erf) = vpow2.f32 v5;
	v5 =	vmul.f32 $1.442695020e+00, v8;
	v13 =	vnsel vm0, $0x0, v13  }
0xc9: {  	v9 =	vmax.f32 v7, v9;
	v4 =	vld [tilespmem:s29+$0x14540];
	v8 =	vadd.f32 v10, v18;
	[tilespmem:s30+$0x19300] =	vst v12;
	v12 =	vmul.f32 $9.999999770e-03, v11  }
0xca: {  	s31 =	simm.s32 $0x800;
	v10 =	vmul.f32 $1.442695020e+00, v9;
	v7 =	vld [tilespmem:s29+$0x16D00];
	(erf) = vpow2.f32 v5  }
0xcb: {  	s0 =	simm.s32 $0x3000;
	v9 =	vadd.f32 v62, v15;
	v5 =	vld [tilespmem:s31+$0x145C0];
	[tilespmem:s30+$0x19380] =	vst v13;
	v12 =	vmax.f32 v11, v12;
	v11 =	vmul.f32 $9.999999770e-03, v8;
	v13 =	vpop (erf)  }
.LBB2_5:
0xcc: {  	p0 =	sne.s32 s0, $0x4000;
	v14 =	vld [tilespmem:s31+$0x16D80];
	v12 =	vmul.f32 $1.442695020e+00, v12;
	(erf) = vpow2.f32 v10;
	v10 =	vnsel vm0, $0x0, v13  }
0xcd: {  	v13 =	vld [tilespmem:s31+$0x14240];
	v8 =	vmax.f32 v8, v11;
	v11 =	vmul.f32 $9.999999770e-03, v9;
	v3 =	vadd.f32 v6, v3;
	[tilespmem:s30+$0x19400] =	vst v10;
	v6 =	vpop (erf)  }
0xce: {  	v10 =	vld [tilespmem:s31+$0x16A00];
	v8 =	vmul.f32 $1.442695020e+00, v8;
	(erf) = vpow2.f32 v12;
	v15 =	vnsel vm0, $0x0, v6  }
0xcf: {  	v12 =	vld [tilespmem:s31+$0x142C0];
	v9 =	vmax.f32 v9, v11;
	v11 =	vmul.f32 $9.999999770e-03, v3;
	v4 =	vadd.f32 v7, v4;
	[tilespmem:s30+$0x19480] =	vst v15;
	v6 =	vpop (erf)  }
0xd0: {  	v7 =	vld [tilespmem:s31+$0x16A80];
	v9 =	vmul.f32 $1.442695020e+00, v9;
	(erf) = vpow2.f32 v8;
	v6 =	vnsel vm0, $0x0, v6  }
0xd1: {  	v8 =	vld [tilespmem:s31+$0x14340];
	v5 =	vadd.f32 v14, v5;
	v3 =	vmax.f32 v3, v11;
	v15 =	vmul.f32 $9.999999770e-03, v4;
	v14 =	vpop (erf);
	[tilespmem:s30+$0x19500] =	vst v6;
	s30 =	smov.u32 s29;
	s29 =	smov.u32 s31  }
0xd2: {  	v6 =	vld [tilespmem:s29+$0x16B00];
	v3 =	vmul.f32 $1.442695020e+00, v3;
	v14 =	vnsel vm0, $0x0, v14;
	(erf) = vpow2.f32 v9  }
0xd3: {  	v9 =	vadd.f32 v10, v13;
	v10 =	vld [tilespmem:s29+$0x143C0];
	v13 =	vmul.f32 $9.999999770e-03, v5;
	v4 =	vmax.f32 v4, v15;
	[tilespmem:s30+$0x19580] =	vst v14;
	v11 =	vpop (erf)  }
0xd4: {  	v14 =	vld [tilespmem:s29+$0x16B80];
	v16 =	vnsel vm0, $0x0, v11;
	v4 =	vmul.f32 $1.442695020e+00, v4;
	(erf) = vpow2.f32 v3  }
0xd5: {  	v3 =	vmul.f32 $9.999999770e-03, v9;
	v7 =	vadd.f32 v7, v12;
	v15 =	vld [tilespmem:s29+$0x14440];
	v5 =	vmax.f32 v5, v13;
	[tilespmem:s30+$0x19200] =	vst v16;
	v11 =	vpop (erf)  }
0xd6: {  	v13 =	vld [tilespmem:s29+$0x16C00];
	v17 =	vmul.f32 $1.442695020e+00, v5;
	v11 =	vnsel vm0, $0x0, v11;
	(erf) = vpow2.f32 v4  }
.Ltmp1:
0xd7: {  	v4 =	vmax.f32 v9, v3;
	v9 =	vmul.f32 $9.999999770e-03, v7;
	v12 =	vadd.f32 v6, v8;
	v3 =	vld [tilespmem:s29+$0x144C0];
	[tilespmem:s30+$0x19280] =	vst v11;
	v8 =	vpop (erf);
	(pc) =	sbr.rel @p0 .LBB2_5-.Ltmp1, $4  }
0xd8: {  	v11 =	vmul.f32 $1.442695020e+00, v4;
	v6 =	vld [tilespmem:s29+$0x16C80];
	(erf) = vpow2.f32 v17;
	v16 =	vnsel vm0, $0x0, v8  }
0xd9: {  	v7 =	vmax.f32 v7, v9;
	v9 =	vmul.f32 $9.999999770e-03, v12;
	v8 =	vadd.f32 v14, v10;
	v4 =	vld [tilespmem:s29+$0x14540];
	[tilespmem:s30+$0x19300] =	vst v16;
	v5 =	vpop (erf)  }
0xda: {  	s31 =	sshra.s32 s0, $0x2;
	v10 =	vmul.f32 $1.442695020e+00, v7;
	v7 =	vld [tilespmem:s29+$0x16D00];
	(erf) = vpow2.f32 v11;
	v14 =	vnsel vm0, $0x0, v5  }
0xdb: {  	s0 =	sadd.s32 $0x1000, s0;
	v5 =	vld [tilespmem:s31+$0x145C0];
	v12 =	vmax.f32 v12, v9;
	v11 =	vmul.f32 $9.999999770e-03, v8;
	v9 =	vadd.f32 v13, v15;
	[tilespmem:s30+$0x19380] =	vst v14;
	v13 =	vpop (erf)  }
0xdc: {  	v13 =	vnsel vm0, $0x0, v13;
	_ =	sdelay $0x1  }
0xdd: {  	v14 =	vld [tilespmem:s31+$0x16D80]  }
0xde: {  	v15 =	vld [tilespmem:s31+$0x14240];
	[tilespmem:s30+$0x19400] =	vst v13;
	v13 =	vpop (erf)  }
0xdf: {  	(erf) = vpow2.f32 v10;
	v10 =	vpop (erf)  }
0xe0: {  	v16 =	vld [tilespmem:s31+$0x16A00];
	v13 =	vnsel vm0, $0x0, v13;
	v10 =	vnsel vm0, $0x0, v10  }
0xe1: {  	v12 =	vmul.f32 $1.442695020e+00, v12;
	v17 =	vld [tilespmem:s31+$0x142C0];
	[tilespmem:s30+$0x19480] =	vst v13  }
0xe2: {  	v13 =	vld [tilespmem:s31+$0x16A80]  }
0xe3: {  	(erf) = vpow2.f32 v12;
	v12 =	vmul.f32 $9.999999770e-03, v9;
	v18 =	vld [tilespmem:s31+$0x14340];
	[tilespmem:s30+$0x19500] =	vst v10;
	v10 =	vpop (erf)  }
0xe4: {  	v8 =	vmax.f32 v8, v11;
	v3 =	vadd.f32 v6, v3;
	v11 =	vld [tilespmem:s31+$0x16B00];
	v6 =	vnsel vm0, $0x0, v10  }
0xe5: {  	v10 =	vld [tilespmem:s31+$0x143C0];
	[tilespmem:s29+$0x19580] =	vst v6;
	v6 =	vmax.f32 v9, v12  }
0xe6: {  	v5 =	vadd.f32 v14, v5;
	v6 =	vmul.f32 $1.442695020e+00, v6  }
0xe7: {  	v8 =	vmul.f32 $1.442695020e+00, v8  }
0xe8: {  	v4 =	vadd.f32 v7, v4;
	v14 =	vmul.f32 $9.999999770e-03, v5  }
0xe9: {  	v7 =	vpop (erf);
	(erf) = vpow2.f32 v8;
	v9 =	vmul.f32 $9.999999770e-03, v3  }
0xea: {  	v8 =	vmul.f32 $9.999999770e-03, v4;
	(erf) = vpow2.f32 v6;
	v6 =	vpop (erf)  }
0xeb: {  	v7 =	vnsel vm0, $0x0, v7;
	v12 =	vld [tilespmem:s31+$0x16B80];
	v3 =	vmax.f32 v3, v9;
	v6 =	vnsel vm0, $0x0, v6  }
0xec: {  	v19 =	vld [tilespmem:s31+$0x14440];
	[tilespmem:s29+$0x19200] =	vst v7;
	v4 =	vmax.f32 v4, v8;
	v9 =	vadd.f32 v16, v15;
	v3 =	vmul.f32 $1.442695020e+00, v3  }
0xed: {  	v5 =	vmax.f32 v5, v14;
	v7 =	vld [tilespmem:s31+$0x16C00];
	v4 =	vmul.f32 $1.442695020e+00, v4  }
0xee: {  	v13 =	vadd.f32 v13, v17;
	v8 =	vld [tilespmem:s31+$0x144C0];
	(erf) = vpow2.f32 v3;
	v3 =	vmul.f32 $9.999999770e-03, v9;
	[tilespmem:s29+$0x19280] =	vst v6;
	v6 =	vpop (erf)  }
0xef: {  	v5 =	vmul.f32 $1.442695020e+00, v5;
	(erf) = vpow2.f32 v4;
	v15 =	vld [tilespmem:s31+$0x16C80];
	v6 =	vnsel vm0, $0x0, v6  }
0xf0: {  	v4 =	vmul.f32 $9.999999770e-03, v13;
	v3 =	vmax.f32 v9, v3;
	v14 =	vld [tilespmem:s31+$0x14540];
	[tilespmem:s29+$0x19300] =	vst v6;
	v6 =	vadd.f32 v11, v18  }
0xf1: {  	v10 =	vadd.f32 v12, v10;
	v3 =	vmul.f32 $1.442695020e+00, v3;
	v9 =	vld [tilespmem:s31+$0x16D00]  }
0xf2: {  	v4 =	vmax.f32 v13, v4;
	(erf) = vpow2.f32 v5;
	v5 =	vmul.f32 $9.999999770e-03, v6  }
0xf3: {  	v4 =	vmul.f32 $1.442695020e+00, v4;
	(erf) = vpow2.f32 v3;
	v3 =	vadd.f32 v7, v19  }
0xf4: {  	v7 =	vadd.f32 v15, v8;
	v5 =	vmax.f32 v6, v5;
	v6 =	vmul.f32 $9.999999770e-03, v10  }
0xf5: {  	(erf) = vpow2.f32 v4;
	v8 =	vmul.f32 $9.999999770e-03, v3  }
0xf6: {  	v9 =	vadd.f32 v9, v14;
	v4 =	vmax.f32 v10, v6;
	v6 =	vmul.f32 $9.999999770e-03, v7  }
0xf7: {  	v5 =	vmul.f32 $1.442695020e+00, v5  }
0xf8: {  	v3 =	vmax.f32 v3, v8;
	v4 =	vmul.f32 $1.442695020e+00, v4;
	v8 =	vmul.f32 $9.999999770e-03, v9  }
0xf9: {  	v3 =	vmul.f32 $1.442695020e+00, v3;
	(erf) = vpow2.f32 v5;
	v5 =	vmax.f32 v7, v6  }
0xfa: {  	(erf) = vpow2.f32 v4;
	v4 =	vmul.f32 $1.442695020e+00, v5;
	v5 =	vmax.f32 v9, v8;
	v6 =	vpop (erf)  }
0xfb: {  	(erf) = vpow2.f32 v3;
	v3 =	vmul.f32 $1.442695020e+00, v5;
	v5 =	vnsel vm0, $0x0, v6;
	_ =	sdelay $0x1  }
0xfc: {  	v6 =	vpop (erf)  }
0xfd: {  	(erf) = vpow2.f32 v4;
	[tilespmem:s29+$0x19380] =	vst v5;
	v4 =	vnsel vm0, $0x0, v6;
	v5 =	vpop (erf)  }
0xfe: {  	[tilespmem:s29+$0x19400] =	vst v4;
	(erf) = vpow2.f32 v3;
	v4 =	vnsel vm0, $0x0, v5  }
0xff: {  	v3 =	vpop (erf)  }
0x100: {  	v5 =	vpop (erf);
	[tilespmem:s29+$0x19480] =	vst v4;
	v3 =	vnsel vm0, $0x0, v3  }
0x101: {  	[tilespmem:s29+$0x19500] =	vst v3;
	v3 =	vnsel vm0, $0x0, v5;
	v4 =	vpop (erf)  }
0x102: {  	[tilespmem:s31+$0x19580] =	vst v3;
	v5 =	vpop (erf);
	v3 =	vnsel vm0, $0x0, v4  }
0x103: {  	[tilespmem:s31+$0x19200] =	vst v3;
	v3 =	vnsel vm0, $0x0, v5;
	v4 =	vpop (erf)  }
0x104: {  	[tilespmem:s31+$0x19280] =	vst v3;
	v3 =	vnsel vm0, $0x0, v4;
	v4 =	vpop (erf)  }
0x105: {  	[tilespmem:s31+$0x19300] =	vst v3;
	v3 =	vnsel vm0, $0x0, v4;
	v4 =	vpop (erf)  }
0x106: {  	[tilespmem:s31+$0x19380] =	vst v3;
	v3 =	vnsel vm0, $0x0, v4;
	v4 =	vpop (erf)  }
0x107: {  	[tilespmem:s31+$0x19400] =	vst v3;
	v3 =	vnsel vm0, $0x0, v4;
	v4 =	vpop (erf)  }
0x108: {  	[tilespmem:s31+$0x19480] =	vst v3;
	v3 =	vnsel vm0, $0x0, v4  }
0x109: {  	[tilespmem:s31+$0x19500] =	vst v3  }
0x10a: {  	v3 =	vld [tilespmem:$0x14100]  }
0x10b: {  	v4 =	vld [tilespmem:$0x14110]  }
0x10c: {  	p0 =	seq.s32 s28, $0xF9;
	v5 =	vld [tilespmem:$0x14118]  }
0x10d: {  	s29 =	smul.u32 @!p0 $0x50, s28;
	_ =	sdelay $0x1  }
0x10e: {  	s0 =	sadd.s32 @!p0 s29, s21;
	[tilespmem:$0x1A600] =	vst v3  }
0x10f: {  	s9 =	simm.s32 @!p0 $0x14000;
	s1 =	sshrl.u32 @!p0 s0, $0x3;
	[tilespmem:$0x1A610] =	vst v4  }
0x110: {  	s0 =	sadd.s32 @!p0 s11, s0;
	s30 =	sadd.s32 @!p0 s7, s1;
	s31 =	simm.s32 @!p0 $0x0;
	[tilespmem:$0x1A618] =	vst v5  }
0x111: {  	[tilespmem:s9], [sflag:$0x3] =	stream.linear.gather @!p0 [hbm4b:s30+s31], $0x28, $0x38;
	[tilespmem:$0x1A700] =	vst v63  }
0x112: {  	s1 =	sadd.s32 @!p0 s2, s1;
	s0 =	sshll.u32 @!p0 s0, $0x4;
	s9 =	simm.s32 @!p0 $0x14100  }
0x113: {  	[tilespmem:s9], [sflag:$0x3] =	stream.linear.gather @!p0 [hbm4b:s1+s31], $0x28, $0x38;
	[tilespmem:$0x1A700] =	vst v63  }
0x114: {  	s0 =	sadd.s32 @!p0 s6, s0;
	s30 =	simm.s32 $0x0;
	s1 =	simm.s32 @!p0 $0x16A00  }
0x115: {  	[tilespmem:s1], [sflag:$0x3] =	stream.linear.gather @!p0 [hbm4b:s0+s31], $0x1400, $0x38;
	[tilespmem:$0x1A700] =	vst v63  }
0x116: {  	v5 =	vld [tilespmem:s30+$0x19200]  }
0x117: {  	v6 =	vld [tilespmem:s30+$0x19280]  }
0x118: {  	v7 =	vld [tilespmem:s30+$0x19300]  }
0x119: {  	v8 =	vld [tilespmem:s30+$0x19380]  }
0x11a: {  	v9 =	vld [tilespmem:s30+$0x19400]  }
0x11b: {  	v10 =	vld [tilespmem:s30+$0x19480]  }
0x11c: {  	v11 =	vld [tilespmem:s30+$0x14200]  }
0x11d: {  	v4 =	vld [tilespmem:s30+$0x19500];
	[tilespmem:s30+$0x14240] =	vst v5  }
0x11e: {  	v12 =	vld [tilespmem:s30+$0x14210];
	[tilespmem:s30+$0x142C0] =	vst v6  }
0x11f: {  	v13 =	vld [tilespmem:s30+$0x14220];
	[tilespmem:s30+$0x14340] =	vst v7;
	v52 =	vbroadcast v5, $0x0  }
0x120: {  	v14 =	vld [tilespmem:s30+$0x14230];
	[tilespmem:s30+$0x143C0] =	vst v8  }
0x121: {  	v15 =	vld [tilespmem:s30+$0x14280];
	[tilespmem:s30+$0x14440] =	vst v9;
	v54 =	vbroadcast v5, $0x1;
	v11 =	vmul.f32 v52, v11  }
0x122: {  	v53 =	vld [tilespmem:s30+$0x14290];
	[tilespmem:s30+$0x144C0] =	vst v10;
	v56 =	vbroadcast v5, $0x2;
	v5 =	vbroadcast v5, $0x3  }
0x123: {  	v57 =	vbroadcast v6, $0x0;
	v12 =	vmul.f32 v12, v54;
	[tilespmem:s30+$0x14200] =	vst v11;
	v11 =	vld [tilespmem:s30+$0x142B0]  }
0x124: {  	v3 =	vld [tilespmem:s30+$0x19580];
	[tilespmem:s30+$0x14540] =	vst v4;
	v58 =	vbroadcast v6, $0x2;
	v13 =	vmul.f32 v13, v56  }
0x125: {  	v5 =	vmul.f32 v14, v5;
	v14 =	vbroadcast v6, $0x1;
	[tilespmem:s30+$0x14210] =	vst v12;
	v12 =	vld [tilespmem:s30+$0x14300]  }
0x126: {  	v15 =	vmul.f32 v57, v15;
	v6 =	vbroadcast v6, $0x3;
	[tilespmem:s30+$0x14220] =	vst v13;
	v13 =	vld [tilespmem:s30+$0x14310]  }
0x127: {  	[tilespmem:s30+$0x14230] =	vst v5;
	v5 =	vld [tilespmem:s30+$0x14320];
	v14 =	vmul.f32 v53, v14  }
0x128: {  	v59 =	vbroadcast v7, $0x0;
	[tilespmem:s30+$0x14280] =	vst v15;
	v15 =	vld [tilespmem:s30+$0x14330];
	v6 =	vmul.f32 v11, v6  }
0x129: {  	v60 =	vbroadcast v7, $0x1;
	[tilespmem:s30+$0x14290] =	vst v14;
	v14 =	vld [tilespmem:s30+$0x14380]  }
0x12a: {  	v61 =	vbroadcast v7, $0x2;
	v12 =	vmul.f32 v59, v12;
	[tilespmem:s30+$0x142B0] =	vst v6;
	v6 =	vld [tilespmem:s30+$0x143A0]  }
0x12b: {  	[tilespmem:s30+$0x145C0] =	vst v3;
	v7 =	vbroadcast v7, $0x3;
	v11 =	vld [tilespmem:s30+$0x14390];
	v13 =	vmul.f32 v13, v60  }
0x12c: {  	v62 =	vbroadcast v8, $0x0;
	v5 =	vmul.f32 v5, v61;
	[tilespmem:s30+$0x14300] =	vst v12;
	v12 =	vld [tilespmem:s30+$0x143B0]  }
0x12d: {  	v63 =	vbroadcast v8, $0x2;
	v7 =	vmul.f32 v15, v7;
	[tilespmem:s30+$0x14310] =	vst v13;
	v13 =	vld [tilespmem:s30+$0x14400]  }
0x12e: {  	v15 =	vbroadcast v8, $0x1;
	[tilespmem:s30+$0x14320] =	vst v5;
	v5 =	vld [tilespmem:s30+$0x14410];
	v14 =	vmul.f32 v62, v14  }
0x12f: {  	v55 =	vld [tilespmem:s30+$0x142A0];
	v8 =	vbroadcast v8, $0x3;
	[tilespmem:s30+$0x14330] =	vst v7;
	v6 =	vmul.f32 v6, v63  }
0x130: {  	v7 =	vld [tilespmem:s30+$0x14420];
	[tilespmem:s30+$0x14380] =	vst v14;
	v11 =	vmul.f32 v11, v15;
	v15 =	vbroadcast v9, $0x0  }
0x131: {  	v14 =	vld [tilespmem:s30+$0x14430];
	v8 =	vmul.f32 v12, v8;
	[tilespmem:s30+$0x143A0] =	vst v6;
	v6 =	vbroadcast v9, $0x1  }
0x132: {  	[tilespmem:s30+$0x14390] =	vst v11;
	v11 =	vld [tilespmem:s30+$0x14480];
	v13 =	vmul.f32 v15, v13  }
0x133: {  	v12 =	vld [tilespmem:s30+$0x14490];
	[tilespmem:s30+$0x143B0] =	vst v8;
	v8 =	vbroadcast v9, $0x2;
	v5 =	vmul.f32 v5, v6  }
0x134: {  	v16 =	vmul.f32 v55, v58;
	v15 =	vld [tilespmem:s30+$0x144A0];
	[tilespmem:s30+$0x14400] =	vst v13;
	v9 =	vbroadcast v9, $0x3  }
0x135: {  	v13 =	vld [tilespmem:s30+$0x144B0];
	v7 =	vmul.f32 v7, v8;
	[tilespmem:s30+$0x14410] =	vst v5;
	v5 =	vbroadcast v10, $0x0  }
0x136: {  	[tilespmem:s30+$0x142A0] =	vst v16;
	v6 =	vld [tilespmem:s30+$0x14500];
	v8 =	vmul.f32 v14, v9;
	v9 =	vbroadcast v10, $0x1  }
0x137: {  	v14 =	vbroadcast v10, $0x2;
	[tilespmem:s30+$0x14420] =	vst v7;
	v7 =	vld [tilespmem:s30+$0x14510];
	v11 =	vmul.f32 v5, v11  }
0x138: {  	[tilespmem:s30+$0x14430] =	vst v8;
	v9 =	vmul.f32 v12, v9;
	v10 =	vbroadcast v10, $0x3;
	v5 =	vld [tilespmem:s30+$0x14520]  }
0x139: {  	v8 =	vld [tilespmem:s30+$0x14530];
	v12 =	vmul.f32 v15, v14;
	[tilespmem:s30+$0x14480] =	vst v11;
	v11 =	vbroadcast v4, $0x0  }
0x13a: {  	s0 =	simm.s32 $0x1000;
	[tilespmem:s30+$0x14490] =	vst v9;
	v13 =	vmul.f32 v13, v10;
	v10 =	vbroadcast v4, $0x1;
	v9 =	vld [tilespmem:s30+$0x14580]  }
.LBB2_7:
0x13b: {  	p1 =	sne.s32 s0, $0x4000;
	[tilespmem:s30+$0x144A0] =	vst v12;
	v6 =	vmul.f32 v11, v6;
	v11 =	vbroadcast v4, $0x2;
	v12 =	vld [tilespmem:s30+$0x14590]  }
0x13c: {  	v4 =	vbroadcast v4, $0x3;
	[tilespmem:s30+$0x144B0] =	vst v13;
	v7 =	vmul.f32 v7, v10;
	v10 =	vld [tilespmem:s30+$0x145A0]  }
0x13d: {  	s1 =	sshra.s32 s0, $0x2;
	[tilespmem:s30+$0x14500] =	vst v6;
	v5 =	vmul.f32 v5, v11;
	v6 =	vbroadcast v3, $0x0;
	v11 =	vld [tilespmem:s30+$0x145B0]  }
0x13e: {  	v13 =	vld [tilespmem:s1+$0x19200];
	[tilespmem:s30+$0x14510] =	vst v7;
	v4 =	vmul.f32 v8, v4;
	v7 =	vbroadcast v3, $0x1  }
0x13f: {  	v8 =	vld [tilespmem:s1+$0x19280];
	[tilespmem:s30+$0x14520] =	vst v5;
	v5 =	vmul.f32 v6, v9;
	v6 =	vbroadcast v3, $0x2  }
0x140: {  	v3 =	vbroadcast v3, $0x3;
	v9 =	vld [tilespmem:s1+$0x19300];
	[tilespmem:s30+$0x14530] =	vst v4;
	v4 =	vmul.f32 v12, v7  }
0x141: {  	v7 =	vld [tilespmem:s1+$0x19380];
	[tilespmem:s30+$0x14580] =	vst v5;
	v6 =	vmul.f32 v10, v6  }
0x142: {  	v10 =	vld [tilespmem:s1+$0x19400];
	[tilespmem:s30+$0x14590] =	vst v4;
	v3 =	vmul.f32 v11, v3  }
0x143: {  	v5 =	vld [tilespmem:s1+$0x19480];
	[tilespmem:s30+$0x145A0] =	vst v6  }
0x144: {  	v4 =	vld [tilespmem:s1+$0x19500];
	[tilespmem:s30+$0x145B0] =	vst v3;
	s30 =	smov.u32 s1  }
0x145: {  	[tilespmem:s30+$0x14240] =	vst v13;
	v3 =	vld [tilespmem:s30+$0x19580]  }
0x146: {  	v6 =	vld [tilespmem:s30+$0x14200];
	[tilespmem:s30+$0x142C0] =	vst v8  }
0x147: {  	v11 =	vld [tilespmem:s30+$0x14210];
	[tilespmem:s30+$0x14340] =	vst v9  }
0x148: {  	v12 =	vld [tilespmem:s30+$0x14220];
	[tilespmem:s30+$0x143C0] =	vst v7  }
0x149: {  	v14 =	vbroadcast v13, $0x0;
	v15 =	vld [tilespmem:s30+$0x14230];
	[tilespmem:s30+$0x14440] =	vst v10  }
0x14a: {  	v16 =	vbroadcast v13, $0x1;
	v17 =	vld [tilespmem:s30+$0x14280];
	[tilespmem:s30+$0x144C0] =	vst v5  }
0x14b: {  	v6 =	vmul.f32 v14, v6;
	v14 =	vbroadcast v13, $0x2;
	v18 =	vld [tilespmem:s30+$0x14290];
	[tilespmem:s30+$0x14540] =	vst v4  }
0x14c: {  	v13 =	vbroadcast v13, $0x3;
	v11 =	vmul.f32 v11, v16;
	v16 =	vld [tilespmem:s30+$0x142A0];
	[tilespmem:s30+$0x145C0] =	vst v3  }
0x14d: {  	[tilespmem:s30+$0x14200] =	vst v6;
	v6 =	vmul.f32 v12, v14;
	v12 =	vbroadcast v8, $0x0;
	v14 =	vld [tilespmem:s30+$0x142B0]  }
0x14e: {  	[tilespmem:s30+$0x14210] =	vst v11;
	v11 =	vmul.f32 v15, v13;
	v13 =	vbroadcast v8, $0x1;
	v15 =	vld [tilespmem:s30+$0x14300]  }
0x14f: {  	[tilespmem:s30+$0x14220] =	vst v6;
	v6 =	vmul.f32 v12, v17;
	v12 =	vbroadcast v8, $0x2;
	v17 =	vld [tilespmem:s30+$0x14310]  }
0x150: {  	v8 =	vbroadcast v8, $0x3;
	[tilespmem:s30+$0x14230] =	vst v11;
	v11 =	vmul.f32 v18, v13;
	v13 =	vld [tilespmem:s30+$0x14320]  }
0x151: {  	[tilespmem:s30+$0x14280] =	vst v6;
	v6 =	vmul.f32 v16, v12;
	v12 =	vbroadcast v9, $0x0;
	v16 =	vld [tilespmem:s30+$0x14330]  }
0x152: {  	[tilespmem:s30+$0x14290] =	vst v11;
	v8 =	vmul.f32 v14, v8;
	v11 =	vbroadcast v9, $0x1;
	v14 =	vld [tilespmem:s30+$0x14380]  }
0x153: {  	[tilespmem:s30+$0x142A0] =	vst v6;
	v6 =	vmul.f32 v12, v15;
	v12 =	vbroadcast v9, $0x2;
	v15 =	vld [tilespmem:s30+$0x14390]  }
0x154: {  	v9 =	vbroadcast v9, $0x3;
	[tilespmem:s30+$0x142B0] =	vst v8;
	v8 =	vmul.f32 v17, v11;
	v11 =	vld [tilespmem:s30+$0x143A0]  }
0x155: {  	[tilespmem:s30+$0x14300] =	vst v6;
	v6 =	vmul.f32 v13, v12;
	v12 =	vbroadcast v7, $0x0;
	v13 =	vld [tilespmem:s30+$0x143B0]  }
0x156: {  	[tilespmem:s30+$0x14310] =	vst v8;
	v8 =	vmul.f32 v16, v9;
	v9 =	vbroadcast v7, $0x1;
	v16 =	vld [tilespmem:s30+$0x14400]  }
0x157: {  	[tilespmem:s30+$0x14320] =	vst v6;
	v6 =	vmul.f32 v12, v14;
	v12 =	vbroadcast v7, $0x2;
	v14 =	vld [tilespmem:s30+$0x14410]  }
0x158: {  	v7 =	vbroadcast v7, $0x3;
	[tilespmem:s30+$0x14330] =	vst v8;
	v8 =	vmul.f32 v15, v9;
	v9 =	vld [tilespmem:s30+$0x14420]  }
0x159: {  	[tilespmem:s30+$0x14380] =	vst v6;
	v6 =	vmul.f32 v11, v12;
	v11 =	vbroadcast v10, $0x0;
	v12 =	vld [tilespmem:s30+$0x14430]  }
0x15a: {  	[tilespmem:s30+$0x14390] =	vst v8;
	v7 =	vmul.f32 v13, v7;
	v8 =	vbroadcast v10, $0x1;
	v13 =	vld [tilespmem:s30+$0x14480]  }
0x15b: {  	[tilespmem:s30+$0x143A0] =	vst v6;
	v6 =	vmul.f32 v11, v16;
	v11 =	vbroadcast v10, $0x2;
	v15 =	vld [tilespmem:s30+$0x14490]  }
0x15c: {  	[tilespmem:s30+$0x143B0] =	vst v7;
	v7 =	vmul.f32 v14, v8;
	v8 =	vbroadcast v10, $0x3;
	v10 =	vld [tilespmem:s30+$0x144A0]  }
0x15d: {  	[tilespmem:s30+$0x14400] =	vst v6;
	v9 =	vmul.f32 v9, v11;
	v11 =	vbroadcast v5, $0x0;
	v14 =	vld [tilespmem:s30+$0x144B0]  }
.Ltmp2:
0x15e: {  	[tilespmem:s30+$0x14410] =	vst v7;
	v8 =	vmul.f32 v12, v8;
	v12 =	vbroadcast v5, $0x1;
	v6 =	vld [tilespmem:s30+$0x14500];
	(pc) =	sbr.rel @p1 .LBB2_7-.Ltmp2, $4  }
0x15f: {  	[tilespmem:s30+$0x14420] =	vst v9;
	v9 =	vmul.f32 v11, v13;
	v11 =	vbroadcast v5, $0x2;
	v7 =	vld [tilespmem:s30+$0x14510]  }
0x160: {  	[tilespmem:s30+$0x14430] =	vst v8;
	v13 =	vmul.f32 v15, v12;
	v15 =	vbroadcast v5, $0x3;
	v5 =	vld [tilespmem:s30+$0x14520]  }
0x161: {  	[tilespmem:s30+$0x14480] =	vst v9;
	v12 =	vmul.f32 v10, v11;
	v11 =	vbroadcast v4, $0x0;
	v8 =	vld [tilespmem:s30+$0x14530]  }
0x162: {  	s0 =	sadd.s32 $0x1000, s0;
	v10 =	vbroadcast v4, $0x1;
	[tilespmem:s30+$0x14490] =	vst v13;
	v13 =	vmul.f32 v14, v15;
	v9 =	vld [tilespmem:s30+$0x14580]  }
0x163: {  	[tilespmem:s30+$0x144A0] =	vst v12;
	v12 =	vld [tilespmem:s30+$0x14590];
	v6 =	vmul.f32 v11, v6;
	v11 =	vbroadcast v4, $0x2  }
0x164: {  	v4 =	vbroadcast v4, $0x3;
	[tilespmem:s30+$0x144B0] =	vst v13;
	v13 =	vld [tilespmem:s30+$0x145A0];
	v7 =	vmul.f32 v7, v10  }
0x165: {  	v10 =	vld [tilespmem:s30+$0x145B0];
	[tilespmem:s30+$0x14500] =	vst v6;
	v5 =	vmul.f32 v5, v11;
	v6 =	vbroadcast v3, $0x0  }
0x166: {  	[tilespmem:s30+$0x14510] =	vst v7;
	v4 =	vmul.f32 v8, v4;
	v7 =	vbroadcast v3, $0x1  }
0x167: {  	[tilespmem:s30+$0x14520] =	vst v5;
	v5 =	vmul.f32 v6, v9;
	v6 =	vbroadcast v3, $0x2  }
0x168: {  	v3 =	vbroadcast v3, $0x3;
	[tilespmem:s30+$0x14530] =	vst v4;
	v4 =	vmul.f32 v12, v7  }
0x169: {  	[tilespmem:s30+$0x14580] =	vst v5;
	v5 =	vmul.f32 v13, v6  }
0x16a: {  	v3 =	vmul.f32 v10, v3;
	[tilespmem:s30+$0x14590] =	vst v4  }
0x16b: {  	[tilespmem:s30+$0x145A0] =	vst v5  }
0x16c: {  	[tilespmem:s30+$0x145B0] =	vst v3  }
0x16d: {  	[spmem:s3] =	stream.indirect.scatter.add.f32 [tilespmem:s12], [sflag:$0x5], $0x80, s20, s16, $0xb8;
	[tilespmem:$0x1A700] =	vst v63  }
0x16e: {  	_ =	swait.ge [sflag:s23], $0x1400  }
0x16f: {  	[sflag:s23] =	ssyncset.done $0x0  }
0x170: {  	s0 =	simm.s32 @!p0 $0x3;
	[sflag:s23] =	ssyncadd.s32 $0xFFFFEC00  }
0x171: {  	_ =	swait.ge @!p0 [sflag:s0], $0x28  }
0x172: {  	[sflag:s0] =	ssyncset.done @!p0 $0x0  }
0x173: {  	[sflag:s0] =	ssyncadd.s32 @!p0 $0xFFFFFFD8  }
0x174: {  	_ =	swait.ge @!p0 [sflag:s0], $0x28  }
0x175: {  	[sflag:s0] =	ssyncset.done @!p0 $0x0  }
0x176: {  	[sflag:s0] =	ssyncadd.s32 @!p0 $0xFFFFFFD8  }
0x177: {  	_ =	swait.ge @!p0 [sflag:s0], $0x1400  }
0x178: {  	[sflag:s0] =	ssyncset.done @!p0 $0x0  }
0x179: {  	[sflag:s0] =	ssyncadd.s32 @!p0 $0xFFFFEC00;
	s0 =	simm.s32 @!p0 $0x5  }
0x17a: {  	_ =	swait.ge @!p0 [sflag:s0], $0x1400  }
0x17b: {  	[sflag:s0] =	ssyncset.done @!p0 $0x0  }
0x17c: {  	[sflag:s0] =	ssyncadd.s32 @!p0 $0xFFFFEC00  }
0x17d: {  	v3 =	vld @!p0 [tilespmem:$0x14010];
	_ =	sdelay $0x4  }
0x17e: {  	v3 =	vadd.s32 @!p0 v0, v3  }
0x17f: {  	v4 =	vld @!p0 [tilespmem:$0x14000];
	[tilespmem:$0x14010] =	vst @!p0 v3  }
0x180: {  	v3 =	vld @!p0 [tilespmem:$0x14018];
	_ =	sdelay $0x3  }
0x181: {  	v4 =	vadd.s32 @!p0 v0, v4  }
0x182: {  	s1 =	simm.s32 @!p0 $0x14000;
	[tilespmem:$0x14000] =	vst @!p0 v4;
	v3 =	vadd.s32 @!p0 v1, v3  }
0x183: {  	s9 =	simm.s32 @!p0 $0x14200;
	s31 =	simm.s32 $0x0;
	s0 =	simm.s32 @!p0 $0x28;
	[tilespmem:$0x14018] =	vst @!p0 v3  }
0x184: {  	[tilespmem:s9], [sflag:$0x1] =	stream.indirect.gather @!p0 [hbm4b:s5+s0], $0x80, s1, s0, $0xb8;
	[tilespmem:$0x1A700] =	vst v63  }
0x185: {  	v3 =	vld [tilespmem:s31+$0x159C0]  }
0x186: {  	v4 =	vld [tilespmem:s31+$0x18180]  }
0x187: {  	v5 =	vld [tilespmem:s31+$0x15640]  }
0x188: {  	v6 =	vld [tilespmem:s31+$0x17E00]  }
0x189: {  	v7 =	vld [tilespmem:s31+$0x156C0]  }
0x18a: {  	v8 =	vld [tilespmem:s31+$0x17E80]  }
0x18b: {  	v9 =	vld [tilespmem:s31+$0x15740];
	v3 =	vadd.f32 v4, v3  }
0x18c: {  	v10 =	vld [tilespmem:s31+$0x157C0]  }
0x18d: {  	v4 =	vld [tilespmem:s31+$0x17F00];
	v5 =	vadd.f32 v6, v5;
	v11 =	vmul.f32 $9.999999770e-03, v3  }
0x18e: {  	v12 =	vld [tilespmem:s31+$0x17F80]  }
0x18f: {  	v14 =	vld [tilespmem:s31+$0x18080];
	v7 =	vadd.f32 v8, v7;
	v13 =	vmul.f32 $9.999999770e-03, v5;
	v3 =	vmax.f32 v3, v11  }
0x190: {  	v6 =	vld [tilespmem:s31+$0x15840];
	v3 =	vmul.f32 $1.442695020e+00, v3  }
0x191: {  	v11 =	vld [tilespmem:s31+$0x18000];
	v5 =	vmax.f32 v5, v13;
	v13 =	vmul.f32 $9.999999770e-03, v7  }
0x192: {  	s30 =	simm.s32 $0x400;
	v15 =	vld [tilespmem:s31+$0x18100];
	v5 =	vmul.f32 $1.442695020e+00, v5;
	v4 =	vadd.f32 v4, v9;
	(erf) = vpow2.f32 v3  }
0x193: {  	v16 =	vld [tilespmem:s30+$0x17E00];
	v10 =	vadd.f32 v12, v10  }
0x194: {  	v8 =	vld [tilespmem:s31+$0x158C0];
	v7 =	vmax.f32 v7, v13;
	v13 =	vmul.f32 $9.999999770e-03, v4;
	(erf) = vpow2.f32 v5  }
0x195: {  	v3 =	vld [tilespmem:s31+$0x15940];
	v7 =	vmul.f32 $1.442695020e+00, v7  }
0x196: {  	v9 =	vld [tilespmem:s30+$0x159C0];
	v4 =	vmax.f32 v4, v13;
	v13 =	vmul.f32 $9.999999770e-03, v10;
	v6 =	vadd.f32 v11, v6  }
0x197: {  	v5 =	vld [tilespmem:s30+$0x18180];
	v4 =	vmul.f32 $1.442695020e+00, v4  }
0x198: {  	v18 =	vld [tilespmem:s30+$0x157C0];
	(erf) = vpow2.f32 v7;
	v10 =	vmax.f32 v10, v13;
	v17 =	vmul.f32 $9.999999770e-03, v6  }
0x199: {  	v12 =	vld [tilespmem:s30+$0x15640];
	v8 =	vadd.f32 v14, v8;
	v10 =	vmul.f32 $1.442695020e+00, v10  }
0x19a: {  	v14 =	vld [tilespmem:s30+$0x17F00];
	(erf) = vpow2.f32 v4;
	v3 =	vadd.f32 v15, v3;
	v6 =	vmax.f32 v6, v17  }
0x19b: {  	v61 =	vmul.f32 $9.999999770e-03, v8;
	v7 =	vld [tilespmem:s30+$0x156C0];
	v4 =	vpop (erf);
	(erf) = vpow2.f32 v10  }
0x19c: {  	v11 =	vld [tilespmem:s30+$0x17E80];
	v5 =	vadd.f32 v5, v9;
	v9 =	vmul.f32 $9.999999770e-03, v3;
	v4 =	vnsel vm0, $0x0, v4  }
0x19d: {  	v13 =	vld [tilespmem:s30+$0x15740];
	[tilespmem:s31+$0x19580] =	vst v4;
	v4 =	vmul.f32 $1.442695020e+00, v6;
	v6 =	vpop (erf)  }
0x19e: {  	v8 =	vmax.f32 v8, v61;
	v3 =	vmax.f32 v3, v9;
	v10 =	vld [tilespmem:s30+$0x17F80];
	v6 =	vnsel vm0, $0x0, v6  }
0x19f: {  	v15 =	vld [tilespmem:s30+$0x15840];
	(erf) = vpow2.f32 v4;
	v4 =	vadd.f32 v16, v12;
	[tilespmem:s31+$0x19200] =	vst v6;
	v6 =	vmul.f32 $1.442695020e+00, v8  }
0x1a0: {  	v8 =	vmul.f32 $9.999999770e-03, v5;
	v12 =	vmul.f32 $1.442695020e+00, v3  }
0x1a1: {  	v9 =	vpop (erf);
	v63 =	vmul.f32 $9.999999770e-03, v4;
	(erf) = vpow2.f32 v6  }
0x1a2: {  	v7 =	vadd.f32 v11, v7;
	v9 =	vnsel vm0, $0x0, v9;
	v5 =	vmax.f32 v5, v8  }
0x1a3: {  	v62 =	vld [tilespmem:s30+$0x18000];
	v5 =	vmul.f32 $1.442695020e+00, v5;
	(erf) = vpow2.f32 v12;
	v8 =	vmax.f32 v4, v63;
	v4 =	vpop (erf)  }
0x1a4: {  	v11 =	vadd.f32 v14, v13;
	v3 =	vld [tilespmem:s30+$0x158C0];
	[tilespmem:s31+$0x19280] =	vst v9;
	v9 =	vmul.f32 $9.999999770e-03, v7;
	v12 =	vnsel vm0, $0x0, v4;
	v13 =	vpop (erf)  }
0x1a5: {  	v6 =	vld [tilespmem:s30+$0x18080];
	(erf) = vpow2.f32 v5;
	v5 =	vmul.f32 $1.442695020e+00, v8;
	v13 =	vnsel vm0, $0x0, v13  }
0x1a6: {  	v9 =	vmax.f32 v7, v9;
	v4 =	vld [tilespmem:s30+$0x15940];
	v8 =	vadd.f32 v10, v18;
	[tilespmem:s31+$0x19300] =	vst v12;
	v12 =	vmul.f32 $9.999999770e-03, v11  }
0x1a7: {  	s0 =	simm.s32 $0x800;
	v10 =	vmul.f32 $1.442695020e+00, v9;
	v7 =	vld [tilespmem:s30+$0x18100];
	(erf) = vpow2.f32 v5  }
0x1a8: {  	s1 =	simm.s32 $0x3000;
	v9 =	vadd.f32 v62, v15;
	v5 =	vld [tilespmem:s0+$0x159C0];
	[tilespmem:s31+$0x19380] =	vst v13;
	v12 =	vmax.f32 v11, v12;
	v11 =	vmul.f32 $9.999999770e-03, v8;
	v13 =	vpop (erf)  }
.LBB2_9:
0x1a9: {  	p1 =	sne.s32 s1, $0x4000;
	v14 =	vld [tilespmem:s0+$0x18180];
	v12 =	vmul.f32 $1.442695020e+00, v12;
	(erf) = vpow2.f32 v10;
	v10 =	vnsel vm0, $0x0, v13  }
0x1aa: {  	v13 =	vld [tilespmem:s0+$0x15640];
	v8 =	vmax.f32 v8, v11;
	v11 =	vmul.f32 $9.999999770e-03, v9;
	v3 =	vadd.f32 v6, v3;
	[tilespmem:s31+$0x19400] =	vst v10;
	v6 =	vpop (erf)  }
0x1ab: {  	v10 =	vld [tilespmem:s0+$0x17E00];
	v8 =	vmul.f32 $1.442695020e+00, v8;
	(erf) = vpow2.f32 v12;
	v15 =	vnsel vm0, $0x0, v6  }
0x1ac: {  	v12 =	vld [tilespmem:s0+$0x156C0];
	v9 =	vmax.f32 v9, v11;
	v11 =	vmul.f32 $9.999999770e-03, v3;
	v4 =	vadd.f32 v7, v4;
	[tilespmem:s31+$0x19480] =	vst v15;
	v6 =	vpop (erf)  }
0x1ad: {  	v7 =	vld [tilespmem:s0+$0x17E80];
	v9 =	vmul.f32 $1.442695020e+00, v9;
	(erf) = vpow2.f32 v8;
	v6 =	vnsel vm0, $0x0, v6  }
0x1ae: {  	v8 =	vld [tilespmem:s0+$0x15740];
	v5 =	vadd.f32 v14, v5;
	v3 =	vmax.f32 v3, v11;
	v15 =	vmul.f32 $9.999999770e-03, v4;
	v14 =	vpop (erf);
	[tilespmem:s31+$0x19500] =	vst v6;
	s31 =	smov.u32 s30;
	s30 =	smov.u32 s0  }
0x1af: {  	v6 =	vld [tilespmem:s30+$0x17F00];
	v3 =	vmul.f32 $1.442695020e+00, v3;
	v14 =	vnsel vm0, $0x0, v14;
	(erf) = vpow2.f32 v9  }
0x1b0: {  	v9 =	vadd.f32 v10, v13;
	v10 =	vld [tilespmem:s30+$0x157C0];
	v13 =	vmul.f32 $9.999999770e-03, v5;
	v4 =	vmax.f32 v4, v15;
	[tilespmem:s31+$0x19580] =	vst v14;
	v11 =	vpop (erf)  }
0x1b1: {  	v14 =	vld [tilespmem:s30+$0x17F80];
	v16 =	vnsel vm0, $0x0, v11;
	v4 =	vmul.f32 $1.442695020e+00, v4;
	(erf) = vpow2.f32 v3  }
0x1b2: {  	v3 =	vmul.f32 $9.999999770e-03, v9;
	v7 =	vadd.f32 v7, v12;
	v15 =	vld [tilespmem:s30+$0x15840];
	v5 =	vmax.f32 v5, v13;
	[tilespmem:s31+$0x19200] =	vst v16;
	v11 =	vpop (erf)  }
0x1b3: {  	v13 =	vld [tilespmem:s30+$0x18000];
	v17 =	vmul.f32 $1.442695020e+00, v5;
	v11 =	vnsel vm0, $0x0, v11;
	(erf) = vpow2.f32 v4  }
.Ltmp3:
0x1b4: {  	v4 =	vmax.f32 v9, v3;
	v9 =	vmul.f32 $9.999999770e-03, v7;
	v12 =	vadd.f32 v6, v8;
	v3 =	vld [tilespmem:s30+$0x158C0];
	[tilespmem:s31+$0x19280] =	vst v11;
	v8 =	vpop (erf);
	(pc) =	sbr.rel @p1 .LBB2_9-.Ltmp3, $4  }
0x1b5: {  	v11 =	vmul.f32 $1.442695020e+00, v4;
	v6 =	vld [tilespmem:s30+$0x18080];
	(erf) = vpow2.f32 v17;
	v16 =	vnsel vm0, $0x0, v8  }
0x1b6: {  	v7 =	vmax.f32 v7, v9;
	v9 =	vmul.f32 $9.999999770e-03, v12;
	v8 =	vadd.f32 v14, v10;
	v4 =	vld [tilespmem:s30+$0x15940];
	[tilespmem:s31+$0x19300] =	vst v16;
	v5 =	vpop (erf)  }
0x1b7: {  	s0 =	sshra.s32 s1, $0x2;
	v10 =	vmul.f32 $1.442695020e+00, v7;
	v7 =	vld [tilespmem:s30+$0x18100];
	(erf) = vpow2.f32 v11;
	v14 =	vnsel vm0, $0x0, v5  }
0x1b8: {  	s1 =	sadd.s32 $0x1000, s1;
	v5 =	vld [tilespmem:s0+$0x159C0];
	v12 =	vmax.f32 v12, v9;
	v11 =	vmul.f32 $9.999999770e-03, v8;
	v9 =	vadd.f32 v13, v15;
	[tilespmem:s31+$0x19380] =	vst v14;
	v13 =	vpop (erf)  }
0x1b9: {  	v13 =	vnsel vm0, $0x0, v13;
	_ =	sdelay $0x1  }
0x1ba: {  	v14 =	vld [tilespmem:s0+$0x18180]  }
0x1bb: {  	v15 =	vld [tilespmem:s0+$0x15640];
	[tilespmem:s31+$0x19400] =	vst v13;
	v13 =	vpop (erf)  }
0x1bc: {  	(erf) = vpow2.f32 v10;
	v10 =	vpop (erf)  }
0x1bd: {  	v16 =	vld [tilespmem:s0+$0x17E00];
	v13 =	vnsel vm0, $0x0, v13;
	v10 =	vnsel vm0, $0x0, v10  }
0x1be: {  	v12 =	vmul.f32 $1.442695020e+00, v12;
	v17 =	vld [tilespmem:s0+$0x156C0];
	[tilespmem:s31+$0x19480] =	vst v13  }
0x1bf: {  	v13 =	vld [tilespmem:s0+$0x17E80]  }
0x1c0: {  	(erf) = vpow2.f32 v12;
	v12 =	vmul.f32 $9.999999770e-03, v9;
	v18 =	vld [tilespmem:s0+$0x15740];
	[tilespmem:s31+$0x19500] =	vst v10;
	v10 =	vpop (erf)  }
0x1c1: {  	v8 =	vmax.f32 v8, v11;
	v3 =	vadd.f32 v6, v3;
	v11 =	vld [tilespmem:s0+$0x17F00];
	v6 =	vnsel vm0, $0x0, v10  }
0x1c2: {  	v10 =	vld [tilespmem:s0+$0x157C0];
	[tilespmem:s30+$0x19580] =	vst v6;
	v6 =	vmax.f32 v9, v12  }
0x1c3: {  	v5 =	vadd.f32 v14, v5;
	v6 =	vmul.f32 $1.442695020e+00, v6  }
0x1c4: {  	v8 =	vmul.f32 $1.442695020e+00, v8  }
0x1c5: {  	v4 =	vadd.f32 v7, v4;
	v14 =	vmul.f32 $9.999999770e-03, v5  }
0x1c6: {  	v7 =	vpop (erf);
	(erf) = vpow2.f32 v8;
	v9 =	vmul.f32 $9.999999770e-03, v3  }
0x1c7: {  	v8 =	vmul.f32 $9.999999770e-03, v4;
	(erf) = vpow2.f32 v6;
	v6 =	vpop (erf)  }
0x1c8: {  	v7 =	vnsel vm0, $0x0, v7;
	v12 =	vld [tilespmem:s0+$0x17F80];
	v3 =	vmax.f32 v3, v9;
	v6 =	vnsel vm0, $0x0, v6  }
0x1c9: {  	v19 =	vld [tilespmem:s0+$0x15840];
	[tilespmem:s30+$0x19200] =	vst v7;
	v4 =	vmax.f32 v4, v8;
	v9 =	vadd.f32 v16, v15;
	v3 =	vmul.f32 $1.442695020e+00, v3  }
0x1ca: {  	v5 =	vmax.f32 v5, v14;
	v7 =	vld [tilespmem:s0+$0x18000];
	v4 =	vmul.f32 $1.442695020e+00, v4  }
0x1cb: {  	v13 =	vadd.f32 v13, v17;
	v8 =	vld [tilespmem:s0+$0x158C0];
	(erf) = vpow2.f32 v3;
	v3 =	vmul.f32 $9.999999770e-03, v9;
	[tilespmem:s30+$0x19280] =	vst v6;
	v6 =	vpop (erf)  }
0x1cc: {  	v5 =	vmul.f32 $1.442695020e+00, v5;
	(erf) = vpow2.f32 v4;
	v15 =	vld [tilespmem:s0+$0x18080];
	v6 =	vnsel vm0, $0x0, v6  }
0x1cd: {  	v4 =	vmul.f32 $9.999999770e-03, v13;
	v3 =	vmax.f32 v9, v3;
	v14 =	vld [tilespmem:s0+$0x15940];
	[tilespmem:s30+$0x19300] =	vst v6;
	v6 =	vadd.f32 v11, v18  }
0x1ce: {  	v10 =	vadd.f32 v12, v10;
	v3 =	vmul.f32 $1.442695020e+00, v3;
	v9 =	vld [tilespmem:s0+$0x18100]  }
0x1cf: {  	v4 =	vmax.f32 v13, v4;
	(erf) = vpow2.f32 v5;
	v5 =	vmul.f32 $9.999999770e-03, v6  }
0x1d0: {  	v4 =	vmul.f32 $1.442695020e+00, v4;
	(erf) = vpow2.f32 v3;
	v3 =	vadd.f32 v7, v19  }
0x1d1: {  	v7 =	vadd.f32 v15, v8;
	v5 =	vmax.f32 v6, v5;
	v6 =	vmul.f32 $9.999999770e-03, v10  }
0x1d2: {  	(erf) = vpow2.f32 v4;
	v8 =	vmul.f32 $9.999999770e-03, v3  }
0x1d3: {  	v9 =	vadd.f32 v9, v14;
	v4 =	vmax.f32 v10, v6;
	v6 =	vmul.f32 $9.999999770e-03, v7  }
0x1d4: {  	v5 =	vmul.f32 $1.442695020e+00, v5  }
0x1d5: {  	v3 =	vmax.f32 v3, v8;
	v4 =	vmul.f32 $1.442695020e+00, v4;
	v8 =	vmul.f32 $9.999999770e-03, v9  }
0x1d6: {  	v3 =	vmul.f32 $1.442695020e+00, v3;
	(erf) = vpow2.f32 v5;
	v5 =	vmax.f32 v7, v6  }
0x1d7: {  	(erf) = vpow2.f32 v4;
	v4 =	vmul.f32 $1.442695020e+00, v5;
	v5 =	vmax.f32 v9, v8;
	v6 =	vpop (erf)  }
0x1d8: {  	(erf) = vpow2.f32 v3;
	v3 =	vmul.f32 $1.442695020e+00, v5;
	v5 =	vnsel vm0, $0x0, v6;
	_ =	sdelay $0x1  }
0x1d9: {  	v6 =	vpop (erf)  }
0x1da: {  	(erf) = vpow2.f32 v4;
	[tilespmem:s30+$0x19380] =	vst v5;
	v4 =	vnsel vm0, $0x0, v6;
	v5 =	vpop (erf)  }
0x1db: {  	[tilespmem:s30+$0x19400] =	vst v4;
	(erf) = vpow2.f32 v3;
	v4 =	vnsel vm0, $0x0, v5  }
0x1dc: {  	v3 =	vpop (erf)  }
0x1dd: {  	v5 =	vpop (erf);
	[tilespmem:s30+$0x19480] =	vst v4;
	v3 =	vnsel vm0, $0x0, v3  }
0x1de: {  	[tilespmem:s30+$0x19500] =	vst v3;
	v3 =	vnsel vm0, $0x0, v5;
	v4 =	vpop (erf)  }
0x1df: {  	[tilespmem:s0+$0x19580] =	vst v3;
	v5 =	vpop (erf);
	v3 =	vnsel vm0, $0x0, v4  }
0x1e0: {  	[tilespmem:s0+$0x19200] =	vst v3;
	v3 =	vnsel vm0, $0x0, v5;
	v4 =	vpop (erf)  }
0x1e1: {  	[tilespmem:s0+$0x19280] =	vst v3;
	v3 =	vnsel vm0, $0x0, v4;
	v4 =	vpop (erf)  }
0x1e2: {  	[tilespmem:s0+$0x19300] =	vst v3;
	v3 =	vnsel vm0, $0x0, v4;
	v4 =	vpop (erf)  }
0x1e3: {  	[tilespmem:s0+$0x19380] =	vst v3;
	v3 =	vnsel vm0, $0x0, v4;
	v4 =	vpop (erf)  }
0x1e4: {  	[tilespmem:s0+$0x19400] =	vst v3;
	v3 =	vnsel vm0, $0x0, v4;
	v4 =	vpop (erf)  }
0x1e5: {  	[tilespmem:s0+$0x19480] =	vst v3;
	v3 =	vnsel vm0, $0x0, v4  }
0x1e6: {  	[tilespmem:s0+$0x19500] =	vst v3  }
0x1e7: {  	v3 =	vld [tilespmem:$0x14180]  }
0x1e8: {  	v4 =	vld [tilespmem:$0x14190]  }
0x1e9: {  	v5 =	vld [tilespmem:$0x14198];
	_ =	sdelay $0x2  }
0x1ea: {  	s0 =	sadd.s32 @!p0 s29, s22;
	[tilespmem:$0x1A680] =	vst v3  }
0x1eb: {  	s30 =	simm.s32 @!p0 $0x14080;
	s1 =	sshrl.u32 @!p0 s0, $0x3;
	[tilespmem:$0x1A690] =	vst v4  }
0x1ec: {  	s29 =	simm.s32 @!p0 $0x0;
	s0 =	sadd.s32 @!p0 s11, s0;
	s9 =	sadd.s32 @!p0 s7, s1;
	[tilespmem:$0x1A698] =	vst v5  }
0x1ed: {  	[tilespmem:s30], [sflag:$0x4] =	stream.linear.gather @!p0 [hbm4b:s9+s29], $0x28, $0x38;
	[tilespmem:$0x1A700] =	vst v63  }
0x1ee: {  	s1 =	sadd.s32 @!p0 s2, s1;
	s0 =	sshll.u32 @!p0 s0, $0x4;
	s9 =	simm.s32 @!p0 $0x14180  }
0x1ef: {  	[tilespmem:s9], [sflag:$0x4] =	stream.linear.gather @!p0 [hbm4b:s1+s29], $0x28, $0x38;
	[tilespmem:$0x1A700] =	vst v63  }
0x1f0: {  	s0 =	sadd.s32 @!p0 s6, s0;
	s1 =	simm.s32 @!p0 $0x17E00  }
0x1f1: {  	[tilespmem:s1], [sflag:$0x4] =	stream.linear.gather @!p0 [hbm4b:s0+s29], $0x1400, $0x38;
	[tilespmem:$0x1A700] =	vst v63  }
0x1f2: {  	s29 =	simm.s32 $0x0  }
0x1f3: {  	v5 =	vld [tilespmem:s29+$0x19200]  }
0x1f4: {  	v6 =	vld [tilespmem:s29+$0x19280]  }
0x1f5: {  	v7 =	vld [tilespmem:s29+$0x19300]  }
0x1f6: {  	v8 =	vld [tilespmem:s29+$0x19380]  }
0x1f7: {  	v9 =	vld [tilespmem:s29+$0x19400]  }
0x1f8: {  	v10 =	vld [tilespmem:s29+$0x19480]  }
0x1f9: {  	v11 =	vld [tilespmem:s29+$0x15600]  }
0x1fa: {  	v4 =	vld [tilespmem:s29+$0x19500];
	[tilespmem:s29+$0x15640] =	vst v5  }
0x1fb: {  	v12 =	vld [tilespmem:s29+$0x15610];
	[tilespmem:s29+$0x156C0] =	vst v6  }
0x1fc: {  	v13 =	vld [tilespmem:s29+$0x15620];
	[tilespmem:s29+$0x15740] =	vst v7;
	v52 =	vbroadcast v5, $0x0  }
0x1fd: {  	v14 =	vld [tilespmem:s29+$0x15630];
	[tilespmem:s29+$0x157C0] =	vst v8  }
0x1fe: {  	v15 =	vld [tilespmem:s29+$0x15680];
	[tilespmem:s29+$0x15840] =	vst v9;
	v54 =	vbroadcast v5, $0x1;
	v11 =	vmul.f32 v52, v11  }
0x1ff: {  	v53 =	vld [tilespmem:s29+$0x15690];
	[tilespmem:s29+$0x158C0] =	vst v10;
	v56 =	vbroadcast v5, $0x2;
	v5 =	vbroadcast v5, $0x3  }
0x200: {  	v57 =	vbroadcast v6, $0x0;
	v12 =	vmul.f32 v12, v54;
	[tilespmem:s29+$0x15600] =	vst v11;
	v11 =	vld [tilespmem:s29+$0x156B0]  }
0x201: {  	v3 =	vld [tilespmem:s29+$0x19580];
	[tilespmem:s29+$0x15940] =	vst v4;
	v58 =	vbroadcast v6, $0x2;
	v13 =	vmul.f32 v13, v56  }
0x202: {  	v5 =	vmul.f32 v14, v5;
	v14 =	vbroadcast v6, $0x1;
	[tilespmem:s29+$0x15610] =	vst v12;
	v12 =	vld [tilespmem:s29+$0x15700]  }
0x203: {  	v15 =	vmul.f32 v57, v15;
	v6 =	vbroadcast v6, $0x3;
	[tilespmem:s29+$0x15620] =	vst v13;
	v13 =	vld [tilespmem:s29+$0x15710]  }
0x204: {  	[tilespmem:s29+$0x15630] =	vst v5;
	v5 =	vld [tilespmem:s29+$0x15720];
	v14 =	vmul.f32 v53, v14  }
0x205: {  	v59 =	vbroadcast v7, $0x0;
	[tilespmem:s29+$0x15680] =	vst v15;
	v15 =	vld [tilespmem:s29+$0x15730];
	v6 =	vmul.f32 v11, v6  }
0x206: {  	v60 =	vbroadcast v7, $0x1;
	[tilespmem:s29+$0x15690] =	vst v14;
	v14 =	vld [tilespmem:s29+$0x15780]  }
0x207: {  	v61 =	vbroadcast v7, $0x2;
	v12 =	vmul.f32 v59, v12;
	[tilespmem:s29+$0x156B0] =	vst v6;
	v6 =	vld [tilespmem:s29+$0x157A0]  }
0x208: {  	[tilespmem:s29+$0x159C0] =	vst v3;
	v7 =	vbroadcast v7, $0x3;
	v11 =	vld [tilespmem:s29+$0x15790];
	v13 =	vmul.f32 v13, v60  }
0x209: {  	v62 =	vbroadcast v8, $0x0;
	v5 =	vmul.f32 v5, v61;
	[tilespmem:s29+$0x15700] =	vst v12;
	v12 =	vld [tilespmem:s29+$0x157B0]  }
0x20a: {  	v63 =	vbroadcast v8, $0x2;
	v7 =	vmul.f32 v15, v7;
	[tilespmem:s29+$0x15710] =	vst v13;
	v13 =	vld [tilespmem:s29+$0x15800]  }
0x20b: {  	v15 =	vbroadcast v8, $0x1;
	[tilespmem:s29+$0x15720] =	vst v5;
	v5 =	vld [tilespmem:s29+$0x15810];
	v14 =	vmul.f32 v62, v14  }
0x20c: {  	v55 =	vld [tilespmem:s29+$0x156A0];
	v8 =	vbroadcast v8, $0x3;
	[tilespmem:s29+$0x15730] =	vst v7;
	v6 =	vmul.f32 v6, v63  }
0x20d: {  	v7 =	vld [tilespmem:s29+$0x15820];
	[tilespmem:s29+$0x15780] =	vst v14;
	v11 =	vmul.f32 v11, v15;
	v15 =	vbroadcast v9, $0x0  }
0x20e: {  	v14 =	vld [tilespmem:s29+$0x15830];
	v8 =	vmul.f32 v12, v8;
	[tilespmem:s29+$0x157A0] =	vst v6;
	v6 =	vbroadcast v9, $0x1  }
0x20f: {  	[tilespmem:s29+$0x15790] =	vst v11;
	v11 =	vld [tilespmem:s29+$0x15880];
	v13 =	vmul.f32 v15, v13  }
0x210: {  	v12 =	vld [tilespmem:s29+$0x15890];
	[tilespmem:s29+$0x157B0] =	vst v8;
	v8 =	vbroadcast v9, $0x2;
	v5 =	vmul.f32 v5, v6  }
0x211: {  	v16 =	vmul.f32 v55, v58;
	v15 =	vld [tilespmem:s29+$0x158A0];
	[tilespmem:s29+$0x15800] =	vst v13;
	v9 =	vbroadcast v9, $0x3  }
0x212: {  	v13 =	vld [tilespmem:s29+$0x158B0];
	v7 =	vmul.f32 v7, v8;
	[tilespmem:s29+$0x15810] =	vst v5;
	v5 =	vbroadcast v10, $0x0  }
0x213: {  	[tilespmem:s29+$0x156A0] =	vst v16;
	v6 =	vld [tilespmem:s29+$0x15900];
	v8 =	vmul.f32 v14, v9;
	v9 =	vbroadcast v10, $0x1  }
0x214: {  	v14 =	vbroadcast v10, $0x2;
	[tilespmem:s29+$0x15820] =	vst v7;
	v7 =	vld [tilespmem:s29+$0x15910];
	v11 =	vmul.f32 v5, v11  }
0x215: {  	[tilespmem:s29+$0x15830] =	vst v8;
	v9 =	vmul.f32 v12, v9;
	v10 =	vbroadcast v10, $0x3;
	v5 =	vld [tilespmem:s29+$0x15920]  }
0x216: {  	v8 =	vld [tilespmem:s29+$0x15930];
	v12 =	vmul.f32 v15, v14;
	[tilespmem:s29+$0x15880] =	vst v11;
	v11 =	vbroadcast v4, $0x0  }
0x217: {  	s0 =	simm.s32 $0x1000;
	[tilespmem:s29+$0x15890] =	vst v9;
	v13 =	vmul.f32 v13, v10;
	v10 =	vbroadcast v4, $0x1;
	v9 =	vld [tilespmem:s29+$0x15980]  }
.LBB2_11:
0x218: {  	p0 =	sne.s32 s0, $0x4000;
	[tilespmem:s29+$0x158A0] =	vst v12;
	v6 =	vmul.f32 v11, v6;
	v11 =	vbroadcast v4, $0x2;
	v12 =	vld [tilespmem:s29+$0x15990]  }
0x219: {  	v4 =	vbroadcast v4, $0x3;
	[tilespmem:s29+$0x158B0] =	vst v13;
	v7 =	vmul.f32 v7, v10;
	v10 =	vld [tilespmem:s29+$0x159A0]  }
0x21a: {  	s1 =	sshra.s32 s0, $0x2;
	[tilespmem:s29+$0x15900] =	vst v6;
	v5 =	vmul.f32 v5, v11;
	v6 =	vbroadcast v3, $0x0;
	v11 =	vld [tilespmem:s29+$0x159B0]  }
0x21b: {  	v13 =	vld [tilespmem:s1+$0x19200];
	[tilespmem:s29+$0x15910] =	vst v7;
	v4 =	vmul.f32 v8, v4;
	v7 =	vbroadcast v3, $0x1  }
0x21c: {  	v8 =	vld [tilespmem:s1+$0x19280];
	[tilespmem:s29+$0x15920] =	vst v5;
	v5 =	vmul.f32 v6, v9;
	v6 =	vbroadcast v3, $0x2  }
0x21d: {  	v3 =	vbroadcast v3, $0x3;
	v9 =	vld [tilespmem:s1+$0x19300];
	[tilespmem:s29+$0x15930] =	vst v4;
	v4 =	vmul.f32 v12, v7  }
0x21e: {  	v7 =	vld [tilespmem:s1+$0x19380];
	[tilespmem:s29+$0x15980] =	vst v5;
	v6 =	vmul.f32 v10, v6  }
0x21f: {  	v10 =	vld [tilespmem:s1+$0x19400];
	[tilespmem:s29+$0x15990] =	vst v4;
	v3 =	vmul.f32 v11, v3  }
0x220: {  	v5 =	vld [tilespmem:s1+$0x19480];
	[tilespmem:s29+$0x159A0] =	vst v6  }
0x221: {  	v4 =	vld [tilespmem:s1+$0x19500];
	[tilespmem:s29+$0x159B0] =	vst v3;
	s29 =	smov.u32 s1  }
0x222: {  	[tilespmem:s29+$0x15640] =	vst v13;
	v3 =	vld [tilespmem:s29+$0x19580]  }
0x223: {  	v6 =	vld [tilespmem:s29+$0x15600];
	[tilespmem:s29+$0x156C0] =	vst v8  }
0x224: {  	v11 =	vld [tilespmem:s29+$0x15610];
	[tilespmem:s29+$0x15740] =	vst v9  }
0x225: {  	v12 =	vld [tilespmem:s29+$0x15620];
	[tilespmem:s29+$0x157C0] =	vst v7  }
0x226: {  	v14 =	vbroadcast v13, $0x0;
	v15 =	vld [tilespmem:s29+$0x15630];
	[tilespmem:s29+$0x15840] =	vst v10  }
0x227: {  	v16 =	vbroadcast v13, $0x1;
	v17 =	vld [tilespmem:s29+$0x15680];
	[tilespmem:s29+$0x158C0] =	vst v5  }
0x228: {  	v6 =	vmul.f32 v14, v6;
	v14 =	vbroadcast v13, $0x2;
	v18 =	vld [tilespmem:s29+$0x15690];
	[tilespmem:s29+$0x15940] =	vst v4  }
0x229: {  	v13 =	vbroadcast v13, $0x3;
	v11 =	vmul.f32 v11, v16;
	v16 =	vld [tilespmem:s29+$0x156A0];
	[tilespmem:s29+$0x159C0] =	vst v3  }
0x22a: {  	[tilespmem:s29+$0x15600] =	vst v6;
	v6 =	vmul.f32 v12, v14;
	v12 =	vbroadcast v8, $0x0;
	v14 =	vld [tilespmem:s29+$0x156B0]  }
0x22b: {  	[tilespmem:s29+$0x15610] =	vst v11;
	v11 =	vmul.f32 v15, v13;
	v13 =	vbroadcast v8, $0x1;
	v15 =	vld [tilespmem:s29+$0x15700]  }
0x22c: {  	[tilespmem:s29+$0x15620] =	vst v6;
	v6 =	vmul.f32 v12, v17;
	v12 =	vbroadcast v8, $0x2;
	v17 =	vld [tilespmem:s29+$0x15710]  }
0x22d: {  	v8 =	vbroadcast v8, $0x3;
	[tilespmem:s29+$0x15630] =	vst v11;
	v11 =	vmul.f32 v18, v13;
	v13 =	vld [tilespmem:s29+$0x15720]  }
0x22e: {  	[tilespmem:s29+$0x15680] =	vst v6;
	v6 =	vmul.f32 v16, v12;
	v12 =	vbroadcast v9, $0x0;
	v16 =	vld [tilespmem:s29+$0x15730]  }
0x22f: {  	[tilespmem:s29+$0x15690] =	vst v11;
	v8 =	vmul.f32 v14, v8;
	v11 =	vbroadcast v9, $0x1;
	v14 =	vld [tilespmem:s29+$0x15780]  }
0x230: {  	[tilespmem:s29+$0x156A0] =	vst v6;
	v6 =	vmul.f32 v12, v15;
	v12 =	vbroadcast v9, $0x2;
	v15 =	vld [tilespmem:s29+$0x15790]  }
0x231: {  	v9 =	vbroadcast v9, $0x3;
	[tilespmem:s29+$0x156B0] =	vst v8;
	v8 =	vmul.f32 v17, v11;
	v11 =	vld [tilespmem:s29+$0x157A0]  }
0x232: {  	[tilespmem:s29+$0x15700] =	vst v6;
	v6 =	vmul.f32 v13, v12;
	v12 =	vbroadcast v7, $0x0;
	v13 =	vld [tilespmem:s29+$0x157B0]  }
0x233: {  	[tilespmem:s29+$0x15710] =	vst v8;
	v8 =	vmul.f32 v16, v9;
	v9 =	vbroadcast v7, $0x1;
	v16 =	vld [tilespmem:s29+$0x15800]  }
0x234: {  	[tilespmem:s29+$0x15720] =	vst v6;
	v6 =	vmul.f32 v12, v14;
	v12 =	vbroadcast v7, $0x2;
	v14 =	vld [tilespmem:s29+$0x15810]  }
0x235: {  	v7 =	vbroadcast v7, $0x3;
	[tilespmem:s29+$0x15730] =	vst v8;
	v8 =	vmul.f32 v15, v9;
	v9 =	vld [tilespmem:s29+$0x15820]  }
0x236: {  	[tilespmem:s29+$0x15780] =	vst v6;
	v6 =	vmul.f32 v11, v12;
	v11 =	vbroadcast v10, $0x0;
	v12 =	vld [tilespmem:s29+$0x15830]  }
0x237: {  	[tilespmem:s29+$0x15790] =	vst v8;
	v7 =	vmul.f32 v13, v7;
	v8 =	vbroadcast v10, $0x1;
	v13 =	vld [tilespmem:s29+$0x15880]  }
0x238: {  	[tilespmem:s29+$0x157A0] =	vst v6;
	v6 =	vmul.f32 v11, v16;
	v11 =	vbroadcast v10, $0x2;
	v15 =	vld [tilespmem:s29+$0x15890]  }
0x239: {  	[tilespmem:s29+$0x157B0] =	vst v7;
	v7 =	vmul.f32 v14, v8;
	v8 =	vbroadcast v10, $0x3;
	v10 =	vld [tilespmem:s29+$0x158A0]  }
0x23a: {  	[tilespmem:s29+$0x15800] =	vst v6;
	v9 =	vmul.f32 v9, v11;
	v11 =	vbroadcast v5, $0x0;
	v14 =	vld [tilespmem:s29+$0x158B0]  }
.Ltmp4:
0x23b: {  	[tilespmem:s29+$0x15810] =	vst v7;
	v8 =	vmul.f32 v12, v8;
	v12 =	vbroadcast v5, $0x1;
	v6 =	vld [tilespmem:s29+$0x15900];
	(pc) =	sbr.rel @p0 .LBB2_11-.Ltmp4, $4  }
0x23c: {  	[tilespmem:s29+$0x15820] =	vst v9;
	v9 =	vmul.f32 v11, v13;
	v11 =	vbroadcast v5, $0x2;
	v7 =	vld [tilespmem:s29+$0x15910]  }
0x23d: {  	[tilespmem:s29+$0x15830] =	vst v8;
	v13 =	vmul.f32 v15, v12;
	v15 =	vbroadcast v5, $0x3;
	v5 =	vld [tilespmem:s29+$0x15920]  }
0x23e: {  	[tilespmem:s29+$0x15880] =	vst v9;
	v12 =	vmul.f32 v10, v11;
	v11 =	vbroadcast v4, $0x0;
	v8 =	vld [tilespmem:s29+$0x15930]  }
0x23f: {  	s0 =	sadd.s32 $0x1000, s0;
	v10 =	vbroadcast v4, $0x1;
	[tilespmem:s29+$0x15890] =	vst v13;
	v13 =	vmul.f32 v14, v15;
	v9 =	vld [tilespmem:s29+$0x15980]  }
0x240: {  	[tilespmem:s29+$0x158A0] =	vst v12;
	v53 =	vld [tilespmem:s29+$0x15990];
	v6 =	vmul.f32 v11, v6;
	v54 =	vbroadcast v4, $0x2  }
0x241: {  	v55 =	vld [tilespmem:s29+$0x159A0];
	v56 =	vbroadcast v4, $0x3;
	[tilespmem:s29+$0x158B0] =	vst v13;
	v7 =	vmul.f32 v7, v10  }
0x242: {  	v57 =	vbroadcast v3, $0x0;
	v58 =	vld [tilespmem:s29+$0x159B0];
	[tilespmem:s29+$0x15900] =	vst v6;
	v5 =	vmul.f32 v5, v54  }
0x243: {  	v59 =	vbroadcast v3, $0x1;
	[tilespmem:s29+$0x15910] =	vst v7;
	v4 =	vmul.f32 v8, v56  }
0x244: {  	v61 =	vbroadcast v3, $0x2;
	s28 =	sadd.s32 $0x1, s28;
	[tilespmem:s29+$0x15920] =	vst v5;
	v60 =	vmul.f32 v57, v9  }
0x245: {  	v3 =	vbroadcast v3, $0x3;
	p0 =	sne.s32 s28, $0xFA;
	[tilespmem:s29+$0x15930] =	vst v4;
	v62 =	vmul.f32 v53, v59  }
.Ltmp5:
0x246: {  	v63 =	vmul.f32 v55, v61;
	[tilespmem:s29+$0x15980] =	vst v60;
	(pc) =	sbr.rel @p0 .LBB2_4-.Ltmp5, $4  }
0x247: {  	v3 =	vmul.f32 v58, v3;
	[tilespmem:s29+$0x15990] =	vst v62  }
0x248: {  	[tilespmem:s29+$0x159A0] =	vst v63  }
0x249: {  	[tilespmem:s29+$0x159B0] =	vst v3  }
0x24a: {  	[spmem:s3] =	stream.indirect.scatter.add.f32 [tilespmem:s19], [sflag:$0x6], $0x80, s24, s16, $0xb8;
	[tilespmem:$0x1A700] =	vst v63  }
0x24b: {  	_ =	swait.ge [sflag:s25], $0x1400  }
0x24c: {  	[sflag:s25] =	ssyncset.done $0x0  }
0x24d: {  	[sflag:s25] =	ssyncadd.s32 $0xFFFFEC00  }
0x24e: {  	_ =	swait.ge [sflag:s26], $0x1400  }
0x24f: {  	[sflag:s26] =	ssyncset.done $0x0  }
0x250: {  	s0 =	stileid.u32;
	[sflag:s26] =	ssyncadd.s32 $0xFFFFEC00  }
0x251: {  	s0 =	sshll.u32 s0, $0x6;
	[bflag:$0x0] =	sbarrier.arrive $0xFFFF  }
0x252: {  	s1 =	sshrl.u32 s8, $0x3;
	s0 =	sor.u32 $0x1C07, s0;
	s9 =	rddreg [dreg:$0xf]  }
0x253: {  	[hbm:s9], [sflag:s0] =	dma.local [spmem:s1], $0x2800  }
0x254: {  	_ =	swait.ge [sflag:s13], $0x2800  }
0x255: {  	s4 =	sadd.s32 $0x1, s4;
	s31 =	rddreg [dreg:$0x10]  }
0x256: {  	p0 =	sne.s32 s4, s31  }
.Ltmp6:
0x257: {  	_ = 	snop;
	(pc) =	sbr.rel @p0 .LBB2_1-.Ltmp6, $3  }
0x258: {  	_ =	sdelay $0x1  }
0x259: {  	[sflag:s13] =	ssyncset.done $0x0  }
0x25a: {  	[sflag:s13] =	ssyncadd.s32 $0xFFFFD800  }
0x25b: {  	_ =	sfence.sel $0x180000  }
0x25c: {  	[bflag:$0x0] =	sbarrier.arrive $0xFFFF  }
0x25d: {  	_ =	strace $0x90000047  }
0x25e: {  	s0 =	stileid.u32;
	[bflag:$0x2] =	sbarrier.arrive $0xFFFF  }
0x25f: {  	p0 =	sne.s32 s0, $0x0;
	s0 =	rddreg [dreg:$0x3]  }
0x260: {  	s0 =	sadd.s32 @!p0 $0x100000, s0  }
0x261: {  	[sflag:s0] =	ssyncadd.tile.s32 @!p0 $0x1;
	_ =	shalt  }
.Lfunc_end2:
_tile_overlayer_lowered:
.L_overlay_start_2:
0x262: {  	(tag) =	ssettag $0x2  }
0x263: {  	s0 =	rddreg [dreg:$0x0];
	s2 =	stileid.u32  }
0x264: {  	s1 =	rddreg [dreg:$0x1];
	p0 =	sne.s32 s2, $0x0  }
0x265: {  	s3 =	rddreg [dreg:$0x2];
	[bflag:$0x3] =	sbarrier.arrive $0xFFFF;
	s2 =	simm.s32 @!p0 $0x1C07  }
0x266: {  	[timem:s3], [sflag:s2] =	dma.local @!p0 [hbm:s0], s1  }
0x267: {  	s0 =	simm.s32 @!p0 $0x7  }
0x268: {  	_ =	swait.ge @!p0 [sflag:s0], s1  }
0x269: {  	s1 =	ssub.s32 @!p0 $0x0, s1;
	[sflag:s0] =	ssyncset.done @!p0 $0x0  }
0x26a: {  	[sflag:s0] =	ssyncadd.s32 @!p0 s1  }
0x26b: {  	[bflag:$0x3] =	sbarrier.arrive $0xFFFF  }
0x26c: {  	_ =	shalt  }

</sc_bundles>
